<compile_context>
chip_gen: v7x
topology: tpu7x:2x2x1
jax: 0.10.2.dev20260603
libtpu: 0.0.44.dev20260713+nightly
codegen_flags: <defaults>
</compile_context>

<pallas_src>
import functools

import jax
import jax.numpy as jnp
from jax import lax
from jax.experimental import pallas as pl
from jax.experimental.pallas import tpu as pltpu
from jax.experimental.pallas import tpu_sc as plsc

N = 10000
E = 160000
TILES = 16
RPT = N // TILES
CH = 128
K = 4
E_PAD = 163840
NROWS = N + 8

EPT2 = E_PAD // TILES
NCH2 = EPT2 // CH

WORKERS = 2 * TILES
EPT1 = E_PAD // WORKERS
NCH1 = EPT1 // CH


def _run_chunks(z_hbm, idx_src, idx_dst2, rowsA, rowsB, semA, semB,
                ssem, m_sh, nch):
  ngrp = nch // K

  def fire(g, rows, sem):
    for b in range(K):
      j = g * K + b
      pltpu.async_copy(z_hbm.at[idx_src.at[pl.ds(j * CH, CH)]],
                       rows.at[b], sem)

  def drain(g, rows, sem):
    for b in range(K):
      j = g * K + b
      pltpu.make_async_copy(z_hbm.at[idx_src.at[pl.ds(j * CH, CH)]],
                            rows.at[b], sem).wait()

  def scat_fire(g, rows):
    for b in range(K):
      j = g * K + b
      pltpu.async_copy(rows.at[b], m_sh.at[idx_dst2.at[j]], ssem, add=True)

  def scat_drain(g, rows):
    for b in range(K):
      j = g * K + b
      pltpu.make_async_copy(rows.at[b], m_sh.at[idx_dst2.at[j]],
                            ssem).wait()

  fire(0, rowsA, semA)

  def body(i, carry):
    g0 = 2 * i
    drain(g0, rowsA, semA)
    scat_fire(g0, rowsA)
    fire(g0 + 1, rowsB, semB)
    scat_drain(g0, rowsA)

    @pl.when(g0 + 2 < ngrp)
    def _():
      fire(g0 + 2, rowsA, semA)

    drain(g0 + 1, rowsB, semB)
    scat_fire(g0 + 1, rowsB)
    scat_drain(g0 + 1, rowsB)
    return carry

  lax.fori_loop(0, ngrp // 2, body, 0)


def _make_seg2(d):
  mesh = plsc.VectorSubcoreMesh(core_axis_name="c", subcore_axis_name="s")

  def one_relation(src_hbm, dst3_hbm, z_hbm, zero_hbm, out_hbm,
                   idx_src, idx_dst2, rowsA, rowsB, z_sh, m_sh,
                   semA, semB, ssem):
    s = lax.axis_index("s")
    rbase = s * RPT
    c0 = pltpu.async_copy(zero_hbm.at[pl.ds(rbase, RPT)],
                          m_sh.at[pl.ds(rbase, RPT)], semA)
    c1 = pltpu.async_copy(z_hbm.at[pl.ds(rbase, RPT)],
                          z_sh.at[pl.ds(rbase, RPT)], semB)
    c2 = pltpu.async_copy(src_hbm.at[pl.ds(s * EPT2, EPT2)], idx_src, ssem)
    c3 = pltpu.async_copy(dst3_hbm.at[s], idx_dst2, ssem)
    c0.wait()
    c1.wait()
    c2.wait()
    c3.wait()
    plsc.subcore_barrier()
    _run_chunks(z_sh, idx_src, idx_dst2, rowsA, rowsB, semA, semB,
                ssem, m_sh, NCH2)
    plsc.subcore_barrier()
    pltpu.sync_copy(m_sh.at[pl.ds(rbase, RPT)],
                    out_hbm.at[pl.ds(rbase, RPT)])

  @functools.partial(
      pl.kernel,
      out_type=(jax.ShapeDtypeStruct((N, d), jnp.float32),
                jax.ShapeDtypeStruct((N, d), jnp.float32)),
      mesh=mesh,
      compiler_params=pltpu.CompilerParams(use_tc_tiling_on_sc=False),
      scratch_types=[
          pltpu.VMEM((EPT2,), jnp.int32),
          pltpu.VMEM((NCH2, CH), jnp.int32),
          pltpu.VMEM((K, CH, d), jnp.float32),
          pltpu.VMEM((K, CH, d), jnp.float32),
          pltpu.VMEM_SHARED((N, d), jnp.float32),
          pltpu.VMEM_SHARED((NROWS, d), jnp.float32),
          pltpu.SemaphoreType.DMA,
          pltpu.SemaphoreType.DMA,
          pltpu.SemaphoreType.DMA,
      ],
  )
  def seg2(zp, za, ap_src, ap_dst3, pa_src, pa_dst3, zero,
           mp_out, ma_out, idx_src, idx_dst2, rowsA, rowsB, z_sh, m_sh,
           semA, semB, ssem):
    c = lax.axis_index("c")

    @pl.when(c == 0)
    def _():
      one_relation(ap_src, ap_dst3, za, zero, mp_out,
                   idx_src, idx_dst2, rowsA, rowsB, z_sh, m_sh,
                   semA, semB, ssem)

    @pl.when(c == 1)
    def _():
      one_relation(pa_src, pa_dst3, zp, zero, ma_out,
                   idx_src, idx_dst2, rowsA, rowsB, z_sh, m_sh,
                   semA, semB, ssem)

  return seg2


def _make_seg1(d):
  mesh = plsc.VectorSubcoreMesh(core_axis_name="c", subcore_axis_name="s")

  @functools.partial(
      pl.kernel,
      out_type=(jax.ShapeDtypeStruct((N, d), jnp.float32),
                jax.ShapeDtypeStruct((N, d), jnp.float32)),
      mesh=mesh,
      compiler_params=pltpu.CompilerParams(use_tc_tiling_on_sc=False),
      scratch_types=[
          pltpu.VMEM((EPT1,), jnp.int32),
          pltpu.VMEM((NCH1, CH), jnp.int32),
          pltpu.VMEM((K, CH, d), jnp.float32),
          pltpu.VMEM((K, CH, d), jnp.float32),
          pltpu.VMEM_SHARED((N, d), jnp.float32),
          pltpu.VMEM_SHARED((NROWS, d), jnp.float32),
          pltpu.SemaphoreType.DMA,
          pltpu.SemaphoreType.DMA,
          pltpu.SemaphoreType.DMA,
      ],
  )
  def seg1(z, src, dst3, zero, p0_out, p1_out,
           idx_src, idx_dst2, rowsA, rowsB, z_sh, m_sh, semA, semB, ssem):
    c = lax.axis_index("c")
    s = lax.axis_index("s")
    w = c * TILES + s
    rbase = s * RPT
    c0 = pltpu.async_copy(zero.at[pl.ds(rbase, RPT)],
                          m_sh.at[pl.ds(rbase, RPT)], semA)
    c1 = pltpu.async_copy(z.at[pl.ds(rbase, RPT)],
                          z_sh.at[pl.ds(rbase, RPT)], semB)
    c2 = pltpu.async_copy(src.at[pl.ds(w * EPT1, EPT1)], idx_src, ssem)
    c3 = pltpu.async_copy(dst3.at[w], idx_dst2, ssem)
    c0.wait()
    c1.wait()
    c2.wait()
    c3.wait()
    plsc.subcore_barrier()
    _run_chunks(z_sh, idx_src, idx_dst2, rowsA, rowsB, semA, semB,
                ssem, m_sh, NCH1)
    plsc.subcore_barrier()

    @pl.when(c == 0)
    def _():
      pltpu.sync_copy(m_sh.at[pl.ds(rbase, RPT)],
                      p0_out.at[pl.ds(rbase, RPT)])

    @pl.when(c == 1)
    def _():
      pltpu.sync_copy(m_sh.at[pl.ds(rbase, RPT)],
                      p1_out.at[pl.ds(rbase, RPT)])

  return seg1


_seg16 = _make_seg2(16)
_seg8 = _make_seg2(8)
_seg1_16 = _make_seg1(16)

BR = 2000


MM_BR = 2000


def _linear2(hp, ha, Wp, Wa):
  din, dout = Wp.shape

  def body(hp_ref, ha_ref, wp_ref, wa_ref, zp_ref, za_ref):
    zp_ref[...] = jnp.dot(hp_ref[...], wp_ref[...],
                          preferred_element_type=jnp.float32)
    za_ref[...] = jnp.dot(ha_ref[...], wa_ref[...],
                          preferred_element_type=jnp.float32)

  return pl.pallas_call(
      body,
      grid=(N // MM_BR,),
      in_specs=[pl.BlockSpec((MM_BR, din), lambda i: (i, 0)),
                pl.BlockSpec((MM_BR, din), lambda i: (i, 0)),
                pl.BlockSpec((din, dout), lambda i: (0, 0)),
                pl.BlockSpec((din, dout), lambda i: (0, 0))],
      out_specs=[pl.BlockSpec((MM_BR, dout), lambda i: (i, 0)),
                 pl.BlockSpec((MM_BR, dout), lambda i: (i, 0))],
      out_shape=[jax.ShapeDtypeStruct((N, dout), jnp.float32),
                 jax.ShapeDtypeStruct((N, dout), jnp.float32)],
  )(hp, ha, Wp, Wa)


def _att_mix(z, m, a):
  e0 = jnp.sum(z * a, axis=1, keepdims=True)
  e0 = jnp.where(e0 >= 0, e0, 0.2 * e0)
  e1 = jnp.sum(m * a, axis=1, keepdims=True)
  e1 = jnp.where(e1 >= 0, e1, 0.2 * e1)
  mx = jnp.maximum(e0, e1)
  x0 = jnp.exp(e0 - mx)
  x1 = jnp.exp(e1 - mx)
  return (x0 * z + x1 * m) / (x0 + x1)


def _elu(x):
  return jnp.where(x > 0, x, jnp.exp(jnp.minimum(x, 0.0)) - 1.0)


def _att_elu_linear2(zp, mp, ap, Wp, za, ma, aa, Wa):
  d = zp.shape[1]
  dout = Wp.shape[1]

  def body(zp_ref, mp_ref, ap_ref, wp_ref, za_ref, ma_ref, aa_ref, wa_ref,
           op_ref, oa_ref):
    hp = _elu(_att_mix(zp_ref[...], mp_ref[...], ap_ref[...]))
    ha = _elu(_att_mix(za_ref[...], ma_ref[...], aa_ref[...]))
    op_ref[...] = jnp.dot(hp, wp_ref[...], preferred_element_type=jnp.float32)
    oa_ref[...] = jnp.dot(ha, wa_ref[...], preferred_element_type=jnp.float32)

  return pl.pallas_call(
      body,
      grid=(N // BR,),
      in_specs=[pl.BlockSpec((BR, d), lambda i: (i, 0)),
                pl.BlockSpec((BR, d), lambda i: (i, 0)),
                pl.BlockSpec((1, d), lambda i: (0, 0)),
                pl.BlockSpec((d, dout), lambda i: (0, 0)),
                pl.BlockSpec((BR, d), lambda i: (i, 0)),
                pl.BlockSpec((BR, d), lambda i: (i, 0)),
                pl.BlockSpec((1, d), lambda i: (0, 0)),
                pl.BlockSpec((d, dout), lambda i: (0, 0))],
      out_specs=[pl.BlockSpec((BR, dout), lambda i: (i, 0)),
                 pl.BlockSpec((BR, dout), lambda i: (i, 0))],
      out_shape=[jax.ShapeDtypeStruct((N, dout), jnp.float32),
                 jax.ShapeDtypeStruct((N, dout), jnp.float32)],
  )(zp, mp, ap, Wp, za, ma, aa, Wa)


def _att_final(zp, m0, m1, ap):
  d = zp.shape[1]

  def body(zp_ref, m0_ref, m1_ref, ap_ref, o_ref):
    o_ref[...] = _att_mix(zp_ref[...], m0_ref[...] + m1_ref[...],
                          ap_ref[...])

  return pl.pallas_call(
      body,
      grid=(N // BR,),
      in_specs=[pl.BlockSpec((BR, d), lambda i: (i, 0)),
                pl.BlockSpec((BR, d), lambda i: (i, 0)),
                pl.BlockSpec((BR, d), lambda i: (i, 0)),
                pl.BlockSpec((1, d), lambda i: (0, 0))],
      out_specs=pl.BlockSpec((BR, d), lambda i: (i, 0)),
      out_shape=jax.ShapeDtypeStruct((N, d), jnp.float32),
  )(zp, m0, m1, ap)


def kernel(h_paper, h_author, edge_index_ap, edge_index_pa,
           W0_paper, W0_author, W1_paper, W1_author, W2_paper, W2_author,
           att0_paper, att0_author, att1_paper, att1_author,
           att2_paper, att2_author):
  pad = E_PAD - E
  ap_src = jnp.concatenate(
      [edge_index_ap[0].astype(jnp.int32), jnp.zeros((pad,), jnp.int32)])
  ap_dst = jnp.concatenate(
      [edge_index_ap[1].astype(jnp.int32), jnp.full((pad,), N, jnp.int32)])
  pa_src = jnp.concatenate(
      [edge_index_pa[0].astype(jnp.int32), jnp.zeros((pad,), jnp.int32)])
  pa_dst = jnp.concatenate(
      [edge_index_pa[1].astype(jnp.int32), jnp.full((pad,), N, jnp.int32)])
  ap_dst3 = ap_dst.reshape(TILES, NCH2, CH)
  pa_dst3 = pa_dst.reshape(TILES, NCH2, CH)
  ap_dst3w = ap_dst.reshape(WORKERS, NCH1, CH)
  zero16 = jnp.zeros((N, 16), jnp.float32)
  zero8 = jnp.zeros((N, 8), jnp.float32)

  a0p = att0_paper.reshape(1, -1)
  a0a = att0_author.reshape(1, -1)
  a1p = att1_paper.reshape(1, -1)
  a1a = att1_author.reshape(1, -1)
  a2p = att2_paper.reshape(1, -1)

  z0p, z0a = _linear2(h_paper, h_author, W0_paper, W0_author)
  m0p, m0a = _seg16(z0p, z0a, ap_src, ap_dst3, pa_src, pa_dst3, zero16)
  z1p, z1a = _att_elu_linear2(z0p, m0p, a0p, W1_paper, z0a, m0a, a0a, W1_author)
  m1p, m1a = _seg8(z1p, z1a, ap_src, ap_dst3, pa_src, pa_dst3, zero8)
  z2p, z2a = _att_elu_linear2(z1p, m1p, a1p, W2_paper, z1a, m1a, a1a, W2_author)
  m2p0, m2p1 = _seg1_16(z2a, ap_src, ap_dst3w, zero16)
  return _att_final(z2p, m2p0, m2p1, a2p)

# --- scband reference (transcript-rebuilt; emitter-appended) ---
"""Pipeline reference for scband-relation-gcns-15805479649412 (READ-ONLY COPY).

The authoritative reference and input builder live on the scoring server;
editing this copy changes nothing except your own understanding.
"""

import jax, jax.numpy as jnp
import numpy as np

N_PAPER = 10000
N_AUTHOR = 10000
E = 160000
DIMS = [256, 16, 8, 16]  # in_size -> hidden 16 -> hidden 8 -> out_size (layer_shape of RelationGCNs)
TYPES = ["paper", "author"]


def setup_inputs(seed: int = 0) -> dict:
    key = jax.random.key(seed)
    ks = jax.random.split(key, 16)
    inp = {}
    inp["h_paper"] = jax.random.normal(ks[0], (N_PAPER, DIMS[0]), dtype=jnp.float32)
    inp["h_author"] = jax.random.normal(ks[1], (N_AUTHOR, DIMS[0]), dtype=jnp.float32)
    # edge_index_ap: row0 = author src ids, row1 = paper dst ids (relation author->paper)
    inp["edge_index_ap"] = jax.random.randint(ks[2], (2, E), 0, N_PAPER)
    # edge_index_pa: row0 = paper src ids, row1 = author dst ids (relation paper->author)
    inp["edge_index_pa"] = jax.random.randint(ks[3], (2, E), 0, N_AUTHOR)
    i = 4
    for l in range(3):
        for t in TYPES:
            inp[f"W{l}_{t}"] = jax.random.normal(ks[i], (DIMS[l], DIMS[l + 1]), dtype=jnp.float32) * (1.0 / np.sqrt(DIMS[l]))
            i += 1
    for l in range(3):
        for t in TYPES:
            inp[f"att{l}_{t}"] = jax.random.normal(ks[i], (DIMS[l + 1],), dtype=jnp.float32) * 0.1
            i += 1
    return inp


def _relation_attention(cands, a):
    # cands: [R, N, d] stacked per-relation embeddings (self + neighbor messages)
    e = jax.nn.leaky_relu(jnp.einsum("rnd,d->rn", cands, a), negative_slope=0.2)
    w = jax.nn.softmax(e, axis=0)
    return jnp.sum(w[..., None] * cands, axis=0)


def _att_hgcn_layer(hp, ha, e_ap, e_pa, Wp, Wa, ap, aa, last):
    # per-type linear transform
    zp = hp @ Wp
    za = ha @ Wa
    # sparse adjacency message passing: A_{paper,author} @ z_author via gather + scatter-add
    mp = jax.ops.segment_sum(za[e_ap[0]], e_ap[1], num_segments=zp.shape[0])
    ma = jax.ops.segment_sum(zp[e_pa[0]], e_pa[1], num_segments=za.shape[0])
    # relation-level attention over {self, neighbor-type} candidates
    hp_new = _relation_attention(jnp.stack([zp, mp], axis=0), ap)
    ha_new = _relation_attention(jnp.stack([za, ma], axis=0), aa)
    if not last:
        hp_new = jax.nn.elu(hp_new)
        ha_new = jax.nn.elu(ha_new)
    return hp_new, ha_new


def reference(h_paper, h_author, edge_index_ap, edge_index_pa,
              W0_paper, W0_author, W1_paper, W1_author, W2_paper, W2_author,
              att0_paper, att0_author, att1_paper, att1_author, att2_paper, att2_author):
    Ws = [(W0_paper, W0_author), (W1_paper, W1_author), (W2_paper, W2_author)]
    atts = [(att0_paper, att0_author), (att1_paper, att1_author), (att2_paper, att2_author)]
    hp, ha = h_paper, h_author
    for l in range(3):
        hp, ha = _att_hgcn_layer(hp, ha, edge_index_ap, edge_index_pa,
                                 Ws[l][0], Ws[l][1], atts[l][0], atts[l][1],
                                 last=(l == 2))
    # logits[self.category] -> logits for the 'paper' node type
    return hp

if __name__ == "__main__":
    import jax
    _d = setup_inputs()
    print(jax.jit(kernel)(*tuple(_d.values())))

</pallas_src>

<mosaic_0001>
#map = affine_map<(d0, d1) -> (0, 0)>
#map1 = affine_map<(d0, d1) -> (0)>
#map2 = affine_map<(d0, d1) -> (0, 0, 0)>
module attributes {stable_mosaic.version = 14 : i64} {
  func.func @seg1(%arg0: i32, %arg1: i32, %arg2: memref<10000x16xf32, #tpu.memory_space<hbm>>, %arg3: memref<163840xi32, #tpu.memory_space<hbm>>, %arg4: memref<32x40x128xi32, #tpu.memory_space<hbm>>, %arg5: memref<10000x16xf32, #tpu.memory_space<hbm>>, %arg6: memref<10000x16xf32, #tpu.memory_space<hbm>>, %arg7: memref<10000x16xf32, #tpu.memory_space<hbm>>, %arg8: memref<5120xi32, #tpu.memory_space<vmem>>, %arg9: memref<40x128xi32, #tpu.memory_space<vmem>>, %arg10: memref<4x128x16xf32, #tpu.memory_space<vmem>>, %arg11: memref<4x128x16xf32, #tpu.memory_space<vmem>>, %arg12: memref<10000x16xf32, #tpu.memory_space<vmem_shared>>, %arg13: memref<10008x16xf32, #tpu.memory_space<vmem_shared>>, %arg14: memref<!tpu.dma_semaphore, #tpu.memory_space<semaphore_mem>>, %arg15: memref<!tpu.dma_semaphore, #tpu.memory_space<semaphore_mem>>, %arg16: memref<!tpu.dma_semaphore, #tpu.memory_space<semaphore_mem>>) attributes {dimension_semantics = [#tpu.dimension_semantics<core_parallel>, #tpu.dimension_semantics<subcore_parallel>], iteration_bounds = array<i64: 2, 16>, scalar_prefetch = 0 : i64, scratch_operands = 9 : i64, tpu.core_type = #tpu.core_type<sc_vector_subcore>, window_params = [{transform_indices = #map}, {transform_indices = #map1}, {transform_indices = #map2}, {transform_indices = #map}, {transform_indices = #map}, {transform_indices = #map}]} {
    %mul3A = arith.constant 16 : i32
    %mul3A_0 = arith.muli %arg0, %mul3A : i32
    %add3A = arith.addi %mul3A_0, %arg1 : i32
    %mul3A_1 = arith.constant 625 : i32
    %mul3A_2 = arith.muli %arg1, %mul3A_1 : i32
    %dma_start3A = arith.constant 0 : i32
    %dma_start3A_3 = tpu.memref_slice %arg13[%mul3A_2, %dma_start3A] : memref<10008x16xf32, #tpu.memory_space<vmem_shared>> -> memref<625x16xf32, #tpu.memory_space<vmem_shared>>
    %dma_start3A_4 = arith.constant 0 : i32
    %dma_start3A_5 = tpu.memref_slice %arg5[%mul3A_2, %dma_start3A_4] : memref<10000x16xf32, #tpu.memory_space<hbm>> -> memref<625x16xf32, #tpu.memory_space<hbm>>
    tpu.enqueue_dma source(%dma_start3A_5 : memref<625x16xf32, #tpu.memory_space<hbm>>) target(%dma_start3A_3 : memref<625x16xf32, #tpu.memory_space<vmem_shared>>) target_semaphore(%arg14 : memref<!tpu.dma_semaphore, #tpu.memory_space<semaphore_mem>>)
    %dma_start3A_6 = arith.constant 0 : i32
    %dma_start3A_7 = tpu.memref_slice %arg12[%mul3A_2, %dma_start3A_6] : memref<10000x16xf32, #tpu.memory_space<vmem_shared>> -> memref<625x16xf32, #tpu.memory_space<vmem_shared>>
    %dma_start3A_8 = arith.constant 0 : i32
    %dma_start3A_9 = tpu.memref_slice %arg2[%mul3A_2, %dma_start3A_8] : memref<10000x16xf32, #tpu.memory_space<hbm>> -> memref<625x16xf32, #tpu.memory_space<hbm>>
    tpu.enqueue_dma source(%dma_start3A_9 : memref<625x16xf32, #tpu.memory_space<hbm>>) target(%dma_start3A_7 : memref<625x16xf32, #tpu.memory_space<vmem_shared>>) target_semaphore(%arg15 : memref<!tpu.dma_semaphore, #tpu.memory_space<semaphore_mem>>)
    %mul3A_10 = arith.constant 5120 : i32
    %mul3A_11 = arith.muli %add3A, %mul3A_10 : i32
    %dma_start3A_12 = tpu.memref_slice %arg3[%mul3A_11] : memref<163840xi32, #tpu.memory_space<hbm>> -> memref<5120xi32, #tpu.memory_space<hbm>>
    %dma_start3A_13 = tpu.memref_slice %arg3[%mul3A_11] : memref<163840xi32, #tpu.memory_space<hbm>> -> memref<5120xi32, #tpu.memory_space<hbm>>
    tpu.enqueue_dma source(%dma_start3A_13 : memref<5120xi32, #tpu.memory_space<hbm>>) target(%arg8 : memref<5120xi32, #tpu.memory_space<vmem>>) target_semaphore(%arg16 : memref<!tpu.dma_semaphore, #tpu.memory_space<semaphore_mem>>)
    %dma_start3A_14 = arith.constant 0 : i32
    %dma_start3A_15 = arith.constant 0 : i32
    %dma_start3A_16 = tpu.memref_slice %arg4[%add3A, %dma_start3A_14, %dma_start3A_15] : memref<32x40x128xi32, #tpu.memory_space<hbm>> -> memref<1x40x128xi32, #tpu.memory_space<hbm>>
    %dma_start3A_17 = tpu.memref_squeeze %dma_start3A_16 : memref<1x40x128xi32, #tpu.memory_space<hbm>> -> memref<40x128xi32, #tpu.memory_space<hbm>>
    %dma_start3A_18 = arith.constant 0 : i32
    %dma_start3A_19 = arith.constant 0 : i32
    %dma_start3A_20 = tpu.memref_slice %arg4[%add3A, %dma_start3A_18, %dma_start3A_19] : memref<32x40x128xi32, #tpu.memory_space<hbm>> -> memref<1x40x128xi32, #tpu.memory_space<hbm>>
    %dma_start3A_21 = tpu.memref_squeeze %dma_start3A_20 : memref<1x40x128xi32, #tpu.memory_space<hbm>> -> memref<40x128xi32, #tpu.memory_space<hbm>>
    tpu.enqueue_dma source(%dma_start3A_21 : memref<40x128xi32, #tpu.memory_space<hbm>>) target(%arg9 : memref<40x128xi32, #tpu.memory_space<vmem>>) target_semaphore(%arg16 : memref<!tpu.dma_semaphore, #tpu.memory_space<semaphore_mem>>)
    %dma_wait3A = arith.constant 0 : i32
    %dma_wait3A_22 = tpu.memref_slice %arg13[%mul3A_2, %dma_wait3A] : memref<10008x16xf32, #tpu.memory_space<vmem_shared>> -> memref<625x16xf32, #tpu.memory_space<vmem_shared>>
    %dma_wait3A_23 = arith.constant 0 : i32
    %dma_wait3A_24 = tpu.memref_slice %arg5[%mul3A_2, %dma_wait3A_23] : memref<10000x16xf32, #tpu.memory_space<hbm>> -> memref<625x16xf32, #tpu.memory_space<hbm>>
    tpu.wait_dma2 semaphore(%arg14 : memref<!tpu.dma_semaphore, #tpu.memory_space<semaphore_mem>>) src(%dma_wait3A_24 : memref<625x16xf32, #tpu.memory_space<hbm>>) dst(%dma_wait3A_22 : memref<625x16xf32, #tpu.memory_space<vmem_shared>>)
    %dma_wait3A_25 = arith.constant 0 : i32
    %dma_wait3A_26 = tpu.memref_slice %arg12[%mul3A_2, %dma_wait3A_25] : memref<10000x16xf32, #tpu.memory_space<vmem_shared>> -> memref<625x16xf32, #tpu.memory_space<vmem_shared>>
    %dma_wait3A_27 = arith.constant 0 : i32
    %dma_wait3A_28 = tpu.memref_slice %arg2[%mul3A_2, %dma_wait3A_27] : memref<10000x16xf32, #tpu.memory_space<hbm>> -> memref<625x16xf32, #tpu.memory_space<hbm>>
    tpu.wait_dma2 semaphore(%arg15 : memref<!tpu.dma_semaphore, #tpu.memory_space<semaphore_mem>>) src(%dma_wait3A_28 : memref<625x16xf32, #tpu.memory_space<hbm>>) dst(%dma_wait3A_26 : memref<625x16xf32, #tpu.memory_space<vmem_shared>>)
    %dma_wait3A_29 = tpu.memref_slice %arg3[%mul3A_11] : memref<163840xi32, #tpu.memory_space<hbm>> -> memref<5120xi32, #tpu.memory_space<hbm>>
    %dma_wait3A_30 = tpu.memref_slice %arg3[%mul3A_11] : memref<163840xi32, #tpu.memory_space<hbm>> -> memref<5120xi32, #tpu.memory_space<hbm>>
    tpu.wait_dma2 semaphore(%arg16 : memref<!tpu.dma_semaphore, #tpu.memory_space<semaphore_mem>>) src(%dma_wait3A_30 : memref<5120xi32, #tpu.memory_space<hbm>>) dst(%arg8 : memref<5120xi32, #tpu.memory_space<vmem>>)
    %dma_wait3A_31 = arith.constant 0 : i32
    %dma_wait3A_32 = arith.constant 0 : i32
    %dma_wait3A_33 = tpu.memref_slice %arg4[%add3A, %dma_wait3A_31, %dma_wait3A_32] : memref<32x40x128xi32, #tpu.memory_space<hbm>> -> memref<1x40x128xi32, #tpu.memory_space<hbm>>
    %dma_wait3A_34 = tpu.memref_squeeze %dma_wait3A_33 : memref<1x40x128xi32, #tpu.memory_space<hbm>> -> memref<40x128xi32, #tpu.memory_space<hbm>>
    %dma_wait3A_35 = arith.constant 0 : i32
    %dma_wait3A_36 = arith.constant 0 : i32
    %dma_wait3A_37 = tpu.memref_slice %arg4[%add3A, %dma_wait3A_35, %dma_wait3A_36] : memref<32x40x128xi32, #tpu.memory_space<hbm>> -> memref<1x40x128xi32, #tpu.memory_space<hbm>>
    %dma_wait3A_38 = tpu.memref_squeeze %dma_wait3A_37 : memref<1x40x128xi32, #tpu.memory_space<hbm>> -> memref<40x128xi32, #tpu.memory_space<hbm>>
    tpu.wait_dma2 semaphore(%arg16 : memref<!tpu.dma_semaphore, #tpu.memory_space<semaphore_mem>>) src(%dma_wait3A_38 : memref<40x128xi32, #tpu.memory_space<hbm>>) dst(%arg9 : memref<40x128xi32, #tpu.memory_space<vmem>>)
    %barrier3A = arith.constant 0 : index
    tpu.barrier barrier_id(%barrier3A)
    %dma_start3A_39 = arith.constant 0 : i32
    %dma_start3A_40 = arith.constant 0 : i32
    %dma_start3A_41 = arith.constant 0 : i32
    %dma_start3A_42 = tpu.memref_slice %arg10[%dma_start3A_39, %dma_start3A_40, %dma_start3A_41] : memref<4x128x16xf32, #tpu.memory_space<vmem>> -> memref<1x128x16xf32, #tpu.memory_space<vmem>>
    %dma_start3A_43 = tpu.memref_squeeze %dma_start3A_42 : memref<1x128x16xf32, #tpu.memory_space<vmem>> -> memref<128x16xf32, #tpu.memory_space<vmem>>
    %dma_start3A_44 = arith.constant 0 : i32
    %dma_start3A_45 = tpu.memref_slice %arg8[%dma_start3A_44] : memref<5120xi32, #tpu.memory_space<vmem>> -> memref<128xi32, #tpu.memory_space<vmem>>
    %dma_start3A_46 = arith.constant 0 : i32
    %dma_start3A_47 = arith.constant 0 : i32
    %dma_start3A_48 = tpu.memref_slice %arg12[%dma_start3A_46, %dma_start3A_47] : memref<10000x16xf32, #tpu.memory_space<vmem_shared>> -> memref<10000x16xf32, #tpu.memory_space<vmem_shared>>
    tpu.enqueue_indirect_dma source(%dma_start3A_48 : memref<10000x16xf32, #tpu.memory_space<vmem_shared>>) target(%dma_start3A_43 : memref<128x16xf32, #tpu.memory_space<vmem>>) offsets(%dma_start3A_45 : memref<128xi32, #tpu.memory_space<vmem>>) semaphore(%arg14 : memref<!tpu.dma_semaphore, #tpu.memory_space<semaphore_mem>>)
    %dma_start3A_49 = arith.constant 1 : i32
    %dma_start3A_50 = arith.constant 0 : i32
    %dma_start3A_51 = arith.constant 0 : i32
    %dma_start3A_52 = tpu.memref_slice %arg10[%dma_start3A_49, %dma_start3A_50, %dma_start3A_51] : memref<4x128x16xf32, #tpu.memory_space<vmem>> -> memref<1x128x16xf32, #tpu.memory_space<vmem>>
    %dma_start3A_53 = tpu.memref_squeeze %dma_start3A_52 : memref<1x128x16xf32, #tpu.memory_space<vmem>> -> memref<128x16xf32, #tpu.memory_space<vmem>>
    %dma_start3A_54 = arith.constant 128 : i32
    %dma_start3A_55 = tpu.memref_slice %arg8[%dma_start3A_54] : memref<5120xi32, #tpu.memory_space<vmem>> -> memref<128xi32, #tpu.memory_space<vmem>>
    %dma_start3A_56 = arith.constant 0 : i32
    %dma_start3A_57 = arith.constant 0 : i32
    %dma_start3A_58 = tpu.memref_slice %arg12[%dma_start3A_56, %dma_start3A_57] : memref<10000x16xf32, #tpu.memory_space<vmem_shared>> -> memref<10000x16xf32, #tpu.memory_space<vmem_shared>>
    tpu.enqueue_indirect_dma source(%dma_start3A_58 : memref<10000x16xf32, #tpu.memory_space<vmem_shared>>) target(%dma_start3A_53 : memref<128x16xf32, #tpu.memory_space<vmem>>) offsets(%dma_start3A_55 : memref<128xi32, #tpu.memory_space<vmem>>) semaphore(%arg14 : memref<!tpu.dma_semaphore, #tpu.memory_space<semaphore_mem>>)
    %dma_start3A_59 = arith.constant 2 : i32
    %dma_start3A_60 = arith.constant 0 : i32
    %dma_start3A_61 = arith.constant 0 : i32
    %dma_start3A_62 = tpu.memref_slice %arg10[%dma_start3A_59, %dma_start3A_60, %dma_start3A_61] : memref<4x128x16xf32, #tpu.memory_space<vmem>> -> memref<1x128x16xf32, #tpu.memory_space<vmem>>
    %dma_start3A_63 = tpu.memref_squeeze %dma_start3A_62 : memref<1x128x16xf32, #tpu.memory_space<vmem>> -> memref<128x16xf32, #tpu.memory_space<vmem>>
    %dma_start3A_64 = arith.constant 256 : i32
    %dma_start3A_65 = tpu.memref_slice %arg8[%dma_start3A_64] : memref<5120xi32, #tpu.memory_space<vmem>> -> memref<128xi32, #tpu.memory_space<vmem>>
    %dma_start3A_66 = arith.constant 0 : i32
    %dma_start3A_67 = arith.constant 0 : i32
    %dma_start3A_68 = tpu.memref_slice %arg12[%dma_start3A_66, %dma_start3A_67] : memref<10000x16xf32, #tpu.memory_space<vmem_shared>> -> memref<10000x16xf32, #tpu.memory_space<vmem_shared>>
    tpu.enqueue_indirect_dma source(%dma_start3A_68 : memref<10000x16xf32, #tpu.memory_space<vmem_shared>>) target(%dma_start3A_63 : memref<128x16xf32, #tpu.memory_space<vmem>>) offsets(%dma_start3A_65 : memref<128xi32, #tpu.memory_space<vmem>>) semaphore(%arg14 : memref<!tpu.dma_semaphore, #tpu.memory_space<semaphore_mem>>)
    %dma_start3A_69 = arith.constant 3 : i32
    %dma_start3A_70 = arith.constant 0 : i32
    %dma_start3A_71 = arith.constant 0 : i32
    %dma_start3A_72 = tpu.memref_slice %arg10[%dma_start3A_69, %dma_start3A_70, %dma_start3A_71] : memref<4x128x16xf32, #tpu.memory_space<vmem>> -> memref<1x128x16xf32, #tpu.memory_space<vmem>>
    %dma_start3A_73 = tpu.memref_squeeze %dma_start3A_72 : memref<1x128x16xf32, #tpu.memory_space<vmem>> -> memref<128x16xf32, #tpu.memory_space<vmem>>
    %dma_start3A_74 = arith.constant 384 : i32
    %dma_start3A_75 = tpu.memref_slice %arg8[%dma_start3A_74] : memref<5120xi32, #tpu.memory_space<vmem>> -> memref<128xi32, #tpu.memory_space<vmem>>
    %dma_start3A_76 = arith.constant 0 : i32
    %dma_start3A_77 = arith.constant 0 : i32
    %dma_start3A_78 = tpu.memref_slice %arg12[%dma_start3A_76, %dma_start3A_77] : memref<10000x16xf32, #tpu.memory_space<vmem_shared>> -> memref<10000x16xf32, #tpu.memory_space<vmem_shared>>
    tpu.enqueue_indirect_dma source(%dma_start3A_78 : memref<10000x16xf32, #tpu.memory_space<vmem_shared>>) target(%dma_start3A_73 : memref<128x16xf32, #tpu.memory_space<vmem>>) offsets(%dma_start3A_75 : memref<128xi32, #tpu.memory_space<vmem>>) semaphore(%arg14 : memref<!tpu.dma_semaphore, #tpu.memory_space<semaphore_mem>>)
    %scan3A = arith.constant 0 : i32
    %scan3A_79 = arith.constant 0 : i32
    %scan3A_80 = arith.constant 5 : i32
    %scan3A_81 = arith.addi %scan3A_79, %scan3A_80 : i32
    %scan3A_82 = arith.constant 1 : i32
    scf.for %scan3A_92 = %scan3A_79 to %scan3A_81 step %scan3A_82  : i32 {
      %mul3A_93 = arith.constant 2 : i32
      %mul3A_94 = arith.muli %mul3A_93, %scan3A_92 : i32
      %mul3A_95 = arith.constant 4 : i32
      %mul3A_96 = arith.muli %mul3A_94, %mul3A_95 : i32
      %add3A_97 = arith.constant 0 : i32
      %add3A_98 = arith.addi %mul3A_96, %add3A_97 : i32
      %mul3A_99 = arith.constant 128 : i32
      %mul3A_100 = arith.muli %add3A_98, %mul3A_99 : i32
      %dma_wait3A_101 = arith.constant 0 : i32
      %dma_wait3A_102 = arith.constant 0 : i32
      %dma_wait3A_103 = arith.constant 0 : i32
      %dma_wait3A_104 = tpu.memref_slice %arg10[%dma_wait3A_101, %dma_wait3A_102, %dma_wait3A_103] : memref<4x128x16xf32, #tpu.memory_space<vmem>> -> memref<1x128x16xf32, #tpu.memory_space<vmem>>
      %dma_wait3A_105 = tpu.memref_squeeze %dma_wait3A_104 : memref<1x128x16xf32, #tpu.memory_space<vmem>> -> memref<128x16xf32, #tpu.memory_space<vmem>>
      %dma_wait3A_106 = tpu.memref_slice %arg8[%mul3A_100] : memref<5120xi32, #tpu.memory_space<vmem>> -> memref<128xi32, #tpu.memory_space<vmem>>
      %dma_wait3A_107 = arith.constant 0 : i32
      %dma_wait3A_108 = arith.constant 0 : i32
      %dma_wait3A_109 = tpu.memref_slice %arg12[%dma_wait3A_107, %dma_wait3A_108] : memref<10000x16xf32, #tpu.memory_space<vmem_shared>> -> memref<10000x16xf32, #tpu.memory_space<vmem_shared>>
      tpu.wait_indirect_dma semaphore(%arg14 : memref<!tpu.dma_semaphore, #tpu.memory_space<semaphore_mem>>) src(%dma_wait3A_109 : memref<10000x16xf32, #tpu.memory_space<vmem_shared>>) dst(%dma_wait3A_105 : memref<128x16xf32, #tpu.memory_space<vmem>>)
      %mul3A_110 = arith.constant 4 : i32
      %mul3A_111 = arith.muli %mul3A_94, %mul3A_110 : i32
      %add3A_112 = arith.constant 1 : i32
      %add3A_113 = arith.addi %mul3A_111, %add3A_112 : i32
      %mul3A_114 = arith.constant 128 : i32
      %mul3A_115 = arith.muli %add3A_113, %mul3A_114 : i32
      %dma_wait3A_116 = arith.constant 1 : i32
      %dma_wait3A_117 = arith.constant 0 : i32
      %dma_wait3A_118 = arith.constant 0 : i32
      %dma_wait3A_119 = tpu.memref_slice %arg10[%dma_wait3A_116, %dma_wait3A_117, %dma_wait3A_118] : memref<4x128x16xf32, #tpu.memory_space<vmem>> -> memref<1x128x16xf32, #tpu.memory_space<vmem>>
      %dma_wait3A_120 = tpu.memref_squeeze %dma_wait3A_119 : memref<1x128x16xf32, #tpu.memory_space<vmem>> -> memref<128x16xf32, #tpu.memory_space<vmem>>
      %dma_wait3A_121 = tpu.memref_slice %arg8[%mul3A_115] : memref<5120xi32, #tpu.memory_space<vmem>> -> memref<128xi32, #tpu.memory_space<vmem>>
      %dma_wait3A_122 = arith.constant 0 : i32
      %dma_wait3A_123 = arith.constant 0 : i32
      %dma_wait3A_124 = tpu.memref_slice %arg12[%dma_wait3A_122, %dma_wait3A_123] : memref<10000x16xf32, #tpu.memory_space<vmem_shared>> -> memref<10000x16xf32, #tpu.memory_space<vmem_shared>>
      tpu.wait_indirect_dma semaphore(%arg14 : memref<!tpu.dma_semaphore, #tpu.memory_space<semaphore_mem>>) src(%dma_wait3A_124 : memref<10000x16xf32, #tpu.memory_space<vmem_shared>>) dst(%dma_wait3A_120 : memref<128x16xf32, #tpu.memory_space<vmem>>)
      %mul3A_125 = arith.constant 4 : i32
      %mul3A_126 = arith.muli %mul3A_94, %mul3A_125 : i32
      %add3A_127 = arith.constant 2 : i32
      %add3A_128 = arith.addi %mul3A_126, %add3A_127 : i32
      %mul3A_129 = arith.constant 128 : i32
      %mul3A_130 = arith.muli %add3A_128, %mul3A_129 : i32
      %dma_wait3A_131 = arith.constant 2 : i32
      %dma_wait3A_132 = arith.constant 0 : i32
      %dma_wait3A_133 = arith.constant 0 : i32
      %dma_wait3A_134 = tpu.memref_slice %arg10[%dma_wait3A_131, %dma_wait3A_132, %dma_wait3A_133] : memref<4x128x16xf32, #tpu.memory_space<vmem>> -> memref<1x128x16xf32, #tpu.memory_space<vmem>>
      %dma_wait3A_135 = tpu.memref_squeeze %dma_wait3A_134 : memref<1x128x16xf32, #tpu.memory_space<vmem>> -> memref<128x16xf32, #tpu.memory_space<vmem>>
      %dma_wait3A_136 = tpu.memref_slice %arg8[%mul3A_130] : memref<5120xi32, #tpu.memory_space<vmem>> -> memref<128xi32, #tpu.memory_space<vmem>>
      %dma_wait3A_137 = arith.constant 0 : i32
      %dma_wait3A_138 = arith.constant 0 : i32
      %dma_wait3A_139 = tpu.memref_slice %arg12[%dma_wait3A_137, %dma_wait3A_138] : memref<10000x16xf32, #tpu.memory_space<vmem_shared>> -> memref<10000x16xf32, #tpu.memory_space<vmem_shared>>
      tpu.wait_indirect_dma semaphore(%arg14 : memref<!tpu.dma_semaphore, #tpu.memory_space<semaphore_mem>>) src(%dma_wait3A_139 : memref<10000x16xf32, #tpu.memory_space<vmem_shared>>) dst(%dma_wait3A_135 : memref<128x16xf32, #tpu.memory_space<vmem>>)
      %mul3A_140 = arith.constant 4 : i32
      %mul3A_141 = arith.muli %mul3A_94, %mul3A_140 : i32
      %add3A_142 = arith.constant 3 : i32
      %add3A_143 = arith.addi %mul3A_141, %add3A_142 : i32
      %mul3A_144 = arith.constant 128 : i32
      %mul3A_145 = arith.muli %add3A_143, %mul3A_144 : i32
      %dma_wait3A_146 = arith.constant 3 : i32
      %dma_wait3A_147 = arith.constant 0 : i32
      %dma_wait3A_148 = arith.constant 0 : i32
      %dma_wait3A_149 = tpu.memref_slice %arg10[%dma_wait3A_146, %dma_wait3A_147, %dma_wait3A_148] : memref<4x128x16xf32, #tpu.memory_space<vmem>> -> memref<1x128x16xf32, #tpu.memory_space<vmem>>
      %dma_wait3A_150 = tpu.memref_squeeze %dma_wait3A_149 : memref<1x128x16xf32, #tpu.memory_space<vmem>> -> memref<128x16xf32, #tpu.memory_space<vmem>>
      %dma_wait3A_151 = tpu.memref_slice %arg8[%mul3A_145] : memref<5120xi32, #tpu.memory_space<vmem>> -> memref<128xi32, #tpu.memory_space<vmem>>
      %dma_wait3A_152 = arith.constant 0 : i32
      %dma_wait3A_153 = arith.constant 0 : i32
      %dma_wait3A_154 = tpu.memref_slice %arg12[%dma_wait3A_152, %dma_wait3A_153] : memref<10000x16xf32, #tpu.memory_space<vmem_shared>> -> memref<10000x16xf32, #tpu.memory_space<vmem_shared>>
      tpu.wait_indirect_dma semaphore(%arg14 : memref<!tpu.dma_semaphore, #tpu.memory_space<semaphore_mem>>) src(%dma_wait3A_154 : memref<10000x16xf32, #tpu.memory_space<vmem_shared>>) dst(%dma_wait3A_150 : memref<128x16xf32, #tpu.memory_space<vmem>>)
      %mul3A_155 = arith.constant 4 : i32
      %mul3A_156 = arith.muli %mul3A_94, %mul3A_155 : i32
      %add3A_157 = arith.constant 0 : i32
      %add3A_158 = arith.addi %mul3A_156, %add3A_157 : i32
      %dma_start3A_159 = arith.constant 0 : i32
      %dma_start3A_160 = arith.constant 0 : i32
      %dma_start3A_161 = arith.constant 0 : i32
      %dma_start3A_162 = tpu.memref_slice %arg10[%dma_start3A_159, %dma_start3A_160, %dma_start3A_161] : memref<4x128x16xf32, #tpu.memory_space<vmem>> -> memref<1x128x16xf32, #tpu.memory_space<vmem>>
      %dma_start3A_163 = tpu.memref_squeeze %dma_start3A_162 : memref<1x128x16xf32, #tpu.memory_space<vmem>> -> memref<128x16xf32, #tpu.memory_space<vmem>>
      %dma_start3A_164 = arith.constant 0 : i32
      %dma_start3A_165 = tpu.memref_slice %arg9[%add3A_158, %dma_start3A_164] : memref<40x128xi32, #tpu.memory_space<vmem>> -> memref<1x128xi32, #tpu.memory_space<vmem>>
      %dma_start3A_166 = tpu.memref_squeeze %dma_start3A_165 : memref<1x128xi32, #tpu.memory_space<vmem>> -> memref<128xi32, #tpu.memory_space<vmem>>
      %dma_start3A_167 = arith.constant 0 : i32
      %dma_start3A_168 = arith.constant 0 : i32
      %dma_start3A_169 = tpu.memref_slice %arg13[%dma_start3A_167, %dma_start3A_168] : memref<10008x16xf32, #tpu.memory_space<vmem_shared>> -> memref<10008x16xf32, #tpu.memory_space<vmem_shared>>
      tpu.enqueue_indirect_dma source(%dma_start3A_163 : memref<128x16xf32, #tpu.memory_space<vmem>>) target(%dma_start3A_169 : memref<10008x16xf32, #tpu.memory_space<vmem_shared>>) offsets(%dma_start3A_166 : memref<128xi32, #tpu.memory_space<vmem>>) semaphore(%arg16 : memref<!tpu.dma_semaphore, #tpu.memory_space<semaphore_mem>>) {add = true}
      %mul3A_170 = arith.constant 4 : i32
      %mul3A_171 = arith.muli %mul3A_94, %mul3A_170 : i32
      %add3A_172 = arith.constant 1 : i32
      %add3A_173 = arith.addi %mul3A_171, %add3A_172 : i32
      %dma_start3A_174 = arith.constant 1 : i32
      %dma_start3A_175 = arith.constant 0 : i32
      %dma_start3A_176 = arith.constant 0 : i32
      %dma_start3A_177 = tpu.memref_slice %arg10[%dma_start3A_174, %dma_start3A_175, %dma_start3A_176] : memref<4x128x16xf32, #tpu.memory_space<vmem>> -> memref<1x128x16xf32, #tpu.memory_space<vmem>>
      %dma_start3A_178 = tpu.memref_squeeze %dma_start3A_177 : memref<1x128x16xf32, #tpu.memory_space<vmem>> -> memref<128x16xf32, #tpu.memory_space<vmem>>
      %dma_start3A_179 = arith.constant 0 : i32
      %dma_start3A_180 = tpu.memref_slice %arg9[%add3A_173, %dma_start3A_179] : memref<40x128xi32, #tpu.memory_space<vmem>> -> memref<1x128xi32, #tpu.memory_space<vmem>>
      %dma_start3A_181 = tpu.memref_squeeze %dma_start3A_180 : memref<1x128xi32, #tpu.memory_space<vmem>> -> memref<128xi32, #tpu.memory_space<vmem>>
      %dma_start3A_182 = arith.constant 0 : i32
      %dma_start3A_183 = arith.constant 0 : i32
      %dma_start3A_184 = tpu.memref_slice %arg13[%dma_start3A_182, %dma_start3A_183] : memref<10008x16xf32, #tpu.memory_space<vmem_shared>> -> memref<10008x16xf32, #tpu.memory_space<vmem_shared>>
      tpu.enqueue_indirect_dma source(%dma_start3A_178 : memref<128x16xf32, #tpu.memory_space<vmem>>) target(%dma_start3A_184 : memref<10008x16xf32, #tpu.memory_space<vmem_shared>>) offsets(%dma_start3A_181 : memref<128xi32, #tpu.memory_space<vmem>>) semaphore(%arg16 : memref<!tpu.dma_semaphore, #tpu.memory_space<semaphore_mem>>) {add = true}
      %mul3A_185 = arith.constant 4 : i32
      %mul3A_186 = arith.muli %mul3A_94, %mul3A_185 : i32
      %add3A_187 = arith.constant 2 : i32
      %add3A_188 = arith.addi %mul3A_186, %add3A_187 : i32
      %dma_start3A_189 = arith.constant 2 : i32
      %dma_start3A_190 = arith.constant 0 : i32
      %dma_start3A_191 = arith.constant 0 : i32
      %dma_start3A_192 = tpu.memref_slice %arg10[%dma_start3A_189, %dma_start3A_190, %dma_start3A_191] : memref<4x128x16xf32, #tpu.memory_space<vmem>> -> memref<1x128x16xf32, #tpu.memory_space<vmem>>
      %dma_start3A_193 = tpu.memref_squeeze %dma_start3A_192 : memref<1x128x16xf32, #tpu.memory_space<vmem>> -> memref<128x16xf32, #tpu.memory_space<vmem>>
      %dma_start3A_194 = arith.constant 0 : i32
      %dma_start3A_195 = tpu.memref_slice %arg9[%add3A_188, %dma_start3A_194] : memref<40x128xi32, #tpu.memory_space<vmem>> -> memref<1x128xi32, #tpu.memory_space<vmem>>
      %dma_start3A_196 = tpu.memref_squeeze %dma_start3A_195 : memref<1x128xi32, #tpu.memory_space<vmem>> -> memref<128xi32, #tpu.memory_space<vmem>>
      %dma_start3A_197 = arith.constant 0 : i32
      %dma_start3A_198 = arith.constant 0 : i32
      %dma_start3A_199 = tpu.memref_slice %arg13[%dma_start3A_197, %dma_start3A_198] : memref<10008x16xf32, #tpu.memory_space<vmem_shared>> -> memref<10008x16xf32, #tpu.memory_space<vmem_shared>>
      tpu.enqueue_indirect_dma source(%dma_start3A_193 : memref<128x16xf32, #tpu.memory_space<vmem>>) target(%dma_start3A_199 : memref<10008x16xf32, #tpu.memory_space<vmem_shared>>) offsets(%dma_start3A_196 : memref<128xi32, #tpu.memory_space<vmem>>) semaphore(%arg16 : memref<!tpu.dma_semaphore, #tpu.memory_space<semaphore_mem>>) {add = true}
      %mul3A_200 = arith.constant 4 : i32
      %mul3A_201 = arith.muli %mul3A_94, %mul3A_200 : i32
      %add3A_202 = arith.constant 3 : i32
      %add3A_203 = arith.addi %mul3A_201, %add3A_202 : i32
      %dma_start3A_204 = arith.constant 3 : i32
      %dma_start3A_205 = arith.constant 0 : i32
      %dma_start3A_206 = arith.constant 0 : i32
      %dma_start3A_207 = tpu.memref_slice %arg10[%dma_start3A_204, %dma_start3A_205, %dma_start3A_206] : memref<4x128x16xf32, #tpu.memory_space<vmem>> -> memref<1x128x16xf32, #tpu.memory_space<vmem>>
      %dma_start3A_208 = tpu.memref_squeeze %dma_start3A_207 : memref<1x128x16xf32, #tpu.memory_space<vmem>> -> memref<128x16xf32, #tpu.memory_space<vmem>>
      %dma_start3A_209 = arith.constant 0 : i32
      %dma_start3A_210 = tpu.memref_slice %arg9[%add3A_203, %dma_start3A_209] : memref<40x128xi32, #tpu.memory_space<vmem>> -> memref<1x128xi32, #tpu.memory_space<vmem>>
      %dma_start3A_211 = tpu.memref_squeeze %dma_start3A_210 : memref<1x128xi32, #tpu.memory_space<vmem>> -> memref<128xi32, #tpu.memory_space<vmem>>
      %dma_start3A_212 = arith.constant 0 : i32
      %dma_start3A_213 = arith.constant 0 : i32
      %dma_start3A_214 = tpu.memref_slice %arg13[%dma_start3A_212, %dma_start3A_213] : memref<10008x16xf32, #tpu.memory_space<vmem_shared>> -> memref<10008x16xf32, #tpu.memory_space<vmem_shared>>
      tpu.enqueue_indirect_dma source(%dma_start3A_208 : memref<128x16xf32, #tpu.memory_space<vmem>>) target(%dma_start3A_214 : memref<10008x16xf32, #tpu.memory_space<vmem_shared>>) offsets(%dma_start3A_211 : memref<128xi32, #tpu.memory_space<vmem>>) semaphore(%arg16 : memref<!tpu.dma_semaphore, #tpu.memory_space<semaphore_mem>>) {add = true}
      %add3A_215 = arith.constant 1 : i32
      %add3A_216 = arith.addi %mul3A_94, %add3A_215 : i32
      %mul3A_217 = arith.constant 4 : i32
      %mul3A_218 = arith.muli %add3A_216, %mul3A_217 : i32
      %add3A_219 = arith.constant 0 : i32
      %add3A_220 = arith.addi %mul3A_218, %add3A_219 : i32
      %mul3A_221 = arith.constant 128 : i32
      %mul3A_222 = arith.muli %add3A_220, %mul3A_221 : i32
      %dma_start3A_223 = arith.constant 0 : i32
      %dma_start3A_224 = arith.constant 0 : i32
      %dma_start3A_225 = arith.constant 0 : i32
      %dma_start3A_226 = tpu.memref_slice %arg11[%dma_start3A_223, %dma_start3A_224, %dma_start3A_225] : memref<4x128x16xf32, #tpu.memory_space<vmem>> -> memref<1x128x16xf32, #tpu.memory_space<vmem>>
      %dma_start3A_227 = tpu.memref_squeeze %dma_start3A_226 : memref<1x128x16xf32, #tpu.memory_space<vmem>> -> memref<128x16xf32, #tpu.memory_space<vmem>>
      %dma_start3A_228 = tpu.memref_slice %arg8[%mul3A_222] : memref<5120xi32, #tpu.memory_space<vmem>> -> memref<128xi32, #tpu.memory_space<vmem>>
      %dma_start3A_229 = arith.constant 0 : i32
      %dma_start3A_230 = arith.constant 0 : i32
      %dma_start3A_231 = tpu.memref_slice %arg12[%dma_start3A_229, %dma_start3A_230] : memref<10000x16xf32, #tpu.memory_space<vmem_shared>> -> memref<10000x16xf32, #tpu.memory_space<vmem_shared>>
      tpu.enqueue_indirect_dma source(%dma_start3A_231 : memref<10000x16xf32, #tpu.memory_space<vmem_shared>>) target(%dma_start3A_227 : memref<128x16xf32, #tpu.memory_space<vmem>>) offsets(%dma_start3A_228 : memref<128xi32, #tpu.memory_space<vmem>>) semaphore(%arg15 : memref<!tpu.dma_semaphore, #tpu.memory_space<semaphore_mem>>)
      %mul3A_232 = arith.constant 4 : i32
      %mul3A_233 = arith.muli %add3A_216, %mul3A_232 : i32
      %add3A_234 = arith.constant 1 : i32
      %add3A_235 = arith.addi %mul3A_233, %add3A_234 : i32
      %mul3A_236 = arith.constant 128 : i32
      %mul3A_237 = arith.muli %add3A_235, %mul3A_236 : i32
      %dma_start3A_238 = arith.constant 1 : i32
      %dma_start3A_239 = arith.constant 0 : i32
      %dma_start3A_240 = arith.constant 0 : i32
      %dma_start3A_241 = tpu.memref_slice %arg11[%dma_start3A_238, %dma_start3A_239, %dma_start3A_240] : memref<4x128x16xf32, #tpu.memory_space<vmem>> -> memref<1x128x16xf32, #tpu.memory_space<vmem>>
      %dma_start3A_242 = tpu.memref_squeeze %dma_start3A_241 : memref<1x128x16xf32, #tpu.memory_space<vmem>> -> memref<128x16xf32, #tpu.memory_space<vmem>>
      %dma_start3A_243 = tpu.memref_slice %arg8[%mul3A_237] : memref<5120xi32, #tpu.memory_space<vmem>> -> memref<128xi32, #tpu.memory_space<vmem>>
      %dma_start3A_244 = arith.constant 0 : i32
      %dma_start3A_245 = arith.constant 0 : i32
      %dma_start3A_246 = tpu.memref_slice %arg12[%dma_start3A_244, %dma_start3A_245] : memref<10000x16xf32, #tpu.memory_space<vmem_shared>> -> memref<10000x16xf32, #tpu.memory_space<vmem_shared>>
      tpu.enqueue_indirect_dma source(%dma_start3A_246 : memref<10000x16xf32, #tpu.memory_space<vmem_shared>>) target(%dma_start3A_242 : memref<128x16xf32, #tpu.memory_space<vmem>>) offsets(%dma_start3A_243 : memref<128xi32, #tpu.memory_space<vmem>>) semaphore(%arg15 : memref<!tpu.dma_semaphore, #tpu.memory_space<semaphore_mem>>)
      %mul3A_247 = arith.constant 4 : i32
      %mul3A_248 = arith.muli %add3A_216, %mul3A_247 : i32
      %add3A_249 = arith.constant 2 : i32
      %add3A_250 = arith.addi %mul3A_248, %add3A_249 : i32
      %mul3A_251 = arith.constant 128 : i32
      %mul3A_252 = arith.muli %add3A_250, %mul3A_251 : i32
      %dma_start3A_253 = arith.constant 2 : i32
      %dma_start3A_254 = arith.constant 0 : i32
      %dma_start3A_255 = arith.constant 0 : i32
      %dma_start3A_256 = tpu.memref_slice %arg11[%dma_start3A_253, %dma_start3A_254, %dma_start3A_255] : memref<4x128x16xf32, #tpu.memory_space<vmem>> -> memref<1x128x16xf32, #tpu.memory_space<vmem>>
      %dma_start3A_257 = tpu.memref_squeeze %dma_start3A_256 : memref<1x128x16xf32, #tpu.memory_space<vmem>> -> memref<128x16xf32, #tpu.memory_space<vmem>>
      %dma_start3A_258 = tpu.memref_slice %arg8[%mul3A_252] : memref<5120xi32, #tpu.memory_space<vmem>> -> memref<128xi32, #tpu.memory_space<vmem>>
      %dma_start3A_259 = arith.constant 0 : i32
      %dma_start3A_260 = arith.constant 0 : i32
      %dma_start3A_261 = tpu.memref_slice %arg12[%dma_start3A_259, %dma_start3A_260] : memref<10000x16xf32, #tpu.memory_space<vmem_shared>> -> memref<10000x16xf32, #tpu.memory_space<vmem_shared>>
      tpu.enqueue_indirect_dma source(%dma_start3A_261 : memref<10000x16xf32, #tpu.memory_space<vmem_shared>>) target(%dma_start3A_257 : memref<128x16xf32, #tpu.memory_space<vmem>>) offsets(%dma_start3A_258 : memref<128xi32, #tpu.memory_space<vmem>>) semaphore(%arg15 : memref<!tpu.dma_semaphore, #tpu.memory_space<semaphore_mem>>)
      %mul3A_262 = arith.constant 4 : i32
      %mul3A_263 = arith.muli %add3A_216, %mul3A_262 : i32
      %add3A_264 = arith.constant 3 : i32
      %add3A_265 = arith.addi %mul3A_263, %add3A_264 : i32
      %mul3A_266 = arith.constant 128 : i32
      %mul3A_267 = arith.muli %add3A_265, %mul3A_266 : i32
      %dma_start3A_268 = arith.constant 3 : i32
      %dma_start3A_269 = arith.constant 0 : i32
      %dma_start3A_270 = arith.constant 0 : i32
      %dma_start3A_271 = tpu.memref_slice %arg11[%dma_start3A_268, %dma_start3A_269, %dma_start3A_270] : memref<4x128x16xf32, #tpu.memory_space<vmem>> -> memref<1x128x16xf32, #tpu.memory_space<vmem>>
      %dma_start3A_272 = tpu.memref_squeeze %dma_start3A_271 : memref<1x128x16xf32, #tpu.memory_space<vmem>> -> memref<128x16xf32, #tpu.memory_space<vmem>>
      %dma_start3A_273 = tpu.memref_slice %arg8[%mul3A_267] : memref<5120xi32, #tpu.memory_space<vmem>> -> memref<128xi32, #tpu.memory_space<vmem>>
      %dma_start3A_274 = arith.constant 0 : i32
      %dma_start3A_275 = arith.constant 0 : i32
      %dma_start3A_276 = tpu.memref_slice %arg12[%dma_start3A_274, %dma_start3A_275] : memref<10000x16xf32, #tpu.memory_space<vmem_shared>> -> memref<10000x16xf32, #tpu.memory_space<vmem_shared>>
      tpu.enqueue_indirect_dma source(%dma_start3A_276 : memref<10000x16xf32, #tpu.memory_space<vmem_shared>>) target(%dma_start3A_272 : memref<128x16xf32, #tpu.memory_space<vmem>>) offsets(%dma_start3A_273 : memref<128xi32, #tpu.memory_space<vmem>>) semaphore(%arg15 : memref<!tpu.dma_semaphore, #tpu.memory_space<semaphore_mem>>)
      %mul3A_277 = arith.constant 4 : i32
      %mul3A_278 = arith.muli %mul3A_94, %mul3A_277 : i32
      %add3A_279 = arith.constant 0 : i32
      %add3A_280 = arith.addi %mul3A_278, %add3A_279 : i32
      %dma_wait3A_281 = arith.constant 0 : i32
      %dma_wait3A_282 = arith.constant 0 : i32
      %dma_wait3A_283 = arith.constant 0 : i32
      %dma_wait3A_284 = tpu.memref_slice %arg10[%dma_wait3A_281, %dma_wait3A_282, %dma_wait3A_283] : memref<4x128x16xf32, #tpu.memory_space<vmem>> -> memref<1x128x16xf32, #tpu.memory_space<vmem>>
      %dma_wait3A_285 = tpu.memref_squeeze %dma_wait3A_284 : memref<1x128x16xf32, #tpu.memory_space<vmem>> -> memref<128x16xf32, #tpu.memory_space<vmem>>
      %dma_wait3A_286 = arith.constant 0 : i32
      %dma_wait3A_287 = tpu.memref_slice %arg9[%add3A_280, %dma_wait3A_286] : memref<40x128xi32, #tpu.memory_space<vmem>> -> memref<1x128xi32, #tpu.memory_space<vmem>>
      %dma_wait3A_288 = tpu.memref_squeeze %dma_wait3A_287 : memref<1x128xi32, #tpu.memory_space<vmem>> -> memref<128xi32, #tpu.memory_space<vmem>>
      %dma_wait3A_289 = arith.constant 0 : i32
      %dma_wait3A_290 = arith.constant 0 : i32
      %dma_wait3A_291 = tpu.memref_slice %arg13[%dma_wait3A_289, %dma_wait3A_290] : memref<10008x16xf32, #tpu.memory_space<vmem_shared>> -> memref<10008x16xf32, #tpu.memory_space<vmem_shared>>
      tpu.wait_indirect_dma semaphore(%arg16 : memref<!tpu.dma_semaphore, #tpu.memory_space<semaphore_mem>>) src(%dma_wait3A_285 : memref<128x16xf32, #tpu.memory_space<vmem>>) dst(%dma_wait3A_291 : memref<10008x16xf32, #tpu.memory_space<vmem_shared>>)
      %mul3A_292 = arith.constant 4 : i32
      %mul3A_293 = arith.muli %mul3A_94, %mul3A_292 : i32
      %add3A_294 = arith.constant 1 : i32
      %add3A_295 = arith.addi %mul3A_293, %add3A_294 : i32
      %dma_wait3A_296 = arith.constant 1 : i32
      %dma_wait3A_297 = arith.constant 0 : i32
      %dma_wait3A_298 = arith.constant 0 : i32
      %dma_wait3A_299 = tpu.memref_slice %arg10[%dma_wait3A_296, %dma_wait3A_297, %dma_wait3A_298] : memref<4x128x16xf32, #tpu.memory_space<vmem>> -> memref<1x128x16xf32, #tpu.memory_space<vmem>>
      %dma_wait3A_300 = tpu.memref_squeeze %dma_wait3A_299 : memref<1x128x16xf32, #tpu.memory_space<vmem>> -> memref<128x16xf32, #tpu.memory_space<vmem>>
      %dma_wait3A_301 = arith.constant 0 : i32
      %dma_wait3A_302 = tpu.memref_slice %arg9[%add3A_295, %dma_wait3A_301] : memref<40x128xi32, #tpu.memory_space<vmem>> -> memref<1x128xi32, #tpu.memory_space<vmem>>
      %dma_wait3A_303 = tpu.memref_squeeze %dma_wait3A_302 : memref<1x128xi32, #tpu.memory_space<vmem>> -> memref<128xi32, #tpu.memory_space<vmem>>
      %dma_wait3A_304 = arith.constant 0 : i32
      %dma_wait3A_305 = arith.constant 0 : i32
      %dma_wait3A_306 = tpu.memref_slice %arg13[%dma_wait3A_304, %dma_wait3A_305] : memref<10008x16xf32, #tpu.memory_space<vmem_shared>> -> memref<10008x16xf32, #tpu.memory_space<vmem_shared>>
      tpu.wait_indirect_dma semaphore(%arg16 : memref<!tpu.dma_semaphore, #tpu.memory_space<semaphore_mem>>) src(%dma_wait3A_300 : memref<128x16xf32, #tpu.memory_space<vmem>>) dst(%dma_wait3A_306 : memref<10008x16xf32, #tpu.memory_space<vmem_shared>>)
      %mul3A_307 = arith.constant 4 : i32
      %mul3A_308 = arith.muli %mul3A_94, %mul3A_307 : i32
      %add3A_309 = arith.constant 2 : i32
      %add3A_310 = arith.addi %mul3A_308, %add3A_309 : i32
      %dma_wait3A_311 = arith.constant 2 : i32
      %dma_wait3A_312 = arith.constant 0 : i32
      %dma_wait3A_313 = arith.constant 0 : i32
      %dma_wait3A_314 = tpu.memref_slice %arg10[%dma_wait3A_311, %dma_wait3A_312, %dma_wait3A_313] : memref<4x128x16xf32, #tpu.memory_space<vmem>> -> memref<1x128x16xf32, #tpu.memory_space<vmem>>
      %dma_wait3A_315 = tpu.memref_squeeze %dma_wait3A_314 : memref<1x128x16xf32, #tpu.memory_space<vmem>> -> memref<128x16xf32, #tpu.memory_space<vmem>>
      %dma_wait3A_316 = arith.constant 0 : i32
      %dma_wait3A_317 = tpu.memref_slice %arg9[%add3A_310, %dma_wait3A_316] : memref<40x128xi32, #tpu.memory_space<vmem>> -> memref<1x128xi32, #tpu.memory_space<vmem>>
      %dma_wait3A_318 = tpu.memref_squeeze %dma_wait3A_317 : memref<1x128xi32, #tpu.memory_space<vmem>> -> memref<128xi32, #tpu.memory_space<vmem>>
      %dma_wait3A_319 = arith.constant 0 : i32
      %dma_wait3A_320 = arith.constant 0 : i32
      %dma_wait3A_321 = tpu.memref_slice %arg13[%dma_wait3A_319, %dma_wait3A_320] : memref<10008x16xf32, #tpu.memory_space<vmem_shared>> -> memref<10008x16xf32, #tpu.memory_space<vmem_shared>>
      tpu.wait_indirect_dma semaphore(%arg16 : memref<!tpu.dma_semaphore, #tpu.memory_space<semaphore_mem>>) src(%dma_wait3A_315 : memref<128x16xf32, #tpu.memory_space<vmem>>) dst(%dma_wait3A_321 : memref<10008x16xf32, #tpu.memory_space<vmem_shared>>)
      %mul3A_322 = arith.constant 4 : i32
      %mul3A_323 = arith.muli %mul3A_94, %mul3A_322 : i32
      %add3A_324 = arith.constant 3 : i32
      %add3A_325 = arith.addi %mul3A_323, %add3A_324 : i32
      %dma_wait3A_326 = arith.constant 3 : i32
      %dma_wait3A_327 = arith.constant 0 : i32
      %dma_wait3A_328 = arith.constant 0 : i32
      %dma_wait3A_329 = tpu.memref_slice %arg10[%dma_wait3A_326, %dma_wait3A_327, %dma_wait3A_328] : memref<4x128x16xf32, #tpu.memory_space<vmem>> -> memref<1x128x16xf32, #tpu.memory_space<vmem>>
      %dma_wait3A_330 = tpu.memref_squeeze %dma_wait3A_329 : memref<1x128x16xf32, #tpu.memory_space<vmem>> -> memref<128x16xf32, #tpu.memory_space<vmem>>
      %dma_wait3A_331 = arith.constant 0 : i32
      %dma_wait3A_332 = tpu.memref_slice %arg9[%add3A_325, %dma_wait3A_331] : memref<40x128xi32, #tpu.memory_space<vmem>> -> memref<1x128xi32, #tpu.memory_space<vmem>>
      %dma_wait3A_333 = tpu.memref_squeeze %dma_wait3A_332 : memref<1x128xi32, #tpu.memory_space<vmem>> -> memref<128xi32, #tpu.memory_space<vmem>>
      %dma_wait3A_334 = arith.constant 0 : i32
      %dma_wait3A_335 = arith.constant 0 : i32
      %dma_wait3A_336 = tpu.memref_slice %arg13[%dma_wait3A_334, %dma_wait3A_335] : memref<10008x16xf32, #tpu.memory_space<vmem_shared>> -> memref<10008x16xf32, #tpu.memory_space<vmem_shared>>
      tpu.wait_indirect_dma semaphore(%arg16 : memref<!tpu.dma_semaphore, #tpu.memory_space<semaphore_mem>>) src(%dma_wait3A_330 : memref<128x16xf32, #tpu.memory_space<vmem>>) dst(%dma_wait3A_336 : memref<10008x16xf32, #tpu.memory_space<vmem_shared>>)
      %add3A_337 = arith.constant 2 : i32
      %add3A_338 = arith.addi %mul3A_94, %add3A_337 : i32
      %lt3A = arith.constant 10 : i32
      %lt3A_339 = arith.cmpi slt, %add3A_338, %lt3A : i32
      %convert_element_type3A_340 = arith.extui %lt3A_339 : i1 to i32
      %cond3A_341 = arith.constant 0 : i32
      %cond3A_342 = arith.cmpi ne, %convert_element_type3A_340, %cond3A_341 : i32
      scf.if %cond3A_342 {
        %add3A_529 = arith.constant 2 : i32
        %add3A_530 = arith.addi %mul3A_94, %add3A_529 : i32
        %mul3A_531 = arith.constant 4 : i32
        %mul3A_532 = arith.muli %add3A_530, %mul3A_531 : i32
        %add3A_533 = arith.constant 0 : i32
        %add3A_534 = arith.addi %mul3A_532, %add3A_533 : i32
        %mul3A_535 = arith.constant 128 : i32
        %mul3A_536 = arith.muli %add3A_534, %mul3A_535 : i32
        %dma_start3A_537 = arith.constant 0 : i32
        %dma_start3A_538 = arith.constant 0 : i32
        %dma_start3A_539 = arith.constant 0 : i32
        %dma_start3A_540 = tpu.memref_slice %arg10[%dma_start3A_537, %dma_start3A_538, %dma_start3A_539] : memref<4x128x16xf32, #tpu.memory_space<vmem>> -> memref<1x128x16xf32, #tpu.memory_space<vmem>>
        %dma_start3A_541 = tpu.memref_squeeze %dma_start3A_540 : memref<1x128x16xf32, #tpu.memory_space<vmem>> -> memref<128x16xf32, #tpu.memory_space<vmem>>
        %dma_start3A_542 = tpu.memref_slice %arg8[%mul3A_536] : memref<5120xi32, #tpu.memory_space<vmem>> -> memref<128xi32, #tpu.memory_space<vmem>>
        %dma_start3A_543 = arith.constant 0 : i32
        %dma_start3A_544 = arith.constant 0 : i32
        %dma_start3A_545 = tpu.memref_slice %arg12[%dma_start3A_543, %dma_start3A_544] : memref<10000x16xf32, #tpu.memory_space<vmem_shared>> -> memref<10000x16xf32, #tpu.memory_space<vmem_shared>>
        tpu.enqueue_indirect_dma source(%dma_start3A_545 : memref<10000x16xf32, #tpu.memory_space<vmem_shared>>) target(%dma_start3A_541 : memref<128x16xf32, #tpu.memory_space<vmem>>) offsets(%dma_start3A_542 : memref<128xi32, #tpu.memory_space<vmem>>) semaphore(%arg14 : memref<!tpu.dma_semaphore, #tpu.memory_space<semaphore_mem>>)
        %mul3A_546 = arith.constant 4 : i32
        %mul3A_547 = arith.muli %add3A_530, %mul3A_546 : i32
        %add3A_548 = arith.constant 1 : i32
        %add3A_549 = arith.addi %mul3A_547, %add3A_548 : i32
        %mul3A_550 = arith.constant 128 : i32
        %mul3A_551 = arith.muli %add3A_549, %mul3A_550 : i32
        %dma_start3A_552 = arith.constant 1 : i32
        %dma_start3A_553 = arith.constant 0 : i32
        %dma_start3A_554 = arith.constant 0 : i32
        %dma_start3A_555 = tpu.memref_slice %arg10[%dma_start3A_552, %dma_start3A_553, %dma_start3A_554] : memref<4x128x16xf32, #tpu.memory_space<vmem>> -> memref<1x128x16xf32, #tpu.memory_space<vmem>>
        %dma_start3A_556 = tpu.memref_squeeze %dma_start3A_555 : memref<1x128x16xf32, #tpu.memory_space<vmem>> -> memref<128x16xf32, #tpu.memory_space<vmem>>
        %dma_start3A_557 = tpu.memref_slice %arg8[%mul3A_551] : memref<5120xi32, #tpu.memory_space<vmem>> -> memref<128xi32, #tpu.memory_space<vmem>>
        %dma_start3A_558 = arith.constant 0 : i32
        %dma_start3A_559 = arith.constant 0 : i32
        %dma_start3A_560 = tpu.memref_slice %arg12[%dma_start3A_558, %dma_start3A_559] : memref<10000x16xf32, #tpu.memory_space<vmem_shared>> -> memref<10000x16xf32, #tpu.memory_space<vmem_shared>>
        tpu.enqueue_indirect_dma source(%dma_start3A_560 : memref<10000x16xf32, #tpu.memory_space<vmem_shared>>) target(%dma_start3A_556 : memref<128x16xf32, #tpu.memory_space<vmem>>) offsets(%dma_start3A_557 : memref<128xi32, #tpu.memory_space<vmem>>) semaphore(%arg14 : memref<!tpu.dma_semaphore, #tpu.memory_space<semaphore_mem>>)
        %mul3A_561 = arith.constant 4 : i32
        %mul3A_562 = arith.muli %add3A_530, %mul3A_561 : i32
        %add3A_563 = arith.constant 2 : i32
        %add3A_564 = arith.addi %mul3A_562, %add3A_563 : i32
        %mul3A_565 = arith.constant 128 : i32
        %mul3A_566 = arith.muli %add3A_564, %mul3A_565 : i32
        %dma_start3A_567 = arith.constant 2 : i32
        %dma_start3A_568 = arith.constant 0 : i32
        %dma_start3A_569 = arith.constant 0 : i32
        %dma_start3A_570 = tpu.memref_slice %arg10[%dma_start3A_567, %dma_start3A_568, %dma_start3A_569] : memref<4x128x16xf32, #tpu.memory_space<vmem>> -> memref<1x128x16xf32, #tpu.memory_space<vmem>>
        %dma_start3A_571 = tpu.memref_squeeze %dma_start3A_570 : memref<1x128x16xf32, #tpu.memory_space<vmem>> -> memref<128x16xf32, #tpu.memory_space<vmem>>
        %dma_start3A_572 = tpu.memref_slice %arg8[%mul3A_566] : memref<5120xi32, #tpu.memory_space<vmem>> -> memref<128xi32, #tpu.memory_space<vmem>>
        %dma_start3A_573 = arith.constant 0 : i32
        %dma_start3A_574 = arith.constant 0 : i32
        %dma_start3A_575 = tpu.memref_slice %arg12[%dma_start3A_573, %dma_start3A_574] : memref<10000x16xf32, #tpu.memory_space<vmem_shared>> -> memref<10000x16xf32, #tpu.memory_space<vmem_shared>>
        tpu.enqueue_indirect_dma source(%dma_start3A_575 : memref<10000x16xf32, #tpu.memory_space<vmem_shared>>) target(%dma_start3A_571 : memref<128x16xf32, #tpu.memory_space<vmem>>) offsets(%dma_start3A_572 : memref<128xi32, #tpu.memory_space<vmem>>) semaphore(%arg14 : memref<!tpu.dma_semaphore, #tpu.memory_space<semaphore_mem>>)
        %mul3A_576 = arith.constant 4 : i32
        %mul3A_577 = arith.muli %add3A_530, %mul3A_576 : i32
        %add3A_578 = arith.constant 3 : i32
        %add3A_579 = arith.addi %mul3A_577, %add3A_578 : i32
        %mul3A_580 = arith.constant 128 : i32
        %mul3A_581 = arith.muli %add3A_579, %mul3A_580 : i32
        %dma_start3A_582 = arith.constant 3 : i32
        %dma_start3A_583 = arith.constant 0 : i32
        %dma_start3A_584 = arith.constant 0 : i32
        %dma_start3A_585 = tpu.memref_slice %arg10[%dma_start3A_582, %dma_start3A_583, %dma_start3A_584] : memref<4x128x16xf32, #tpu.memory_space<vmem>> -> memref<1x128x16xf32, #tpu.memory_space<vmem>>
        %dma_start3A_586 = tpu.memref_squeeze %dma_start3A_585 : memref<1x128x16xf32, #tpu.memory_space<vmem>> -> memref<128x16xf32, #tpu.memory_space<vmem>>
        %dma_start3A_587 = tpu.memref_slice %arg8[%mul3A_581] : memref<5120xi32, #tpu.memory_space<vmem>> -> memref<128xi32, #tpu.memory_space<vmem>>
        %dma_start3A_588 = arith.constant 0 : i32
        %dma_start3A_589 = arith.constant 0 : i32
        %dma_start3A_590 = tpu.memref_slice %arg12[%dma_start3A_588, %dma_start3A_589] : memref<10000x16xf32, #tpu.memory_space<vmem_shared>> -> memref<10000x16xf32, #tpu.memory_space<vmem_shared>>
        tpu.enqueue_indirect_dma source(%dma_start3A_590 : memref<10000x16xf32, #tpu.memory_space<vmem_shared>>) target(%dma_start3A_586 : memref<128x16xf32, #tpu.memory_space<vmem>>) offsets(%dma_start3A_587 : memref<128xi32, #tpu.memory_space<vmem>>) semaphore(%arg14 : memref<!tpu.dma_semaphore, #tpu.memory_space<semaphore_mem>>)
      } else {
      }
      %add3A_343 = arith.constant 1 : i32
      %add3A_344 = arith.addi %mul3A_94, %add3A_343 : i32
      %mul3A_345 = arith.constant 4 : i32
      %mul3A_346 = arith.muli %add3A_344, %mul3A_345 : i32
      %add3A_347 = arith.constant 0 : i32
      %add3A_348 = arith.addi %mul3A_346, %add3A_347 : i32
      %mul3A_349 = arith.constant 128 : i32
      %mul3A_350 = arith.muli %add3A_348, %mul3A_349 : i32
      %dma_wait3A_351 = arith.constant 0 : i32
      %dma_wait3A_352 = arith.constant 0 : i32
      %dma_wait3A_353 = arith.constant 0 : i32
      %dma_wait3A_354 = tpu.memref_slice %arg11[%dma_wait3A_351, %dma_wait3A_352, %dma_wait3A_353] : memref<4x128x16xf32, #tpu.memory_space<vmem>> -> memref<1x128x16xf32, #tpu.memory_space<vmem>>
      %dma_wait3A_355 = tpu.memref_squeeze %dma_wait3A_354 : memref<1x128x16xf32, #tpu.memory_space<vmem>> -> memref<128x16xf32, #tpu.memory_space<vmem>>
      %dma_wait3A_356 = tpu.memref_slice %arg8[%mul3A_350] : memref<5120xi32, #tpu.memory_space<vmem>> -> memref<128xi32, #tpu.memory_space<vmem>>
      %dma_wait3A_357 = arith.constant 0 : i32
      %dma_wait3A_358 = arith.constant 0 : i32
      %dma_wait3A_359 = tpu.memref_slice %arg12[%dma_wait3A_357, %dma_wait3A_358] : memref<10000x16xf32, #tpu.memory_space<vmem_shared>> -> memref<10000x16xf32, #tpu.memory_space<vmem_shared>>
      tpu.wait_indirect_dma semaphore(%arg15 : memref<!tpu.dma_semaphore, #tpu.memory_space<semaphore_mem>>) src(%dma_wait3A_359 : memref<10000x16xf32, #tpu.memory_space<vmem_shared>>) dst(%dma_wait3A_355 : memref<128x16xf32, #tpu.memory_space<vmem>>)
      %mul3A_360 = arith.constant 4 : i32
      %mul3A_361 = arith.muli %add3A_344, %mul3A_360 : i32
      %add3A_362 = arith.constant 1 : i32
      %add3A_363 = arith.addi %mul3A_361, %add3A_362 : i32
      %mul3A_364 = arith.constant 128 : i32
      %mul3A_365 = arith.muli %add3A_363, %mul3A_364 : i32
      %dma_wait3A_366 = arith.constant 1 : i32
      %dma_wait3A_367 = arith.constant 0 : i32
      %dma_wait3A_368 = arith.constant 0 : i32
      %dma_wait3A_369 = tpu.memref_slice %arg11[%dma_wait3A_366, %dma_wait3A_367, %dma_wait3A_368] : memref<4x128x16xf32, #tpu.memory_space<vmem>> -> memref<1x128x16xf32, #tpu.memory_space<vmem>>
      %dma_wait3A_370 = tpu.memref_squeeze %dma_wait3A_369 : memref<1x128x16xf32, #tpu.memory_space<vmem>> -> memref<128x16xf32, #tpu.memory_space<vmem>>
      %dma_wait3A_371 = tpu.memref_slice %arg8[%mul3A_365] : memref<5120xi32, #tpu.memory_space<vmem>> -> memref<128xi32, #tpu.memory_space<vmem>>
      %dma_wait3A_372 = arith.constant 0 : i32
      %dma_wait3A_373 = arith.constant 0 : i32
      %dma_wait3A_374 = tpu.memref_slice %arg12[%dma_wait3A_372, %dma_wait3A_373] : memref<10000x16xf32, #tpu.memory_space<vmem_shared>> -> memref<10000x16xf32, #tpu.memory_space<vmem_shared>>
      tpu.wait_indirect_dma semaphore(%arg15 : memref<!tpu.dma_semaphore, #tpu.memory_space<semaphore_mem>>) src(%dma_wait3A_374 : memref<10000x16xf32, #tpu.memory_space<vmem_shared>>) dst(%dma_wait3A_370 : memref<128x16xf32, #tpu.memory_space<vmem>>)
      %mul3A_375 = arith.constant 4 : i32
      %mul3A_376 = arith.muli %add3A_344, %mul3A_375 : i32
      %add3A_377 = arith.constant 2 : i32
      %add3A_378 = arith.addi %mul3A_376, %add3A_377 : i32
      %mul3A_379 = arith.constant 128 : i32
      %mul3A_380 = arith.muli %add3A_378, %mul3A_379 : i32
      %dma_wait3A_381 = arith.constant 2 : i32
      %dma_wait3A_382 = arith.constant 0 : i32
      %dma_wait3A_383 = arith.constant 0 : i32
      %dma_wait3A_384 = tpu.memref_slice %arg11[%dma_wait3A_381, %dma_wait3A_382, %dma_wait3A_383] : memref<4x128x16xf32, #tpu.memory_space<vmem>> -> memref<1x128x16xf32, #tpu.memory_space<vmem>>
      %dma_wait3A_385 = tpu.memref_squeeze %dma_wait3A_384 : memref<1x128x16xf32, #tpu.memory_space<vmem>> -> memref<128x16xf32, #tpu.memory_space<vmem>>
      %dma_wait3A_386 = tpu.memref_slice %arg8[%mul3A_380] : memref<5120xi32, #tpu.memory_space<vmem>> -> memref<128xi32, #tpu.memory_space<vmem>>
      %dma_wait3A_387 = arith.constant 0 : i32
      %dma_wait3A_388 = arith.constant 0 : i32
      %dma_wait3A_389 = tpu.memref_slice %arg12[%dma_wait3A_387, %dma_wait3A_388] : memref<10000x16xf32, #tpu.memory_space<vmem_shared>> -> memref<10000x16xf32, #tpu.memory_space<vmem_shared>>
      tpu.wait_indirect_dma semaphore(%arg15 : memref<!tpu.dma_semaphore, #tpu.memory_space<semaphore_mem>>) src(%dma_wait3A_389 : memref<10000x16xf32, #tpu.memory_space<vmem_shared>>) dst(%dma_wait3A_385 : memref<128x16xf32, #tpu.memory_space<vmem>>)
      %mul3A_390 = arith.constant 4 : i32
      %mul3A_391 = arith.muli %add3A_344, %mul3A_390 : i32
      %add3A_392 = arith.constant 3 : i32
      %add3A_393 = arith.addi %mul3A_391, %add3A_392 : i32
      %mul3A_394 = arith.constant 128 : i32
      %mul3A_395 = arith.muli %add3A_393, %mul3A_394 : i32
      %dma_wait3A_396 = arith.constant 3 : i32
      %dma_wait3A_397 = arith.constant 0 : i32
      %dma_wait3A_398 = arith.constant 0 : i32
      %dma_wait3A_399 = tpu.memref_slice %arg11[%dma_wait3A_396, %dma_wait3A_397, %dma_wait3A_398] : memref<4x128x16xf32, #tpu.memory_space<vmem>> -> memref<1x128x16xf32, #tpu.memory_space<vmem>>
      %dma_wait3A_400 = tpu.memref_squeeze %dma_wait3A_399 : memref<1x128x16xf32, #tpu.memory_space<vmem>> -> memref<128x16xf32, #tpu.memory_space<vmem>>
      %dma_wait3A_401 = tpu.memref_slice %arg8[%mul3A_395] : memref<5120xi32, #tpu.memory_space<vmem>> -> memref<128xi32, #tpu.memory_space<vmem>>
      %dma_wait3A_402 = arith.constant 0 : i32
      %dma_wait3A_403 = arith.constant 0 : i32
      %dma_wait3A_404 = tpu.memref_slice %arg12[%dma_wait3A_402, %dma_wait3A_403] : memref<10000x16xf32, #tpu.memory_space<vmem_shared>> -> memref<10000x16xf32, #tpu.memory_space<vmem_shared>>
      tpu.wait_indirect_dma semaphore(%arg15 : memref<!tpu.dma_semaphore, #tpu.memory_space<semaphore_mem>>) src(%dma_wait3A_404 : memref<10000x16xf32, #tpu.memory_space<vmem_shared>>) dst(%dma_wait3A_400 : memref<128x16xf32, #tpu.memory_space<vmem>>)
      %add3A_405 = arith.constant 1 : i32
      %add3A_406 = arith.addi %mul3A_94, %add3A_405 : i32
      %mul3A_407 = arith.constant 4 : i32
      %mul3A_408 = arith.muli %add3A_406, %mul3A_407 : i32
      %add3A_409 = arith.constant 0 : i32
      %add3A_410 = arith.addi %mul3A_408, %add3A_409 : i32
      %dma_start3A_411 = arith.constant 0 : i32
      %dma_start3A_412 = arith.constant 0 : i32
      %dma_start3A_413 = arith.constant 0 : i32
      %dma_start3A_414 = tpu.memref_slice %arg11[%dma_start3A_411, %dma_start3A_412, %dma_start3A_413] : memref<4x128x16xf32, #tpu.memory_space<vmem>> -> memref<1x128x16xf32, #tpu.memory_space<vmem>>
      %dma_start3A_415 = tpu.memref_squeeze %dma_start3A_414 : memref<1x128x16xf32, #tpu.memory_space<vmem>> -> memref<128x16xf32, #tpu.memory_space<vmem>>
      %dma_start3A_416 = arith.constant 0 : i32
      %dma_start3A_417 = tpu.memref_slice %arg9[%add3A_410, %dma_start3A_416] : memref<40x128xi32, #tpu.memory_space<vmem>> -> memref<1x128xi32, #tpu.memory_space<vmem>>
      %dma_start3A_418 = tpu.memref_squeeze %dma_start3A_417 : memref<1x128xi32, #tpu.memory_space<vmem>> -> memref<128xi32, #tpu.memory_space<vmem>>
      %dma_start3A_419 = arith.constant 0 : i32
      %dma_start3A_420 = arith.constant 0 : i32
      %dma_start3A_421 = tpu.memref_slice %arg13[%dma_start3A_419, %dma_start3A_420] : memref<10008x16xf32, #tpu.memory_space<vmem_shared>> -> memref<10008x16xf32, #tpu.memory_space<vmem_shared>>
      tpu.enqueue_indirect_dma source(%dma_start3A_415 : memref<128x16xf32, #tpu.memory_space<vmem>>) target(%dma_start3A_421 : memref<10008x16xf32, #tpu.memory_space<vmem_shared>>) offsets(%dma_start3A_418 : memref<128xi32, #tpu.memory_space<vmem>>) semaphore(%arg16 : memref<!tpu.dma_semaphore, #tpu.memory_space<semaphore_mem>>) {add = true}
      %mul3A_422 = arith.constant 4 : i32
      %mul3A_423 = arith.muli %add3A_406, %mul3A_422 : i32
      %add3A_424 = arith.constant 1 : i32
      %add3A_425 = arith.addi %mul3A_423, %add3A_424 : i32
      %dma_start3A_426 = arith.constant 1 : i32
      %dma_start3A_427 = arith.constant 0 : i32
      %dma_start3A_428 = arith.constant 0 : i32
      %dma_start3A_429 = tpu.memref_slice %arg11[%dma_start3A_426, %dma_start3A_427, %dma_start3A_428] : memref<4x128x16xf32, #tpu.memory_space<vmem>> -> memref<1x128x16xf32, #tpu.memory_space<vmem>>
      %dma_start3A_430 = tpu.memref_squeeze %dma_start3A_429 : memref<1x128x16xf32, #tpu.memory_space<vmem>> -> memref<128x16xf32, #tpu.memory_space<vmem>>
      %dma_start3A_431 = arith.constant 0 : i32
      %dma_start3A_432 = tpu.memref_slice %arg9[%add3A_425, %dma_start3A_431] : memref<40x128xi32, #tpu.memory_space<vmem>> -> memref<1x128xi32, #tpu.memory_space<vmem>>
      %dma_start3A_433 = tpu.memref_squeeze %dma_start3A_432 : memref<1x128xi32, #tpu.memory_space<vmem>> -> memref<128xi32, #tpu.memory_space<vmem>>
      %dma_start3A_434 = arith.constant 0 : i32
      %dma_start3A_435 = arith.constant 0 : i32
      %dma_start3A_436 = tpu.memref_slice %arg13[%dma_start3A_434, %dma_start3A_435] : memref<10008x16xf32, #tpu.memory_space<vmem_shared>> -> memref<10008x16xf32, #tpu.memory_space<vmem_shared>>
      tpu.enqueue_indirect_dma source(%dma_start3A_430 : memref<128x16xf32, #tpu.memory_space<vmem>>) target(%dma_start3A_436 : memref<10008x16xf32, #tpu.memory_space<vmem_shared>>) offsets(%dma_start3A_433 : memref<128xi32, #tpu.memory_space<vmem>>) semaphore(%arg16 : memref<!tpu.dma_semaphore, #tpu.memory_space<semaphore_mem>>) {add = true}
      %mul3A_437 = arith.constant 4 : i32
      %mul3A_438 = arith.muli %add3A_406, %mul3A_437 : i32
      %add3A_439 = arith.constant 2 : i32
      %add3A_440 = arith.addi %mul3A_438, %add3A_439 : i32
      %dma_start3A_441 = arith.constant 2 : i32
      %dma_start3A_442 = arith.constant 0 : i32
      %dma_start3A_443 = arith.constant 0 : i32
      %dma_start3A_444 = tpu.memref_slice %arg11[%dma_start3A_441, %dma_start3A_442, %dma_start3A_443] : memref<4x128x16xf32, #tpu.memory_space<vmem>> -> memref<1x128x16xf32, #tpu.memory_space<vmem>>
      %dma_start3A_445 = tpu.memref_squeeze %dma_start3A_444 : memref<1x128x16xf32, #tpu.memory_space<vmem>> -> memref<128x16xf32, #tpu.memory_space<vmem>>
      %dma_start3A_446 = arith.constant 0 : i32
      %dma_start3A_447 = tpu.memref_slice %arg9[%add3A_440, %dma_start3A_446] : memref<40x128xi32, #tpu.memory_space<vmem>> -> memref<1x128xi32, #tpu.memory_space<vmem>>
      %dma_start3A_448 = tpu.memref_squeeze %dma_start3A_447 : memref<1x128xi32, #tpu.memory_space<vmem>> -> memref<128xi32, #tpu.memory_space<vmem>>
      %dma_start3A_449 = arith.constant 0 : i32
      %dma_start3A_450 = arith.constant 0 : i32
      %dma_start3A_451 = tpu.memref_slice %arg13[%dma_start3A_449, %dma_start3A_450] : memref<10008x16xf32, #tpu.memory_space<vmem_shared>> -> memref<10008x16xf32, #tpu.memory_space<vmem_shared>>
      tpu.enqueue_indirect_dma source(%dma_start3A_445 : memref<128x16xf32, #tpu.memory_space<vmem>>) target(%dma_start3A_451 : memref<10008x16xf32, #tpu.memory_space<vmem_shared>>) offsets(%dma_start3A_448 : memref<128xi32, #tpu.memory_space<vmem>>) semaphore(%arg16 : memref<!tpu.dma_semaphore, #tpu.memory_space<semaphore_mem>>) {add = true}
      %mul3A_452 = arith.constant 4 : i32
      %mul3A_453 = arith.muli %add3A_406, %mul3A_452 : i32
      %add3A_454 = arith.constant 3 : i32
      %add3A_455 = arith.addi %mul3A_453, %add3A_454 : i32
      %dma_start3A_456 = arith.constant 3 : i32
      %dma_start3A_457 = arith.constant 0 : i32
      %dma_start3A_458 = arith.constant 0 : i32
      %dma_start3A_459 = tpu.memref_slice %arg11[%dma_start3A_456, %dma_start3A_457, %dma_start3A_458] : memref<4x128x16xf32, #tpu.memory_space<vmem>> -> memref<1x128x16xf32, #tpu.memory_space<vmem>>
      %dma_start3A_460 = tpu.memref_squeeze %dma_start3A_459 : memref<1x128x16xf32, #tpu.memory_space<vmem>> -> memref<128x16xf32, #tpu.memory_space<vmem>>
      %dma_start3A_461 = arith.constant 0 : i32
      %dma_start3A_462 = tpu.memref_slice %arg9[%add3A_455, %dma_start3A_461] : memref<40x128xi32, #tpu.memory_space<vmem>> -> memref<1x128xi32, #tpu.memory_space<vmem>>
      %dma_start3A_463 = tpu.memref_squeeze %dma_start3A_462 : memref<1x128xi32, #tpu.memory_space<vmem>> -> memref<128xi32, #tpu.memory_space<vmem>>
      %dma_start3A_464 = arith.constant 0 : i32
      %dma_start3A_465 = arith.constant 0 : i32
      %dma_start3A_466 = tpu.memref_slice %arg13[%dma_start3A_464, %dma_start3A_465] : memref<10008x16xf32, #tpu.memory_space<vmem_shared>> -> memref<10008x16xf32, #tpu.memory_space<vmem_shared>>
      tpu.enqueue_indirect_dma source(%dma_start3A_460 : memref<128x16xf32, #tpu.memory_space<vmem>>) target(%dma_start3A_466 : memref<10008x16xf32, #tpu.memory_space<vmem_shared>>) offsets(%dma_start3A_463 : memref<128xi32, #tpu.memory_space<vmem>>) semaphore(%arg16 : memref<!tpu.dma_semaphore, #tpu.memory_space<semaphore_mem>>) {add = true}
      %add3A_467 = arith.constant 1 : i32
      %add3A_468 = arith.addi %mul3A_94, %add3A_467 : i32
      %mul3A_469 = arith.constant 4 : i32
      %mul3A_470 = arith.muli %add3A_468, %mul3A_469 : i32
      %add3A_471 = arith.constant 0 : i32
      %add3A_472 = arith.addi %mul3A_470, %add3A_471 : i32
      %dma_wait3A_473 = arith.constant 0 : i32
      %dma_wait3A_474 = arith.constant 0 : i32
      %dma_wait3A_475 = arith.constant 0 : i32
      %dma_wait3A_476 = tpu.memref_slice %arg11[%dma_wait3A_473, %dma_wait3A_474, %dma_wait3A_475] : memref<4x128x16xf32, #tpu.memory_space<vmem>> -> memref<1x128x16xf32, #tpu.memory_space<vmem>>
      %dma_wait3A_477 = tpu.memref_squeeze %dma_wait3A_476 : memref<1x128x16xf32, #tpu.memory_space<vmem>> -> memref<128x16xf32, #tpu.memory_space<vmem>>
      %dma_wait3A_478 = arith.constant 0 : i32
      %dma_wait3A_479 = tpu.memref_slice %arg9[%add3A_472, %dma_wait3A_478] : memref<40x128xi32, #tpu.memory_space<vmem>> -> memref<1x128xi32, #tpu.memory_space<vmem>>
      %dma_wait3A_480 = tpu.memref_squeeze %dma_wait3A_479 : memref<1x128xi32, #tpu.memory_space<vmem>> -> memref<128xi32, #tpu.memory_space<vmem>>
      %dma_wait3A_481 = arith.constant 0 : i32
      %dma_wait3A_482 = arith.constant 0 : i32
      %dma_wait3A_483 = tpu.memref_slice %arg13[%dma_wait3A_481, %dma_wait3A_482] : memref<10008x16xf32, #tpu.memory_space<vmem_shared>> -> memref<10008x16xf32, #tpu.memory_space<vmem_shared>>
      tpu.wait_indirect_dma semaphore(%arg16 : memref<!tpu.dma_semaphore, #tpu.memory_space<semaphore_mem>>) src(%dma_wait3A_477 : memref<128x16xf32, #tpu.memory_space<vmem>>) dst(%dma_wait3A_483 : memref<10008x16xf32, #tpu.memory_space<vmem_shared>>)
      %mul3A_484 = arith.constant 4 : i32
      %mul3A_485 = arith.muli %add3A_468, %mul3A_484 : i32
      %add3A_486 = arith.constant 1 : i32
      %add3A_487 = arith.addi %mul3A_485, %add3A_486 : i32
      %dma_wait3A_488 = arith.constant 1 : i32
      %dma_wait3A_489 = arith.constant 0 : i32
      %dma_wait3A_490 = arith.constant 0 : i32
      %dma_wait3A_491 = tpu.memref_slice %arg11[%dma_wait3A_488, %dma_wait3A_489, %dma_wait3A_490] : memref<4x128x16xf32, #tpu.memory_space<vmem>> -> memref<1x128x16xf32, #tpu.memory_space<vmem>>
      %dma_wait3A_492 = tpu.memref_squeeze %dma_wait3A_491 : memref<1x128x16xf32, #tpu.memory_space<vmem>> -> memref<128x16xf32, #tpu.memory_space<vmem>>
      %dma_wait3A_493 = arith.constant 0 : i32
      %dma_wait3A_494 = tpu.memref_slice %arg9[%add3A_487, %dma_wait3A_493] : memref<40x128xi32, #tpu.memory_space<vmem>> -> memref<1x128xi32, #tpu.memory_space<vmem>>
      %dma_wait3A_495 = tpu.memref_squeeze %dma_wait3A_494 : memref<1x128xi32, #tpu.memory_space<vmem>> -> memref<128xi32, #tpu.memory_space<vmem>>
      %dma_wait3A_496 = arith.constant 0 : i32
      %dma_wait3A_497 = arith.constant 0 : i32
      %dma_wait3A_498 = tpu.memref_slice %arg13[%dma_wait3A_496, %dma_wait3A_497] : memref<10008x16xf32, #tpu.memory_space<vmem_shared>> -> memref<10008x16xf32, #tpu.memory_space<vmem_shared>>
      tpu.wait_indirect_dma semaphore(%arg16 : memref<!tpu.dma_semaphore, #tpu.memory_space<semaphore_mem>>) src(%dma_wait3A_492 : memref<128x16xf32, #tpu.memory_space<vmem>>) dst(%dma_wait3A_498 : memref<10008x16xf32, #tpu.memory_space<vmem_shared>>)
      %mul3A_499 = arith.constant 4 : i32
      %mul3A_500 = arith.muli %add3A_468, %mul3A_499 : i32
      %add3A_501 = arith.constant 2 : i32
      %add3A_502 = arith.addi %mul3A_500, %add3A_501 : i32
      %dma_wait3A_503 = arith.constant 2 : i32
      %dma_wait3A_504 = arith.constant 0 : i32
      %dma_wait3A_505 = arith.constant 0 : i32
      %dma_wait3A_506 = tpu.memref_slice %arg11[%dma_wait3A_503, %dma_wait3A_504, %dma_wait3A_505] : memref<4x128x16xf32, #tpu.memory_space<vmem>> -> memref<1x128x16xf32, #tpu.memory_space<vmem>>
      %dma_wait3A_507 = tpu.memref_squeeze %dma_wait3A_506 : memref<1x128x16xf32, #tpu.memory_space<vmem>> -> memref<128x16xf32, #tpu.memory_space<vmem>>
      %dma_wait3A_508 = arith.constant 0 : i32
      %dma_wait3A_509 = tpu.memref_slice %arg9[%add3A_502, %dma_wait3A_508] : memref<40x128xi32, #tpu.memory_space<vmem>> -> memref<1x128xi32, #tpu.memory_space<vmem>>
      %dma_wait3A_510 = tpu.memref_squeeze %dma_wait3A_509 : memref<1x128xi32, #tpu.memory_space<vmem>> -> memref<128xi32, #tpu.memory_space<vmem>>
      %dma_wait3A_511 = arith.constant 0 : i32
      %dma_wait3A_512 = arith.constant 0 : i32
      %dma_wait3A_513 = tpu.memref_slice %arg13[%dma_wait3A_511, %dma_wait3A_512] : memref<10008x16xf32, #tpu.memory_space<vmem_shared>> -> memref<10008x16xf32, #tpu.memory_space<vmem_shared>>
      tpu.wait_indirect_dma semaphore(%arg16 : memref<!tpu.dma_semaphore, #tpu.memory_space<semaphore_mem>>) src(%dma_wait3A_507 : memref<128x16xf32, #tpu.memory_space<vmem>>) dst(%dma_wait3A_513 : memref<10008x16xf32, #tpu.memory_space<vmem_shared>>)
      %mul3A_514 = arith.constant 4 : i32
      %mul3A_515 = arith.muli %add3A_468, %mul3A_514 : i32
      %add3A_516 = arith.constant 3 : i32
      %add3A_517 = arith.addi %mul3A_515, %add3A_516 : i32
      %dma_wait3A_518 = arith.constant 3 : i32
      %dma_wait3A_519 = arith.constant 0 : i32
      %dma_wait3A_520 = arith.constant 0 : i32
      %dma_wait3A_521 = tpu.memref_slice %arg11[%dma_wait3A_518, %dma_wait3A_519, %dma_wait3A_520] : memref<4x128x16xf32, #tpu.memory_space<vmem>> -> memref<1x128x16xf32, #tpu.memory_space<vmem>>
      %dma_wait3A_522 = tpu.memref_squeeze %dma_wait3A_521 : memref<1x128x16xf32, #tpu.memory_space<vmem>> -> memref<128x16xf32, #tpu.memory_space<vmem>>
      %dma_wait3A_523 = arith.constant 0 : i32
      %dma_wait3A_524 = tpu.memref_slice %arg9[%add3A_517, %dma_wait3A_523] : memref<40x128xi32, #tpu.memory_space<vmem>> -> memref<1x128xi32, #tpu.memory_space<vmem>>
      %dma_wait3A_525 = tpu.memref_squeeze %dma_wait3A_524 : memref<1x128xi32, #tpu.memory_space<vmem>> -> memref<128xi32, #tpu.memory_space<vmem>>
      %dma_wait3A_526 = arith.constant 0 : i32
      %dma_wait3A_527 = arith.constant 0 : i32
      %dma_wait3A_528 = tpu.memref_slice %arg13[%dma_wait3A_526, %dma_wait3A_527] : memref<10008x16xf32, #tpu.memory_space<vmem_shared>> -> memref<10008x16xf32, #tpu.memory_space<vmem_shared>>
      tpu.wait_indirect_dma semaphore(%arg16 : memref<!tpu.dma_semaphore, #tpu.memory_space<semaphore_mem>>) src(%dma_wait3A_522 : memref<128x16xf32, #tpu.memory_space<vmem>>) dst(%dma_wait3A_528 : memref<10008x16xf32, #tpu.memory_space<vmem_shared>>)
    }
    %scan3A_83 = arith.constant 5 : i32
    %barrier3A_84 = arith.constant 0 : index
    tpu.barrier barrier_id(%barrier3A_84)
    %eq3A = arith.constant 0 : i32
    %eq3A_85 = arith.cmpi eq, %arg0, %eq3A : i32
    %convert_element_type3A = arith.extui %eq3A_85 : i1 to i32
    %cond3A = arith.constant 0 : i32
    %cond3A_86 = arith.cmpi ne, %convert_element_type3A, %cond3A : i32
    scf.if %cond3A_86 {
      "tpu.region"() ({
        %run_scoped3A = tpu.sem_alloc : memref<!tpu.dma_semaphore, #tpu.memory_space<semaphore_mem>>
        %dma_start3A_92 = arith.constant 0 : i32
        %dma_start3A_93 = tpu.memref_slice %arg6[%mul3A_2, %dma_start3A_92] : memref<10000x16xf32, #tpu.memory_space<hbm>> -> memref<625x16xf32, #tpu.memory_space<hbm>>
        %dma_start3A_94 = arith.constant 0 : i32
        %dma_start3A_95 = tpu.memref_slice %arg13[%mul3A_2, %dma_start3A_94] : memref<10008x16xf32, #tpu.memory_space<vmem_shared>> -> memref<625x16xf32, #tpu.memory_space<vmem_shared>>
        tpu.enqueue_dma source(%dma_start3A_95 : memref<625x16xf32, #tpu.memory_space<vmem_shared>>) target(%dma_start3A_93 : memref<625x16xf32, #tpu.memory_space<hbm>>) target_semaphore(%run_scoped3A : memref<!tpu.dma_semaphore, #tpu.memory_space<semaphore_mem>>)
        %dma_wait3A_96 = arith.constant 0 : i32
        %dma_wait3A_97 = tpu.memref_slice %arg6[%mul3A_2, %dma_wait3A_96] : memref<10000x16xf32, #tpu.memory_space<hbm>> -> memref<625x16xf32, #tpu.memory_space<hbm>>
        %dma_wait3A_98 = arith.constant 0 : i32
        %dma_wait3A_99 = tpu.memref_slice %arg13[%mul3A_2, %dma_wait3A_98] : memref<10008x16xf32, #tpu.memory_space<vmem_shared>> -> memref<625x16xf32, #tpu.memory_space<vmem_shared>>
        tpu.wait_dma2 semaphore(%run_scoped3A : memref<!tpu.dma_semaphore, #tpu.memory_space<semaphore_mem>>) src(%dma_wait3A_99 : memref<625x16xf32, #tpu.memory_space<vmem_shared>>) dst(%dma_wait3A_97 : memref<625x16xf32, #tpu.memory_space<hbm>>)
        tpu.yield
      }) : () -> ()
    } else {
    }
    %eq3A_87 = arith.constant 1 : i32
    %eq3A_88 = arith.cmpi eq, %arg0, %eq3A_87 : i32
    %convert_element_type3A_89 = arith.extui %eq3A_88 : i1 to i32
    %cond3A_90 = arith.constant 0 : i32
    %cond3A_91 = arith.cmpi ne, %convert_element_type3A_89, %cond3A_90 : i32
    scf.if %cond3A_91 {
      "tpu.region"() ({
        %run_scoped3A = tpu.sem_alloc : memref<!tpu.dma_semaphore, #tpu.memory_space<semaphore_mem>>
        %dma_start3A_92 = arith.constant 0 : i32
        %dma_start3A_93 = tpu.memref_slice %arg7[%mul3A_2, %dma_start3A_92] : memref<10000x16xf32, #tpu.memory_space<hbm>> -> memref<625x16xf32, #tpu.memory_space<hbm>>
        %dma_start3A_94 = arith.constant 0 : i32
        %dma_start3A_95 = tpu.memref_slice %arg13[%mul3A_2, %dma_start3A_94] : memref<10008x16xf32, #tpu.memory_space<vmem_shared>> -> memref<625x16xf32, #tpu.memory_space<vmem_shared>>
        tpu.enqueue_dma source(%dma_start3A_95 : memref<625x16xf32, #tpu.memory_space<vmem_shared>>) target(%dma_start3A_93 : memref<625x16xf32, #tpu.memory_space<hbm>>) target_semaphore(%run_scoped3A : memref<!tpu.dma_semaphore, #tpu.memory_space<semaphore_mem>>)
        %dma_wait3A_96 = arith.constant 0 : i32
        %dma_wait3A_97 = tpu.memref_slice %arg7[%mul3A_2, %dma_wait3A_96] : memref<10000x16xf32, #tpu.memory_space<hbm>> -> memref<625x16xf32, #tpu.memory_space<hbm>>
        %dma_wait3A_98 = arith.constant 0 : i32
        %dma_wait3A_99 = tpu.memref_slice %arg13[%mul3A_2, %dma_wait3A_98] : memref<10008x16xf32, #tpu.memory_space<vmem_shared>> -> memref<625x16xf32, #tpu.memory_space<vmem_shared>>
        tpu.wait_dma2 semaphore(%run_scoped3A : memref<!tpu.dma_semaphore, #tpu.memory_space<semaphore_mem>>) src(%dma_wait3A_99 : memref<625x16xf32, #tpu.memory_space<vmem_shared>>) dst(%dma_wait3A_97 : memref<625x16xf32, #tpu.memory_space<hbm>>)
        tpu.yield
      }) : () -> ()
    } else {
    }
    return
  }
}

#map = affine_map<(d0, d1) -> (0, 0)>
#map1 = affine_map<(d0, d1) -> (0)>
#map2 = affine_map<(d0, d1) -> (0, 0, 0)>
module attributes {stable_mosaic.version = 14 : i64} {
  func.func @seg2(%arg0: i32, %arg1: i32, %arg2: memref<10000x8xf32, #tpu.memory_space<hbm>>, %arg3: memref<10000x8xf32, #tpu.memory_space<hbm>>, %arg4: memref<163840xi32, #tpu.memory_space<hbm>>, %arg5: memref<16x80x128xi32, #tpu.memory_space<hbm>>, %arg6: memref<163840xi32, #tpu.memory_space<hbm>>, %arg7: memref<16x80x128xi32, #tpu.memory_space<hbm>>, %arg8: memref<10000x8xf32, #tpu.memory_space<hbm>>, %arg9: memref<10000x8xf32, #tpu.memory_space<hbm>>, %arg10: memref<10000x8xf32, #tpu.memory_space<hbm>>, %arg11: memref<10240xi32, #tpu.memory_space<vmem>>, %arg12: memref<80x128xi32, #tpu.memory_space<vmem>>, %arg13: memref<4x128x8xf32, #tpu.memory_space<vmem>>, %arg14: memref<4x128x8xf32, #tpu.memory_space<vmem>>, %arg15: memref<10000x8xf32, #tpu.memory_space<vmem_shared>>, %arg16: memref<10008x8xf32, #tpu.memory_space<vmem_shared>>, %arg17: memref<!tpu.dma_semaphore, #tpu.memory_space<semaphore_mem>>, %arg18: memref<!tpu.dma_semaphore, #tpu.memory_space<semaphore_mem>>, %arg19: memref<!tpu.dma_semaphore, #tpu.memory_space<semaphore_mem>>) attributes {dimension_semantics = [#tpu.dimension_semantics<core_parallel>, #tpu.dimension_semantics<subcore_parallel>], iteration_bounds = array<i64: 2, 16>, scalar_prefetch = 0 : i64, scratch_operands = 9 : i64, tpu.core_type = #tpu.core_type<sc_vector_subcore>, window_params = [{transform_indices = #map}, {transform_indices = #map}, {transform_indices = #map1}, {transform_indices = #map2}, {transform_indices = #map1}, {transform_indices = #map2}, {transform_indices = #map}, {transform_indices = #map}, {transform_indices = #map}]} {
    %eq3A = arith.constant 0 : i32
    %eq3A_0 = arith.cmpi eq, %arg0, %eq3A : i32
    %convert_element_type3A = arith.extui %eq3A_0 : i1 to i32
    %cond3A = arith.constant 0 : i32
    %cond3A_1 = arith.cmpi ne, %convert_element_type3A, %cond3A : i32
    scf.if %cond3A_1 {
      %mul3A = arith.constant 625 : i32
      %mul3A_7 = arith.muli %arg1, %mul3A : i32
      %dma_start3A = arith.constant 0 : i32
      %dma_start3A_8 = tpu.memref_slice %arg16[%mul3A_7, %dma_start3A] : memref<10008x8xf32, #tpu.memory_space<vmem_shared>> -> memref<625x8xf32, #tpu.memory_space<vmem_shared>>
      %dma_start3A_9 = arith.constant 0 : i32
      %dma_start3A_10 = tpu.memref_slice %arg8[%mul3A_7, %dma_start3A_9] : memref<10000x8xf32, #tpu.memory_space<hbm>> -> memref<625x8xf32, #tpu.memory_space<hbm>>
      tpu.enqueue_dma source(%dma_start3A_10 : memref<625x8xf32, #tpu.memory_space<hbm>>) target(%dma_start3A_8 : memref<625x8xf32, #tpu.memory_space<vmem_shared>>) target_semaphore(%arg17 : memref<!tpu.dma_semaphore, #tpu.memory_space<semaphore_mem>>)
      %dma_start3A_11 = arith.constant 0 : i32
      %dma_start3A_12 = tpu.memref_slice %arg15[%mul3A_7, %dma_start3A_11] : memref<10000x8xf32, #tpu.memory_space<vmem_shared>> -> memref<625x8xf32, #tpu.memory_space<vmem_shared>>
      %dma_start3A_13 = arith.constant 0 : i32
      %dma_start3A_14 = tpu.memref_slice %arg3[%mul3A_7, %dma_start3A_13] : memref<10000x8xf32, #tpu.memory_space<hbm>> -> memref<625x8xf32, #tpu.memory_space<hbm>>
      tpu.enqueue_dma source(%dma_start3A_14 : memref<625x8xf32, #tpu.memory_space<hbm>>) target(%dma_start3A_12 : memref<625x8xf32, #tpu.memory_space<vmem_shared>>) target_semaphore(%arg18 : memref<!tpu.dma_semaphore, #tpu.memory_space<semaphore_mem>>)
      %mul3A_15 = arith.constant 10240 : i32
      %mul3A_16 = arith.muli %arg1, %mul3A_15 : i32
      %dma_start3A_17 = tpu.memref_slice %arg4[%mul3A_16] : memref<163840xi32, #tpu.memory_space<hbm>> -> memref<10240xi32, #tpu.memory_space<hbm>>
      %dma_start3A_18 = tpu.memref_slice %arg4[%mul3A_16] : memref<163840xi32, #tpu.memory_space<hbm>> -> memref<10240xi32, #tpu.memory_space<hbm>>
      tpu.enqueue_dma source(%dma_start3A_18 : memref<10240xi32, #tpu.memory_space<hbm>>) target(%arg11 : memref<10240xi32, #tpu.memory_space<vmem>>) target_semaphore(%arg19 : memref<!tpu.dma_semaphore, #tpu.memory_space<semaphore_mem>>)
      %dma_start3A_19 = arith.constant 0 : i32
      %dma_start3A_20 = arith.constant 0 : i32
      %dma_start3A_21 = tpu.memref_slice %arg5[%arg1, %dma_start3A_19, %dma_start3A_20] : memref<16x80x128xi32, #tpu.memory_space<hbm>> -> memref<1x80x128xi32, #tpu.memory_space<hbm>>
      %dma_start3A_22 = tpu.memref_squeeze %dma_start3A_21 : memref<1x80x128xi32, #tpu.memory_space<hbm>> -> memref<80x128xi32, #tpu.memory_space<hbm>>
      %dma_start3A_23 = arith.constant 0 : i32
      %dma_start3A_24 = arith.constant 0 : i32
      %dma_start3A_25 = tpu.memref_slice %arg5[%arg1, %dma_start3A_23, %dma_start3A_24] : memref<16x80x128xi32, #tpu.memory_space<hbm>> -> memref<1x80x128xi32, #tpu.memory_space<hbm>>
      %dma_start3A_26 = tpu.memref_squeeze %dma_start3A_25 : memref<1x80x128xi32, #tpu.memory_space<hbm>> -> memref<80x128xi32, #tpu.memory_space<hbm>>
      tpu.enqueue_dma source(%dma_start3A_26 : memref<80x128xi32, #tpu.memory_space<hbm>>) target(%arg12 : memref<80x128xi32, #tpu.memory_space<vmem>>) target_semaphore(%arg19 : memref<!tpu.dma_semaphore, #tpu.memory_space<semaphore_mem>>)
      %dma_wait3A = arith.constant 0 : i32
      %dma_wait3A_27 = tpu.memref_slice %arg16[%mul3A_7, %dma_wait3A] : memref<10008x8xf32, #tpu.memory_space<vmem_shared>> -> memref<625x8xf32, #tpu.memory_space<vmem_shared>>
      %dma_wait3A_28 = arith.constant 0 : i32
      %dma_wait3A_29 = tpu.memref_slice %arg8[%mul3A_7, %dma_wait3A_28] : memref<10000x8xf32, #tpu.memory_space<hbm>> -> memref<625x8xf32, #tpu.memory_space<hbm>>
      tpu.wait_dma2 semaphore(%arg17 : memref<!tpu.dma_semaphore, #tpu.memory_space<semaphore_mem>>) src(%dma_wait3A_29 : memref<625x8xf32, #tpu.memory_space<hbm>>) dst(%dma_wait3A_27 : memref<625x8xf32, #tpu.memory_space<vmem_shared>>)
      %dma_wait3A_30 = arith.constant 0 : i32
      %dma_wait3A_31 = tpu.memref_slice %arg15[%mul3A_7, %dma_wait3A_30] : memref<10000x8xf32, #tpu.memory_space<vmem_shared>> -> memref<625x8xf32, #tpu.memory_space<vmem_shared>>
      %dma_wait3A_32 = arith.constant 0 : i32
      %dma_wait3A_33 = tpu.memref_slice %arg3[%mul3A_7, %dma_wait3A_32] : memref<10000x8xf32, #tpu.memory_space<hbm>> -> memref<625x8xf32, #tpu.memory_space<hbm>>
      tpu.wait_dma2 semaphore(%arg18 : memref<!tpu.dma_semaphore, #tpu.memory_space<semaphore_mem>>) src(%dma_wait3A_33 : memref<625x8xf32, #tpu.memory_space<hbm>>) dst(%dma_wait3A_31 : memref<625x8xf32, #tpu.memory_space<vmem_shared>>)
      %dma_wait3A_34 = tpu.memref_slice %arg4[%mul3A_16] : memref<163840xi32, #tpu.memory_space<hbm>> -> memref<10240xi32, #tpu.memory_space<hbm>>
      %dma_wait3A_35 = tpu.memref_slice %arg4[%mul3A_16] : memref<163840xi32, #tpu.memory_space<hbm>> -> memref<10240xi32, #tpu.memory_space<hbm>>
      tpu.wait_dma2 semaphore(%arg19 : memref<!tpu.dma_semaphore, #tpu.memory_space<semaphore_mem>>) src(%dma_wait3A_35 : memref<10240xi32, #tpu.memory_space<hbm>>) dst(%arg11 : memref<10240xi32, #tpu.memory_space<vmem>>)
      %dma_wait3A_36 = arith.constant 0 : i32
      %dma_wait3A_37 = arith.constant 0 : i32
      %dma_wait3A_38 = tpu.memref_slice %arg5[%arg1, %dma_wait3A_36, %dma_wait3A_37] : memref<16x80x128xi32, #tpu.memory_space<hbm>> -> memref<1x80x128xi32, #tpu.memory_space<hbm>>
      %dma_wait3A_39 = tpu.memref_squeeze %dma_wait3A_38 : memref<1x80x128xi32, #tpu.memory_space<hbm>> -> memref<80x128xi32, #tpu.memory_space<hbm>>
      %dma_wait3A_40 = arith.constant 0 : i32
      %dma_wait3A_41 = arith.constant 0 : i32
      %dma_wait3A_42 = tpu.memref_slice %arg5[%arg1, %dma_wait3A_40, %dma_wait3A_41] : memref<16x80x128xi32, #tpu.memory_space<hbm>> -> memref<1x80x128xi32, #tpu.memory_space<hbm>>
      %dma_wait3A_43 = tpu.memref_squeeze %dma_wait3A_42 : memref<1x80x128xi32, #tpu.memory_space<hbm>> -> memref<80x128xi32, #tpu.memory_space<hbm>>
      tpu.wait_dma2 semaphore(%arg19 : memref<!tpu.dma_semaphore, #tpu.memory_space<semaphore_mem>>) src(%dma_wait3A_43 : memref<80x128xi32, #tpu.memory_space<hbm>>) dst(%arg12 : memref<80x128xi32, #tpu.memory_space<vmem>>)
      %barrier3A = arith.constant 0 : index
      tpu.barrier barrier_id(%barrier3A)
      %dma_start3A_44 = arith.constant 0 : i32
      %dma_start3A_45 = arith.constant 0 : i32
      %dma_start3A_46 = arith.constant 0 : i32
      %dma_start3A_47 = tpu.memref_slice %arg13[%dma_start3A_44, %dma_start3A_45, %dma_start3A_46] : memref<4x128x8xf32, #tpu.memory_space<vmem>> -> memref<1x128x8xf32, #tpu.memory_space<vmem>>
      %dma_start3A_48 = tpu.memref_squeeze %dma_start3A_47 : memref<1x128x8xf32, #tpu.memory_space<vmem>> -> memref<128x8xf32, #tpu.memory_space<vmem>>
      %dma_start3A_49 = arith.constant 0 : i32
      %dma_start3A_50 = tpu.memref_slice %arg11[%dma_start3A_49] : memref<10240xi32, #tpu.memory_space<vmem>> -> memref<128xi32, #tpu.memory_space<vmem>>
      %dma_start3A_51 = arith.constant 0 : i32
      %dma_start3A_52 = arith.constant 0 : i32
      %dma_start3A_53 = tpu.memref_slice %arg15[%dma_start3A_51, %dma_start3A_52] : memref<10000x8xf32, #tpu.memory_space<vmem_shared>> -> memref<10000x8xf32, #tpu.memory_space<vmem_shared>>
      tpu.enqueue_indirect_dma source(%dma_start3A_53 : memref<10000x8xf32, #tpu.memory_space<vmem_shared>>) target(%dma_start3A_48 : memref<128x8xf32, #tpu.memory_space<vmem>>) offsets(%dma_start3A_50 : memref<128xi32, #tpu.memory_space<vmem>>) semaphore(%arg17 : memref<!tpu.dma_semaphore, #tpu.memory_space<semaphore_mem>>)
      %dma_start3A_54 = arith.constant 1 : i32
      %dma_start3A_55 = arith.constant 0 : i32
      %dma_start3A_56 = arith.constant 0 : i32
      %dma_start3A_57 = tpu.memref_slice %arg13[%dma_start3A_54, %dma_start3A_55, %dma_start3A_56] : memref<4x128x8xf32, #tpu.memory_space<vmem>> -> memref<1x128x8xf32, #tpu.memory_space<vmem>>
      %dma_start3A_58 = tpu.memref_squeeze %dma_start3A_57 : memref<1x128x8xf32, #tpu.memory_space<vmem>> -> memref<128x8xf32, #tpu.memory_space<vmem>>
      %dma_start3A_59 = arith.constant 128 : i32
      %dma_start3A_60 = tpu.memref_slice %arg11[%dma_start3A_59] : memref<10240xi32, #tpu.memory_space<vmem>> -> memref<128xi32, #tpu.memory_space<vmem>>
      %dma_start3A_61 = arith.constant 0 : i32
      %dma_start3A_62 = arith.constant 0 : i32
      %dma_start3A_63 = tpu.memref_slice %arg15[%dma_start3A_61, %dma_start3A_62] : memref<10000x8xf32, #tpu.memory_space<vmem_shared>> -> memref<10000x8xf32, #tpu.memory_space<vmem_shared>>
      tpu.enqueue_indirect_dma source(%dma_start3A_63 : memref<10000x8xf32, #tpu.memory_space<vmem_shared>>) target(%dma_start3A_58 : memref<128x8xf32, #tpu.memory_space<vmem>>) offsets(%dma_start3A_60 : memref<128xi32, #tpu.memory_space<vmem>>) semaphore(%arg17 : memref<!tpu.dma_semaphore, #tpu.memory_space<semaphore_mem>>)
      %dma_start3A_64 = arith.constant 2 : i32
      %dma_start3A_65 = arith.constant 0 : i32
      %dma_start3A_66 = arith.constant 0 : i32
      %dma_start3A_67 = tpu.memref_slice %arg13[%dma_start3A_64, %dma_start3A_65, %dma_start3A_66] : memref<4x128x8xf32, #tpu.memory_space<vmem>> -> memref<1x128x8xf32, #tpu.memory_space<vmem>>
      %dma_start3A_68 = tpu.memref_squeeze %dma_start3A_67 : memref<1x128x8xf32, #tpu.memory_space<vmem>> -> memref<128x8xf32, #tpu.memory_space<vmem>>
      %dma_start3A_69 = arith.constant 256 : i32
      %dma_start3A_70 = tpu.memref_slice %arg11[%dma_start3A_69] : memref<10240xi32, #tpu.memory_space<vmem>> -> memref<128xi32, #tpu.memory_space<vmem>>
      %dma_start3A_71 = arith.constant 0 : i32
      %dma_start3A_72 = arith.constant 0 : i32
      %dma_start3A_73 = tpu.memref_slice %arg15[%dma_start3A_71, %dma_start3A_72] : memref<10000x8xf32, #tpu.memory_space<vmem_shared>> -> memref<10000x8xf32, #tpu.memory_space<vmem_shared>>
      tpu.enqueue_indirect_dma source(%dma_start3A_73 : memref<10000x8xf32, #tpu.memory_space<vmem_shared>>) target(%dma_start3A_68 : memref<128x8xf32, #tpu.memory_space<vmem>>) offsets(%dma_start3A_70 : memref<128xi32, #tpu.memory_space<vmem>>) semaphore(%arg17 : memref<!tpu.dma_semaphore, #tpu.memory_space<semaphore_mem>>)
      %dma_start3A_74 = arith.constant 3 : i32
      %dma_start3A_75 = arith.constant 0 : i32
      %dma_start3A_76 = arith.constant 0 : i32
      %dma_start3A_77 = tpu.memref_slice %arg13[%dma_start3A_74, %dma_start3A_75, %dma_start3A_76] : memref<4x128x8xf32, #tpu.memory_space<vmem>> -> memref<1x128x8xf32, #tpu.memory_space<vmem>>
      %dma_start3A_78 = tpu.memref_squeeze %dma_start3A_77 : memref<1x128x8xf32, #tpu.memory_space<vmem>> -> memref<128x8xf32, #tpu.memory_space<vmem>>
      %dma_start3A_79 = arith.constant 384 : i32
      %dma_start3A_80 = tpu.memref_slice %arg11[%dma_start3A_79] : memref<10240xi32, #tpu.memory_space<vmem>> -> memref<128xi32, #tpu.memory_space<vmem>>
      %dma_start3A_81 = arith.constant 0 : i32
      %dma_start3A_82 = arith.constant 0 : i32
      %dma_start3A_83 = tpu.memref_slice %arg15[%dma_start3A_81, %dma_start3A_82] : memref<10000x8xf32, #tpu.memory_space<vmem_shared>> -> memref<10000x8xf32, #tpu.memory_space<vmem_shared>>
      tpu.enqueue_indirect_dma source(%dma_start3A_83 : memref<10000x8xf32, #tpu.memory_space<vmem_shared>>) target(%dma_start3A_78 : memref<128x8xf32, #tpu.memory_space<vmem>>) offsets(%dma_start3A_80 : memref<128xi32, #tpu.memory_space<vmem>>) semaphore(%arg17 : memref<!tpu.dma_semaphore, #tpu.memory_space<semaphore_mem>>)
      %scan3A = arith.constant 0 : i32
      %scan3A_84 = arith.constant 0 : i32
      %scan3A_85 = arith.constant 10 : i32
      %scan3A_86 = arith.addi %scan3A_84, %scan3A_85 : i32
      %scan3A_87 = arith.constant 1 : i32
      scf.for %scan3A_90 = %scan3A_84 to %scan3A_86 step %scan3A_87  : i32 {
        %mul3A_91 = arith.constant 2 : i32
        %mul3A_92 = arith.muli %mul3A_91, %scan3A_90 : i32
        %mul3A_93 = arith.constant 4 : i32
        %mul3A_94 = arith.muli %mul3A_92, %mul3A_93 : i32
        %add3A = arith.constant 0 : i32
        %add3A_95 = arith.addi %mul3A_94, %add3A : i32
        %mul3A_96 = arith.constant 128 : i32
        %mul3A_97 = arith.muli %add3A_95, %mul3A_96 : i32
        %dma_wait3A_98 = arith.constant 0 : i32
        %dma_wait3A_99 = arith.constant 0 : i32
        %dma_wait3A_100 = arith.constant 0 : i32
        %dma_wait3A_101 = tpu.memref_slice %arg13[%dma_wait3A_98, %dma_wait3A_99, %dma_wait3A_100] : memref<4x128x8xf32, #tpu.memory_space<vmem>> -> memref<1x128x8xf32, #tpu.memory_space<vmem>>
        %dma_wait3A_102 = tpu.memref_squeeze %dma_wait3A_101 : memref<1x128x8xf32, #tpu.memory_space<vmem>> -> memref<128x8xf32, #tpu.memory_space<vmem>>
        %dma_wait3A_103 = tpu.memref_slice %arg11[%mul3A_97] : memref<10240xi32, #tpu.memory_space<vmem>> -> memref<128xi32, #tpu.memory_space<vmem>>
        %dma_wait3A_104 = arith.constant 0 : i32
        %dma_wait3A_105 = arith.constant 0 : i32
        %dma_wait3A_106 = tpu.memref_slice %arg15[%dma_wait3A_104, %dma_wait3A_105] : memref<10000x8xf32, #tpu.memory_space<vmem_shared>> -> memref<10000x8xf32, #tpu.memory_space<vmem_shared>>
        tpu.wait_indirect_dma semaphore(%arg17 : memref<!tpu.dma_semaphore, #tpu.memory_space<semaphore_mem>>) src(%dma_wait3A_106 : memref<10000x8xf32, #tpu.memory_space<vmem_shared>>) dst(%dma_wait3A_102 : memref<128x8xf32, #tpu.memory_space<vmem>>)
        %mul3A_107 = arith.constant 4 : i32
        %mul3A_108 = arith.muli %mul3A_92, %mul3A_107 : i32
        %add3A_109 = arith.constant 1 : i32
        %add3A_110 = arith.addi %mul3A_108, %add3A_109 : i32
        %mul3A_111 = arith.constant 128 : i32
        %mul3A_112 = arith.muli %add3A_110, %mul3A_111 : i32
        %dma_wait3A_113 = arith.constant 1 : i32
        %dma_wait3A_114 = arith.constant 0 : i32
        %dma_wait3A_115 = arith.constant 0 : i32
        %dma_wait3A_116 = tpu.memref_slice %arg13[%dma_wait3A_113, %dma_wait3A_114, %dma_wait3A_115] : memref<4x128x8xf32, #tpu.memory_space<vmem>> -> memref<1x128x8xf32, #tpu.memory_space<vmem>>
        %dma_wait3A_117 = tpu.memref_squeeze %dma_wait3A_116 : memref<1x128x8xf32, #tpu.memory_space<vmem>> -> memref<128x8xf32, #tpu.memory_space<vmem>>
        %dma_wait3A_118 = tpu.memref_slice %arg11[%mul3A_112] : memref<10240xi32, #tpu.memory_space<vmem>> -> memref<128xi32, #tpu.memory_space<vmem>>
        %dma_wait3A_119 = arith.constant 0 : i32
        %dma_wait3A_120 = arith.constant 0 : i32
        %dma_wait3A_121 = tpu.memref_slice %arg15[%dma_wait3A_119, %dma_wait3A_120] : memref<10000x8xf32, #tpu.memory_space<vmem_shared>> -> memref<10000x8xf32, #tpu.memory_space<vmem_shared>>
        tpu.wait_indirect_dma semaphore(%arg17 : memref<!tpu.dma_semaphore, #tpu.memory_space<semaphore_mem>>) src(%dma_wait3A_121 : memref<10000x8xf32, #tpu.memory_space<vmem_shared>>) dst(%dma_wait3A_117 : memref<128x8xf32, #tpu.memory_space<vmem>>)
        %mul3A_122 = arith.constant 4 : i32
        %mul3A_123 = arith.muli %mul3A_92, %mul3A_122 : i32
        %add3A_124 = arith.constant 2 : i32
        %add3A_125 = arith.addi %mul3A_123, %add3A_124 : i32
        %mul3A_126 = arith.constant 128 : i32
        %mul3A_127 = arith.muli %add3A_125, %mul3A_126 : i32
        %dma_wait3A_128 = arith.constant 2 : i32
        %dma_wait3A_129 = arith.constant 0 : i32
        %dma_wait3A_130 = arith.constant 0 : i32
        %dma_wait3A_131 = tpu.memref_slice %arg13[%dma_wait3A_128, %dma_wait3A_129, %dma_wait3A_130] : memref<4x128x8xf32, #tpu.memory_space<vmem>> -> memref<1x128x8xf32, #tpu.memory_space<vmem>>
        %dma_wait3A_132 = tpu.memref_squeeze %dma_wait3A_131 : memref<1x128x8xf32, #tpu.memory_space<vmem>> -> memref<128x8xf32, #tpu.memory_space<vmem>>
        %dma_wait3A_133 = tpu.memref_slice %arg11[%mul3A_127] : memref<10240xi32, #tpu.memory_space<vmem>> -> memref<128xi32, #tpu.memory_space<vmem>>
        %dma_wait3A_134 = arith.constant 0 : i32
        %dma_wait3A_135 = arith.constant 0 : i32
        %dma_wait3A_136 = tpu.memref_slice %arg15[%dma_wait3A_134, %dma_wait3A_135] : memref<10000x8xf32, #tpu.memory_space<vmem_shared>> -> memref<10000x8xf32, #tpu.memory_space<vmem_shared>>
        tpu.wait_indirect_dma semaphore(%arg17 : memref<!tpu.dma_semaphore, #tpu.memory_space<semaphore_mem>>) src(%dma_wait3A_136 : memref<10000x8xf32, #tpu.memory_space<vmem_shared>>) dst(%dma_wait3A_132 : memref<128x8xf32, #tpu.memory_space<vmem>>)
        %mul3A_137 = arith.constant 4 : i32
        %mul3A_138 = arith.muli %mul3A_92, %mul3A_137 : i32
        %add3A_139 = arith.constant 3 : i32
        %add3A_140 = arith.addi %mul3A_138, %add3A_139 : i32
        %mul3A_141 = arith.constant 128 : i32
        %mul3A_142 = arith.muli %add3A_140, %mul3A_141 : i32
        %dma_wait3A_143 = arith.constant 3 : i32
        %dma_wait3A_144 = arith.constant 0 : i32
        %dma_wait3A_145 = arith.constant 0 : i32
        %dma_wait3A_146 = tpu.memref_slice %arg13[%dma_wait3A_143, %dma_wait3A_144, %dma_wait3A_145] : memref<4x128x8xf32, #tpu.memory_space<vmem>> -> memref<1x128x8xf32, #tpu.memory_space<vmem>>
        %dma_wait3A_147 = tpu.memref_squeeze %dma_wait3A_146 : memref<1x128x8xf32, #tpu.memory_space<vmem>> -> memref<128x8xf32, #tpu.memory_space<vmem>>
        %dma_wait3A_148 = tpu.memref_slice %arg11[%mul3A_142] : memref<10240xi32, #tpu.memory_space<vmem>> -> memref<128xi32, #tpu.memory_space<vmem>>
        %dma_wait3A_149 = arith.constant 0 : i32
        %dma_wait3A_150 = arith.constant 0 : i32
        %dma_wait3A_151 = tpu.memref_slice %arg15[%dma_wait3A_149, %dma_wait3A_150] : memref<10000x8xf32, #tpu.memory_space<vmem_shared>> -> memref<10000x8xf32, #tpu.memory_space<vmem_shared>>
        tpu.wait_indirect_dma semaphore(%arg17 : memref<!tpu.dma_semaphore, #tpu.memory_space<semaphore_mem>>) src(%dma_wait3A_151 : memref<10000x8xf32, #tpu.memory_space<vmem_shared>>) dst(%dma_wait3A_147 : memref<128x8xf32, #tpu.memory_space<vmem>>)
        %mul3A_152 = arith.constant 4 : i32
        %mul3A_153 = arith.muli %mul3A_92, %mul3A_152 : i32
        %add3A_154 = arith.constant 0 : i32
        %add3A_155 = arith.addi %mul3A_153, %add3A_154 : i32
        %dma_start3A_156 = arith.constant 0 : i32
        %dma_start3A_157 = arith.constant 0 : i32
        %dma_start3A_158 = arith.constant 0 : i32
        %dma_start3A_159 = tpu.memref_slice %arg13[%dma_start3A_156, %dma_start3A_157, %dma_start3A_158] : memref<4x128x8xf32, #tpu.memory_space<vmem>> -> memref<1x128x8xf32, #tpu.memory_space<vmem>>
        %dma_start3A_160 = tpu.memref_squeeze %dma_start3A_159 : memref<1x128x8xf32, #tpu.memory_space<vmem>> -> memref<128x8xf32, #tpu.memory_space<vmem>>
        %dma_start3A_161 = arith.constant 0 : i32
        %dma_start3A_162 = tpu.memref_slice %arg12[%add3A_155, %dma_start3A_161] : memref<80x128xi32, #tpu.memory_space<vmem>> -> memref<1x128xi32, #tpu.memory_space<vmem>>
        %dma_start3A_163 = tpu.memref_squeeze %dma_start3A_162 : memref<1x128xi32, #tpu.memory_space<vmem>> -> memref<128xi32, #tpu.memory_space<vmem>>
        %dma_start3A_164 = arith.constant 0 : i32
        %dma_start3A_165 = arith.constant 0 : i32
        %dma_start3A_166 = tpu.memref_slice %arg16[%dma_start3A_164, %dma_start3A_165] : memref<10008x8xf32, #tpu.memory_space<vmem_shared>> -> memref<10008x8xf32, #tpu.memory_space<vmem_shared>>
        tpu.enqueue_indirect_dma source(%dma_start3A_160 : memref<128x8xf32, #tpu.memory_space<vmem>>) target(%dma_start3A_166 : memref<10008x8xf32, #tpu.memory_space<vmem_shared>>) offsets(%dma_start3A_163 : memref<128xi32, #tpu.memory_space<vmem>>) semaphore(%arg19 : memref<!tpu.dma_semaphore, #tpu.memory_space<semaphore_mem>>) {add = true}
        %mul3A_167 = arith.constant 4 : i32
        %mul3A_168 = arith.muli %mul3A_92, %mul3A_167 : i32
        %add3A_169 = arith.constant 1 : i32
        %add3A_170 = arith.addi %mul3A_168, %add3A_169 : i32
        %dma_start3A_171 = arith.constant 1 : i32
        %dma_start3A_172 = arith.constant 0 : i32
        %dma_start3A_173 = arith.constant 0 : i32
        %dma_start3A_174 = tpu.memref_slice %arg13[%dma_start3A_171, %dma_start3A_172, %dma_start3A_173] : memref<4x128x8xf32, #tpu.memory_space<vmem>> -> memref<1x128x8xf32, #tpu.memory_space<vmem>>
        %dma_start3A_175 = tpu.memref_squeeze %dma_start3A_174 : memref<1x128x8xf32, #tpu.memory_space<vmem>> -> memref<128x8xf32, #tpu.memory_space<vmem>>
        %dma_start3A_176 = arith.constant 0 : i32
        %dma_start3A_177 = tpu.memref_slice %arg12[%add3A_170, %dma_start3A_176] : memref<80x128xi32, #tpu.memory_space<vmem>> -> memref<1x128xi32, #tpu.memory_space<vmem>>
        %dma_start3A_178 = tpu.memref_squeeze %dma_start3A_177 : memref<1x128xi32, #tpu.memory_space<vmem>> -> memref<128xi32, #tpu.memory_space<vmem>>
        %dma_start3A_179 = arith.constant 0 : i32
        %dma_start3A_180 = arith.constant 0 : i32
        %dma_start3A_181 = tpu.memref_slice %arg16[%dma_start3A_179, %dma_start3A_180] : memref<10008x8xf32, #tpu.memory_space<vmem_shared>> -> memref<10008x8xf32, #tpu.memory_space<vmem_shared>>
        tpu.enqueue_indirect_dma source(%dma_start3A_175 : memref<128x8xf32, #tpu.memory_space<vmem>>) target(%dma_start3A_181 : memref<10008x8xf32, #tpu.memory_space<vmem_shared>>) offsets(%dma_start3A_178 : memref<128xi32, #tpu.memory_space<vmem>>) semaphore(%arg19 : memref<!tpu.dma_semaphore, #tpu.memory_space<semaphore_mem>>) {add = true}
        %mul3A_182 = arith.constant 4 : i32
        %mul3A_183 = arith.muli %mul3A_92, %mul3A_182 : i32
        %add3A_184 = arith.constant 2 : i32
        %add3A_185 = arith.addi %mul3A_183, %add3A_184 : i32
        %dma_start3A_186 = arith.constant 2 : i32
        %dma_start3A_187 = arith.constant 0 : i32
        %dma_start3A_188 = arith.constant 0 : i32
        %dma_start3A_189 = tpu.memref_slice %arg13[%dma_start3A_186, %dma_start3A_187, %dma_start3A_188] : memref<4x128x8xf32, #tpu.memory_space<vmem>> -> memref<1x128x8xf32, #tpu.memory_space<vmem>>
        %dma_start3A_190 = tpu.memref_squeeze %dma_start3A_189 : memref<1x128x8xf32, #tpu.memory_space<vmem>> -> memref<128x8xf32, #tpu.memory_space<vmem>>
        %dma_start3A_191 = arith.constant 0 : i32
        %dma_start3A_192 = tpu.memref_slice %arg12[%add3A_185, %dma_start3A_191] : memref<80x128xi32, #tpu.memory_space<vmem>> -> memref<1x128xi32, #tpu.memory_space<vmem>>
        %dma_start3A_193 = tpu.memref_squeeze %dma_start3A_192 : memref<1x128xi32, #tpu.memory_space<vmem>> -> memref<128xi32, #tpu.memory_space<vmem>>
        %dma_start3A_194 = arith.constant 0 : i32
        %dma_start3A_195 = arith.constant 0 : i32
        %dma_start3A_196 = tpu.memref_slice %arg16[%dma_start3A_194, %dma_start3A_195] : memref<10008x8xf32, #tpu.memory_space<vmem_shared>> -> memref<10008x8xf32, #tpu.memory_space<vmem_shared>>
        tpu.enqueue_indirect_dma source(%dma_start3A_190 : memref<128x8xf32, #tpu.memory_space<vmem>>) target(%dma_start3A_196 : memref<10008x8xf32, #tpu.memory_space<vmem_shared>>) offsets(%dma_start3A_193 : memref<128xi32, #tpu.memory_space<vmem>>) semaphore(%arg19 : memref<!tpu.dma_semaphore, #tpu.memory_space<semaphore_mem>>) {add = true}
        %mul3A_197 = arith.constant 4 : i32
        %mul3A_198 = arith.muli %mul3A_92, %mul3A_197 : i32
        %add3A_199 = arith.constant 3 : i32
        %add3A_200 = arith.addi %mul3A_198, %add3A_199 : i32
        %dma_start3A_201 = arith.constant 3 : i32
        %dma_start3A_202 = arith.constant 0 : i32
        %dma_start3A_203 = arith.constant 0 : i32
        %dma_start3A_204 = tpu.memref_slice %arg13[%dma_start3A_201, %dma_start3A_202, %dma_start3A_203] : memref<4x128x8xf32, #tpu.memory_space<vmem>> -> memref<1x128x8xf32, #tpu.memory_space<vmem>>
        %dma_start3A_205 = tpu.memref_squeeze %dma_start3A_204 : memref<1x128x8xf32, #tpu.memory_space<vmem>> -> memref<128x8xf32, #tpu.memory_space<vmem>>
        %dma_start3A_206 = arith.constant 0 : i32
        %dma_start3A_207 = tpu.memref_slice %arg12[%add3A_200, %dma_start3A_206] : memref<80x128xi32, #tpu.memory_space<vmem>> -> memref<1x128xi32, #tpu.memory_space<vmem>>
        %dma_start3A_208 = tpu.memref_squeeze %dma_start3A_207 : memref<1x128xi32, #tpu.memory_space<vmem>> -> memref<128xi32, #tpu.memory_space<vmem>>
        %dma_start3A_209 = arith.constant 0 : i32
        %dma_start3A_210 = arith.constant 0 : i32
        %dma_start3A_211 = tpu.memref_slice %arg16[%dma_start3A_209, %dma_start3A_210] : memref<10008x8xf32, #tpu.memory_space<vmem_shared>> -> memref<10008x8xf32, #tpu.memory_space<vmem_shared>>
        tpu.enqueue_indirect_dma source(%dma_start3A_205 : memref<128x8xf32, #tpu.memory_space<vmem>>) target(%dma_start3A_211 : memref<10008x8xf32, #tpu.memory_space<vmem_shared>>) offsets(%dma_start3A_208 : memref<128xi32, #tpu.memory_space<vmem>>) semaphore(%arg19 : memref<!tpu.dma_semaphore, #tpu.memory_space<semaphore_mem>>) {add = true}
        %add3A_212 = arith.constant 1 : i32
        %add3A_213 = arith.addi %mul3A_92, %add3A_212 : i32
        %mul3A_214 = arith.constant 4 : i32
        %mul3A_215 = arith.muli %add3A_213, %mul3A_214 : i32
        %add3A_216 = arith.constant 0 : i32
        %add3A_217 = arith.addi %mul3A_215, %add3A_216 : i32
        %mul3A_218 = arith.constant 128 : i32
        %mul3A_219 = arith.muli %add3A_217, %mul3A_218 : i32
        %dma_start3A_220 = arith.constant 0 : i32
        %dma_start3A_221 = arith.constant 0 : i32
        %dma_start3A_222 = arith.constant 0 : i32
        %dma_start3A_223 = tpu.memref_slice %arg14[%dma_start3A_220, %dma_start3A_221, %dma_start3A_222] : memref<4x128x8xf32, #tpu.memory_space<vmem>> -> memref<1x128x8xf32, #tpu.memory_space<vmem>>
        %dma_start3A_224 = tpu.memref_squeeze %dma_start3A_223 : memref<1x128x8xf32, #tpu.memory_space<vmem>> -> memref<128x8xf32, #tpu.memory_space<vmem>>
        %dma_start3A_225 = tpu.memref_slice %arg11[%mul3A_219] : memref<10240xi32, #tpu.memory_space<vmem>> -> memref<128xi32, #tpu.memory_space<vmem>>
        %dma_start3A_226 = arith.constant 0 : i32
        %dma_start3A_227 = arith.constant 0 : i32
        %dma_start3A_228 = tpu.memref_slice %arg15[%dma_start3A_226, %dma_start3A_227] : memref<10000x8xf32, #tpu.memory_space<vmem_shared>> -> memref<10000x8xf32, #tpu.memory_space<vmem_shared>>
        tpu.enqueue_indirect_dma source(%dma_start3A_228 : memref<10000x8xf32, #tpu.memory_space<vmem_shared>>) target(%dma_start3A_224 : memref<128x8xf32, #tpu.memory_space<vmem>>) offsets(%dma_start3A_225 : memref<128xi32, #tpu.memory_space<vmem>>) semaphore(%arg18 : memref<!tpu.dma_semaphore, #tpu.memory_space<semaphore_mem>>)
        %mul3A_229 = arith.constant 4 : i32
        %mul3A_230 = arith.muli %add3A_213, %mul3A_229 : i32
        %add3A_231 = arith.constant 1 : i32
        %add3A_232 = arith.addi %mul3A_230, %add3A_231 : i32
        %mul3A_233 = arith.constant 128 : i32
        %mul3A_234 = arith.muli %add3A_232, %mul3A_233 : i32
        %dma_start3A_235 = arith.constant 1 : i32
        %dma_start3A_236 = arith.constant 0 : i32
        %dma_start3A_237 = arith.constant 0 : i32
        %dma_start3A_238 = tpu.memref_slice %arg14[%dma_start3A_235, %dma_start3A_236, %dma_start3A_237] : memref<4x128x8xf32, #tpu.memory_space<vmem>> -> memref<1x128x8xf32, #tpu.memory_space<vmem>>
        %dma_start3A_239 = tpu.memref_squeeze %dma_start3A_238 : memref<1x128x8xf32, #tpu.memory_space<vmem>> -> memref<128x8xf32, #tpu.memory_space<vmem>>
        %dma_start3A_240 = tpu.memref_slice %arg11[%mul3A_234] : memref<10240xi32, #tpu.memory_space<vmem>> -> memref<128xi32, #tpu.memory_space<vmem>>
        %dma_start3A_241 = arith.constant 0 : i32
        %dma_start3A_242 = arith.constant 0 : i32
        %dma_start3A_243 = tpu.memref_slice %arg15[%dma_start3A_241, %dma_start3A_242] : memref<10000x8xf32, #tpu.memory_space<vmem_shared>> -> memref<10000x8xf32, #tpu.memory_space<vmem_shared>>
        tpu.enqueue_indirect_dma source(%dma_start3A_243 : memref<10000x8xf32, #tpu.memory_space<vmem_shared>>) target(%dma_start3A_239 : memref<128x8xf32, #tpu.memory_space<vmem>>) offsets(%dma_start3A_240 : memref<128xi32, #tpu.memory_space<vmem>>) semaphore(%arg18 : memref<!tpu.dma_semaphore, #tpu.memory_space<semaphore_mem>>)
        %mul3A_244 = arith.constant 4 : i32
        %mul3A_245 = arith.muli %add3A_213, %mul3A_244 : i32
        %add3A_246 = arith.constant 2 : i32
        %add3A_247 = arith.addi %mul3A_245, %add3A_246 : i32
        %mul3A_248 = arith.constant 128 : i32
        %mul3A_249 = arith.muli %add3A_247, %mul3A_248 : i32
        %dma_start3A_250 = arith.constant 2 : i32
        %dma_start3A_251 = arith.constant 0 : i32
        %dma_start3A_252 = arith.constant 0 : i32
        %dma_start3A_253 = tpu.memref_slice %arg14[%dma_start3A_250, %dma_start3A_251, %dma_start3A_252] : memref<4x128x8xf32, #tpu.memory_space<vmem>> -> memref<1x128x8xf32, #tpu.memory_space<vmem>>
        %dma_start3A_254 = tpu.memref_squeeze %dma_start3A_253 : memref<1x128x8xf32, #tpu.memory_space<vmem>> -> memref<128x8xf32, #tpu.memory_space<vmem>>
        %dma_start3A_255 = tpu.memref_slice %arg11[%mul3A_249] : memref<10240xi32, #tpu.memory_space<vmem>> -> memref<128xi32, #tpu.memory_space<vmem>>
        %dma_start3A_256 = arith.constant 0 : i32
        %dma_start3A_257 = arith.constant 0 : i32
        %dma_start3A_258 = tpu.memref_slice %arg15[%dma_start3A_256, %dma_start3A_257] : memref<10000x8xf32, #tpu.memory_space<vmem_shared>> -> memref<10000x8xf32, #tpu.memory_space<vmem_shared>>
        tpu.enqueue_indirect_dma source(%dma_start3A_258 : memref<10000x8xf32, #tpu.memory_space<vmem_shared>>) target(%dma_start3A_254 : memref<128x8xf32, #tpu.memory_space<vmem>>) offsets(%dma_start3A_255 : memref<128xi32, #tpu.memory_space<vmem>>) semaphore(%arg18 : memref<!tpu.dma_semaphore, #tpu.memory_space<semaphore_mem>>)
        %mul3A_259 = arith.constant 4 : i32
        %mul3A_260 = arith.muli %add3A_213, %mul3A_259 : i32
        %add3A_261 = arith.constant 3 : i32
        %add3A_262 = arith.addi %mul3A_260, %add3A_261 : i32
        %mul3A_263 = arith.constant 128 : i32
        %mul3A_264 = arith.muli %add3A_262, %mul3A_263 : i32
        %dma_start3A_265 = arith.constant 3 : i32
        %dma_start3A_266 = arith.constant 0 : i32
        %dma_start3A_267 = arith.constant 0 : i32
        %dma_start3A_268 = tpu.memref_slice %arg14[%dma_start3A_265, %dma_start3A_266, %dma_start3A_267] : memref<4x128x8xf32, #tpu.memory_space<vmem>> -> memref<1x128x8xf32, #tpu.memory_space<vmem>>
        %dma_start3A_269 = tpu.memref_squeeze %dma_start3A_268 : memref<1x128x8xf32, #tpu.memory_space<vmem>> -> memref<128x8xf32, #tpu.memory_space<vmem>>
        %dma_start3A_270 = tpu.memref_slice %arg11[%mul3A_264] : memref<10240xi32, #tpu.memory_space<vmem>> -> memref<128xi32, #tpu.memory_space<vmem>>
        %dma_start3A_271 = arith.constant 0 : i32
        %dma_start3A_272 = arith.constant 0 : i32
        %dma_start3A_273 = tpu.memref_slice %arg15[%dma_start3A_271, %dma_start3A_272] : memref<10000x8xf32, #tpu.memory_space<vmem_shared>> -> memref<10000x8xf32, #tpu.memory_space<vmem_shared>>
        tpu.enqueue_indirect_dma source(%dma_start3A_273 : memref<10000x8xf32, #tpu.memory_space<vmem_shared>>) target(%dma_start3A_269 : memref<128x8xf32, #tpu.memory_space<vmem>>) offsets(%dma_start3A_270 : memref<128xi32, #tpu.memory_space<vmem>>) semaphore(%arg18 : memref<!tpu.dma_semaphore, #tpu.memory_space<semaphore_mem>>)
        %mul3A_274 = arith.constant 4 : i32
        %mul3A_275 = arith.muli %mul3A_92, %mul3A_274 : i32
        %add3A_276 = arith.constant 0 : i32
        %add3A_277 = arith.addi %mul3A_275, %add3A_276 : i32
        %dma_wait3A_278 = arith.constant 0 : i32
        %dma_wait3A_279 = arith.constant 0 : i32
        %dma_wait3A_280 = arith.constant 0 : i32
        %dma_wait3A_281 = tpu.memref_slice %arg13[%dma_wait3A_278, %dma_wait3A_279, %dma_wait3A_280] : memref<4x128x8xf32, #tpu.memory_space<vmem>> -> memref<1x128x8xf32, #tpu.memory_space<vmem>>
        %dma_wait3A_282 = tpu.memref_squeeze %dma_wait3A_281 : memref<1x128x8xf32, #tpu.memory_space<vmem>> -> memref<128x8xf32, #tpu.memory_space<vmem>>
        %dma_wait3A_283 = arith.constant 0 : i32
        %dma_wait3A_284 = tpu.memref_slice %arg12[%add3A_277, %dma_wait3A_283] : memref<80x128xi32, #tpu.memory_space<vmem>> -> memref<1x128xi32, #tpu.memory_space<vmem>>
        %dma_wait3A_285 = tpu.memref_squeeze %dma_wait3A_284 : memref<1x128xi32, #tpu.memory_space<vmem>> -> memref<128xi32, #tpu.memory_space<vmem>>
        %dma_wait3A_286 = arith.constant 0 : i32
        %dma_wait3A_287 = arith.constant 0 : i32
        %dma_wait3A_288 = tpu.memref_slice %arg16[%dma_wait3A_286, %dma_wait3A_287] : memref<10008x8xf32, #tpu.memory_space<vmem_shared>> -> memref<10008x8xf32, #tpu.memory_space<vmem_shared>>
        tpu.wait_indirect_dma semaphore(%arg19 : memref<!tpu.dma_semaphore, #tpu.memory_space<semaphore_mem>>) src(%dma_wait3A_282 : memref<128x8xf32, #tpu.memory_space<vmem>>) dst(%dma_wait3A_288 : memref<10008x8xf32, #tpu.memory_space<vmem_shared>>)
        %mul3A_289 = arith.constant 4 : i32
        %mul3A_290 = arith.muli %mul3A_92, %mul3A_289 : i32
        %add3A_291 = arith.constant 1 : i32
        %add3A_292 = arith.addi %mul3A_290, %add3A_291 : i32
        %dma_wait3A_293 = arith.constant 1 : i32
        %dma_wait3A_294 = arith.constant 0 : i32
        %dma_wait3A_295 = arith.constant 0 : i32
        %dma_wait3A_296 = tpu.memref_slice %arg13[%dma_wait3A_293, %dma_wait3A_294, %dma_wait3A_295] : memref<4x128x8xf32, #tpu.memory_space<vmem>> -> memref<1x128x8xf32, #tpu.memory_space<vmem>>
        %dma_wait3A_297 = tpu.memref_squeeze %dma_wait3A_296 : memref<1x128x8xf32, #tpu.memory_space<vmem>> -> memref<128x8xf32, #tpu.memory_space<vmem>>
        %dma_wait3A_298 = arith.constant 0 : i32
        %dma_wait3A_299 = tpu.memref_slice %arg12[%add3A_292, %dma_wait3A_298] : memref<80x128xi32, #tpu.memory_space<vmem>> -> memref<1x128xi32, #tpu.memory_space<vmem>>
        %dma_wait3A_300 = tpu.memref_squeeze %dma_wait3A_299 : memref<1x128xi32, #tpu.memory_space<vmem>> -> memref<128xi32, #tpu.memory_space<vmem>>
        %dma_wait3A_301 = arith.constant 0 : i32
        %dma_wait3A_302 = arith.constant 0 : i32
        %dma_wait3A_303 = tpu.memref_slice %arg16[%dma_wait3A_301, %dma_wait3A_302] : memref<10008x8xf32, #tpu.memory_space<vmem_shared>> -> memref<10008x8xf32, #tpu.memory_space<vmem_shared>>
        tpu.wait_indirect_dma semaphore(%arg19 : memref<!tpu.dma_semaphore, #tpu.memory_space<semaphore_mem>>) src(%dma_wait3A_297 : memref<128x8xf32, #tpu.memory_space<vmem>>) dst(%dma_wait3A_303 : memref<10008x8xf32, #tpu.memory_space<vmem_shared>>)
        %mul3A_304 = arith.constant 4 : i32
        %mul3A_305 = arith.muli %mul3A_92, %mul3A_304 : i32
        %add3A_306 = arith.constant 2 : i32
        %add3A_307 = arith.addi %mul3A_305, %add3A_306 : i32
        %dma_wait3A_308 = arith.constant 2 : i32
        %dma_wait3A_309 = arith.constant 0 : i32
        %dma_wait3A_310 = arith.constant 0 : i32
        %dma_wait3A_311 = tpu.memref_slice %arg13[%dma_wait3A_308, %dma_wait3A_309, %dma_wait3A_310] : memref<4x128x8xf32, #tpu.memory_space<vmem>> -> memref<1x128x8xf32, #tpu.memory_space<vmem>>
        %dma_wait3A_312 = tpu.memref_squeeze %dma_wait3A_311 : memref<1x128x8xf32, #tpu.memory_space<vmem>> -> memref<128x8xf32, #tpu.memory_space<vmem>>
        %dma_wait3A_313 = arith.constant 0 : i32
        %dma_wait3A_314 = tpu.memref_slice %arg12[%add3A_307, %dma_wait3A_313] : memref<80x128xi32, #tpu.memory_space<vmem>> -> memref<1x128xi32, #tpu.memory_space<vmem>>
        %dma_wait3A_315 = tpu.memref_squeeze %dma_wait3A_314 : memref<1x128xi32, #tpu.memory_space<vmem>> -> memref<128xi32, #tpu.memory_space<vmem>>
        %dma_wait3A_316 = arith.constant 0 : i32
        %dma_wait3A_317 = arith.constant 0 : i32
        %dma_wait3A_318 = tpu.memref_slice %arg16[%dma_wait3A_316, %dma_wait3A_317] : memref<10008x8xf32, #tpu.memory_space<vmem_shared>> -> memref<10008x8xf32, #tpu.memory_space<vmem_shared>>
        tpu.wait_indirect_dma semaphore(%arg19 : memref<!tpu.dma_semaphore, #tpu.memory_space<semaphore_mem>>) src(%dma_wait3A_312 : memref<128x8xf32, #tpu.memory_space<vmem>>) dst(%dma_wait3A_318 : memref<10008x8xf32, #tpu.memory_space<vmem_shared>>)
        %mul3A_319 = arith.constant 4 : i32
        %mul3A_320 = arith.muli %mul3A_92, %mul3A_319 : i32
        %add3A_321 = arith.constant 3 : i32
        %add3A_322 = arith.addi %mul3A_320, %add3A_321 : i32
        %dma_wait3A_323 = arith.constant 3 : i32
        %dma_wait3A_324 = arith.constant 0 : i32
        %dma_wait3A_325 = arith.constant 0 : i32
        %dma_wait3A_326 = tpu.memref_slice %arg13[%dma_wait3A_323, %dma_wait3A_324, %dma_wait3A_325] : memref<4x128x8xf32, #tpu.memory_space<vmem>> -> memref<1x128x8xf32, #tpu.memory_space<vmem>>
        %dma_wait3A_327 = tpu.memref_squeeze %dma_wait3A_326 : memref<1x128x8xf32, #tpu.memory_space<vmem>> -> memref<128x8xf32, #tpu.memory_space<vmem>>
        %dma_wait3A_328 = arith.constant 0 : i32
        %dma_wait3A_329 = tpu.memref_slice %arg12[%add3A_322, %dma_wait3A_328] : memref<80x128xi32, #tpu.memory_space<vmem>> -> memref<1x128xi32, #tpu.memory_space<vmem>>
        %dma_wait3A_330 = tpu.memref_squeeze %dma_wait3A_329 : memref<1x128xi32, #tpu.memory_space<vmem>> -> memref<128xi32, #tpu.memory_space<vmem>>
        %dma_wait3A_331 = arith.constant 0 : i32
        %dma_wait3A_332 = arith.constant 0 : i32
        %dma_wait3A_333 = tpu.memref_slice %arg16[%dma_wait3A_331, %dma_wait3A_332] : memref<10008x8xf32, #tpu.memory_space<vmem_shared>> -> memref<10008x8xf32, #tpu.memory_space<vmem_shared>>
        tpu.wait_indirect_dma semaphore(%arg19 : memref<!tpu.dma_semaphore, #tpu.memory_space<semaphore_mem>>) src(%dma_wait3A_327 : memref<128x8xf32, #tpu.memory_space<vmem>>) dst(%dma_wait3A_333 : memref<10008x8xf32, #tpu.memory_space<vmem_shared>>)
        %add3A_334 = arith.constant 2 : i32
        %add3A_335 = arith.addi %mul3A_92, %add3A_334 : i32
        %lt3A = arith.constant 20 : i32
        %lt3A_336 = arith.cmpi slt, %add3A_335, %lt3A : i32
        %convert_element_type3A_337 = arith.extui %lt3A_336 : i1 to i32
        %cond3A_338 = arith.constant 0 : i32
        %cond3A_339 = arith.cmpi ne, %convert_element_type3A_337, %cond3A_338 : i32
        scf.if %cond3A_339 {
          %add3A_526 = arith.constant 2 : i32
          %add3A_527 = arith.addi %mul3A_92, %add3A_526 : i32
          %mul3A_528 = arith.constant 4 : i32
          %mul3A_529 = arith.muli %add3A_527, %mul3A_528 : i32
          %add3A_530 = arith.constant 0 : i32
          %add3A_531 = arith.addi %mul3A_529, %add3A_530 : i32
          %mul3A_532 = arith.constant 128 : i32
          %mul3A_533 = arith.muli %add3A_531, %mul3A_532 : i32
          %dma_start3A_534 = arith.constant 0 : i32
          %dma_start3A_535 = arith.constant 0 : i32
          %dma_start3A_536 = arith.constant 0 : i32
          %dma_start3A_537 = tpu.memref_slice %arg13[%dma_start3A_534, %dma_start3A_535, %dma_start3A_536] : memref<4x128x8xf32, #tpu.memory_space<vmem>> -> memref<1x128x8xf32, #tpu.memory_space<vmem>>
          %dma_start3A_538 = tpu.memref_squeeze %dma_start3A_537 : memref<1x128x8xf32, #tpu.memory_space<vmem>> -> memref<128x8xf32, #tpu.memory_space<vmem>>
          %dma_start3A_539 = tpu.memref_slice %arg11[%mul3A_533] : memref<10240xi32, #tpu.memory_space<vmem>> -> memref<128xi32, #tpu.memory_space<vmem>>
          %dma_start3A_540 = arith.constant 0 : i32
          %dma_start3A_541 = arith.constant 0 : i32
          %dma_start3A_542 = tpu.memref_slice %arg15[%dma_start3A_540, %dma_start3A_541] : memref<10000x8xf32, #tpu.memory_space<vmem_shared>> -> memref<10000x8xf32, #tpu.memory_space<vmem_shared>>
          tpu.enqueue_indirect_dma source(%dma_start3A_542 : memref<10000x8xf32, #tpu.memory_space<vmem_shared>>) target(%dma_start3A_538 : memref<128x8xf32, #tpu.memory_space<vmem>>) offsets(%dma_start3A_539 : memref<128xi32, #tpu.memory_space<vmem>>) semaphore(%arg17 : memref<!tpu.dma_semaphore, #tpu.memory_space<semaphore_mem>>)
          %mul3A_543 = arith.constant 4 : i32
          %mul3A_544 = arith.muli %add3A_527, %mul3A_543 : i32
          %add3A_545 = arith.constant 1 : i32
          %add3A_546 = arith.addi %mul3A_544, %add3A_545 : i32
          %mul3A_547 = arith.constant 128 : i32
          %mul3A_548 = arith.muli %add3A_546, %mul3A_547 : i32
          %dma_start3A_549 = arith.constant 1 : i32
          %dma_start3A_550 = arith.constant 0 : i32
          %dma_start3A_551 = arith.constant 0 : i32
          %dma_start3A_552 = tpu.memref_slice %arg13[%dma_start3A_549, %dma_start3A_550, %dma_start3A_551] : memref<4x128x8xf32, #tpu.memory_space<vmem>> -> memref<1x128x8xf32, #tpu.memory_space<vmem>>
          %dma_start3A_553 = tpu.memref_squeeze %dma_start3A_552 : memref<1x128x8xf32, #tpu.memory_space<vmem>> -> memref<128x8xf32, #tpu.memory_space<vmem>>
          %dma_start3A_554 = tpu.memref_slice %arg11[%mul3A_548] : memref<10240xi32, #tpu.memory_space<vmem>> -> memref<128xi32, #tpu.memory_space<vmem>>
          %dma_start3A_555 = arith.constant 0 : i32
          %dma_start3A_556 = arith.constant 0 : i32
          %dma_start3A_557 = tpu.memref_slice %arg15[%dma_start3A_555, %dma_start3A_556] : memref<10000x8xf32, #tpu.memory_space<vmem_shared>> -> memref<10000x8xf32, #tpu.memory_space<vmem_shared>>
          tpu.enqueue_indirect_dma source(%dma_start3A_557 : memref<10000x8xf32, #tpu.memory_space<vmem_shared>>) target(%dma_start3A_553 : memref<128x8xf32, #tpu.memory_space<vmem>>) offsets(%dma_start3A_554 : memref<128xi32, #tpu.memory_space<vmem>>) semaphore(%arg17 : memref<!tpu.dma_semaphore, #tpu.memory_space<semaphore_mem>>)
          %mul3A_558 = arith.constant 4 : i32
          %mul3A_559 = arith.muli %add3A_527, %mul3A_558 : i32
          %add3A_560 = arith.constant 2 : i32
          %add3A_561 = arith.addi %mul3A_559, %add3A_560 : i32
          %mul3A_562 = arith.constant 128 : i32
          %mul3A_563 = arith.muli %add3A_561, %mul3A_562 : i32
          %dma_start3A_564 = arith.constant 2 : i32
          %dma_start3A_565 = arith.constant 0 : i32
          %dma_start3A_566 = arith.constant 0 : i32
          %dma_start3A_567 = tpu.memref_slice %arg13[%dma_start3A_564, %dma_start3A_565, %dma_start3A_566] : memref<4x128x8xf32, #tpu.memory_space<vmem>> -> memref<1x128x8xf32, #tpu.memory_space<vmem>>
          %dma_start3A_568 = tpu.memref_squeeze %dma_start3A_567 : memref<1x128x8xf32, #tpu.memory_space<vmem>> -> memref<128x8xf32, #tpu.memory_space<vmem>>
          %dma_start3A_569 = tpu.memref_slice %arg11[%mul3A_563] : memref<10240xi32, #tpu.memory_space<vmem>> -> memref<128xi32, #tpu.memory_space<vmem>>
          %dma_start3A_570 = arith.constant 0 : i32
          %dma_start3A_571 = arith.constant 0 : i32
          %dma_start3A_572 = tpu.memref_slice %arg15[%dma_start3A_570, %dma_start3A_571] : memref<10000x8xf32, #tpu.memory_space<vmem_shared>> -> memref<10000x8xf32, #tpu.memory_space<vmem_shared>>
          tpu.enqueue_indirect_dma source(%dma_start3A_572 : memref<10000x8xf32, #tpu.memory_space<vmem_shared>>) target(%dma_start3A_568 : memref<128x8xf32, #tpu.memory_space<vmem>>) offsets(%dma_start3A_569 : memref<128xi32, #tpu.memory_space<vmem>>) semaphore(%arg17 : memref<!tpu.dma_semaphore, #tpu.memory_space<semaphore_mem>>)
          %mul3A_573 = arith.constant 4 : i32
          %mul3A_574 = arith.muli %add3A_527, %mul3A_573 : i32
          %add3A_575 = arith.constant 3 : i32
          %add3A_576 = arith.addi %mul3A_574, %add3A_575 : i32
          %mul3A_577 = arith.constant 128 : i32
          %mul3A_578 = arith.muli %add3A_576, %mul3A_577 : i32
          %dma_start3A_579 = arith.constant 3 : i32
          %dma_start3A_580 = arith.constant 0 : i32
          %dma_start3A_581 = arith.constant 0 : i32
          %dma_start3A_582 = tpu.memref_slice %arg13[%dma_start3A_579, %dma_start3A_580, %dma_start3A_581] : memref<4x128x8xf32, #tpu.memory_space<vmem>> -> memref<1x128x8xf32, #tpu.memory_space<vmem>>
          %dma_start3A_583 = tpu.memref_squeeze %dma_start3A_582 : memref<1x128x8xf32, #tpu.memory_space<vmem>> -> memref<128x8xf32, #tpu.memory_space<vmem>>
          %dma_start3A_584 = tpu.memref_slice %arg11[%mul3A_578] : memref<10240xi32, #tpu.memory_space<vmem>> -> memref<128xi32, #tpu.memory_space<vmem>>
          %dma_start3A_585 = arith.constant 0 : i32
          %dma_start3A_586 = arith.constant 0 : i32
          %dma_start3A_587 = tpu.memref_slice %arg15[%dma_start3A_585, %dma_start3A_586] : memref<10000x8xf32, #tpu.memory_space<vmem_shared>> -> memref<10000x8xf32, #tpu.memory_space<vmem_shared>>
          tpu.enqueue_indirect_dma source(%dma_start3A_587 : memref<10000x8xf32, #tpu.memory_space<vmem_shared>>) target(%dma_start3A_583 : memref<128x8xf32, #tpu.memory_space<vmem>>) offsets(%dma_start3A_584 : memref<128xi32, #tpu.memory_space<vmem>>) semaphore(%arg17 : memref<!tpu.dma_semaphore, #tpu.memory_space<semaphore_mem>>)
        } else {
        }
        %add3A_340 = arith.constant 1 : i32
        %add3A_341 = arith.addi %mul3A_92, %add3A_340 : i32
        %mul3A_342 = arith.constant 4 : i32
        %mul3A_343 = arith.muli %add3A_341, %mul3A_342 : i32
        %add3A_344 = arith.constant 0 : i32
        %add3A_345 = arith.addi %mul3A_343, %add3A_344 : i32
        %mul3A_346 = arith.constant 128 : i32
        %mul3A_347 = arith.muli %add3A_345, %mul3A_346 : i32
        %dma_wait3A_348 = arith.constant 0 : i32
        %dma_wait3A_349 = arith.constant 0 : i32
        %dma_wait3A_350 = arith.constant 0 : i32
        %dma_wait3A_351 = tpu.memref_slice %arg14[%dma_wait3A_348, %dma_wait3A_349, %dma_wait3A_350] : memref<4x128x8xf32, #tpu.memory_space<vmem>> -> memref<1x128x8xf32, #tpu.memory_space<vmem>>
        %dma_wait3A_352 = tpu.memref_squeeze %dma_wait3A_351 : memref<1x128x8xf32, #tpu.memory_space<vmem>> -> memref<128x8xf32, #tpu.memory_space<vmem>>
        %dma_wait3A_353 = tpu.memref_slice %arg11[%mul3A_347] : memref<10240xi32, #tpu.memory_space<vmem>> -> memref<128xi32, #tpu.memory_space<vmem>>
        %dma_wait3A_354 = arith.constant 0 : i32
        %dma_wait3A_355 = arith.constant 0 : i32
        %dma_wait3A_356 = tpu.memref_slice %arg15[%dma_wait3A_354, %dma_wait3A_355] : memref<10000x8xf32, #tpu.memory_space<vmem_shared>> -> memref<10000x8xf32, #tpu.memory_space<vmem_shared>>
        tpu.wait_indirect_dma semaphore(%arg18 : memref<!tpu.dma_semaphore, #tpu.memory_space<semaphore_mem>>) src(%dma_wait3A_356 : memref<10000x8xf32, #tpu.memory_space<vmem_shared>>) dst(%dma_wait3A_352 : memref<128x8xf32, #tpu.memory_space<vmem>>)
        %mul3A_357 = arith.constant 4 : i32
        %mul3A_358 = arith.muli %add3A_341, %mul3A_357 : i32
        %add3A_359 = arith.constant 1 : i32
        %add3A_360 = arith.addi %mul3A_358, %add3A_359 : i32
        %mul3A_361 = arith.constant 128 : i32
        %mul3A_362 = arith.muli %add3A_360, %mul3A_361 : i32
        %dma_wait3A_363 = arith.constant 1 : i32
        %dma_wait3A_364 = arith.constant 0 : i32
        %dma_wait3A_365 = arith.constant 0 : i32
        %dma_wait3A_366 = tpu.memref_slice %arg14[%dma_wait3A_363, %dma_wait3A_364, %dma_wait3A_365] : memref<4x128x8xf32, #tpu.memory_space<vmem>> -> memref<1x128x8xf32, #tpu.memory_space<vmem>>
        %dma_wait3A_367 = tpu.memref_squeeze %dma_wait3A_366 : memref<1x128x8xf32, #tpu.memory_space<vmem>> -> memref<128x8xf32, #tpu.memory_space<vmem>>
        %dma_wait3A_368 = tpu.memref_slice %arg11[%mul3A_362] : memref<10240xi32, #tpu.memory_space<vmem>> -> memref<128xi32, #tpu.memory_space<vmem>>
        %dma_wait3A_369 = arith.constant 0 : i32
        %dma_wait3A_370 = arith.constant 0 : i32
        %dma_wait3A_371 = tpu.memref_slice %arg15[%dma_wait3A_369, %dma_wait3A_370] : memref<10000x8xf32, #tpu.memory_space<vmem_shared>> -> memref<10000x8xf32, #tpu.memory_space<vmem_shared>>
        tpu.wait_indirect_dma semaphore(%arg18 : memref<!tpu.dma_semaphore, #tpu.memory_space<semaphore_mem>>) src(%dma_wait3A_371 : memref<10000x8xf32, #tpu.memory_space<vmem_shared>>) dst(%dma_wait3A_367 : memref<128x8xf32, #tpu.memory_space<vmem>>)
        %mul3A_372 = arith.constant 4 : i32
        %mul3A_373 = arith.muli %add3A_341, %mul3A_372 : i32
        %add3A_374 = arith.constant 2 : i32
        %add3A_375 = arith.addi %mul3A_373, %add3A_374 : i32
        %mul3A_376 = arith.constant 128 : i32
        %mul3A_377 = arith.muli %add3A_375, %mul3A_376 : i32
        %dma_wait3A_378 = arith.constant 2 : i32
        %dma_wait3A_379 = arith.constant 0 : i32
        %dma_wait3A_380 = arith.constant 0 : i32
        %dma_wait3A_381 = tpu.memref_slice %arg14[%dma_wait3A_378, %dma_wait3A_379, %dma_wait3A_380] : memref<4x128x8xf32, #tpu.memory_space<vmem>> -> memref<1x128x8xf32, #tpu.memory_space<vmem>>
        %dma_wait3A_382 = tpu.memref_squeeze %dma_wait3A_381 : memref<1x128x8xf32, #tpu.memory_space<vmem>> -> memref<128x8xf32, #tpu.memory_space<vmem>>
        %dma_wait3A_383 = tpu.memref_slice %arg11[%mul3A_377] : memref<10240xi32, #tpu.memory_space<vmem>> -> memref<128xi32, #tpu.memory_space<vmem>>
        %dma_wait3A_384 = arith.constant 0 : i32
        %dma_wait3A_385 = arith.constant 0 : i32
        %dma_wait3A_386 = tpu.memref_slice %arg15[%dma_wait3A_384, %dma_wait3A_385] : memref<10000x8xf32, #tpu.memory_space<vmem_shared>> -> memref<10000x8xf32, #tpu.memory_space<vmem_shared>>
        tpu.wait_indirect_dma semaphore(%arg18 : memref<!tpu.dma_semaphore, #tpu.memory_space<semaphore_mem>>) src(%dma_wait3A_386 : memref<10000x8xf32, #tpu.memory_space<vmem_shared>>) dst(%dma_wait3A_382 : memref<128x8xf32, #tpu.memory_space<vmem>>)
        %mul3A_387 = arith.constant 4 : i32
        %mul3A_388 = arith.muli %add3A_341, %mul3A_387 : i32
        %add3A_389 = arith.constant 3 : i32
        %add3A_390 = arith.addi %mul3A_388, %add3A_389 : i32
        %mul3A_391 = arith.constant 128 : i32
        %mul3A_392 = arith.muli %add3A_390, %mul3A_391 : i32
        %dma_wait3A_393 = arith.constant 3 : i32
        %dma_wait3A_394 = arith.constant 0 : i32
        %dma_wait3A_395 = arith.constant 0 : i32
        %dma_wait3A_396 = tpu.memref_slice %arg14[%dma_wait3A_393, %dma_wait3A_394, %dma_wait3A_395] : memref<4x128x8xf32, #tpu.memory_space<vmem>> -> memref<1x128x8xf32, #tpu.memory_space<vmem>>
        %dma_wait3A_397 = tpu.memref_squeeze %dma_wait3A_396 : memref<1x128x8xf32, #tpu.memory_space<vmem>> -> memref<128x8xf32, #tpu.memory_space<vmem>>
        %dma_wait3A_398 = tpu.memref_slice %arg11[%mul3A_392] : memref<10240xi32, #tpu.memory_space<vmem>> -> memref<128xi32, #tpu.memory_space<vmem>>
        %dma_wait3A_399 = arith.constant 0 : i32
        %dma_wait3A_400 = arith.constant 0 : i32
        %dma_wait3A_401 = tpu.memref_slice %arg15[%dma_wait3A_399, %dma_wait3A_400] : memref<10000x8xf32, #tpu.memory_space<vmem_shared>> -> memref<10000x8xf32, #tpu.memory_space<vmem_shared>>
        tpu.wait_indirect_dma semaphore(%arg18 : memref<!tpu.dma_semaphore, #tpu.memory_space<semaphore_mem>>) src(%dma_wait3A_401 : memref<10000x8xf32, #tpu.memory_space<vmem_shared>>) dst(%dma_wait3A_397 : memref<128x8xf32, #tpu.memory_space<vmem>>)
        %add3A_402 = arith.constant 1 : i32
        %add3A_403 = arith.addi %mul3A_92, %add3A_402 : i32
        %mul3A_404 = arith.constant 4 : i32
        %mul3A_405 = arith.muli %add3A_403, %mul3A_404 : i32
        %add3A_406 = arith.constant 0 : i32
        %add3A_407 = arith.addi %mul3A_405, %add3A_406 : i32
        %dma_start3A_408 = arith.constant 0 : i32
        %dma_start3A_409 = arith.constant 0 : i32
        %dma_start3A_410 = arith.constant 0 : i32
        %dma_start3A_411 = tpu.memref_slice %arg14[%dma_start3A_408, %dma_start3A_409, %dma_start3A_410] : memref<4x128x8xf32, #tpu.memory_space<vmem>> -> memref<1x128x8xf32, #tpu.memory_space<vmem>>
        %dma_start3A_412 = tpu.memref_squeeze %dma_start3A_411 : memref<1x128x8xf32, #tpu.memory_space<vmem>> -> memref<128x8xf32, #tpu.memory_space<vmem>>
        %dma_start3A_413 = arith.constant 0 : i32
        %dma_start3A_414 = tpu.memref_slice %arg12[%add3A_407, %dma_start3A_413] : memref<80x128xi32, #tpu.memory_space<vmem>> -> memref<1x128xi32, #tpu.memory_space<vmem>>
        %dma_start3A_415 = tpu.memref_squeeze %dma_start3A_414 : memref<1x128xi32, #tpu.memory_space<vmem>> -> memref<128xi32, #tpu.memory_space<vmem>>
        %dma_start3A_416 = arith.constant 0 : i32
        %dma_start3A_417 = arith.constant 0 : i32
        %dma_start3A_418 = tpu.memref_slice %arg16[%dma_start3A_416, %dma_start3A_417] : memref<10008x8xf32, #tpu.memory_space<vmem_shared>> -> memref<10008x8xf32, #tpu.memory_space<vmem_shared>>
        tpu.enqueue_indirect_dma source(%dma_start3A_412 : memref<128x8xf32, #tpu.memory_space<vmem>>) target(%dma_start3A_418 : memref<10008x8xf32, #tpu.memory_space<vmem_shared>>) offsets(%dma_start3A_415 : memref<128xi32, #tpu.memory_space<vmem>>) semaphore(%arg19 : memref<!tpu.dma_semaphore, #tpu.memory_space<semaphore_mem>>) {add = true}
        %mul3A_419 = arith.constant 4 : i32
        %mul3A_420 = arith.muli %add3A_403, %mul3A_419 : i32
        %add3A_421 = arith.constant 1 : i32
        %add3A_422 = arith.addi %mul3A_420, %add3A_421 : i32
        %dma_start3A_423 = arith.constant 1 : i32
        %dma_start3A_424 = arith.constant 0 : i32
        %dma_start3A_425 = arith.constant 0 : i32
        %dma_start3A_426 = tpu.memref_slice %arg14[%dma_start3A_423, %dma_start3A_424, %dma_start3A_425] : memref<4x128x8xf32, #tpu.memory_space<vmem>> -> memref<1x128x8xf32, #tpu.memory_space<vmem>>
        %dma_start3A_427 = tpu.memref_squeeze %dma_start3A_426 : memref<1x128x8xf32, #tpu.memory_space<vmem>> -> memref<128x8xf32, #tpu.memory_space<vmem>>
        %dma_start3A_428 = arith.constant 0 : i32
        %dma_start3A_429 = tpu.memref_slice %arg12[%add3A_422, %dma_start3A_428] : memref<80x128xi32, #tpu.memory_space<vmem>> -> memref<1x128xi32, #tpu.memory_space<vmem>>
        %dma_start3A_430 = tpu.memref_squeeze %dma_start3A_429 : memref<1x128xi32, #tpu.memory_space<vmem>> -> memref<128xi32, #tpu.memory_space<vmem>>
        %dma_start3A_431 = arith.constant 0 : i32
        %dma_start3A_432 = arith.constant 0 : i32
        %dma_start3A_433 = tpu.memref_slice %arg16[%dma_start3A_431, %dma_start3A_432] : memref<10008x8xf32, #tpu.memory_space<vmem_shared>> -> memref<10008x8xf32, #tpu.memory_space<vmem_shared>>
        tpu.enqueue_indirect_dma source(%dma_start3A_427 : memref<128x8xf32, #tpu.memory_space<vmem>>) target(%dma_start3A_433 : memref<10008x8xf32, #tpu.memory_space<vmem_shared>>) offsets(%dma_start3A_430 : memref<128xi32, #tpu.memory_space<vmem>>) semaphore(%arg19 : memref<!tpu.dma_semaphore, #tpu.memory_space<semaphore_mem>>) {add = true}
        %mul3A_434 = arith.constant 4 : i32
        %mul3A_435 = arith.muli %add3A_403, %mul3A_434 : i32
        %add3A_436 = arith.constant 2 : i32
        %add3A_437 = arith.addi %mul3A_435, %add3A_436 : i32
        %dma_start3A_438 = arith.constant 2 : i32
        %dma_start3A_439 = arith.constant 0 : i32
        %dma_start3A_440 = arith.constant 0 : i32
        %dma_start3A_441 = tpu.memref_slice %arg14[%dma_start3A_438, %dma_start3A_439, %dma_start3A_440] : memref<4x128x8xf32, #tpu.memory_space<vmem>> -> memref<1x128x8xf32, #tpu.memory_space<vmem>>
        %dma_start3A_442 = tpu.memref_squeeze %dma_start3A_441 : memref<1x128x8xf32, #tpu.memory_space<vmem>> -> memref<128x8xf32, #tpu.memory_space<vmem>>
        %dma_start3A_443 = arith.constant 0 : i32
        %dma_start3A_444 = tpu.memref_slice %arg12[%add3A_437, %dma_start3A_443] : memref<80x128xi32, #tpu.memory_space<vmem>> -> memref<1x128xi32, #tpu.memory_space<vmem>>
        %dma_start3A_445 = tpu.memref_squeeze %dma_start3A_444 : memref<1x128xi32, #tpu.memory_space<vmem>> -> memref<128xi32, #tpu.memory_space<vmem>>
        %dma_start3A_446 = arith.constant 0 : i32
        %dma_start3A_447 = arith.constant 0 : i32
        %dma_start3A_448 = tpu.memref_slice %arg16[%dma_start3A_446, %dma_start3A_447] : memref<10008x8xf32, #tpu.memory_space<vmem_shared>> -> memref<10008x8xf32, #tpu.memory_space<vmem_shared>>
        tpu.enqueue_indirect_dma source(%dma_start3A_442 : memref<128x8xf32, #tpu.memory_space<vmem>>) target(%dma_start3A_448 : memref<10008x8xf32, #tpu.memory_space<vmem_shared>>) offsets(%dma_start3A_445 : memref<128xi32, #tpu.memory_space<vmem>>) semaphore(%arg19 : memref<!tpu.dma_semaphore, #tpu.memory_space<semaphore_mem>>) {add = true}
        %mul3A_449 = arith.constant 4 : i32
        %mul3A_450 = arith.muli %add3A_403, %mul3A_449 : i32
        %add3A_451 = arith.constant 3 : i32
        %add3A_452 = arith.addi %mul3A_450, %add3A_451 : i32
        %dma_start3A_453 = arith.constant 3 : i32
        %dma_start3A_454 = arith.constant 0 : i32
        %dma_start3A_455 = arith.constant 0 : i32
        %dma_start3A_456 = tpu.memref_slice %arg14[%dma_start3A_453, %dma_start3A_454, %dma_start3A_455] : memref<4x128x8xf32, #tpu.memory_space<vmem>> -> memref<1x128x8xf32, #tpu.memory_space<vmem>>
        %dma_start3A_457 = tpu.memref_squeeze %dma_start3A_456 : memref<1x128x8xf32, #tpu.memory_space<vmem>> -> memref<128x8xf32, #tpu.memory_space<vmem>>
        %dma_start3A_458 = arith.constant 0 : i32
        %dma_start3A_459 = tpu.memref_slice %arg12[%add3A_452, %dma_start3A_458] : memref<80x128xi32, #tpu.memory_space<vmem>> -> memref<1x128xi32, #tpu.memory_space<vmem>>
        %dma_start3A_460 = tpu.memref_squeeze %dma_start3A_459 : memref<1x128xi32, #tpu.memory_space<vmem>> -> memref<128xi32, #tpu.memory_space<vmem>>
        %dma_start3A_461 = arith.constant 0 : i32
        %dma_start3A_462 = arith.constant 0 : i32
        %dma_start3A_463 = tpu.memref_slice %arg16[%dma_start3A_461, %dma_start3A_462] : memref<10008x8xf32, #tpu.memory_space<vmem_shared>> -> memref<10008x8xf32, #tpu.memory_space<vmem_shared>>
        tpu.enqueue_indirect_dma source(%dma_start3A_457 : memref<128x8xf32, #tpu.memory_space<vmem>>) target(%dma_start3A_463 : memref<10008x8xf32, #tpu.memory_space<vmem_shared>>) offsets(%dma_start3A_460 : memref<128xi32, #tpu.memory_space<vmem>>) semaphore(%arg19 : memref<!tpu.dma_semaphore, #tpu.memory_space<semaphore_mem>>) {add = true}
        %add3A_464 = arith.constant 1 : i32
        %add3A_465 = arith.addi %mul3A_92, %add3A_464 : i32
        %mul3A_466 = arith.constant 4 : i32
        %mul3A_467 = arith.muli %add3A_465, %mul3A_466 : i32
        %add3A_468 = arith.constant 0 : i32
        %add3A_469 = arith.addi %mul3A_467, %add3A_468 : i32
        %dma_wait3A_470 = arith.constant 0 : i32
        %dma_wait3A_471 = arith.constant 0 : i32
        %dma_wait3A_472 = arith.constant 0 : i32
        %dma_wait3A_473 = tpu.memref_slice %arg14[%dma_wait3A_470, %dma_wait3A_471, %dma_wait3A_472] : memref<4x128x8xf32, #tpu.memory_space<vmem>> -> memref<1x128x8xf32, #tpu.memory_space<vmem>>
        %dma_wait3A_474 = tpu.memref_squeeze %dma_wait3A_473 : memref<1x128x8xf32, #tpu.memory_space<vmem>> -> memref<128x8xf32, #tpu.memory_space<vmem>>
        %dma_wait3A_475 = arith.constant 0 : i32
        %dma_wait3A_476 = tpu.memref_slice %arg12[%add3A_469, %dma_wait3A_475] : memref<80x128xi32, #tpu.memory_space<vmem>> -> memref<1x128xi32, #tpu.memory_space<vmem>>
        %dma_wait3A_477 = tpu.memref_squeeze %dma_wait3A_476 : memref<1x128xi32, #tpu.memory_space<vmem>> -> memref<128xi32, #tpu.memory_space<vmem>>
        %dma_wait3A_478 = arith.constant 0 : i32
        %dma_wait3A_479 = arith.constant 0 : i32
        %dma_wait3A_480 = tpu.memref_slice %arg16[%dma_wait3A_478, %dma_wait3A_479] : memref<10008x8xf32, #tpu.memory_space<vmem_shared>> -> memref<10008x8xf32, #tpu.memory_space<vmem_shared>>
        tpu.wait_indirect_dma semaphore(%arg19 : memref<!tpu.dma_semaphore, #tpu.memory_space<semaphore_mem>>) src(%dma_wait3A_474 : memref<128x8xf32, #tpu.memory_space<vmem>>) dst(%dma_wait3A_480 : memref<10008x8xf32, #tpu.memory_space<vmem_shared>>)
        %mul3A_481 = arith.constant 4 : i32
        %mul3A_482 = arith.muli %add3A_465, %mul3A_481 : i32
        %add3A_483 = arith.constant 1 : i32
        %add3A_484 = arith.addi %mul3A_482, %add3A_483 : i32
        %dma_wait3A_485 = arith.constant 1 : i32
        %dma_wait3A_486 = arith.constant 0 : i32
        %dma_wait3A_487 = arith.constant 0 : i32
        %dma_wait3A_488 = tpu.memref_slice %arg14[%dma_wait3A_485, %dma_wait3A_486, %dma_wait3A_487] : memref<4x128x8xf32, #tpu.memory_space<vmem>> -> memref<1x128x8xf32, #tpu.memory_space<vmem>>
        %dma_wait3A_489 = tpu.memref_squeeze %dma_wait3A_488 : memref<1x128x8xf32, #tpu.memory_space<vmem>> -> memref<128x8xf32, #tpu.memory_space<vmem>>
        %dma_wait3A_490 = arith.constant 0 : i32
        %dma_wait3A_491 = tpu.memref_slice %arg12[%add3A_484, %dma_wait3A_490] : memref<80x128xi32, #tpu.memory_space<vmem>> -> memref<1x128xi32, #tpu.memory_space<vmem>>
        %dma_wait3A_492 = tpu.memref_squeeze %dma_wait3A_491 : memref<1x128xi32, #tpu.memory_space<vmem>> -> memref<128xi32, #tpu.memory_space<vmem>>
        %dma_wait3A_493 = arith.constant 0 : i32
        %dma_wait3A_494 = arith.constant 0 : i32
        %dma_wait3A_495 = tpu.memref_slice %arg16[%dma_wait3A_493, %dma_wait3A_494] : memref<10008x8xf32, #tpu.memory_space<vmem_shared>> -> memref<10008x8xf32, #tpu.memory_space<vmem_shared>>
        tpu.wait_indirect_dma semaphore(%arg19 : memref<!tpu.dma_semaphore, #tpu.memory_space<semaphore_mem>>) src(%dma_wait3A_489 : memref<128x8xf32, #tpu.memory_space<vmem>>) dst(%dma_wait3A_495 : memref<10008x8xf32, #tpu.memory_space<vmem_shared>>)
        %mul3A_496 = arith.constant 4 : i32
        %mul3A_497 = arith.muli %add3A_465, %mul3A_496 : i32
        %add3A_498 = arith.constant 2 : i32
        %add3A_499 = arith.addi %mul3A_497, %add3A_498 : i32
        %dma_wait3A_500 = arith.constant 2 : i32
        %dma_wait3A_501 = arith.constant 0 : i32
        %dma_wait3A_502 = arith.constant 0 : i32
        %dma_wait3A_503 = tpu.memref_slice %arg14[%dma_wait3A_500, %dma_wait3A_501, %dma_wait3A_502] : memref<4x128x8xf32, #tpu.memory_space<vmem>> -> memref<1x128x8xf32, #tpu.memory_space<vmem>>
        %dma_wait3A_504 = tpu.memref_squeeze %dma_wait3A_503 : memref<1x128x8xf32, #tpu.memory_space<vmem>> -> memref<128x8xf32, #tpu.memory_space<vmem>>
        %dma_wait3A_505 = arith.constant 0 : i32
        %dma_wait3A_506 = tpu.memref_slice %arg12[%add3A_499, %dma_wait3A_505] : memref<80x128xi32, #tpu.memory_space<vmem>> -> memref<1x128xi32, #tpu.memory_space<vmem>>
        %dma_wait3A_507 = tpu.memref_squeeze %dma_wait3A_506 : memref<1x128xi32, #tpu.memory_space<vmem>> -> memref<128xi32, #tpu.memory_space<vmem>>
        %dma_wait3A_508 = arith.constant 0 : i32
        %dma_wait3A_509 = arith.constant 0 : i32
        %dma_wait3A_510 = tpu.memref_slice %arg16[%dma_wait3A_508, %dma_wait3A_509] : memref<10008x8xf32, #tpu.memory_space<vmem_shared>> -> memref<10008x8xf32, #tpu.memory_space<vmem_shared>>
        tpu.wait_indirect_dma semaphore(%arg19 : memref<!tpu.dma_semaphore, #tpu.memory_space<semaphore_mem>>) src(%dma_wait3A_504 : memref<128x8xf32, #tpu.memory_space<vmem>>) dst(%dma_wait3A_510 : memref<10008x8xf32, #tpu.memory_space<vmem_shared>>)
        %mul3A_511 = arith.constant 4 : i32
        %mul3A_512 = arith.muli %add3A_465, %mul3A_511 : i32
        %add3A_513 = arith.constant 3 : i32
        %add3A_514 = arith.addi %mul3A_512, %add3A_513 : i32
        %dma_wait3A_515 = arith.constant 3 : i32
        %dma_wait3A_516 = arith.constant 0 : i32
        %dma_wait3A_517 = arith.constant 0 : i32
        %dma_wait3A_518 = tpu.memref_slice %arg14[%dma_wait3A_515, %dma_wait3A_516, %dma_wait3A_517] : memref<4x128x8xf32, #tpu.memory_space<vmem>> -> memref<1x128x8xf32, #tpu.memory_space<vmem>>
        %dma_wait3A_519 = tpu.memref_squeeze %dma_wait3A_518 : memref<1x128x8xf32, #tpu.memory_space<vmem>> -> memref<128x8xf32, #tpu.memory_space<vmem>>
        %dma_wait3A_520 = arith.constant 0 : i32
        %dma_wait3A_521 = tpu.memref_slice %arg12[%add3A_514, %dma_wait3A_520] : memref<80x128xi32, #tpu.memory_space<vmem>> -> memref<1x128xi32, #tpu.memory_space<vmem>>
        %dma_wait3A_522 = tpu.memref_squeeze %dma_wait3A_521 : memref<1x128xi32, #tpu.memory_space<vmem>> -> memref<128xi32, #tpu.memory_space<vmem>>
        %dma_wait3A_523 = arith.constant 0 : i32
        %dma_wait3A_524 = arith.constant 0 : i32
        %dma_wait3A_525 = tpu.memref_slice %arg16[%dma_wait3A_523, %dma_wait3A_524] : memref<10008x8xf32, #tpu.memory_space<vmem_shared>> -> memref<10008x8xf32, #tpu.memory_space<vmem_shared>>
        tpu.wait_indirect_dma semaphore(%arg19 : memref<!tpu.dma_semaphore, #tpu.memory_space<semaphore_mem>>) src(%dma_wait3A_519 : memref<128x8xf32, #tpu.memory_space<vmem>>) dst(%dma_wait3A_525 : memref<10008x8xf32, #tpu.memory_space<vmem_shared>>)
      }
      %scan3A_88 = arith.constant 10 : i32
      %barrier3A_89 = arith.constant 0 : index
      tpu.barrier barrier_id(%barrier3A_89)
      "tpu.region"() ({
        %run_scoped3A = tpu.sem_alloc : memref<!tpu.dma_semaphore, #tpu.memory_space<semaphore_mem>>
        %dma_start3A_90 = arith.constant 0 : i32
        %dma_start3A_91 = tpu.memref_slice %arg9[%mul3A_7, %dma_start3A_90] : memref<10000x8xf32, #tpu.memory_space<hbm>> -> memref<625x8xf32, #tpu.memory_space<hbm>>
        %dma_start3A_92 = arith.constant 0 : i32
        %dma_start3A_93 = tpu.memref_slice %arg16[%mul3A_7, %dma_start3A_92] : memref<10008x8xf32, #tpu.memory_space<vmem_shared>> -> memref<625x8xf32, #tpu.memory_space<vmem_shared>>
        tpu.enqueue_dma source(%dma_start3A_93 : memref<625x8xf32, #tpu.memory_space<vmem_shared>>) target(%dma_start3A_91 : memref<625x8xf32, #tpu.memory_space<hbm>>) target_semaphore(%run_scoped3A : memref<!tpu.dma_semaphore, #tpu.memory_space<semaphore_mem>>)
        %dma_wait3A_94 = arith.constant 0 : i32
        %dma_wait3A_95 = tpu.memref_slice %arg9[%mul3A_7, %dma_wait3A_94] : memref<10000x8xf32, #tpu.memory_space<hbm>> -> memref<625x8xf32, #tpu.memory_space<hbm>>
        %dma_wait3A_96 = arith.constant 0 : i32
        %dma_wait3A_97 = tpu.memref_slice %arg16[%mul3A_7, %dma_wait3A_96] : memref<10008x8xf32, #tpu.memory_space<vmem_shared>> -> memref<625x8xf32, #tpu.memory_space<vmem_shared>>
        tpu.wait_dma2 semaphore(%run_scoped3A : memref<!tpu.dma_semaphore, #tpu.memory_space<semaphore_mem>>) src(%dma_wait3A_97 : memref<625x8xf32, #tpu.memory_space<vmem_shared>>) dst(%dma_wait3A_95 : memref<625x8xf32, #tpu.memory_space<hbm>>)
        tpu.yield
      }) : () -> ()
    } else {
    }
    %eq3A_2 = arith.constant 1 : i32
    %eq3A_3 = arith.cmpi eq, %arg0, %eq3A_2 : i32
    %convert_element_type3A_4 = arith.extui %eq3A_3 : i1 to i32
    %cond3A_5 = arith.constant 0 : i32
    %cond3A_6 = arith.cmpi ne, %convert_element_type3A_4, %cond3A_5 : i32
    scf.if %cond3A_6 {
      %mul3A = arith.constant 625 : i32
      %mul3A_7 = arith.muli %arg1, %mul3A : i32
      %dma_start3A = arith.constant 0 : i32
      %dma_start3A_8 = tpu.memref_slice %arg16[%mul3A_7, %dma_start3A] : memref<10008x8xf32, #tpu.memory_space<vmem_shared>> -> memref<625x8xf32, #tpu.memory_space<vmem_shared>>
      %dma_start3A_9 = arith.constant 0 : i32
      %dma_start3A_10 = tpu.memref_slice %arg8[%mul3A_7, %dma_start3A_9] : memref<10000x8xf32, #tpu.memory_space<hbm>> -> memref<625x8xf32, #tpu.memory_space<hbm>>
      tpu.enqueue_dma source(%dma_start3A_10 : memref<625x8xf32, #tpu.memory_space<hbm>>) target(%dma_start3A_8 : memref<625x8xf32, #tpu.memory_space<vmem_shared>>) target_semaphore(%arg17 : memref<!tpu.dma_semaphore, #tpu.memory_space<semaphore_mem>>)
      %dma_start3A_11 = arith.constant 0 : i32
      %dma_start3A_12 = tpu.memref_slice %arg15[%mul3A_7, %dma_start3A_11] : memref<10000x8xf32, #tpu.memory_space<vmem_shared>> -> memref<625x8xf32, #tpu.memory_space<vmem_shared>>
      %dma_start3A_13 = arith.constant 0 : i32
      %dma_start3A_14 = tpu.memref_slice %arg2[%mul3A_7, %dma_start3A_13] : memref<10000x8xf32, #tpu.memory_space<hbm>> -> memref<625x8xf32, #tpu.memory_space<hbm>>
      tpu.enqueue_dma source(%dma_start3A_14 : memref<625x8xf32, #tpu.memory_space<hbm>>) target(%dma_start3A_12 : memref<625x8xf32, #tpu.memory_space<vmem_shared>>) target_semaphore(%arg18 : memref<!tpu.dma_semaphore, #tpu.memory_space<semaphore_mem>>)
      %mul3A_15 = arith.constant 10240 : i32
      %mul3A_16 = arith.muli %arg1, %mul3A_15 : i32
      %dma_start3A_17 = tpu.memref_slice %arg6[%mul3A_16] : memref<163840xi32, #tpu.memory_space<hbm>> -> memref<10240xi32, #tpu.memory_space<hbm>>
      %dma_start3A_18 = tpu.memref_slice %arg6[%mul3A_16] : memref<163840xi32, #tpu.memory_space<hbm>> -> memref<10240xi32, #tpu.memory_space<hbm>>
      tpu.enqueue_dma source(%dma_start3A_18 : memref<10240xi32, #tpu.memory_space<hbm>>) target(%arg11 : memref<10240xi32, #tpu.memory_space<vmem>>) target_semaphore(%arg19 : memref<!tpu.dma_semaphore, #tpu.memory_space<semaphore_mem>>)
      %dma_start3A_19 = arith.constant 0 : i32
      %dma_start3A_20 = arith.constant 0 : i32
      %dma_start3A_21 = tpu.memref_slice %arg7[%arg1, %dma_start3A_19, %dma_start3A_20] : memref<16x80x128xi32, #tpu.memory_space<hbm>> -> memref<1x80x128xi32, #tpu.memory_space<hbm>>
      %dma_start3A_22 = tpu.memref_squeeze %dma_start3A_21 : memref<1x80x128xi32, #tpu.memory_space<hbm>> -> memref<80x128xi32, #tpu.memory_space<hbm>>
      %dma_start3A_23 = arith.constant 0 : i32
      %dma_start3A_24 = arith.constant 0 : i32
      %dma_start3A_25 = tpu.memref_slice %arg7[%arg1, %dma_start3A_23, %dma_start3A_24] : memref<16x80x128xi32, #tpu.memory_space<hbm>> -> memref<1x80x128xi32, #tpu.memory_space<hbm>>
      %dma_start3A_26 = tpu.memref_squeeze %dma_start3A_25 : memref<1x80x128xi32, #tpu.memory_space<hbm>> -> memref<80x128xi32, #tpu.memory_space<hbm>>
      tpu.enqueue_dma source(%dma_start3A_26 : memref<80x128xi32, #tpu.memory_space<hbm>>) target(%arg12 : memref<80x128xi32, #tpu.memory_space<vmem>>) target_semaphore(%arg19 : memref<!tpu.dma_semaphore, #tpu.memory_space<semaphore_mem>>)
      %dma_wait3A = arith.constant 0 : i32
      %dma_wait3A_27 = tpu.memref_slice %arg16[%mul3A_7, %dma_wait3A] : memref<10008x8xf32, #tpu.memory_space<vmem_shared>> -> memref<625x8xf32, #tpu.memory_space<vmem_shared>>
      %dma_wait3A_28 = arith.constant 0 : i32
      %dma_wait3A_29 = tpu.memref_slice %arg8[%mul3A_7, %dma_wait3A_28] : memref<10000x8xf32, #tpu.memory_space<hbm>> -> memref<625x8xf32, #tpu.memory_space<hbm>>
      tpu.wait_dma2 semaphore(%arg17 : memref<!tpu.dma_semaphore, #tpu.memory_space<semaphore_mem>>) src(%dma_wait3A_29 : memref<625x8xf32, #tpu.memory_space<hbm>>) dst(%dma_wait3A_27 : memref<625x8xf32, #tpu.memory_space<vmem_shared>>)
      %dma_wait3A_30 = arith.constant 0 : i32
      %dma_wait3A_31 = tpu.memref_slice %arg15[%mul3A_7, %dma_wait3A_30] : memref<10000x8xf32, #tpu.memory_space<vmem_shared>> -> memref<625x8xf32, #tpu.memory_space<vmem_shared>>
      %dma_wait3A_32 = arith.constant 0 : i32
      %dma_wait3A_33 = tpu.memref_slice %arg2[%mul3A_7, %dma_wait3A_32] : memref<10000x8xf32, #tpu.memory_space<hbm>> -> memref<625x8xf32, #tpu.memory_space<hbm>>
      tpu.wait_dma2 semaphore(%arg18 : memref<!tpu.dma_semaphore, #tpu.memory_space<semaphore_mem>>) src(%dma_wait3A_33 : memref<625x8xf32, #tpu.memory_space<hbm>>) dst(%dma_wait3A_31 : memref<625x8xf32, #tpu.memory_space<vmem_shared>>)
      %dma_wait3A_34 = tpu.memref_slice %arg6[%mul3A_16] : memref<163840xi32, #tpu.memory_space<hbm>> -> memref<10240xi32, #tpu.memory_space<hbm>>
      %dma_wait3A_35 = tpu.memref_slice %arg6[%mul3A_16] : memref<163840xi32, #tpu.memory_space<hbm>> -> memref<10240xi32, #tpu.memory_space<hbm>>
      tpu.wait_dma2 semaphore(%arg19 : memref<!tpu.dma_semaphore, #tpu.memory_space<semaphore_mem>>) src(%dma_wait3A_35 : memref<10240xi32, #tpu.memory_space<hbm>>) dst(%arg11 : memref<10240xi32, #tpu.memory_space<vmem>>)
      %dma_wait3A_36 = arith.constant 0 : i32
      %dma_wait3A_37 = arith.constant 0 : i32
      %dma_wait3A_38 = tpu.memref_slice %arg7[%arg1, %dma_wait3A_36, %dma_wait3A_37] : memref<16x80x128xi32, #tpu.memory_space<hbm>> -> memref<1x80x128xi32, #tpu.memory_space<hbm>>
      %dma_wait3A_39 = tpu.memref_squeeze %dma_wait3A_38 : memref<1x80x128xi32, #tpu.memory_space<hbm>> -> memref<80x128xi32, #tpu.memory_space<hbm>>
      %dma_wait3A_40 = arith.constant 0 : i32
      %dma_wait3A_41 = arith.constant 0 : i32
      %dma_wait3A_42 = tpu.memref_slice %arg7[%arg1, %dma_wait3A_40, %dma_wait3A_41] : memref<16x80x128xi32, #tpu.memory_space<hbm>> -> memref<1x80x128xi32, #tpu.memory_space<hbm>>
      %dma_wait3A_43 = tpu.memref_squeeze %dma_wait3A_42 : memref<1x80x128xi32, #tpu.memory_space<hbm>> -> memref<80x128xi32, #tpu.memory_space<hbm>>
      tpu.wait_dma2 semaphore(%arg19 : memref<!tpu.dma_semaphore, #tpu.memory_space<semaphore_mem>>) src(%dma_wait3A_43 : memref<80x128xi32, #tpu.memory_space<hbm>>) dst(%arg12 : memref<80x128xi32, #tpu.memory_space<vmem>>)
      %barrier3A = arith.constant 0 : index
      tpu.barrier barrier_id(%barrier3A)
      %dma_start3A_44 = arith.constant 0 : i32
      %dma_start3A_45 = arith.constant 0 : i32
      %dma_start3A_46 = arith.constant 0 : i32
      %dma_start3A_47 = tpu.memref_slice %arg13[%dma_start3A_44, %dma_start3A_45, %dma_start3A_46] : memref<4x128x8xf32, #tpu.memory_space<vmem>> -> memref<1x128x8xf32, #tpu.memory_space<vmem>>
      %dma_start3A_48 = tpu.memref_squeeze %dma_start3A_47 : memref<1x128x8xf32, #tpu.memory_space<vmem>> -> memref<128x8xf32, #tpu.memory_space<vmem>>
      %dma_start3A_49 = arith.constant 0 : i32
      %dma_start3A_50 = tpu.memref_slice %arg11[%dma_start3A_49] : memref<10240xi32, #tpu.memory_space<vmem>> -> memref<128xi32, #tpu.memory_space<vmem>>
      %dma_start3A_51 = arith.constant 0 : i32
      %dma_start3A_52 = arith.constant 0 : i32
      %dma_start3A_53 = tpu.memref_slice %arg15[%dma_start3A_51, %dma_start3A_52] : memref<10000x8xf32, #tpu.memory_space<vmem_shared>> -> memref<10000x8xf32, #tpu.memory_space<vmem_shared>>
      tpu.enqueue_indirect_dma source(%dma_start3A_53 : memref<10000x8xf32, #tpu.memory_space<vmem_shared>>) target(%dma_start3A_48 : memref<128x8xf32, #tpu.memory_space<vmem>>) offsets(%dma_start3A_50 : memref<128xi32, #tpu.memory_space<vmem>>) semaphore(%arg17 : memref<!tpu.dma_semaphore, #tpu.memory_space<semaphore_mem>>)
      %dma_start3A_54 = arith.constant 1 : i32
      %dma_start3A_55 = arith.constant 0 : i32
      %dma_start3A_56 = arith.constant 0 : i32
      %dma_start3A_57 = tpu.memref_slice %arg13[%dma_start3A_54, %dma_start3A_55, %dma_start3A_56] : memref<4x128x8xf32, #tpu.memory_space<vmem>> -> memref<1x128x8xf32, #tpu.memory_space<vmem>>
      %dma_start3A_58 = tpu.memref_squeeze %dma_start3A_57 : memref<1x128x8xf32, #tpu.memory_space<vmem>> -> memref<128x8xf32, #tpu.memory_space<vmem>>
      %dma_start3A_59 = arith.constant 128 : i32
      %dma_start3A_60 = tpu.memref_slice %arg11[%dma_start3A_59] : memref<10240xi32, #tpu.memory_space<vmem>> -> memref<128xi32, #tpu.memory_space<vmem>>
      %dma_start3A_61 = arith.constant 0 : i32
      %dma_start3A_62 = arith.constant 0 : i32
      %dma_start3A_63 = tpu.memref_slice %arg15[%dma_start3A_61, %dma_start3A_62] : memref<10000x8xf32, #tpu.memory_space<vmem_shared>> -> memref<10000x8xf32, #tpu.memory_space<vmem_shared>>
      tpu.enqueue_indirect_dma source(%dma_start3A_63 : memref<10000x8xf32, #tpu.memory_space<vmem_shared>>) target(%dma_start3A_58 : memref<128x8xf32, #tpu.memory_space<vmem>>) offsets(%dma_start3A_60 : memref<128xi32, #tpu.memory_space<vmem>>) semaphore(%arg17 : memref<!tpu.dma_semaphore, #tpu.memory_space<semaphore_mem>>)
      %dma_start3A_64 = arith.constant 2 : i32
      %dma_start3A_65 = arith.constant 0 : i32
      %dma_start3A_66 = arith.constant 0 : i32
      %dma_start3A_67 = tpu.memref_slice %arg13[%dma_start3A_64, %dma_start3A_65, %dma_start3A_66] : memref<4x128x8xf32, #tpu.memory_space<vmem>> -> memref<1x128x8xf32, #tpu.memory_space<vmem>>
      %dma_start3A_68 = tpu.memref_squeeze %dma_start3A_67 : memref<1x128x8xf32, #tpu.memory_space<vmem>> -> memref<128x8xf32, #tpu.memory_space<vmem>>
      %dma_start3A_69 = arith.constant 256 : i32
      %dma_start3A_70 = tpu.memref_slice %arg11[%dma_start3A_69] : memref<10240xi32, #tpu.memory_space<vmem>> -> memref<128xi32, #tpu.memory_space<vmem>>
      %dma_start3A_71 = arith.constant 0 : i32
      %dma_start3A_72 = arith.constant 0 : i32
      %dma_start3A_73 = tpu.memref_slice %arg15[%dma_start3A_71, %dma_start3A_72] : memref<10000x8xf32, #tpu.memory_space<vmem_shared>> -> memref<10000x8xf32, #tpu.memory_space<vmem_shared>>
      tpu.enqueue_indirect_dma source(%dma_start3A_73 : memref<10000x8xf32, #tpu.memory_space<vmem_shared>>) target(%dma_start3A_68 : memref<128x8xf32, #tpu.memory_space<vmem>>) offsets(%dma_start3A_70 : memref<128xi32, #tpu.memory_space<vmem>>) semaphore(%arg17 : memref<!tpu.dma_semaphore, #tpu.memory_space<semaphore_mem>>)
      %dma_start3A_74 = arith.constant 3 : i32
      %dma_start3A_75 = arith.constant 0 : i32
      %dma_start3A_76 = arith.constant 0 : i32
      %dma_start3A_77 = tpu.memref_slice %arg13[%dma_start3A_74, %dma_start3A_75, %dma_start3A_76] : memref<4x128x8xf32, #tpu.memory_space<vmem>> -> memref<1x128x8xf32, #tpu.memory_space<vmem>>
      %dma_start3A_78 = tpu.memref_squeeze %dma_start3A_77 : memref<1x128x8xf32, #tpu.memory_space<vmem>> -> memref<128x8xf32, #tpu.memory_space<vmem>>
      %dma_start3A_79 = arith.constant 384 : i32
      %dma_start3A_80 = tpu.memref_slice %arg11[%dma_start3A_79] : memref<10240xi32, #tpu.memory_space<vmem>> -> memref<128xi32, #tpu.memory_space<vmem>>
      %dma_start3A_81 = arith.constant 0 : i32
      %dma_start3A_82 = arith.constant 0 : i32
      %dma_start3A_83 = tpu.memref_slice %arg15[%dma_start3A_81, %dma_start3A_82] : memref<10000x8xf32, #tpu.memory_space<vmem_shared>> -> memref<10000x8xf32, #tpu.memory_space<vmem_shared>>
      tpu.enqueue_indirect_dma source(%dma_start3A_83 : memref<10000x8xf32, #tpu.memory_space<vmem_shared>>) target(%dma_start3A_78 : memref<128x8xf32, #tpu.memory_space<vmem>>) offsets(%dma_start3A_80 : memref<128xi32, #tpu.memory_space<vmem>>) semaphore(%arg17 : memref<!tpu.dma_semaphore, #tpu.memory_space<semaphore_mem>>)
      %scan3A = arith.constant 0 : i32
      %scan3A_84 = arith.constant 0 : i32
      %scan3A_85 = arith.constant 10 : i32
      %scan3A_86 = arith.addi %scan3A_84, %scan3A_85 : i32
      %scan3A_87 = arith.constant 1 : i32
      scf.for %scan3A_90 = %scan3A_84 to %scan3A_86 step %scan3A_87  : i32 {
        %mul3A_91 = arith.constant 2 : i32
        %mul3A_92 = arith.muli %mul3A_91, %scan3A_90 : i32
        %mul3A_93 = arith.constant 4 : i32
        %mul3A_94 = arith.muli %mul3A_92, %mul3A_93 : i32
        %add3A = arith.constant 0 : i32
        %add3A_95 = arith.addi %mul3A_94, %add3A : i32
        %mul3A_96 = arith.constant 128 : i32
        %mul3A_97 = arith.muli %add3A_95, %mul3A_96 : i32
        %dma_wait3A_98 = arith.constant 0 : i32
        %dma_wait3A_99 = arith.constant 0 : i32
        %dma_wait3A_100 = arith.constant 0 : i32
        %dma_wait3A_101 = tpu.memref_slice %arg13[%dma_wait3A_98, %dma_wait3A_99, %dma_wait3A_100] : memref<4x128x8xf32, #tpu.memory_space<vmem>> -> memref<1x128x8xf32, #tpu.memory_space<vmem>>
        %dma_wait3A_102 = tpu.memref_squeeze %dma_wait3A_101 : memref<1x128x8xf32, #tpu.memory_space<vmem>> -> memref<128x8xf32, #tpu.memory_space<vmem>>
        %dma_wait3A_103 = tpu.memref_slice %arg11[%mul3A_97] : memref<10240xi32, #tpu.memory_space<vmem>> -> memref<128xi32, #tpu.memory_space<vmem>>
        %dma_wait3A_104 = arith.constant 0 : i32
        %dma_wait3A_105 = arith.constant 0 : i32
        %dma_wait3A_106 = tpu.memref_slice %arg15[%dma_wait3A_104, %dma_wait3A_105] : memref<10000x8xf32, #tpu.memory_space<vmem_shared>> -> memref<10000x8xf32, #tpu.memory_space<vmem_shared>>
        tpu.wait_indirect_dma semaphore(%arg17 : memref<!tpu.dma_semaphore, #tpu.memory_space<semaphore_mem>>) src(%dma_wait3A_106 : memref<10000x8xf32, #tpu.memory_space<vmem_shared>>) dst(%dma_wait3A_102 : memref<128x8xf32, #tpu.memory_space<vmem>>)
        %mul3A_107 = arith.constant 4 : i32
        %mul3A_108 = arith.muli %mul3A_92, %mul3A_107 : i32
        %add3A_109 = arith.constant 1 : i32
        %add3A_110 = arith.addi %mul3A_108, %add3A_109 : i32
        %mul3A_111 = arith.constant 128 : i32
        %mul3A_112 = arith.muli %add3A_110, %mul3A_111 : i32
        %dma_wait3A_113 = arith.constant 1 : i32
        %dma_wait3A_114 = arith.constant 0 : i32
        %dma_wait3A_115 = arith.constant 0 : i32
        %dma_wait3A_116 = tpu.memref_slice %arg13[%dma_wait3A_113, %dma_wait3A_114, %dma_wait3A_115] : memref<4x128x8xf32, #tpu.memory_space<vmem>> -> memref<1x128x8xf32, #tpu.memory_space<vmem>>
        %dma_wait3A_117 = tpu.memref_squeeze %dma_wait3A_116 : memref<1x128x8xf32, #tpu.memory_space<vmem>> -> memref<128x8xf32, #tpu.memory_space<vmem>>
        %dma_wait3A_118 = tpu.memref_slice %arg11[%mul3A_112] : memref<10240xi32, #tpu.memory_space<vmem>> -> memref<128xi32, #tpu.memory_space<vmem>>
        %dma_wait3A_119 = arith.constant 0 : i32
        %dma_wait3A_120 = arith.constant 0 : i32
        %dma_wait3A_121 = tpu.memref_slice %arg15[%dma_wait3A_119, %dma_wait3A_120] : memref<10000x8xf32, #tpu.memory_space<vmem_shared>> -> memref<10000x8xf32, #tpu.memory_space<vmem_shared>>
        tpu.wait_indirect_dma semaphore(%arg17 : memref<!tpu.dma_semaphore, #tpu.memory_space<semaphore_mem>>) src(%dma_wait3A_121 : memref<10000x8xf32, #tpu.memory_space<vmem_shared>>) dst(%dma_wait3A_117 : memref<128x8xf32, #tpu.memory_space<vmem>>)
        %mul3A_122 = arith.constant 4 : i32
        %mul3A_123 = arith.muli %mul3A_92, %mul3A_122 : i32
        %add3A_124 = arith.constant 2 : i32
        %add3A_125 = arith.addi %mul3A_123, %add3A_124 : i32
        %mul3A_126 = arith.constant 128 : i32
        %mul3A_127 = arith.muli %add3A_125, %mul3A_126 : i32
        %dma_wait3A_128 = arith.constant 2 : i32
        %dma_wait3A_129 = arith.constant 0 : i32
        %dma_wait3A_130 = arith.constant 0 : i32
        %dma_wait3A_131 = tpu.memref_slice %arg13[%dma_wait3A_128, %dma_wait3A_129, %dma_wait3A_130] : memref<4x128x8xf32, #tpu.memory_space<vmem>> -> memref<1x128x8xf32, #tpu.memory_space<vmem>>
        %dma_wait3A_132 = tpu.memref_squeeze %dma_wait3A_131 : memref<1x128x8xf32, #tpu.memory_space<vmem>> -> memref<128x8xf32, #tpu.memory_space<vmem>>
        %dma_wait3A_133 = tpu.memref_slice %arg11[%mul3A_127] : memref<10240xi32, #tpu.memory_space<vmem>> -> memref<128xi32, #tpu.memory_space<vmem>>
        %dma_wait3A_134 = arith.constant 0 : i32
        %dma_wait3A_135 = arith.constant 0 : i32
        %dma_wait3A_136 = tpu.memref_slice %arg15[%dma_wait3A_134, %dma_wait3A_135] : memref<10000x8xf32, #tpu.memory_space<vmem_shared>> -> memref<10000x8xf32, #tpu.memory_space<vmem_shared>>
        tpu.wait_indirect_dma semaphore(%arg17 : memref<!tpu.dma_semaphore, #tpu.memory_space<semaphore_mem>>) src(%dma_wait3A_136 : memref<10000x8xf32, #tpu.memory_space<vmem_shared>>) dst(%dma_wait3A_132 : memref<128x8xf32, #tpu.memory_space<vmem>>)
        %mul3A_137 = arith.constant 4 : i32
        %mul3A_138 = arith.muli %mul3A_92, %mul3A_137 : i32
        %add3A_139 = arith.constant 3 : i32
        %add3A_140 = arith.addi %mul3A_138, %add3A_139 : i32
        %mul3A_141 = arith.constant 128 : i32
        %mul3A_142 = arith.muli %add3A_140, %mul3A_141 : i32
        %dma_wait3A_143 = arith.constant 3 : i32
        %dma_wait3A_144 = arith.constant 0 : i32
        %dma_wait3A_145 = arith.constant 0 : i32
        %dma_wait3A_146 = tpu.memref_slice %arg13[%dma_wait3A_143, %dma_wait3A_144, %dma_wait3A_145] : memref<4x128x8xf32, #tpu.memory_space<vmem>> -> memref<1x128x8xf32, #tpu.memory_space<vmem>>
        %dma_wait3A_147 = tpu.memref_squeeze %dma_wait3A_146 : memref<1x128x8xf32, #tpu.memory_space<vmem>> -> memref<128x8xf32, #tpu.memory_space<vmem>>
        %dma_wait3A_148 = tpu.memref_slice %arg11[%mul3A_142] : memref<10240xi32, #tpu.memory_space<vmem>> -> memref<128xi32, #tpu.memory_space<vmem>>
        %dma_wait3A_149 = arith.constant 0 : i32
        %dma_wait3A_150 = arith.constant 0 : i32
        %dma_wait3A_151 = tpu.memref_slice %arg15[%dma_wait3A_149, %dma_wait3A_150] : memref<10000x8xf32, #tpu.memory_space<vmem_shared>> -> memref<10000x8xf32, #tpu.memory_space<vmem_shared>>
        tpu.wait_indirect_dma semaphore(%arg17 : memref<!tpu.dma_semaphore, #tpu.memory_space<semaphore_mem>>) src(%dma_wait3A_151 : memref<10000x8xf32, #tpu.memory_space<vmem_shared>>) dst(%dma_wait3A_147 : memref<128x8xf32, #tpu.memory_space<vmem>>)
        %mul3A_152 = arith.constant 4 : i32
        %mul3A_153 = arith.muli %mul3A_92, %mul3A_152 : i32
        %add3A_154 = arith.constant 0 : i32
        %add3A_155 = arith.addi %mul3A_153, %add3A_154 : i32
        %dma_start3A_156 = arith.constant 0 : i32
        %dma_start3A_157 = arith.constant 0 : i32
        %dma_start3A_158 = arith.constant 0 : i32
        %dma_start3A_159 = tpu.memref_slice %arg13[%dma_start3A_156, %dma_start3A_157, %dma_start3A_158] : memref<4x128x8xf32, #tpu.memory_space<vmem>> -> memref<1x128x8xf32, #tpu.memory_space<vmem>>
        %dma_start3A_160 = tpu.memref_squeeze %dma_start3A_159 : memref<1x128x8xf32, #tpu.memory_space<vmem>> -> memref<128x8xf32, #tpu.memory_space<vmem>>
        %dma_start3A_161 = arith.constant 0 : i32
        %dma_start3A_162 = tpu.memref_slice %arg12[%add3A_155, %dma_start3A_161] : memref<80x128xi32, #tpu.memory_space<vmem>> -> memref<1x128xi32, #tpu.memory_space<vmem>>
        %dma_start3A_163 = tpu.memref_squeeze %dma_start3A_162 : memref<1x128xi32, #tpu.memory_space<vmem>> -> memref<128xi32, #tpu.memory_space<vmem>>
        %dma_start3A_164 = arith.constant 0 : i32
        %dma_start3A_165 = arith.constant 0 : i32
        %dma_start3A_166 = tpu.memref_slice %arg16[%dma_start3A_164, %dma_start3A_165] : memref<10008x8xf32, #tpu.memory_space<vmem_shared>> -> memref<10008x8xf32, #tpu.memory_space<vmem_shared>>
        tpu.enqueue_indirect_dma source(%dma_start3A_160 : memref<128x8xf32, #tpu.memory_space<vmem>>) target(%dma_start3A_166 : memref<10008x8xf32, #tpu.memory_space<vmem_shared>>) offsets(%dma_start3A_163 : memref<128xi32, #tpu.memory_space<vmem>>) semaphore(%arg19 : memref<!tpu.dma_semaphore, #tpu.memory_space<semaphore_mem>>) {add = true}
        %mul3A_167 = arith.constant 4 : i32
        %mul3A_168 = arith.muli %mul3A_92, %mul3A_167 : i32
        %add3A_169 = arith.constant 1 : i32
        %add3A_170 = arith.addi %mul3A_168, %add3A_169 : i32
        %dma_start3A_171 = arith.constant 1 : i32
        %dma_start3A_172 = arith.constant 0 : i32
        %dma_start3A_173 = arith.constant 0 : i32
        %dma_start3A_174 = tpu.memref_slice %arg13[%dma_start3A_171, %dma_start3A_172, %dma_start3A_173] : memref<4x128x8xf32, #tpu.memory_space<vmem>> -> memref<1x128x8xf32, #tpu.memory_space<vmem>>
        %dma_start3A_175 = tpu.memref_squeeze %dma_start3A_174 : memref<1x128x8xf32, #tpu.memory_space<vmem>> -> memref<128x8xf32, #tpu.memory_space<vmem>>
        %dma_start3A_176 = arith.constant 0 : i32
        %dma_start3A_177 = tpu.memref_slice %arg12[%add3A_170, %dma_start3A_176] : memref<80x128xi32, #tpu.memory_space<vmem>> -> memref<1x128xi32, #tpu.memory_space<vmem>>
        %dma_start3A_178 = tpu.memref_squeeze %dma_start3A_177 : memref<1x128xi32, #tpu.memory_space<vmem>> -> memref<128xi32, #tpu.memory_space<vmem>>
        %dma_start3A_179 = arith.constant 0 : i32
        %dma_start3A_180 = arith.constant 0 : i32
        %dma_start3A_181 = tpu.memref_slice %arg16[%dma_start3A_179, %dma_start3A_180] : memref<10008x8xf32, #tpu.memory_space<vmem_shared>> -> memref<10008x8xf32, #tpu.memory_space<vmem_shared>>
        tpu.enqueue_indirect_dma source(%dma_start3A_175 : memref<128x8xf32, #tpu.memory_space<vmem>>) target(%dma_start3A_181 : memref<10008x8xf32, #tpu.memory_space<vmem_shared>>) offsets(%dma_start3A_178 : memref<128xi32, #tpu.memory_space<vmem>>) semaphore(%arg19 : memref<!tpu.dma_semaphore, #tpu.memory_space<semaphore_mem>>) {add = true}
        %mul3A_182 = arith.constant 4 : i32
        %mul3A_183 = arith.muli %mul3A_92, %mul3A_182 : i32
        %add3A_184 = arith.constant 2 : i32
        %add3A_185 = arith.addi %mul3A_183, %add3A_184 : i32
        %dma_start3A_186 = arith.constant 2 : i32
        %dma_start3A_187 = arith.constant 0 : i32
        %dma_start3A_188 = arith.constant 0 : i32
        %dma_start3A_189 = tpu.memref_slice %arg13[%dma_start3A_186, %dma_start3A_187, %dma_start3A_188] : memref<4x128x8xf32, #tpu.memory_space<vmem>> -> memref<1x128x8xf32, #tpu.memory_space<vmem>>
        %dma_start3A_190 = tpu.memref_squeeze %dma_start3A_189 : memref<1x128x8xf32, #tpu.memory_space<vmem>> -> memref<128x8xf32, #tpu.memory_space<vmem>>
        %dma_start3A_191 = arith.constant 0 : i32
        %dma_start3A_192 = tpu.memref_slice %arg12[%add3A_185, %dma_start3A_191] : memref<80x128xi32, #tpu.memory_space<vmem>> -> memref<1x128xi32, #tpu.memory_space<vmem>>
        %dma_start3A_193 = tpu.memref_squeeze %dma_start3A_192 : memref<1x128xi32, #tpu.memory_space<vmem>> -> memref<128xi32, #tpu.memory_space<vmem>>
        %dma_start3A_194 = arith.constant 0 : i32
        %dma_start3A_195 = arith.constant 0 : i32
        %dma_start3A_196 = tpu.memref_slice %arg16[%dma_start3A_194, %dma_start3A_195] : memref<10008x8xf32, #tpu.memory_space<vmem_shared>> -> memref<10008x8xf32, #tpu.memory_space<vmem_shared>>
        tpu.enqueue_indirect_dma source(%dma_start3A_190 : memref<128x8xf32, #tpu.memory_space<vmem>>) target(%dma_start3A_196 : memref<10008x8xf32, #tpu.memory_space<vmem_shared>>) offsets(%dma_start3A_193 : memref<128xi32, #tpu.memory_space<vmem>>) semaphore(%arg19 : memref<!tpu.dma_semaphore, #tpu.memory_space<semaphore_mem>>) {add = true}
        %mul3A_197 = arith.constant 4 : i32
        %mul3A_198 = arith.muli %mul3A_92, %mul3A_197 : i32
        %add3A_199 = arith.constant 3 : i32
        %add3A_200 = arith.addi %mul3A_198, %add3A_199 : i32
        %dma_start3A_201 = arith.constant 3 : i32
        %dma_start3A_202 = arith.constant 0 : i32
        %dma_start3A_203 = arith.constant 0 : i32
        %dma_start3A_204 = tpu.memref_slice %arg13[%dma_start3A_201, %dma_start3A_202, %dma_start3A_203] : memref<4x128x8xf32, #tpu.memory_space<vmem>> -> memref<1x128x8xf32, #tpu.memory_space<vmem>>
        %dma_start3A_205 = tpu.memref_squeeze %dma_start3A_204 : memref<1x128x8xf32, #tpu.memory_space<vmem>> -> memref<128x8xf32, #tpu.memory_space<vmem>>
        %dma_start3A_206 = arith.constant 0 : i32
        %dma_start3A_207 = tpu.memref_slice %arg12[%add3A_200, %dma_start3A_206] : memref<80x128xi32, #tpu.memory_space<vmem>> -> memref<1x128xi32, #tpu.memory_space<vmem>>
        %dma_start3A_208 = tpu.memref_squeeze %dma_start3A_207 : memref<1x128xi32, #tpu.memory_space<vmem>> -> memref<128xi32, #tpu.memory_space<vmem>>
        %dma_start3A_209 = arith.constant 0 : i32
        %dma_start3A_210 = arith.constant 0 : i32
        %dma_start3A_211 = tpu.memref_slice %arg16[%dma_start3A_209, %dma_start3A_210] : memref<10008x8xf32, #tpu.memory_space<vmem_shared>> -> memref<10008x8xf32, #tpu.memory_space<vmem_shared>>
        tpu.enqueue_indirect_dma source(%dma_start3A_205 : memref<128x8xf32, #tpu.memory_space<vmem>>) target(%dma_start3A_211 : memref<10008x8xf32, #tpu.memory_space<vmem_shared>>) offsets(%dma_start3A_208 : memref<128xi32, #tpu.memory_space<vmem>>) semaphore(%arg19 : memref<!tpu.dma_semaphore, #tpu.memory_space<semaphore_mem>>) {add = true}
        %add3A_212 = arith.constant 1 : i32
        %add3A_213 = arith.addi %mul3A_92, %add3A_212 : i32
        %mul3A_214 = arith.constant 4 : i32
        %mul3A_215 = arith.muli %add3A_213, %mul3A_214 : i32
        %add3A_216 = arith.constant 0 : i32
        %add3A_217 = arith.addi %mul3A_215, %add3A_216 : i32
        %mul3A_218 = arith.constant 128 : i32
        %mul3A_219 = arith.muli %add3A_217, %mul3A_218 : i32
        %dma_start3A_220 = arith.constant 0 : i32
        %dma_start3A_221 = arith.constant 0 : i32
        %dma_start3A_222 = arith.constant 0 : i32
        %dma_start3A_223 = tpu.memref_slice %arg14[%dma_start3A_220, %dma_start3A_221, %dma_start3A_222] : memref<4x128x8xf32, #tpu.memory_space<vmem>> -> memref<1x128x8xf32, #tpu.memory_space<vmem>>
        %dma_start3A_224 = tpu.memref_squeeze %dma_start3A_223 : memref<1x128x8xf32, #tpu.memory_space<vmem>> -> memref<128x8xf32, #tpu.memory_space<vmem>>
        %dma_start3A_225 = tpu.memref_slice %arg11[%mul3A_219] : memref<10240xi32, #tpu.memory_space<vmem>> -> memref<128xi32, #tpu.memory_space<vmem>>
        %dma_start3A_226 = arith.constant 0 : i32
        %dma_start3A_227 = arith.constant 0 : i32
        %dma_start3A_228 = tpu.memref_slice %arg15[%dma_start3A_226, %dma_start3A_227] : memref<10000x8xf32, #tpu.memory_space<vmem_shared>> -> memref<10000x8xf32, #tpu.memory_space<vmem_shared>>
        tpu.enqueue_indirect_dma source(%dma_start3A_228 : memref<10000x8xf32, #tpu.memory_space<vmem_shared>>) target(%dma_start3A_224 : memref<128x8xf32, #tpu.memory_space<vmem>>) offsets(%dma_start3A_225 : memref<128xi32, #tpu.memory_space<vmem>>) semaphore(%arg18 : memref<!tpu.dma_semaphore, #tpu.memory_space<semaphore_mem>>)
        %mul3A_229 = arith.constant 4 : i32
        %mul3A_230 = arith.muli %add3A_213, %mul3A_229 : i32
        %add3A_231 = arith.constant 1 : i32
        %add3A_232 = arith.addi %mul3A_230, %add3A_231 : i32
        %mul3A_233 = arith.constant 128 : i32
        %mul3A_234 = arith.muli %add3A_232, %mul3A_233 : i32
        %dma_start3A_235 = arith.constant 1 : i32
        %dma_start3A_236 = arith.constant 0 : i32
        %dma_start3A_237 = arith.constant 0 : i32
        %dma_start3A_238 = tpu.memref_slice %arg14[%dma_start3A_235, %dma_start3A_236, %dma_start3A_237] : memref<4x128x8xf32, #tpu.memory_space<vmem>> -> memref<1x128x8xf32, #tpu.memory_space<vmem>>
        %dma_start3A_239 = tpu.memref_squeeze %dma_start3A_238 : memref<1x128x8xf32, #tpu.memory_space<vmem>> -> memref<128x8xf32, #tpu.memory_space<vmem>>
        %dma_start3A_240 = tpu.memref_slice %arg11[%mul3A_234] : memref<10240xi32, #tpu.memory_space<vmem>> -> memref<128xi32, #tpu.memory_space<vmem>>
        %dma_start3A_241 = arith.constant 0 : i32
        %dma_start3A_242 = arith.constant 0 : i32
        %dma_start3A_243 = tpu.memref_slice %arg15[%dma_start3A_241, %dma_start3A_242] : memref<10000x8xf32, #tpu.memory_space<vmem_shared>> -> memref<10000x8xf32, #tpu.memory_space<vmem_shared>>
        tpu.enqueue_indirect_dma source(%dma_start3A_243 : memref<10000x8xf32, #tpu.memory_space<vmem_shared>>) target(%dma_start3A_239 : memref<128x8xf32, #tpu.memory_space<vmem>>) offsets(%dma_start3A_240 : memref<128xi32, #tpu.memory_space<vmem>>) semaphore(%arg18 : memref<!tpu.dma_semaphore, #tpu.memory_space<semaphore_mem>>)
        %mul3A_244 = arith.constant 4 : i32
        %mul3A_245 = arith.muli %add3A_213, %mul3A_244 : i32
        %add3A_246 = arith.constant 2 : i32
        %add3A_247 = arith.addi %mul3A_245, %add3A_246 : i32
        %mul3A_248 = arith.constant 128 : i32
        %mul3A_249 = arith.muli %add3A_247, %mul3A_248 : i32
        %dma_start3A_250 = arith.constant 2 : i32
        %dma_start3A_251 = arith.constant 0 : i32
        %dma_start3A_252 = arith.constant 0 : i32
        %dma_start3A_253 = tpu.memref_slice %arg14[%dma_start3A_250, %dma_start3A_251, %dma_start3A_252] : memref<4x128x8xf32, #tpu.memory_space<vmem>> -> memref<1x128x8xf32, #tpu.memory_space<vmem>>
        %dma_start3A_254 = tpu.memref_squeeze %dma_start3A_253 : memref<1x128x8xf32, #tpu.memory_space<vmem>> -> memref<128x8xf32, #tpu.memory_space<vmem>>
        %dma_start3A_255 = tpu.memref_slice %arg11[%mul3A_249] : memref<10240xi32, #tpu.memory_space<vmem>> -> memref<128xi32, #tpu.memory_space<vmem>>
        %dma_start3A_256 = arith.constant 0 : i32
        %dma_start3A_257 = arith.constant 0 : i32
        %dma_start3A_258 = tpu.memref_slice %arg15[%dma_start3A_256, %dma_start3A_257] : memref<10000x8xf32, #tpu.memory_space<vmem_shared>> -> memref<10000x8xf32, #tpu.memory_space<vmem_shared>>
        tpu.enqueue_indirect_dma source(%dma_start3A_258 : memref<10000x8xf32, #tpu.memory_space<vmem_shared>>) target(%dma_start3A_254 : memref<128x8xf32, #tpu.memory_space<vmem>>) offsets(%dma_start3A_255 : memref<128xi32, #tpu.memory_space<vmem>>) semaphore(%arg18 : memref<!tpu.dma_semaphore, #tpu.memory_space<semaphore_mem>>)
        %mul3A_259 = arith.constant 4 : i32
        %mul3A_260 = arith.muli %add3A_213, %mul3A_259 : i32
        %add3A_261 = arith.constant 3 : i32
        %add3A_262 = arith.addi %mul3A_260, %add3A_261 : i32
        %mul3A_263 = arith.constant 128 : i32
        %mul3A_264 = arith.muli %add3A_262, %mul3A_263 : i32
        %dma_start3A_265 = arith.constant 3 : i32
        %dma_start3A_266 = arith.constant 0 : i32
        %dma_start3A_267 = arith.constant 0 : i32
        %dma_start3A_268 = tpu.memref_slice %arg14[%dma_start3A_265, %dma_start3A_266, %dma_start3A_267] : memref<4x128x8xf32, #tpu.memory_space<vmem>> -> memref<1x128x8xf32, #tpu.memory_space<vmem>>
        %dma_start3A_269 = tpu.memref_squeeze %dma_start3A_268 : memref<1x128x8xf32, #tpu.memory_space<vmem>> -> memref<128x8xf32, #tpu.memory_space<vmem>>
        %dma_start3A_270 = tpu.memref_slice %arg11[%mul3A_264] : memref<10240xi32, #tpu.memory_space<vmem>> -> memref<128xi32, #tpu.memory_space<vmem>>
        %dma_start3A_271 = arith.constant 0 : i32
        %dma_start3A_272 = arith.constant 0 : i32
        %dma_start3A_273 = tpu.memref_slice %arg15[%dma_start3A_271, %dma_start3A_272] : memref<10000x8xf32, #tpu.memory_space<vmem_shared>> -> memref<10000x8xf32, #tpu.memory_space<vmem_shared>>
        tpu.enqueue_indirect_dma source(%dma_start3A_273 : memref<10000x8xf32, #tpu.memory_space<vmem_shared>>) target(%dma_start3A_269 : memref<128x8xf32, #tpu.memory_space<vmem>>) offsets(%dma_start3A_270 : memref<128xi32, #tpu.memory_space<vmem>>) semaphore(%arg18 : memref<!tpu.dma_semaphore, #tpu.memory_space<semaphore_mem>>)
        %mul3A_274 = arith.constant 4 : i32
        %mul3A_275 = arith.muli %mul3A_92, %mul3A_274 : i32
        %add3A_276 = arith.constant 0 : i32
        %add3A_277 = arith.addi %mul3A_275, %add3A_276 : i32
        %dma_wait3A_278 = arith.constant 0 : i32
        %dma_wait3A_279 = arith.constant 0 : i32
        %dma_wait3A_280 = arith.constant 0 : i32
        %dma_wait3A_281 = tpu.memref_slice %arg13[%dma_wait3A_278, %dma_wait3A_279, %dma_wait3A_280] : memref<4x128x8xf32, #tpu.memory_space<vmem>> -> memref<1x128x8xf32, #tpu.memory_space<vmem>>
        %dma_wait3A_282 = tpu.memref_squeeze %dma_wait3A_281 : memref<1x128x8xf32, #tpu.memory_space<vmem>> -> memref<128x8xf32, #tpu.memory_space<vmem>>
        %dma_wait3A_283 = arith.constant 0 : i32
        %dma_wait3A_284 = tpu.memref_slice %arg12[%add3A_277, %dma_wait3A_283] : memref<80x128xi32, #tpu.memory_space<vmem>> -> memref<1x128xi32, #tpu.memory_space<vmem>>
        %dma_wait3A_285 = tpu.memref_squeeze %dma_wait3A_284 : memref<1x128xi32, #tpu.memory_space<vmem>> -> memref<128xi32, #tpu.memory_space<vmem>>
        %dma_wait3A_286 = arith.constant 0 : i32
        %dma_wait3A_287 = arith.constant 0 : i32
        %dma_wait3A_288 = tpu.memref_slice %arg16[%dma_wait3A_286, %dma_wait3A_287] : memref<10008x8xf32, #tpu.memory_space<vmem_shared>> -> memref<10008x8xf32, #tpu.memory_space<vmem_shared>>
        tpu.wait_indirect_dma semaphore(%arg19 : memref<!tpu.dma_semaphore, #tpu.memory_space<semaphore_mem>>) src(%dma_wait3A_282 : memref<128x8xf32, #tpu.memory_space<vmem>>) dst(%dma_wait3A_288 : memref<10008x8xf32, #tpu.memory_space<vmem_shared>>)
        %mul3A_289 = arith.constant 4 : i32
        %mul3A_290 = arith.muli %mul3A_92, %mul3A_289 : i32
        %add3A_291 = arith.constant 1 : i32
        %add3A_292 = arith.addi %mul3A_290, %add3A_291 : i32
        %dma_wait3A_293 = arith.constant 1 : i32
        %dma_wait3A_294 = arith.constant 0 : i32
        %dma_wait3A_295 = arith.constant 0 : i32
        %dma_wait3A_296 = tpu.memref_slice %arg13[%dma_wait3A_293, %dma_wait3A_294, %dma_wait3A_295] : memref<4x128x8xf32, #tpu.memory_space<vmem>> -> memref<1x128x8xf32, #tpu.memory_space<vmem>>
        %dma_wait3A_297 = tpu.memref_squeeze %dma_wait3A_296 : memref<1x128x8xf32, #tpu.memory_space<vmem>> -> memref<128x8xf32, #tpu.memory_space<vmem>>
        %dma_wait3A_298 = arith.constant 0 : i32
        %dma_wait3A_299 = tpu.memref_slice %arg12[%add3A_292, %dma_wait3A_298] : memref<80x128xi32, #tpu.memory_space<vmem>> -> memref<1x128xi32, #tpu.memory_space<vmem>>
        %dma_wait3A_300 = tpu.memref_squeeze %dma_wait3A_299 : memref<1x128xi32, #tpu.memory_space<vmem>> -> memref<128xi32, #tpu.memory_space<vmem>>
        %dma_wait3A_301 = arith.constant 0 : i32
        %dma_wait3A_302 = arith.constant 0 : i32
        %dma_wait3A_303 = tpu.memref_slice %arg16[%dma_wait3A_301, %dma_wait3A_302] : memref<10008x8xf32, #tpu.memory_space<vmem_shared>> -> memref<10008x8xf32, #tpu.memory_space<vmem_shared>>
        tpu.wait_indirect_dma semaphore(%arg19 : memref<!tpu.dma_semaphore, #tpu.memory_space<semaphore_mem>>) src(%dma_wait3A_297 : memref<128x8xf32, #tpu.memory_space<vmem>>) dst(%dma_wait3A_303 : memref<10008x8xf32, #tpu.memory_space<vmem_shared>>)
        %mul3A_304 = arith.constant 4 : i32
        %mul3A_305 = arith.muli %mul3A_92, %mul3A_304 : i32
        %add3A_306 = arith.constant 2 : i32
        %add3A_307 = arith.addi %mul3A_305, %add3A_306 : i32
        %dma_wait3A_308 = arith.constant 2 : i32
        %dma_wait3A_309 = arith.constant 0 : i32
        %dma_wait3A_310 = arith.constant 0 : i32
        %dma_wait3A_311 = tpu.memref_slice %arg13[%dma_wait3A_308, %dma_wait3A_309, %dma_wait3A_310] : memref<4x128x8xf32, #tpu.memory_space<vmem>> -> memref<1x128x8xf32, #tpu.memory_space<vmem>>
        %dma_wait3A_312 = tpu.memref_squeeze %dma_wait3A_311 : memref<1x128x8xf32, #tpu.memory_space<vmem>> -> memref<128x8xf32, #tpu.memory_space<vmem>>
        %dma_wait3A_313 = arith.constant 0 : i32
        %dma_wait3A_314 = tpu.memref_slice %arg12[%add3A_307, %dma_wait3A_313] : memref<80x128xi32, #tpu.memory_space<vmem>> -> memref<1x128xi32, #tpu.memory_space<vmem>>
        %dma_wait3A_315 = tpu.memref_squeeze %dma_wait3A_314 : memref<1x128xi32, #tpu.memory_space<vmem>> -> memref<128xi32, #tpu.memory_space<vmem>>
        %dma_wait3A_316 = arith.constant 0 : i32
        %dma_wait3A_317 = arith.constant 0 : i32
        %dma_wait3A_318 = tpu.memref_slice %arg16[%dma_wait3A_316, %dma_wait3A_317] : memref<10008x8xf32, #tpu.memory_space<vmem_shared>> -> memref<10008x8xf32, #tpu.memory_space<vmem_shared>>
        tpu.wait_indirect_dma semaphore(%arg19 : memref<!tpu.dma_semaphore, #tpu.memory_space<semaphore_mem>>) src(%dma_wait3A_312 : memref<128x8xf32, #tpu.memory_space<vmem>>) dst(%dma_wait3A_318 : memref<10008x8xf32, #tpu.memory_space<vmem_shared>>)
        %mul3A_319 = arith.constant 4 : i32
        %mul3A_320 = arith.muli %mul3A_92, %mul3A_319 : i32
        %add3A_321 = arith.constant 3 : i32
        %add3A_322 = arith.addi %mul3A_320, %add3A_321 : i32
        %dma_wait3A_323 = arith.constant 3 : i32
        %dma_wait3A_324 = arith.constant 0 : i32
        %dma_wait3A_325 = arith.constant 0 : i32
        %dma_wait3A_326 = tpu.memref_slice %arg13[%dma_wait3A_323, %dma_wait3A_324, %dma_wait3A_325] : memref<4x128x8xf32, #tpu.memory_space<vmem>> -> memref<1x128x8xf32, #tpu.memory_space<vmem>>
        %dma_wait3A_327 = tpu.memref_squeeze %dma_wait3A_326 : memref<1x128x8xf32, #tpu.memory_space<vmem>> -> memref<128x8xf32, #tpu.memory_space<vmem>>
        %dma_wait3A_328 = arith.constant 0 : i32
        %dma_wait3A_329 = tpu.memref_slice %arg12[%add3A_322, %dma_wait3A_328] : memref<80x128xi32, #tpu.memory_space<vmem>> -> memref<1x128xi32, #tpu.memory_space<vmem>>
        %dma_wait3A_330 = tpu.memref_squeeze %dma_wait3A_329 : memref<1x128xi32, #tpu.memory_space<vmem>> -> memref<128xi32, #tpu.memory_space<vmem>>
        %dma_wait3A_331 = arith.constant 0 : i32
        %dma_wait3A_332 = arith.constant 0 : i32
        %dma_wait3A_333 = tpu.memref_slice %arg16[%dma_wait3A_331, %dma_wait3A_332] : memref<10008x8xf32, #tpu.memory_space<vmem_shared>> -> memref<10008x8xf32, #tpu.memory_space<vmem_shared>>
        tpu.wait_indirect_dma semaphore(%arg19 : memref<!tpu.dma_semaphore, #tpu.memory_space<semaphore_mem>>) src(%dma_wait3A_327 : memref<128x8xf32, #tpu.memory_space<vmem>>) dst(%dma_wait3A_333 : memref<10008x8xf32, #tpu.memory_space<vmem_shared>>)
        %add3A_334 = arith.constant 2 : i32
        %add3A_335 = arith.addi %mul3A_92, %add3A_334 : i32
        %lt3A = arith.constant 20 : i32
        %lt3A_336 = arith.cmpi slt, %add3A_335, %lt3A : i32
        %convert_element_type3A_337 = arith.extui %lt3A_336 : i1 to i32
        %cond3A_338 = arith.constant 0 : i32
        %cond3A_339 = arith.cmpi ne, %convert_element_type3A_337, %cond3A_338 : i32
        scf.if %cond3A_339 {
          %add3A_526 = arith.constant 2 : i32
          %add3A_527 = arith.addi %mul3A_92, %add3A_526 : i32
          %mul3A_528 = arith.constant 4 : i32
          %mul3A_529 = arith.muli %add3A_527, %mul3A_528 : i32
          %add3A_530 = arith.constant 0 : i32
          %add3A_531 = arith.addi %mul3A_529, %add3A_530 : i32
          %mul3A_532 = arith.constant 128 : i32
          %mul3A_533 = arith.muli %add3A_531, %mul3A_532 : i32
          %dma_start3A_534 = arith.constant 0 : i32
          %dma_start3A_535 = arith.constant 0 : i32
          %dma_start3A_536 = arith.constant 0 : i32
          %dma_start3A_537 = tpu.memref_slice %arg13[%dma_start3A_534, %dma_start3A_535, %dma_start3A_536] : memref<4x128x8xf32, #tpu.memory_space<vmem>> -> memref<1x128x8xf32, #tpu.memory_space<vmem>>
          %dma_start3A_538 = tpu.memref_squeeze %dma_start3A_537 : memref<1x128x8xf32, #tpu.memory_space<vmem>> -> memref<128x8xf32, #tpu.memory_space<vmem>>
          %dma_start3A_539 = tpu.memref_slice %arg11[%mul3A_533] : memref<10240xi32, #tpu.memory_space<vmem>> -> memref<128xi32, #tpu.memory_space<vmem>>
          %dma_start3A_540 = arith.constant 0 : i32
          %dma_start3A_541 = arith.constant 0 : i32
          %dma_start3A_542 = tpu.memref_slice %arg15[%dma_start3A_540, %dma_start3A_541] : memref<10000x8xf32, #tpu.memory_space<vmem_shared>> -> memref<10000x8xf32, #tpu.memory_space<vmem_shared>>
          tpu.enqueue_indirect_dma source(%dma_start3A_542 : memref<10000x8xf32, #tpu.memory_space<vmem_shared>>) target(%dma_start3A_538 : memref<128x8xf32, #tpu.memory_space<vmem>>) offsets(%dma_start3A_539 : memref<128xi32, #tpu.memory_space<vmem>>) semaphore(%arg17 : memref<!tpu.dma_semaphore, #tpu.memory_space<semaphore_mem>>)
          %mul3A_543 = arith.constant 4 : i32
          %mul3A_544 = arith.muli %add3A_527, %mul3A_543 : i32
          %add3A_545 = arith.constant 1 : i32
          %add3A_546 = arith.addi %mul3A_544, %add3A_545 : i32
          %mul3A_547 = arith.constant 128 : i32
          %mul3A_548 = arith.muli %add3A_546, %mul3A_547 : i32
          %dma_start3A_549 = arith.constant 1 : i32
          %dma_start3A_550 = arith.constant 0 : i32
          %dma_start3A_551 = arith.constant 0 : i32
          %dma_start3A_552 = tpu.memref_slice %arg13[%dma_start3A_549, %dma_start3A_550, %dma_start3A_551] : memref<4x128x8xf32, #tpu.memory_space<vmem>> -> memref<1x128x8xf32, #tpu.memory_space<vmem>>
          %dma_start3A_553 = tpu.memref_squeeze %dma_start3A_552 : memref<1x128x8xf32, #tpu.memory_space<vmem>> -> memref<128x8xf32, #tpu.memory_space<vmem>>
          %dma_start3A_554 = tpu.memref_slice %arg11[%mul3A_548] : memref<10240xi32, #tpu.memory_space<vmem>> -> memref<128xi32, #tpu.memory_space<vmem>>
          %dma_start3A_555 = arith.constant 0 : i32
          %dma_start3A_556 = arith.constant 0 : i32
          %dma_start3A_557 = tpu.memref_slice %arg15[%dma_start3A_555, %dma_start3A_556] : memref<10000x8xf32, #tpu.memory_space<vmem_shared>> -> memref<10000x8xf32, #tpu.memory_space<vmem_shared>>
          tpu.enqueue_indirect_dma source(%dma_start3A_557 : memref<10000x8xf32, #tpu.memory_space<vmem_shared>>) target(%dma_start3A_553 : memref<128x8xf32, #tpu.memory_space<vmem>>) offsets(%dma_start3A_554 : memref<128xi32, #tpu.memory_space<vmem>>) semaphore(%arg17 : memref<!tpu.dma_semaphore, #tpu.memory_space<semaphore_mem>>)
          %mul3A_558 = arith.constant 4 : i32
          %mul3A_559 = arith.muli %add3A_527, %mul3A_558 : i32
          %add3A_560 = arith.constant 2 : i32
          %add3A_561 = arith.addi %mul3A_559, %add3A_560 : i32
          %mul3A_562 = arith.constant 128 : i32
          %mul3A_563 = arith.muli %add3A_561, %mul3A_562 : i32
          %dma_start3A_564 = arith.constant 2 : i32
          %dma_start3A_565 = arith.constant 0 : i32
          %dma_start3A_566 = arith.constant 0 : i32
          %dma_start3A_567 = tpu.memref_slice %arg13[%dma_start3A_564, %dma_start3A_565, %dma_start3A_566] : memref<4x128x8xf32, #tpu.memory_space<vmem>> -> memref<1x128x8xf32, #tpu.memory_space<vmem>>
          %dma_start3A_568 = tpu.memref_squeeze %dma_start3A_567 : memref<1x128x8xf32, #tpu.memory_space<vmem>> -> memref<128x8xf32, #tpu.memory_space<vmem>>
          %dma_start3A_569 = tpu.memref_slice %arg11[%mul3A_563] : memref<10240xi32, #tpu.memory_space<vmem>> -> memref<128xi32, #tpu.memory_space<vmem>>
          %dma_start3A_570 = arith.constant 0 : i32
          %dma_start3A_571 = arith.constant 0 : i32
          %dma_start3A_572 = tpu.memref_slice %arg15[%dma_start3A_570, %dma_start3A_571] : memref<10000x8xf32, #tpu.memory_space<vmem_shared>> -> memref<10000x8xf32, #tpu.memory_space<vmem_shared>>
          tpu.enqueue_indirect_dma source(%dma_start3A_572 : memref<10000x8xf32, #tpu.memory_space<vmem_shared>>) target(%dma_start3A_568 : memref<128x8xf32, #tpu.memory_space<vmem>>) offsets(%dma_start3A_569 : memref<128xi32, #tpu.memory_space<vmem>>) semaphore(%arg17 : memref<!tpu.dma_semaphore, #tpu.memory_space<semaphore_mem>>)
          %mul3A_573 = arith.constant 4 : i32
          %mul3A_574 = arith.muli %add3A_527, %mul3A_573 : i32
          %add3A_575 = arith.constant 3 : i32
          %add3A_576 = arith.addi %mul3A_574, %add3A_575 : i32
          %mul3A_577 = arith.constant 128 : i32
          %mul3A_578 = arith.muli %add3A_576, %mul3A_577 : i32
          %dma_start3A_579 = arith.constant 3 : i32
          %dma_start3A_580 = arith.constant 0 : i32
          %dma_start3A_581 = arith.constant 0 : i32
          %dma_start3A_582 = tpu.memref_slice %arg13[%dma_start3A_579, %dma_start3A_580, %dma_start3A_581] : memref<4x128x8xf32, #tpu.memory_space<vmem>> -> memref<1x128x8xf32, #tpu.memory_space<vmem>>
          %dma_start3A_583 = tpu.memref_squeeze %dma_start3A_582 : memref<1x128x8xf32, #tpu.memory_space<vmem>> -> memref<128x8xf32, #tpu.memory_space<vmem>>
          %dma_start3A_584 = tpu.memref_slice %arg11[%mul3A_578] : memref<10240xi32, #tpu.memory_space<vmem>> -> memref<128xi32, #tpu.memory_space<vmem>>
          %dma_start3A_585 = arith.constant 0 : i32
          %dma_start3A_586 = arith.constant 0 : i32
          %dma_start3A_587 = tpu.memref_slice %arg15[%dma_start3A_585, %dma_start3A_586] : memref<10000x8xf32, #tpu.memory_space<vmem_shared>> -> memref<10000x8xf32, #tpu.memory_space<vmem_shared>>
          tpu.enqueue_indirect_dma source(%dma_start3A_587 : memref<10000x8xf32, #tpu.memory_space<vmem_shared>>) target(%dma_start3A_583 : memref<128x8xf32, #tpu.memory_space<vmem>>) offsets(%dma_start3A_584 : memref<128xi32, #tpu.memory_space<vmem>>) semaphore(%arg17 : memref<!tpu.dma_semaphore, #tpu.memory_space<semaphore_mem>>)
        } else {
        }
        %add3A_340 = arith.constant 1 : i32
        %add3A_341 = arith.addi %mul3A_92, %add3A_340 : i32
        %mul3A_342 = arith.constant 4 : i32
        %mul3A_343 = arith.muli %add3A_341, %mul3A_342 : i32
        %add3A_344 = arith.constant 0 : i32
        %add3A_345 = arith.addi %mul3A_343, %add3A_344 : i32
        %mul3A_346 = arith.constant 128 : i32
        %mul3A_347 = arith.muli %add3A_345, %mul3A_346 : i32
        %dma_wait3A_348 = arith.constant 0 : i32
        %dma_wait3A_349 = arith.constant 0 : i32
        %dma_wait3A_350 = arith.constant 0 : i32
        %dma_wait3A_351 = tpu.memref_slice %arg14[%dma_wait3A_348, %dma_wait3A_349, %dma_wait3A_350] : memref<4x128x8xf32, #tpu.memory_space<vmem>> -> memref<1x128x8xf32, #tpu.memory_space<vmem>>
        %dma_wait3A_352 = tpu.memref_squeeze %dma_wait3A_351 : memref<1x128x8xf32, #tpu.memory_space<vmem>> -> memref<128x8xf32, #tpu.memory_space<vmem>>
        %dma_wait3A_353 = tpu.memref_slice %arg11[%mul3A_347] : memref<10240xi32, #tpu.memory_space<vmem>> -> memref<128xi32, #tpu.memory_space<vmem>>
        %dma_wait3A_354 = arith.constant 0 : i32
        %dma_wait3A_355 = arith.constant 0 : i32
        %dma_wait3A_356 = tpu.memref_slice %arg15[%dma_wait3A_354, %dma_wait3A_355] : memref<10000x8xf32, #tpu.memory_space<vmem_shared>> -> memref<10000x8xf32, #tpu.memory_space<vmem_shared>>
        tpu.wait_indirect_dma semaphore(%arg18 : memref<!tpu.dma_semaphore, #tpu.memory_space<semaphore_mem>>) src(%dma_wait3A_356 : memref<10000x8xf32, #tpu.memory_space<vmem_shared>>) dst(%dma_wait3A_352 : memref<128x8xf32, #tpu.memory_space<vmem>>)
        %mul3A_357 = arith.constant 4 : i32
        %mul3A_358 = arith.muli %add3A_341, %mul3A_357 : i32
        %add3A_359 = arith.constant 1 : i32
        %add3A_360 = arith.addi %mul3A_358, %add3A_359 : i32
        %mul3A_361 = arith.constant 128 : i32
        %mul3A_362 = arith.muli %add3A_360, %mul3A_361 : i32
        %dma_wait3A_363 = arith.constant 1 : i32
        %dma_wait3A_364 = arith.constant 0 : i32
        %dma_wait3A_365 = arith.constant 0 : i32
        %dma_wait3A_366 = tpu.memref_slice %arg14[%dma_wait3A_363, %dma_wait3A_364, %dma_wait3A_365] : memref<4x128x8xf32, #tpu.memory_space<vmem>> -> memref<1x128x8xf32, #tpu.memory_space<vmem>>
        %dma_wait3A_367 = tpu.memref_squeeze %dma_wait3A_366 : memref<1x128x8xf32, #tpu.memory_space<vmem>> -> memref<128x8xf32, #tpu.memory_space<vmem>>
        %dma_wait3A_368 = tpu.memref_slice %arg11[%mul3A_362] : memref<10240xi32, #tpu.memory_space<vmem>> -> memref<128xi32, #tpu.memory_space<vmem>>
        %dma_wait3A_369 = arith.constant 0 : i32
        %dma_wait3A_370 = arith.constant 0 : i32
        %dma_wait3A_371 = tpu.memref_slice %arg15[%dma_wait3A_369, %dma_wait3A_370] : memref<10000x8xf32, #tpu.memory_space<vmem_shared>> -> memref<10000x8xf32, #tpu.memory_space<vmem_shared>>
        tpu.wait_indirect_dma semaphore(%arg18 : memref<!tpu.dma_semaphore, #tpu.memory_space<semaphore_mem>>) src(%dma_wait3A_371 : memref<10000x8xf32, #tpu.memory_space<vmem_shared>>) dst(%dma_wait3A_367 : memref<128x8xf32, #tpu.memory_space<vmem>>)
        %mul3A_372 = arith.constant 4 : i32
        %mul3A_373 = arith.muli %add3A_341, %mul3A_372 : i32
        %add3A_374 = arith.constant 2 : i32
        %add3A_375 = arith.addi %mul3A_373, %add3A_374 : i32
        %mul3A_376 = arith.constant 128 : i32
        %mul3A_377 = arith.muli %add3A_375, %mul3A_376 : i32
        %dma_wait3A_378 = arith.constant 2 : i32
        %dma_wait3A_379 = arith.constant 0 : i32
        %dma_wait3A_380 = arith.constant 0 : i32
        %dma_wait3A_381 = tpu.memref_slice %arg14[%dma_wait3A_378, %dma_wait3A_379, %dma_wait3A_380] : memref<4x128x8xf32, #tpu.memory_space<vmem>> -> memref<1x128x8xf32, #tpu.memory_space<vmem>>
        %dma_wait3A_382 = tpu.memref_squeeze %dma_wait3A_381 : memref<1x128x8xf32, #tpu.memory_space<vmem>> -> memref<128x8xf32, #tpu.memory_space<vmem>>
        %dma_wait3A_383 = tpu.memref_slice %arg11[%mul3A_377] : memref<10240xi32, #tpu.memory_space<vmem>> -> memref<128xi32, #tpu.memory_space<vmem>>
        %dma_wait3A_384 = arith.constant 0 : i32
        %dma_wait3A_385 = arith.constant 0 : i32
        %dma_wait3A_386 = tpu.memref_slice %arg15[%dma_wait3A_384, %dma_wait3A_385] : memref<10000x8xf32, #tpu.memory_space<vmem_shared>> -> memref<10000x8xf32, #tpu.memory_space<vmem_shared>>
        tpu.wait_indirect_dma semaphore(%arg18 : memref<!tpu.dma_semaphore, #tpu.memory_space<semaphore_mem>>) src(%dma_wait3A_386 : memref<10000x8xf32, #tpu.memory_space<vmem_shared>>) dst(%dma_wait3A_382 : memref<128x8xf32, #tpu.memory_space<vmem>>)
        %mul3A_387 = arith.constant 4 : i32
        %mul3A_388 = arith.muli %add3A_341, %mul3A_387 : i32
        %add3A_389 = arith.constant 3 : i32
        %add3A_390 = arith.addi %mul3A_388, %add3A_389 : i32
        %mul3A_391 = arith.constant 128 : i32
        %mul3A_392 = arith.muli %add3A_390, %mul3A_391 : i32
        %dma_wait3A_393 = arith.constant 3 : i32
        %dma_wait3A_394 = arith.constant 0 : i32
        %dma_wait3A_395 = arith.constant 0 : i32
        %dma_wait3A_396 = tpu.memref_slice %arg14[%dma_wait3A_393, %dma_wait3A_394, %dma_wait3A_395] : memref<4x128x8xf32, #tpu.memory_space<vmem>> -> memref<1x128x8xf32, #tpu.memory_space<vmem>>
        %dma_wait3A_397 = tpu.memref_squeeze %dma_wait3A_396 : memref<1x128x8xf32, #tpu.memory_space<vmem>> -> memref<128x8xf32, #tpu.memory_space<vmem>>
        %dma_wait3A_398 = tpu.memref_slice %arg11[%mul3A_392] : memref<10240xi32, #tpu.memory_space<vmem>> -> memref<128xi32, #tpu.memory_space<vmem>>
        %dma_wait3A_399 = arith.constant 0 : i32
        %dma_wait3A_400 = arith.constant 0 : i32
        %dma_wait3A_401 = tpu.memref_slice %arg15[%dma_wait3A_399, %dma_wait3A_400] : memref<10000x8xf32, #tpu.memory_space<vmem_shared>> -> memref<10000x8xf32, #tpu.memory_space<vmem_shared>>
        tpu.wait_indirect_dma semaphore(%arg18 : memref<!tpu.dma_semaphore, #tpu.memory_space<semaphore_mem>>) src(%dma_wait3A_401 : memref<10000x8xf32, #tpu.memory_space<vmem_shared>>) dst(%dma_wait3A_397 : memref<128x8xf32, #tpu.memory_space<vmem>>)
        %add3A_402 = arith.constant 1 : i32
        %add3A_403 = arith.addi %mul3A_92, %add3A_402 : i32
        %mul3A_404 = arith.constant 4 : i32
        %mul3A_405 = arith.muli %add3A_403, %mul3A_404 : i32
        %add3A_406 = arith.constant 0 : i32
        %add3A_407 = arith.addi %mul3A_405, %add3A_406 : i32
        %dma_start3A_408 = arith.constant 0 : i32
        %dma_start3A_409 = arith.constant 0 : i32
        %dma_start3A_410 = arith.constant 0 : i32
        %dma_start3A_411 = tpu.memref_slice %arg14[%dma_start3A_408, %dma_start3A_409, %dma_start3A_410] : memref<4x128x8xf32, #tpu.memory_space<vmem>> -> memref<1x128x8xf32, #tpu.memory_space<vmem>>
        %dma_start3A_412 = tpu.memref_squeeze %dma_start3A_411 : memref<1x128x8xf32, #tpu.memory_space<vmem>> -> memref<128x8xf32, #tpu.memory_space<vmem>>
        %dma_start3A_413 = arith.constant 0 : i32
        %dma_start3A_414 = tpu.memref_slice %arg12[%add3A_407, %dma_start3A_413] : memref<80x128xi32, #tpu.memory_space<vmem>> -> memref<1x128xi32, #tpu.memory_space<vmem>>
        %dma_start3A_415 = tpu.memref_squeeze %dma_start3A_414 : memref<1x128xi32, #tpu.memory_space<vmem>> -> memref<128xi32, #tpu.memory_space<vmem>>
        %dma_start3A_416 = arith.constant 0 : i32
        %dma_start3A_417 = arith.constant 0 : i32
        %dma_start3A_418 = tpu.memref_slice %arg16[%dma_start3A_416, %dma_start3A_417] : memref<10008x8xf32, #tpu.memory_space<vmem_shared>> -> memref<10008x8xf32, #tpu.memory_space<vmem_shared>>
        tpu.enqueue_indirect_dma source(%dma_start3A_412 : memref<128x8xf32, #tpu.memory_space<vmem>>) target(%dma_start3A_418 : memref<10008x8xf32, #tpu.memory_space<vmem_shared>>) offsets(%dma_start3A_415 : memref<128xi32, #tpu.memory_space<vmem>>) semaphore(%arg19 : memref<!tpu.dma_semaphore, #tpu.memory_space<semaphore_mem>>) {add = true}
        %mul3A_419 = arith.constant 4 : i32
        %mul3A_420 = arith.muli %add3A_403, %mul3A_419 : i32
        %add3A_421 = arith.constant 1 : i32
        %add3A_422 = arith.addi %mul3A_420, %add3A_421 : i32
        %dma_start3A_423 = arith.constant 1 : i32
        %dma_start3A_424 = arith.constant 0 : i32
        %dma_start3A_425 = arith.constant 0 : i32
        %dma_start3A_426 = tpu.memref_slice %arg14[%dma_start3A_423, %dma_start3A_424, %dma_start3A_425] : memref<4x128x8xf32, #tpu.memory_space<vmem>> -> memref<1x128x8xf32, #tpu.memory_space<vmem>>
        %dma_start3A_427 = tpu.memref_squeeze %dma_start3A_426 : memref<1x128x8xf32, #tpu.memory_space<vmem>> -> memref<128x8xf32, #tpu.memory_space<vmem>>
        %dma_start3A_428 = arith.constant 0 : i32
        %dma_start3A_429 = tpu.memref_slice %arg12[%add3A_422, %dma_start3A_428] : memref<80x128xi32, #tpu.memory_space<vmem>> -> memref<1x128xi32, #tpu.memory_space<vmem>>
        %dma_start3A_430 = tpu.memref_squeeze %dma_start3A_429 : memref<1x128xi32, #tpu.memory_space<vmem>> -> memref<128xi32, #tpu.memory_space<vmem>>
        %dma_start3A_431 = arith.constant 0 : i32
        %dma_start3A_432 = arith.constant 0 : i32
        %dma_start3A_433 = tpu.memref_slice %arg16[%dma_start3A_431, %dma_start3A_432] : memref<10008x8xf32, #tpu.memory_space<vmem_shared>> -> memref<10008x8xf32, #tpu.memory_space<vmem_shared>>
        tpu.enqueue_indirect_dma source(%dma_start3A_427 : memref<128x8xf32, #tpu.memory_space<vmem>>) target(%dma_start3A_433 : memref<10008x8xf32, #tpu.memory_space<vmem_shared>>) offsets(%dma_start3A_430 : memref<128xi32, #tpu.memory_space<vmem>>) semaphore(%arg19 : memref<!tpu.dma_semaphore, #tpu.memory_space<semaphore_mem>>) {add = true}
        %mul3A_434 = arith.constant 4 : i32
        %mul3A_435 = arith.muli %add3A_403, %mul3A_434 : i32
        %add3A_436 = arith.constant 2 : i32
        %add3A_437 = arith.addi %mul3A_435, %add3A_436 : i32
        %dma_start3A_438 = arith.constant 2 : i32
        %dma_start3A_439 = arith.constant 0 : i32
        %dma_start3A_440 = arith.constant 0 : i32
        %dma_start3A_441 = tpu.memref_slice %arg14[%dma_start3A_438, %dma_start3A_439, %dma_start3A_440] : memref<4x128x8xf32, #tpu.memory_space<vmem>> -> memref<1x128x8xf32, #tpu.memory_space<vmem>>
        %dma_start3A_442 = tpu.memref_squeeze %dma_start3A_441 : memref<1x128x8xf32, #tpu.memory_space<vmem>> -> memref<128x8xf32, #tpu.memory_space<vmem>>
        %dma_start3A_443 = arith.constant 0 : i32
        %dma_start3A_444 = tpu.memref_slice %arg12[%add3A_437, %dma_start3A_443] : memref<80x128xi32, #tpu.memory_space<vmem>> -> memref<1x128xi32, #tpu.memory_space<vmem>>
        %dma_start3A_445 = tpu.memref_squeeze %dma_start3A_444 : memref<1x128xi32, #tpu.memory_space<vmem>> -> memref<128xi32, #tpu.memory_space<vmem>>
        %dma_start3A_446 = arith.constant 0 : i32
        %dma_start3A_447 = arith.constant 0 : i32
        %dma_start3A_448 = tpu.memref_slice %arg16[%dma_start3A_446, %dma_start3A_447] : memref<10008x8xf32, #tpu.memory_space<vmem_shared>> -> memref<10008x8xf32, #tpu.memory_space<vmem_shared>>
        tpu.enqueue_indirect_dma source(%dma_start3A_442 : memref<128x8xf32, #tpu.memory_space<vmem>>) target(%dma_start3A_448 : memref<10008x8xf32, #tpu.memory_space<vmem_shared>>) offsets(%dma_start3A_445 : memref<128xi32, #tpu.memory_space<vmem>>) semaphore(%arg19 : memref<!tpu.dma_semaphore, #tpu.memory_space<semaphore_mem>>) {add = true}
        %mul3A_449 = arith.constant 4 : i32
        %mul3A_450 = arith.muli %add3A_403, %mul3A_449 : i32
        %add3A_451 = arith.constant 3 : i32
        %add3A_452 = arith.addi %mul3A_450, %add3A_451 : i32
        %dma_start3A_453 = arith.constant 3 : i32
        %dma_start3A_454 = arith.constant 0 : i32
        %dma_start3A_455 = arith.constant 0 : i32
        %dma_start3A_456 = tpu.memref_slice %arg14[%dma_start3A_453, %dma_start3A_454, %dma_start3A_455] : memref<4x128x8xf32, #tpu.memory_space<vmem>> -> memref<1x128x8xf32, #tpu.memory_space<vmem>>
        %dma_start3A_457 = tpu.memref_squeeze %dma_start3A_456 : memref<1x128x8xf32, #tpu.memory_space<vmem>> -> memref<128x8xf32, #tpu.memory_space<vmem>>
        %dma_start3A_458 = arith.constant 0 : i32
        %dma_start3A_459 = tpu.memref_slice %arg12[%add3A_452, %dma_start3A_458] : memref<80x128xi32, #tpu.memory_space<vmem>> -> memref<1x128xi32, #tpu.memory_space<vmem>>
        %dma_start3A_460 = tpu.memref_squeeze %dma_start3A_459 : memref<1x128xi32, #tpu.memory_space<vmem>> -> memref<128xi32, #tpu.memory_space<vmem>>
        %dma_start3A_461 = arith.constant 0 : i32
        %dma_start3A_462 = arith.constant 0 : i32
        %dma_start3A_463 = tpu.memref_slice %arg16[%dma_start3A_461, %dma_start3A_462] : memref<10008x8xf32, #tpu.memory_space<vmem_shared>> -> memref<10008x8xf32, #tpu.memory_space<vmem_shared>>
        tpu.enqueue_indirect_dma source(%dma_start3A_457 : memref<128x8xf32, #tpu.memory_space<vmem>>) target(%dma_start3A_463 : memref<10008x8xf32, #tpu.memory_space<vmem_shared>>) offsets(%dma_start3A_460 : memref<128xi32, #tpu.memory_space<vmem>>) semaphore(%arg19 : memref<!tpu.dma_semaphore, #tpu.memory_space<semaphore_mem>>) {add = true}
        %add3A_464 = arith.constant 1 : i32
        %add3A_465 = arith.addi %mul3A_92, %add3A_464 : i32
        %mul3A_466 = arith.constant 4 : i32
        %mul3A_467 = arith.muli %add3A_465, %mul3A_466 : i32
        %add3A_468 = arith.constant 0 : i32
        %add3A_469 = arith.addi %mul3A_467, %add3A_468 : i32
        %dma_wait3A_470 = arith.constant 0 : i32
        %dma_wait3A_471 = arith.constant 0 : i32
        %dma_wait3A_472 = arith.constant 0 : i32
        %dma_wait3A_473 = tpu.memref_slice %arg14[%dma_wait3A_470, %dma_wait3A_471, %dma_wait3A_472] : memref<4x128x8xf32, #tpu.memory_space<vmem>> -> memref<1x128x8xf32, #tpu.memory_space<vmem>>
        %dma_wait3A_474 = tpu.memref_squeeze %dma_wait3A_473 : memref<1x128x8xf32, #tpu.memory_space<vmem>> -> memref<128x8xf32, #tpu.memory_space<vmem>>
        %dma_wait3A_475 = arith.constant 0 : i32
        %dma_wait3A_476 = tpu.memref_slice %arg12[%add3A_469, %dma_wait3A_475] : memref<80x128xi32, #tpu.memory_space<vmem>> -> memref<1x128xi32, #tpu.memory_space<vmem>>
        %dma_wait3A_477 = tpu.memref_squeeze %dma_wait3A_476 : memref<1x128xi32, #tpu.memory_space<vmem>> -> memref<128xi32, #tpu.memory_space<vmem>>
        %dma_wait3A_478 = arith.constant 0 : i32
        %dma_wait3A_479 = arith.constant 0 : i32
        %dma_wait3A_480 = tpu.memref_slice %arg16[%dma_wait3A_478, %dma_wait3A_479] : memref<10008x8xf32, #tpu.memory_space<vmem_shared>> -> memref<10008x8xf32, #tpu.memory_space<vmem_shared>>
        tpu.wait_indirect_dma semaphore(%arg19 : memref<!tpu.dma_semaphore, #tpu.memory_space<semaphore_mem>>) src(%dma_wait3A_474 : memref<128x8xf32, #tpu.memory_space<vmem>>) dst(%dma_wait3A_480 : memref<10008x8xf32, #tpu.memory_space<vmem_shared>>)
        %mul3A_481 = arith.constant 4 : i32
        %mul3A_482 = arith.muli %add3A_465, %mul3A_481 : i32
        %add3A_483 = arith.constant 1 : i32
        %add3A_484 = arith.addi %mul3A_482, %add3A_483 : i32
        %dma_wait3A_485 = arith.constant 1 : i32
        %dma_wait3A_486 = arith.constant 0 : i32
        %dma_wait3A_487 = arith.constant 0 : i32
        %dma_wait3A_488 = tpu.memref_slice %arg14[%dma_wait3A_485, %dma_wait3A_486, %dma_wait3A_487] : memref<4x128x8xf32, #tpu.memory_space<vmem>> -> memref<1x128x8xf32, #tpu.memory_space<vmem>>
        %dma_wait3A_489 = tpu.memref_squeeze %dma_wait3A_488 : memref<1x128x8xf32, #tpu.memory_space<vmem>> -> memref<128x8xf32, #tpu.memory_space<vmem>>
        %dma_wait3A_490 = arith.constant 0 : i32
        %dma_wait3A_491 = tpu.memref_slice %arg12[%add3A_484, %dma_wait3A_490] : memref<80x128xi32, #tpu.memory_space<vmem>> -> memref<1x128xi32, #tpu.memory_space<vmem>>
        %dma_wait3A_492 = tpu.memref_squeeze %dma_wait3A_491 : memref<1x128xi32, #tpu.memory_space<vmem>> -> memref<128xi32, #tpu.memory_space<vmem>>
        %dma_wait3A_493 = arith.constant 0 : i32
        %dma_wait3A_494 = arith.constant 0 : i32
        %dma_wait3A_495 = tpu.memref_slice %arg16[%dma_wait3A_493, %dma_wait3A_494] : memref<10008x8xf32, #tpu.memory_space<vmem_shared>> -> memref<10008x8xf32, #tpu.memory_space<vmem_shared>>
        tpu.wait_indirect_dma semaphore(%arg19 : memref<!tpu.dma_semaphore, #tpu.memory_space<semaphore_mem>>) src(%dma_wait3A_489 : memref<128x8xf32, #tpu.memory_space<vmem>>) dst(%dma_wait3A_495 : memref<10008x8xf32, #tpu.memory_space<vmem_shared>>)
        %mul3A_496 = arith.constant 4 : i32
        %mul3A_497 = arith.muli %add3A_465, %mul3A_496 : i32
        %add3A_498 = arith.constant 2 : i32
        %add3A_499 = arith.addi %mul3A_497, %add3A_498 : i32
        %dma_wait3A_500 = arith.constant 2 : i32
        %dma_wait3A_501 = arith.constant 0 : i32
        %dma_wait3A_502 = arith.constant 0 : i32
        %dma_wait3A_503 = tpu.memref_slice %arg14[%dma_wait3A_500, %dma_wait3A_501, %dma_wait3A_502] : memref<4x128x8xf32, #tpu.memory_space<vmem>> -> memref<1x128x8xf32, #tpu.memory_space<vmem>>
        %dma_wait3A_504 = tpu.memref_squeeze %dma_wait3A_503 : memref<1x128x8xf32, #tpu.memory_space<vmem>> -> memref<128x8xf32, #tpu.memory_space<vmem>>
        %dma_wait3A_505 = arith.constant 0 : i32
        %dma_wait3A_506 = tpu.memref_slice %arg12[%add3A_499, %dma_wait3A_505] : memref<80x128xi32, #tpu.memory_space<vmem>> -> memref<1x128xi32, #tpu.memory_space<vmem>>
        %dma_wait3A_507 = tpu.memref_squeeze %dma_wait3A_506 : memref<1x128xi32, #tpu.memory_space<vmem>> -> memref<128xi32, #tpu.memory_space<vmem>>
        %dma_wait3A_508 = arith.constant 0 : i32
        %dma_wait3A_509 = arith.constant 0 : i32
        %dma_wait3A_510 = tpu.memref_slice %arg16[%dma_wait3A_508, %dma_wait3A_509] : memref<10008x8xf32, #tpu.memory_space<vmem_shared>> -> memref<10008x8xf32, #tpu.memory_space<vmem_shared>>
        tpu.wait_indirect_dma semaphore(%arg19 : memref<!tpu.dma_semaphore, #tpu.memory_space<semaphore_mem>>) src(%dma_wait3A_504 : memref<128x8xf32, #tpu.memory_space<vmem>>) dst(%dma_wait3A_510 : memref<10008x8xf32, #tpu.memory_space<vmem_shared>>)
        %mul3A_511 = arith.constant 4 : i32
        %mul3A_512 = arith.muli %add3A_465, %mul3A_511 : i32
        %add3A_513 = arith.constant 3 : i32
        %add3A_514 = arith.addi %mul3A_512, %add3A_513 : i32
        %dma_wait3A_515 = arith.constant 3 : i32
        %dma_wait3A_516 = arith.constant 0 : i32
        %dma_wait3A_517 = arith.constant 0 : i32
        %dma_wait3A_518 = tpu.memref_slice %arg14[%dma_wait3A_515, %dma_wait3A_516, %dma_wait3A_517] : memref<4x128x8xf32, #tpu.memory_space<vmem>> -> memref<1x128x8xf32, #tpu.memory_space<vmem>>
        %dma_wait3A_519 = tpu.memref_squeeze %dma_wait3A_518 : memref<1x128x8xf32, #tpu.memory_space<vmem>> -> memref<128x8xf32, #tpu.memory_space<vmem>>
        %dma_wait3A_520 = arith.constant 0 : i32
        %dma_wait3A_521 = tpu.memref_slice %arg12[%add3A_514, %dma_wait3A_520] : memref<80x128xi32, #tpu.memory_space<vmem>> -> memref<1x128xi32, #tpu.memory_space<vmem>>
        %dma_wait3A_522 = tpu.memref_squeeze %dma_wait3A_521 : memref<1x128xi32, #tpu.memory_space<vmem>> -> memref<128xi32, #tpu.memory_space<vmem>>
        %dma_wait3A_523 = arith.constant 0 : i32
        %dma_wait3A_524 = arith.constant 0 : i32
        %dma_wait3A_525 = tpu.memref_slice %arg16[%dma_wait3A_523, %dma_wait3A_524] : memref<10008x8xf32, #tpu.memory_space<vmem_shared>> -> memref<10008x8xf32, #tpu.memory_space<vmem_shared>>
        tpu.wait_indirect_dma semaphore(%arg19 : memref<!tpu.dma_semaphore, #tpu.memory_space<semaphore_mem>>) src(%dma_wait3A_519 : memref<128x8xf32, #tpu.memory_space<vmem>>) dst(%dma_wait3A_525 : memref<10008x8xf32, #tpu.memory_space<vmem_shared>>)
      }
      %scan3A_88 = arith.constant 10 : i32
      %barrier3A_89 = arith.constant 0 : index
      tpu.barrier barrier_id(%barrier3A_89)
      "tpu.region"() ({
        %run_scoped3A = tpu.sem_alloc : memref<!tpu.dma_semaphore, #tpu.memory_space<semaphore_mem>>
        %dma_start3A_90 = arith.constant 0 : i32
        %dma_start3A_91 = tpu.memref_slice %arg10[%mul3A_7, %dma_start3A_90] : memref<10000x8xf32, #tpu.memory_space<hbm>> -> memref<625x8xf32, #tpu.memory_space<hbm>>
        %dma_start3A_92 = arith.constant 0 : i32
        %dma_start3A_93 = tpu.memref_slice %arg16[%mul3A_7, %dma_start3A_92] : memref<10008x8xf32, #tpu.memory_space<vmem_shared>> -> memref<625x8xf32, #tpu.memory_space<vmem_shared>>
        tpu.enqueue_dma source(%dma_start3A_93 : memref<625x8xf32, #tpu.memory_space<vmem_shared>>) target(%dma_start3A_91 : memref<625x8xf32, #tpu.memory_space<hbm>>) target_semaphore(%run_scoped3A : memref<!tpu.dma_semaphore, #tpu.memory_space<semaphore_mem>>)
        %dma_wait3A_94 = arith.constant 0 : i32
        %dma_wait3A_95 = tpu.memref_slice %arg10[%mul3A_7, %dma_wait3A_94] : memref<10000x8xf32, #tpu.memory_space<hbm>> -> memref<625x8xf32, #tpu.memory_space<hbm>>
        %dma_wait3A_96 = arith.constant 0 : i32
        %dma_wait3A_97 = tpu.memref_slice %arg16[%mul3A_7, %dma_wait3A_96] : memref<10008x8xf32, #tpu.memory_space<vmem_shared>> -> memref<625x8xf32, #tpu.memory_space<vmem_shared>>
        tpu.wait_dma2 semaphore(%run_scoped3A : memref<!tpu.dma_semaphore, #tpu.memory_space<semaphore_mem>>) src(%dma_wait3A_97 : memref<625x8xf32, #tpu.memory_space<vmem_shared>>) dst(%dma_wait3A_95 : memref<625x8xf32, #tpu.memory_space<hbm>>)
        tpu.yield
      }) : () -> ()
    } else {
    }
    return
  }
}

#map = affine_map<(d0, d1) -> (0, 0)>
#map1 = affine_map<(d0, d1) -> (0)>
#map2 = affine_map<(d0, d1) -> (0, 0, 0)>
module attributes {stable_mosaic.version = 14 : i64} {
  func.func @seg2(%arg0: i32, %arg1: i32, %arg2: memref<10000x16xf32, #tpu.memory_space<hbm>>, %arg3: memref<10000x16xf32, #tpu.memory_space<hbm>>, %arg4: memref<163840xi32, #tpu.memory_space<hbm>>, %arg5: memref<16x80x128xi32, #tpu.memory_space<hbm>>, %arg6: memref<163840xi32, #tpu.memory_space<hbm>>, %arg7: memref<16x80x128xi32, #tpu.memory_space<hbm>>, %arg8: memref<10000x16xf32, #tpu.memory_space<hbm>>, %arg9: memref<10000x16xf32, #tpu.memory_space<hbm>>, %arg10: memref<10000x16xf32, #tpu.memory_space<hbm>>, %arg11: memref<10240xi32, #tpu.memory_space<vmem>>, %arg12: memref<80x128xi32, #tpu.memory_space<vmem>>, %arg13: memref<4x128x16xf32, #tpu.memory_space<vmem>>, %arg14: memref<4x128x16xf32, #tpu.memory_space<vmem>>, %arg15: memref<10000x16xf32, #tpu.memory_space<vmem_shared>>, %arg16: memref<10008x16xf32, #tpu.memory_space<vmem_shared>>, %arg17: memref<!tpu.dma_semaphore, #tpu.memory_space<semaphore_mem>>, %arg18: memref<!tpu.dma_semaphore, #tpu.memory_space<semaphore_mem>>, %arg19: memref<!tpu.dma_semaphore, #tpu.memory_space<semaphore_mem>>) attributes {dimension_semantics = [#tpu.dimension_semantics<core_parallel>, #tpu.dimension_semantics<subcore_parallel>], iteration_bounds = array<i64: 2, 16>, scalar_prefetch = 0 : i64, scratch_operands = 9 : i64, tpu.core_type = #tpu.core_type<sc_vector_subcore>, window_params = [{transform_indices = #map}, {transform_indices = #map}, {transform_indices = #map1}, {transform_indices = #map2}, {transform_indices = #map1}, {transform_indices = #map2}, {transform_indices = #map}, {transform_indices = #map}, {transform_indices = #map}]} {
    %eq3A = arith.constant 0 : i32
    %eq3A_0 = arith.cmpi eq, %arg0, %eq3A : i32
    %convert_element_type3A = arith.extui %eq3A_0 : i1 to i32
    %cond3A = arith.constant 0 : i32
    %cond3A_1 = arith.cmpi ne, %convert_element_type3A, %cond3A : i32
    scf.if %cond3A_1 {
      %mul3A = arith.constant 625 : i32
      %mul3A_7 = arith.muli %arg1, %mul3A : i32
      %dma_start3A = arith.constant 0 : i32
      %dma_start3A_8 = tpu.memref_slice %arg16[%mul3A_7, %dma_start3A] : memref<10008x16xf32, #tpu.memory_space<vmem_shared>> -> memref<625x16xf32, #tpu.memory_space<vmem_shared>>
      %dma_start3A_9 = arith.constant 0 : i32
      %dma_start3A_10 = tpu.memref_slice %arg8[%mul3A_7, %dma_start3A_9] : memref<10000x16xf32, #tpu.memory_space<hbm>> -> memref<625x16xf32, #tpu.memory_space<hbm>>
      tpu.enqueue_dma source(%dma_start3A_10 : memref<625x16xf32, #tpu.memory_space<hbm>>) target(%dma_start3A_8 : memref<625x16xf32, #tpu.memory_space<vmem_shared>>) target_semaphore(%arg17 : memref<!tpu.dma_semaphore, #tpu.memory_space<semaphore_mem>>)
      %dma_start3A_11 = arith.constant 0 : i32
      %dma_start3A_12 = tpu.memref_slice %arg15[%mul3A_7, %dma_start3A_11] : memref<10000x16xf32, #tpu.memory_space<vmem_shared>> -> memref<625x16xf32, #tpu.memory_space<vmem_shared>>
      %dma_start3A_13 = arith.constant 0 : i32
      %dma_start3A_14 = tpu.memref_slice %arg3[%mul3A_7, %dma_start3A_13] : memref<10000x16xf32, #tpu.memory_space<hbm>> -> memref<625x16xf32, #tpu.memory_space<hbm>>
      tpu.enqueue_dma source(%dma_start3A_14 : memref<625x16xf32, #tpu.memory_space<hbm>>) target(%dma_start3A_12 : memref<625x16xf32, #tpu.memory_space<vmem_shared>>) target_semaphore(%arg18 : memref<!tpu.dma_semaphore, #tpu.memory_space<semaphore_mem>>)
      %mul3A_15 = arith.constant 10240 : i32
      %mul3A_16 = arith.muli %arg1, %mul3A_15 : i32
      %dma_start3A_17 = tpu.memref_slice %arg4[%mul3A_16] : memref<163840xi32, #tpu.memory_space<hbm>> -> memref<10240xi32, #tpu.memory_space<hbm>>
      %dma_start3A_18 = tpu.memref_slice %arg4[%mul3A_16] : memref<163840xi32, #tpu.memory_space<hbm>> -> memref<10240xi32, #tpu.memory_space<hbm>>
      tpu.enqueue_dma source(%dma_start3A_18 : memref<10240xi32, #tpu.memory_space<hbm>>) target(%arg11 : memref<10240xi32, #tpu.memory_space<vmem>>) target_semaphore(%arg19 : memref<!tpu.dma_semaphore, #tpu.memory_space<semaphore_mem>>)
      %dma_start3A_19 = arith.constant 0 : i32
      %dma_start3A_20 = arith.constant 0 : i32
      %dma_start3A_21 = tpu.memref_slice %arg5[%arg1, %dma_start3A_19, %dma_start3A_20] : memref<16x80x128xi32, #tpu.memory_space<hbm>> -> memref<1x80x128xi32, #tpu.memory_space<hbm>>
      %dma_start3A_22 = tpu.memref_squeeze %dma_start3A_21 : memref<1x80x128xi32, #tpu.memory_space<hbm>> -> memref<80x128xi32, #tpu.memory_space<hbm>>
      %dma_start3A_23 = arith.constant 0 : i32
      %dma_start3A_24 = arith.constant 0 : i32
      %dma_start3A_25 = tpu.memref_slice %arg5[%arg1, %dma_start3A_23, %dma_start3A_24] : memref<16x80x128xi32, #tpu.memory_space<hbm>> -> memref<1x80x128xi32, #tpu.memory_space<hbm>>
      %dma_start3A_26 = tpu.memref_squeeze %dma_start3A_25 : memref<1x80x128xi32, #tpu.memory_space<hbm>> -> memref<80x128xi32, #tpu.memory_space<hbm>>
      tpu.enqueue_dma source(%dma_start3A_26 : memref<80x128xi32, #tpu.memory_space<hbm>>) target(%arg12 : memref<80x128xi32, #tpu.memory_space<vmem>>) target_semaphore(%arg19 : memref<!tpu.dma_semaphore, #tpu.memory_space<semaphore_mem>>)
      %dma_wait3A = arith.constant 0 : i32
      %dma_wait3A_27 = tpu.memref_slice %arg16[%mul3A_7, %dma_wait3A] : memref<10008x16xf32, #tpu.memory_space<vmem_shared>> -> memref<625x16xf32, #tpu.memory_space<vmem_shared>>
      %dma_wait3A_28 = arith.constant 0 : i32
      %dma_wait3A_29 = tpu.memref_slice %arg8[%mul3A_7, %dma_wait3A_28] : memref<10000x16xf32, #tpu.memory_space<hbm>> -> memref<625x16xf32, #tpu.memory_space<hbm>>
      tpu.wait_dma2 semaphore(%arg17 : memref<!tpu.dma_semaphore, #tpu.memory_space<semaphore_mem>>) src(%dma_wait3A_29 : memref<625x16xf32, #tpu.memory_space<hbm>>) dst(%dma_wait3A_27 : memref<625x16xf32, #tpu.memory_space<vmem_shared>>)
      %dma_wait3A_30 = arith.constant 0 : i32
      %dma_wait3A_31 = tpu.memref_slice %arg15[%mul3A_7, %dma_wait3A_30] : memref<10000x16xf32, #tpu.memory_space<vmem_shared>> -> memref<625x16xf32, #tpu.memory_space<vmem_shared>>
      %dma_wait3A_32 = arith.constant 0 : i32
      %dma_wait3A_33 = tpu.memref_slice %arg3[%mul3A_7, %dma_wait3A_32] : memref<10000x16xf32, #tpu.memory_space<hbm>> -> memref<625x16xf32, #tpu.memory_space<hbm>>
      tpu.wait_dma2 semaphore(%arg18 : memref<!tpu.dma_semaphore, #tpu.memory_space<semaphore_mem>>) src(%dma_wait3A_33 : memref<625x16xf32, #tpu.memory_space<hbm>>) dst(%dma_wait3A_31 : memref<625x16xf32, #tpu.memory_space<vmem_shared>>)
      %dma_wait3A_34 = tpu.memref_slice %arg4[%mul3A_16] : memref<163840xi32, #tpu.memory_space<hbm>> -> memref<10240xi32, #tpu.memory_space<hbm>>
      %dma_wait3A_35 = tpu.memref_slice %arg4[%mul3A_16] : memref<163840xi32, #tpu.memory_space<hbm>> -> memref<10240xi32, #tpu.memory_space<hbm>>
      tpu.wait_dma2 semaphore(%arg19 : memref<!tpu.dma_semaphore, #tpu.memory_space<semaphore_mem>>) src(%dma_wait3A_35 : memref<10240xi32, #tpu.memory_space<hbm>>) dst(%arg11 : memref<10240xi32, #tpu.memory_space<vmem>>)
      %dma_wait3A_36 = arith.constant 0 : i32
      %dma_wait3A_37 = arith.constant 0 : i32
      %dma_wait3A_38 = tpu.memref_slice %arg5[%arg1, %dma_wait3A_36, %dma_wait3A_37] : memref<16x80x128xi32, #tpu.memory_space<hbm>> -> memref<1x80x128xi32, #tpu.memory_space<hbm>>
      %dma_wait3A_39 = tpu.memref_squeeze %dma_wait3A_38 : memref<1x80x128xi32, #tpu.memory_space<hbm>> -> memref<80x128xi32, #tpu.memory_space<hbm>>
      %dma_wait3A_40 = arith.constant 0 : i32
      %dma_wait3A_41 = arith.constant 0 : i32
      %dma_wait3A_42 = tpu.memref_slice %arg5[%arg1, %dma_wait3A_40, %dma_wait3A_41] : memref<16x80x128xi32, #tpu.memory_space<hbm>> -> memref<1x80x128xi32, #tpu.memory_space<hbm>>
      %dma_wait3A_43 = tpu.memref_squeeze %dma_wait3A_42 : memref<1x80x128xi32, #tpu.memory_space<hbm>> -> memref<80x128xi32, #tpu.memory_space<hbm>>
      tpu.wait_dma2 semaphore(%arg19 : memref<!tpu.dma_semaphore, #tpu.memory_space<semaphore_mem>>) src(%dma_wait3A_43 : memref<80x128xi32, #tpu.memory_space<hbm>>) dst(%arg12 : memref<80x128xi32, #tpu.memory_space<vmem>>)
      %barrier3A = arith.constant 0 : index
      tpu.barrier barrier_id(%barrier3A)
      %dma_start3A_44 = arith.constant 0 : i32
      %dma_start3A_45 = arith.constant 0 : i32
      %dma_start3A_46 = arith.constant 0 : i32
      %dma_start3A_47 = tpu.memref_slice %arg13[%dma_start3A_44, %dma_start3A_45, %dma_start3A_46] : memref<4x128x16xf32, #tpu.memory_space<vmem>> -> memref<1x128x16xf32, #tpu.memory_space<vmem>>
      %dma_start3A_48 = tpu.memref_squeeze %dma_start3A_47 : memref<1x128x16xf32, #tpu.memory_space<vmem>> -> memref<128x16xf32, #tpu.memory_space<vmem>>
      %dma_start3A_49 = arith.constant 0 : i32
      %dma_start3A_50 = tpu.memref_slice %arg11[%dma_start3A_49] : memref<10240xi32, #tpu.memory_space<vmem>> -> memref<128xi32, #tpu.memory_space<vmem>>
      %dma_start3A_51 = arith.constant 0 : i32
      %dma_start3A_52 = arith.constant 0 : i32
      %dma_start3A_53 = tpu.memref_slice %arg15[%dma_start3A_51, %dma_start3A_52] : memref<10000x16xf32, #tpu.memory_space<vmem_shared>> -> memref<10000x16xf32, #tpu.memory_space<vmem_shared>>
      tpu.enqueue_indirect_dma source(%dma_start3A_53 : memref<10000x16xf32, #tpu.memory_space<vmem_shared>>) target(%dma_start3A_48 : memref<128x16xf32, #tpu.memory_space<vmem>>) offsets(%dma_start3A_50 : memref<128xi32, #tpu.memory_space<vmem>>) semaphore(%arg17 : memref<!tpu.dma_semaphore, #tpu.memory_space<semaphore_mem>>)
      %dma_start3A_54 = arith.constant 1 : i32
      %dma_start3A_55 = arith.constant 0 : i32
      %dma_start3A_56 = arith.constant 0 : i32
      %dma_start3A_57 = tpu.memref_slice %arg13[%dma_start3A_54, %dma_start3A_55, %dma_start3A_56] : memref<4x128x16xf32, #tpu.memory_space<vmem>> -> memref<1x128x16xf32, #tpu.memory_space<vmem>>
      %dma_start3A_58 = tpu.memref_squeeze %dma_start3A_57 : memref<1x128x16xf32, #tpu.memory_space<vmem>> -> memref<128x16xf32, #tpu.memory_space<vmem>>
      %dma_start3A_59 = arith.constant 128 : i32
      %dma_start3A_60 = tpu.memref_slice %arg11[%dma_start3A_59] : memref<10240xi32, #tpu.memory_space<vmem>> -> memref<128xi32, #tpu.memory_space<vmem>>
      %dma_start3A_61 = arith.constant 0 : i32
      %dma_start3A_62 = arith.constant 0 : i32
      %dma_start3A_63 = tpu.memref_slice %arg15[%dma_start3A_61, %dma_start3A_62] : memref<10000x16xf32, #tpu.memory_space<vmem_shared>> -> memref<10000x16xf32, #tpu.memory_space<vmem_shared>>
      tpu.enqueue_indirect_dma source(%dma_start3A_63 : memref<10000x16xf32, #tpu.memory_space<vmem_shared>>) target(%dma_start3A_58 : memref<128x16xf32, #tpu.memory_space<vmem>>) offsets(%dma_start3A_60 : memref<128xi32, #tpu.memory_space<vmem>>) semaphore(%arg17 : memref<!tpu.dma_semaphore, #tpu.memory_space<semaphore_mem>>)
      %dma_start3A_64 = arith.constant 2 : i32
      %dma_start3A_65 = arith.constant 0 : i32
      %dma_start3A_66 = arith.constant 0 : i32
      %dma_start3A_67 = tpu.memref_slice %arg13[%dma_start3A_64, %dma_start3A_65, %dma_start3A_66] : memref<4x128x16xf32, #tpu.memory_space<vmem>> -> memref<1x128x16xf32, #tpu.memory_space<vmem>>
      %dma_start3A_68 = tpu.memref_squeeze %dma_start3A_67 : memref<1x128x16xf32, #tpu.memory_space<vmem>> -> memref<128x16xf32, #tpu.memory_space<vmem>>
      %dma_start3A_69 = arith.constant 256 : i32
      %dma_start3A_70 = tpu.memref_slice %arg11[%dma_start3A_69] : memref<10240xi32, #tpu.memory_space<vmem>> -> memref<128xi32, #tpu.memory_space<vmem>>
      %dma_start3A_71 = arith.constant 0 : i32
      %dma_start3A_72 = arith.constant 0 : i32
      %dma_start3A_73 = tpu.memref_slice %arg15[%dma_start3A_71, %dma_start3A_72] : memref<10000x16xf32, #tpu.memory_space<vmem_shared>> -> memref<10000x16xf32, #tpu.memory_space<vmem_shared>>
      tpu.enqueue_indirect_dma source(%dma_start3A_73 : memref<10000x16xf32, #tpu.memory_space<vmem_shared>>) target(%dma_start3A_68 : memref<128x16xf32, #tpu.memory_space<vmem>>) offsets(%dma_start3A_70 : memref<128xi32, #tpu.memory_space<vmem>>) semaphore(%arg17 : memref<!tpu.dma_semaphore, #tpu.memory_space<semaphore_mem>>)
      %dma_start3A_74 = arith.constant 3 : i32
      %dma_start3A_75 = arith.constant 0 : i32
      %dma_start3A_76 = arith.constant 0 : i32
      %dma_start3A_77 = tpu.memref_slice %arg13[%dma_start3A_74, %dma_start3A_75, %dma_start3A_76] : memref<4x128x16xf32, #tpu.memory_space<vmem>> -> memref<1x128x16xf32, #tpu.memory_space<vmem>>
      %dma_start3A_78 = tpu.memref_squeeze %dma_start3A_77 : memref<1x128x16xf32, #tpu.memory_space<vmem>> -> memref<128x16xf32, #tpu.memory_space<vmem>>
      %dma_start3A_79 = arith.constant 384 : i32
      %dma_start3A_80 = tpu.memref_slice %arg11[%dma_start3A_79] : memref<10240xi32, #tpu.memory_space<vmem>> -> memref<128xi32, #tpu.memory_space<vmem>>
      %dma_start3A_81 = arith.constant 0 : i32
      %dma_start3A_82 = arith.constant 0 : i32
      %dma_start3A_83 = tpu.memref_slice %arg15[%dma_start3A_81, %dma_start3A_82] : memref<10000x16xf32, #tpu.memory_space<vmem_shared>> -> memref<10000x16xf32, #tpu.memory_space<vmem_shared>>
      tpu.enqueue_indirect_dma source(%dma_start3A_83 : memref<10000x16xf32, #tpu.memory_space<vmem_shared>>) target(%dma_start3A_78 : memref<128x16xf32, #tpu.memory_space<vmem>>) offsets(%dma_start3A_80 : memref<128xi32, #tpu.memory_space<vmem>>) semaphore(%arg17 : memref<!tpu.dma_semaphore, #tpu.memory_space<semaphore_mem>>)
      %scan3A = arith.constant 0 : i32
      %scan3A_84 = arith.constant 0 : i32
      %scan3A_85 = arith.constant 10 : i32
      %scan3A_86 = arith.addi %scan3A_84, %scan3A_85 : i32
      %scan3A_87 = arith.constant 1 : i32
      scf.for %scan3A_90 = %scan3A_84 to %scan3A_86 step %scan3A_87  : i32 {
        %mul3A_91 = arith.constant 2 : i32
        %mul3A_92 = arith.muli %mul3A_91, %scan3A_90 : i32
        %mul3A_93 = arith.constant 4 : i32
        %mul3A_94 = arith.muli %mul3A_92, %mul3A_93 : i32
        %add3A = arith.constant 0 : i32
        %add3A_95 = arith.addi %mul3A_94, %add3A : i32
        %mul3A_96 = arith.constant 128 : i32
        %mul3A_97 = arith.muli %add3A_95, %mul3A_96 : i32
        %dma_wait3A_98 = arith.constant 0 : i32
        %dma_wait3A_99 = arith.constant 0 : i32
        %dma_wait3A_100 = arith.constant 0 : i32
        %dma_wait3A_101 = tpu.memref_slice %arg13[%dma_wait3A_98, %dma_wait3A_99, %dma_wait3A_100] : memref<4x128x16xf32, #tpu.memory_space<vmem>> -> memref<1x128x16xf32, #tpu.memory_space<vmem>>
        %dma_wait3A_102 = tpu.memref_squeeze %dma_wait3A_101 : memref<1x128x16xf32, #tpu.memory_space<vmem>> -> memref<128x16xf32, #tpu.memory_space<vmem>>
        %dma_wait3A_103 = tpu.memref_slice %arg11[%mul3A_97] : memref<10240xi32, #tpu.memory_space<vmem>> -> memref<128xi32, #tpu.memory_space<vmem>>
        %dma_wait3A_104 = arith.constant 0 : i32
        %dma_wait3A_105 = arith.constant 0 : i32
        %dma_wait3A_106 = tpu.memref_slice %arg15[%dma_wait3A_104, %dma_wait3A_105] : memref<10000x16xf32, #tpu.memory_space<vmem_shared>> -> memref<10000x16xf32, #tpu.memory_space<vmem_shared>>
        tpu.wait_indirect_dma semaphore(%arg17 : memref<!tpu.dma_semaphore, #tpu.memory_space<semaphore_mem>>) src(%dma_wait3A_106 : memref<10000x16xf32, #tpu.memory_space<vmem_shared>>) dst(%dma_wait3A_102 : memref<128x16xf32, #tpu.memory_space<vmem>>)
        %mul3A_107 = arith.constant 4 : i32
        %mul3A_108 = arith.muli %mul3A_92, %mul3A_107 : i32
        %add3A_109 = arith.constant 1 : i32
        %add3A_110 = arith.addi %mul3A_108, %add3A_109 : i32
        %mul3A_111 = arith.constant 128 : i32
        %mul3A_112 = arith.muli %add3A_110, %mul3A_111 : i32
        %dma_wait3A_113 = arith.constant 1 : i32
        %dma_wait3A_114 = arith.constant 0 : i32
        %dma_wait3A_115 = arith.constant 0 : i32
        %dma_wait3A_116 = tpu.memref_slice %arg13[%dma_wait3A_113, %dma_wait3A_114, %dma_wait3A_115] : memref<4x128x16xf32, #tpu.memory_space<vmem>> -> memref<1x128x16xf32, #tpu.memory_space<vmem>>
        %dma_wait3A_117 = tpu.memref_squeeze %dma_wait3A_116 : memref<1x128x16xf32, #tpu.memory_space<vmem>> -> memref<128x16xf32, #tpu.memory_space<vmem>>
        %dma_wait3A_118 = tpu.memref_slice %arg11[%mul3A_112] : memref<10240xi32, #tpu.memory_space<vmem>> -> memref<128xi32, #tpu.memory_space<vmem>>
        %dma_wait3A_119 = arith.constant 0 : i32
        %dma_wait3A_120 = arith.constant 0 : i32
        %dma_wait3A_121 = tpu.memref_slice %arg15[%dma_wait3A_119, %dma_wait3A_120] : memref<10000x16xf32, #tpu.memory_space<vmem_shared>> -> memref<10000x16xf32, #tpu.memory_space<vmem_shared>>
        tpu.wait_indirect_dma semaphore(%arg17 : memref<!tpu.dma_semaphore, #tpu.memory_space<semaphore_mem>>) src(%dma_wait3A_121 : memref<10000x16xf32, #tpu.memory_space<vmem_shared>>) dst(%dma_wait3A_117 : memref<128x16xf32, #tpu.memory_space<vmem>>)
        %mul3A_122 = arith.constant 4 : i32
        %mul3A_123 = arith.muli %mul3A_92, %mul3A_122 : i32
        %add3A_124 = arith.constant 2 : i32
        %add3A_125 = arith.addi %mul3A_123, %add3A_124 : i32
        %mul3A_126 = arith.constant 128 : i32
        %mul3A_127 = arith.muli %add3A_125, %mul3A_126 : i32
        %dma_wait3A_128 = arith.constant 2 : i32
        %dma_wait3A_129 = arith.constant 0 : i32
        %dma_wait3A_130 = arith.constant 0 : i32
        %dma_wait3A_131 = tpu.memref_slice %arg13[%dma_wait3A_128, %dma_wait3A_129, %dma_wait3A_130] : memref<4x128x16xf32, #tpu.memory_space<vmem>> -> memref<1x128x16xf32, #tpu.memory_space<vmem>>
        %dma_wait3A_132 = tpu.memref_squeeze %dma_wait3A_131 : memref<1x128x16xf32, #tpu.memory_space<vmem>> -> memref<128x16xf32, #tpu.memory_space<vmem>>
        %dma_wait3A_133 = tpu.memref_slice %arg11[%mul3A_127] : memref<10240xi32, #tpu.memory_space<vmem>> -> memref<128xi32, #tpu.memory_space<vmem>>
        %dma_wait3A_134 = arith.constant 0 : i32
        %dma_wait3A_135 = arith.constant 0 : i32
        %dma_wait3A_136 = tpu.memref_slice %arg15[%dma_wait3A_134, %dma_wait3A_135] : memref<10000x16xf32, #tpu.memory_space<vmem_shared>> -> memref<10000x16xf32, #tpu.memory_space<vmem_shared>>
        tpu.wait_indirect_dma semaphore(%arg17 : memref<!tpu.dma_semaphore, #tpu.memory_space<semaphore_mem>>) src(%dma_wait3A_136 : memref<10000x16xf32, #tpu.memory_space<vmem_shared>>) dst(%dma_wait3A_132 : memref<128x16xf32, #tpu.memory_space<vmem>>)
        %mul3A_137 = arith.constant 4 : i32
        %mul3A_138 = arith.muli %mul3A_92, %mul3A_137 : i32
        %add3A_139 = arith.constant 3 : i32
        %add3A_140 = arith.addi %mul3A_138, %add3A_139 : i32
        %mul3A_141 = arith.constant 128 : i32
        %mul3A_142 = arith.muli %add3A_140, %mul3A_141 : i32
        %dma_wait3A_143 = arith.constant 3 : i32
        %dma_wait3A_144 = arith.constant 0 : i32
        %dma_wait3A_145 = arith.constant 0 : i32
        %dma_wait3A_146 = tpu.memref_slice %arg13[%dma_wait3A_143, %dma_wait3A_144, %dma_wait3A_145] : memref<4x128x16xf32, #tpu.memory_space<vmem>> -> memref<1x128x16xf32, #tpu.memory_space<vmem>>
        %dma_wait3A_147 = tpu.memref_squeeze %dma_wait3A_146 : memref<1x128x16xf32, #tpu.memory_space<vmem>> -> memref<128x16xf32, #tpu.memory_space<vmem>>
        %dma_wait3A_148 = tpu.memref_slice %arg11[%mul3A_142] : memref<10240xi32, #tpu.memory_space<vmem>> -> memref<128xi32, #tpu.memory_space<vmem>>
        %dma_wait3A_149 = arith.constant 0 : i32
        %dma_wait3A_150 = arith.constant 0 : i32
        %dma_wait3A_151 = tpu.memref_slice %arg15[%dma_wait3A_149, %dma_wait3A_150] : memref<10000x16xf32, #tpu.memory_space<vmem_shared>> -> memref<10000x16xf32, #tpu.memory_space<vmem_shared>>
        tpu.wait_indirect_dma semaphore(%arg17 : memref<!tpu.dma_semaphore, #tpu.memory_space<semaphore_mem>>) src(%dma_wait3A_151 : memref<10000x16xf32, #tpu.memory_space<vmem_shared>>) dst(%dma_wait3A_147 : memref<128x16xf32, #tpu.memory_space<vmem>>)
        %mul3A_152 = arith.constant 4 : i32
        %mul3A_153 = arith.muli %mul3A_92, %mul3A_152 : i32
        %add3A_154 = arith.constant 0 : i32
        %add3A_155 = arith.addi %mul3A_153, %add3A_154 : i32
        %dma_start3A_156 = arith.constant 0 : i32
        %dma_start3A_157 = arith.constant 0 : i32
        %dma_start3A_158 = arith.constant 0 : i32
        %dma_start3A_159 = tpu.memref_slice %arg13[%dma_start3A_156, %dma_start3A_157, %dma_start3A_158] : memref<4x128x16xf32, #tpu.memory_space<vmem>> -> memref<1x128x16xf32, #tpu.memory_space<vmem>>
        %dma_start3A_160 = tpu.memref_squeeze %dma_start3A_159 : memref<1x128x16xf32, #tpu.memory_space<vmem>> -> memref<128x16xf32, #tpu.memory_space<vmem>>
        %dma_start3A_161 = arith.constant 0 : i32
        %dma_start3A_162 = tpu.memref_slice %arg12[%add3A_155, %dma_start3A_161] : memref<80x128xi32, #tpu.memory_space<vmem>> -> memref<1x128xi32, #tpu.memory_space<vmem>>
        %dma_start3A_163 = tpu.memref_squeeze %dma_start3A_162 : memref<1x128xi32, #tpu.memory_space<vmem>> -> memref<128xi32, #tpu.memory_space<vmem>>
        %dma_start3A_164 = arith.constant 0 : i32
        %dma_start3A_165 = arith.constant 0 : i32
        %dma_start3A_166 = tpu.memref_slice %arg16[%dma_start3A_164, %dma_start3A_165] : memref<10008x16xf32, #tpu.memory_space<vmem_shared>> -> memref<10008x16xf32, #tpu.memory_space<vmem_shared>>
        tpu.enqueue_indirect_dma source(%dma_start3A_160 : memref<128x16xf32, #tpu.memory_space<vmem>>) target(%dma_start3A_166 : memref<10008x16xf32, #tpu.memory_space<vmem_shared>>) offsets(%dma_start3A_163 : memref<128xi32, #tpu.memory_space<vmem>>) semaphore(%arg19 : memref<!tpu.dma_semaphore, #tpu.memory_space<semaphore_mem>>) {add = true}
        %mul3A_167 = arith.constant 4 : i32
        %mul3A_168 = arith.muli %mul3A_92, %mul3A_167 : i32
        %add3A_169 = arith.constant 1 : i32
        %add3A_170 = arith.addi %mul3A_168, %add3A_169 : i32
        %dma_start3A_171 = arith.constant 1 : i32
        %dma_start3A_172 = arith.constant 0 : i32
        %dma_start3A_173 = arith.constant 0 : i32
        %dma_start3A_174 = tpu.memref_slice %arg13[%dma_start3A_171, %dma_start3A_172, %dma_start3A_173] : memref<4x128x16xf32, #tpu.memory_space<vmem>> -> memref<1x128x16xf32, #tpu.memory_space<vmem>>
        %dma_start3A_175 = tpu.memref_squeeze %dma_start3A_174 : memref<1x128x16xf32, #tpu.memory_space<vmem>> -> memref<128x16xf32, #tpu.memory_space<vmem>>
        %dma_start3A_176 = arith.constant 0 : i32
        %dma_start3A_177 = tpu.memref_slice %arg12[%add3A_170, %dma_start3A_176] : memref<80x128xi32, #tpu.memory_space<vmem>> -> memref<1x128xi32, #tpu.memory_space<vmem>>
        %dma_start3A_178 = tpu.memref_squeeze %dma_start3A_177 : memref<1x128xi32, #tpu.memory_space<vmem>> -> memref<128xi32, #tpu.memory_space<vmem>>
        %dma_start3A_179 = arith.constant 0 : i32
        %dma_start3A_180 = arith.constant 0 : i32
        %dma_start3A_181 = tpu.memref_slice %arg16[%dma_start3A_179, %dma_start3A_180] : memref<10008x16xf32, #tpu.memory_space<vmem_shared>> -> memref<10008x16xf32, #tpu.memory_space<vmem_shared>>
        tpu.enqueue_indirect_dma source(%dma_start3A_175 : memref<128x16xf32, #tpu.memory_space<vmem>>) target(%dma_start3A_181 : memref<10008x16xf32, #tpu.memory_space<vmem_shared>>) offsets(%dma_start3A_178 : memref<128xi32, #tpu.memory_space<vmem>>) semaphore(%arg19 : memref<!tpu.dma_semaphore, #tpu.memory_space<semaphore_mem>>) {add = true}
        %mul3A_182 = arith.constant 4 : i32
        %mul3A_183 = arith.muli %mul3A_92, %mul3A_182 : i32
        %add3A_184 = arith.constant 2 : i32
        %add3A_185 = arith.addi %mul3A_183, %add3A_184 : i32
        %dma_start3A_186 = arith.constant 2 : i32
        %dma_start3A_187 = arith.constant 0 : i32
        %dma_start3A_188 = arith.constant 0 : i32
        %dma_start3A_189 = tpu.memref_slice %arg13[%dma_start3A_186, %dma_start3A_187, %dma_start3A_188] : memref<4x128x16xf32, #tpu.memory_space<vmem>> -> memref<1x128x16xf32, #tpu.memory_space<vmem>>
        %dma_start3A_190 = tpu.memref_squeeze %dma_start3A_189 : memref<1x128x16xf32, #tpu.memory_space<vmem>> -> memref<128x16xf32, #tpu.memory_space<vmem>>
        %dma_start3A_191 = arith.constant 0 : i32
        %dma_start3A_192 = tpu.memref_slice %arg12[%add3A_185, %dma_start3A_191] : memref<80x128xi32, #tpu.memory_space<vmem>> -> memref<1x128xi32, #tpu.memory_space<vmem>>
        %dma_start3A_193 = tpu.memref_squeeze %dma_start3A_192 : memref<1x128xi32, #tpu.memory_space<vmem>> -> memref<128xi32, #tpu.memory_space<vmem>>
        %dma_start3A_194 = arith.constant 0 : i32
        %dma_start3A_195 = arith.constant 0 : i32
        %dma_start3A_196 = tpu.memref_slice %arg16[%dma_start3A_194, %dma_start3A_195] : memref<10008x16xf32, #tpu.memory_space<vmem_shared>> -> memref<10008x16xf32, #tpu.memory_space<vmem_shared>>
        tpu.enqueue_indirect_dma source(%dma_start3A_190 : memref<128x16xf32, #tpu.memory_space<vmem>>) target(%dma_start3A_196 : memref<10008x16xf32, #tpu.memory_space<vmem_shared>>) offsets(%dma_start3A_193 : memref<128xi32, #tpu.memory_space<vmem>>) semaphore(%arg19 : memref<!tpu.dma_semaphore, #tpu.memory_space<semaphore_mem>>) {add = true}
        %mul3A_197 = arith.constant 4 : i32
        %mul3A_198 = arith.muli %mul3A_92, %mul3A_197 : i32
        %add3A_199 = arith.constant 3 : i32
        %add3A_200 = arith.addi %mul3A_198, %add3A_199 : i32
        %dma_start3A_201 = arith.constant 3 : i32
        %dma_start3A_202 = arith.constant 0 : i32
        %dma_start3A_203 = arith.constant 0 : i32
        %dma_start3A_204 = tpu.memref_slice %arg13[%dma_start3A_201, %dma_start3A_202, %dma_start3A_203] : memref<4x128x16xf32, #tpu.memory_space<vmem>> -> memref<1x128x16xf32, #tpu.memory_space<vmem>>
        %dma_start3A_205 = tpu.memref_squeeze %dma_start3A_204 : memref<1x128x16xf32, #tpu.memory_space<vmem>> -> memref<128x16xf32, #tpu.memory_space<vmem>>
        %dma_start3A_206 = arith.constant 0 : i32
        %dma_start3A_207 = tpu.memref_slice %arg12[%add3A_200, %dma_start3A_206] : memref<80x128xi32, #tpu.memory_space<vmem>> -> memref<1x128xi32, #tpu.memory_space<vmem>>
        %dma_start3A_208 = tpu.memref_squeeze %dma_start3A_207 : memref<1x128xi32, #tpu.memory_space<vmem>> -> memref<128xi32, #tpu.memory_space<vmem>>
        %dma_start3A_209 = arith.constant 0 : i32
        %dma_start3A_210 = arith.constant 0 : i32
        %dma_start3A_211 = tpu.memref_slice %arg16[%dma_start3A_209, %dma_start3A_210] : memref<10008x16xf32, #tpu.memory_space<vmem_shared>> -> memref<10008x16xf32, #tpu.memory_space<vmem_shared>>
        tpu.enqueue_indirect_dma source(%dma_start3A_205 : memref<128x16xf32, #tpu.memory_space<vmem>>) target(%dma_start3A_211 : memref<10008x16xf32, #tpu.memory_space<vmem_shared>>) offsets(%dma_start3A_208 : memref<128xi32, #tpu.memory_space<vmem>>) semaphore(%arg19 : memref<!tpu.dma_semaphore, #tpu.memory_space<semaphore_mem>>) {add = true}
        %add3A_212 = arith.constant 1 : i32
        %add3A_213 = arith.addi %mul3A_92, %add3A_212 : i32
        %mul3A_214 = arith.constant 4 : i32
        %mul3A_215 = arith.muli %add3A_213, %mul3A_214 : i32
        %add3A_216 = arith.constant 0 : i32
        %add3A_217 = arith.addi %mul3A_215, %add3A_216 : i32
        %mul3A_218 = arith.constant 128 : i32
        %mul3A_219 = arith.muli %add3A_217, %mul3A_218 : i32
        %dma_start3A_220 = arith.constant 0 : i32
        %dma_start3A_221 = arith.constant 0 : i32
        %dma_start3A_222 = arith.constant 0 : i32
        %dma_start3A_223 = tpu.memref_slice %arg14[%dma_start3A_220, %dma_start3A_221, %dma_start3A_222] : memref<4x128x16xf32, #tpu.memory_space<vmem>> -> memref<1x128x16xf32, #tpu.memory_space<vmem>>
        %dma_start3A_224 = tpu.memref_squeeze %dma_start3A_223 : memref<1x128x16xf32, #tpu.memory_space<vmem>> -> memref<128x16xf32, #tpu.memory_space<vmem>>
        %dma_start3A_225 = tpu.memref_slice %arg11[%mul3A_219] : memref<10240xi32, #tpu.memory_space<vmem>> -> memref<128xi32, #tpu.memory_space<vmem>>
        %dma_start3A_226 = arith.constant 0 : i32
        %dma_start3A_227 = arith.constant 0 : i32
        %dma_start3A_228 = tpu.memref_slice %arg15[%dma_start3A_226, %dma_start3A_227] : memref<10000x16xf32, #tpu.memory_space<vmem_shared>> -> memref<10000x16xf32, #tpu.memory_space<vmem_shared>>
        tpu.enqueue_indirect_dma source(%dma_start3A_228 : memref<10000x16xf32, #tpu.memory_space<vmem_shared>>) target(%dma_start3A_224 : memref<128x16xf32, #tpu.memory_space<vmem>>) offsets(%dma_start3A_225 : memref<128xi32, #tpu.memory_space<vmem>>) semaphore(%arg18 : memref<!tpu.dma_semaphore, #tpu.memory_space<semaphore_mem>>)
        %mul3A_229 = arith.constant 4 : i32
        %mul3A_230 = arith.muli %add3A_213, %mul3A_229 : i32
        %add3A_231 = arith.constant 1 : i32
        %add3A_232 = arith.addi %mul3A_230, %add3A_231 : i32
        %mul3A_233 = arith.constant 128 : i32
        %mul3A_234 = arith.muli %add3A_232, %mul3A_233 : i32
        %dma_start3A_235 = arith.constant 1 : i32
        %dma_start3A_236 = arith.constant 0 : i32
        %dma_start3A_237 = arith.constant 0 : i32
        %dma_start3A_238 = tpu.memref_slice %arg14[%dma_start3A_235, %dma_start3A_236, %dma_start3A_237] : memref<4x128x16xf32, #tpu.memory_space<vmem>> -> memref<1x128x16xf32, #tpu.memory_space<vmem>>
        %dma_start3A_239 = tpu.memref_squeeze %dma_start3A_238 : memref<1x128x16xf32, #tpu.memory_space<vmem>> -> memref<128x16xf32, #tpu.memory_space<vmem>>
        %dma_start3A_240 = tpu.memref_slice %arg11[%mul3A_234] : memref<10240xi32, #tpu.memory_space<vmem>> -> memref<128xi32, #tpu.memory_space<vmem>>
        %dma_start3A_241 = arith.constant 0 : i32
        %dma_start3A_242 = arith.constant 0 : i32
        %dma_start3A_243 = tpu.memref_slice %arg15[%dma_start3A_241, %dma_start3A_242] : memref<10000x16xf32, #tpu.memory_space<vmem_shared>> -> memref<10000x16xf32, #tpu.memory_space<vmem_shared>>
        tpu.enqueue_indirect_dma source(%dma_start3A_243 : memref<10000x16xf32, #tpu.memory_space<vmem_shared>>) target(%dma_start3A_239 : memref<128x16xf32, #tpu.memory_space<vmem>>) offsets(%dma_start3A_240 : memref<128xi32, #tpu.memory_space<vmem>>) semaphore(%arg18 : memref<!tpu.dma_semaphore, #tpu.memory_space<semaphore_mem>>)
        %mul3A_244 = arith.constant 4 : i32
        %mul3A_245 = arith.muli %add3A_213, %mul3A_244 : i32
        %add3A_246 = arith.constant 2 : i32
        %add3A_247 = arith.addi %mul3A_245, %add3A_246 : i32
        %mul3A_248 = arith.constant 128 : i32
        %mul3A_249 = arith.muli %add3A_247, %mul3A_248 : i32
        %dma_start3A_250 = arith.constant 2 : i32
        %dma_start3A_251 = arith.constant 0 : i32
        %dma_start3A_252 = arith.constant 0 : i32
        %dma_start3A_253 = tpu.memref_slice %arg14[%dma_start3A_250, %dma_start3A_251, %dma_start3A_252] : memref<4x128x16xf32, #tpu.memory_space<vmem>> -> memref<1x128x16xf32, #tpu.memory_space<vmem>>
        %dma_start3A_254 = tpu.memref_squeeze %dma_start3A_253 : memref<1x128x16xf32, #tpu.memory_space<vmem>> -> memref<128x16xf32, #tpu.memory_space<vmem>>
        %dma_start3A_255 = tpu.memref_slice %arg11[%mul3A_249] : memref<10240xi32, #tpu.memory_space<vmem>> -> memref<128xi32, #tpu.memory_space<vmem>>
        %dma_start3A_256 = arith.constant 0 : i32
        %dma_start3A_257 = arith.constant 0 : i32
        %dma_start3A_258 = tpu.memref_slice %arg15[%dma_start3A_256, %dma_start3A_257] : memref<10000x16xf32, #tpu.memory_space<vmem_shared>> -> memref<10000x16xf32, #tpu.memory_space<vmem_shared>>
        tpu.enqueue_indirect_dma source(%dma_start3A_258 : memref<10000x16xf32, #tpu.memory_space<vmem_shared>>) target(%dma_start3A_254 : memref<128x16xf32, #tpu.memory_space<vmem>>) offsets(%dma_start3A_255 : memref<128xi32, #tpu.memory_space<vmem>>) semaphore(%arg18 : memref<!tpu.dma_semaphore, #tpu.memory_space<semaphore_mem>>)
        %mul3A_259 = arith.constant 4 : i32
        %mul3A_260 = arith.muli %add3A_213, %mul3A_259 : i32
        %add3A_261 = arith.constant 3 : i32
        %add3A_262 = arith.addi %mul3A_260, %add3A_261 : i32
        %mul3A_263 = arith.constant 128 : i32
        %mul3A_264 = arith.muli %add3A_262, %mul3A_263 : i32
        %dma_start3A_265 = arith.constant 3 : i32
        %dma_start3A_266 = arith.constant 0 : i32
        %dma_start3A_267 = arith.constant 0 : i32
        %dma_start3A_268 = tpu.memref_slice %arg14[%dma_start3A_265, %dma_start3A_266, %dma_start3A_267] : memref<4x128x16xf32, #tpu.memory_space<vmem>> -> memref<1x128x16xf32, #tpu.memory_space<vmem>>
        %dma_start3A_269 = tpu.memref_squeeze %dma_start3A_268 : memref<1x128x16xf32, #tpu.memory_space<vmem>> -> memref<128x16xf32, #tpu.memory_space<vmem>>
        %dma_start3A_270 = tpu.memref_slice %arg11[%mul3A_264] : memref<10240xi32, #tpu.memory_space<vmem>> -> memref<128xi32, #tpu.memory_space<vmem>>
        %dma_start3A_271 = arith.constant 0 : i32
        %dma_start3A_272 = arith.constant 0 : i32
        %dma_start3A_273 = tpu.memref_slice %arg15[%dma_start3A_271, %dma_start3A_272] : memref<10000x16xf32, #tpu.memory_space<vmem_shared>> -> memref<10000x16xf32, #tpu.memory_space<vmem_shared>>
        tpu.enqueue_indirect_dma source(%dma_start3A_273 : memref<10000x16xf32, #tpu.memory_space<vmem_shared>>) target(%dma_start3A_269 : memref<128x16xf32, #tpu.memory_space<vmem>>) offsets(%dma_start3A_270 : memref<128xi32, #tpu.memory_space<vmem>>) semaphore(%arg18 : memref<!tpu.dma_semaphore, #tpu.memory_space<semaphore_mem>>)
        %mul3A_274 = arith.constant 4 : i32
        %mul3A_275 = arith.muli %mul3A_92, %mul3A_274 : i32
        %add3A_276 = arith.constant 0 : i32
        %add3A_277 = arith.addi %mul3A_275, %add3A_276 : i32
        %dma_wait3A_278 = arith.constant 0 : i32
        %dma_wait3A_279 = arith.constant 0 : i32
        %dma_wait3A_280 = arith.constant 0 : i32
        %dma_wait3A_281 = tpu.memref_slice %arg13[%dma_wait3A_278, %dma_wait3A_279, %dma_wait3A_280] : memref<4x128x16xf32, #tpu.memory_space<vmem>> -> memref<1x128x16xf32, #tpu.memory_space<vmem>>
        %dma_wait3A_282 = tpu.memref_squeeze %dma_wait3A_281 : memref<1x128x16xf32, #tpu.memory_space<vmem>> -> memref<128x16xf32, #tpu.memory_space<vmem>>
        %dma_wait3A_283 = arith.constant 0 : i32
        %dma_wait3A_284 = tpu.memref_slice %arg12[%add3A_277, %dma_wait3A_283] : memref<80x128xi32, #tpu.memory_space<vmem>> -> memref<1x128xi32, #tpu.memory_space<vmem>>
        %dma_wait3A_285 = tpu.memref_squeeze %dma_wait3A_284 : memref<1x128xi32, #tpu.memory_space<vmem>> -> memref<128xi32, #tpu.memory_space<vmem>>
        %dma_wait3A_286 = arith.constant 0 : i32
        %dma_wait3A_287 = arith.constant 0 : i32
        %dma_wait3A_288 = tpu.memref_slice %arg16[%dma_wait3A_286, %dma_wait3A_287] : memref<10008x16xf32, #tpu.memory_space<vmem_shared>> -> memref<10008x16xf32, #tpu.memory_space<vmem_shared>>
        tpu.wait_indirect_dma semaphore(%arg19 : memref<!tpu.dma_semaphore, #tpu.memory_space<semaphore_mem>>) src(%dma_wait3A_282 : memref<128x16xf32, #tpu.memory_space<vmem>>) dst(%dma_wait3A_288 : memref<10008x16xf32, #tpu.memory_space<vmem_shared>>)
        %mul3A_289 = arith.constant 4 : i32
        %mul3A_290 = arith.muli %mul3A_92, %mul3A_289 : i32
        %add3A_291 = arith.constant 1 : i32
        %add3A_292 = arith.addi %mul3A_290, %add3A_291 : i32
        %dma_wait3A_293 = arith.constant 1 : i32
        %dma_wait3A_294 = arith.constant 0 : i32
        %dma_wait3A_295 = arith.constant 0 : i32
        %dma_wait3A_296 = tpu.memref_slice %arg13[%dma_wait3A_293, %dma_wait3A_294, %dma_wait3A_295] : memref<4x128x16xf32, #tpu.memory_space<vmem>> -> memref<1x128x16xf32, #tpu.memory_space<vmem>>
        %dma_wait3A_297 = tpu.memref_squeeze %dma_wait3A_296 : memref<1x128x16xf32, #tpu.memory_space<vmem>> -> memref<128x16xf32, #tpu.memory_space<vmem>>
        %dma_wait3A_298 = arith.constant 0 : i32
        %dma_wait3A_299 = tpu.memref_slice %arg12[%add3A_292, %dma_wait3A_298] : memref<80x128xi32, #tpu.memory_space<vmem>> -> memref<1x128xi32, #tpu.memory_space<vmem>>
        %dma_wait3A_300 = tpu.memref_squeeze %dma_wait3A_299 : memref<1x128xi32, #tpu.memory_space<vmem>> -> memref<128xi32, #tpu.memory_space<vmem>>
        %dma_wait3A_301 = arith.constant 0 : i32
        %dma_wait3A_302 = arith.constant 0 : i32
        %dma_wait3A_303 = tpu.memref_slice %arg16[%dma_wait3A_301, %dma_wait3A_302] : memref<10008x16xf32, #tpu.memory_space<vmem_shared>> -> memref<10008x16xf32, #tpu.memory_space<vmem_shared>>
        tpu.wait_indirect_dma semaphore(%arg19 : memref<!tpu.dma_semaphore, #tpu.memory_space<semaphore_mem>>) src(%dma_wait3A_297 : memref<128x16xf32, #tpu.memory_space<vmem>>) dst(%dma_wait3A_303 : memref<10008x16xf32, #tpu.memory_space<vmem_shared>>)
        %mul3A_304 = arith.constant 4 : i32
        %mul3A_305 = arith.muli %mul3A_92, %mul3A_304 : i32
        %add3A_306 = arith.constant 2 : i32
        %add3A_307 = arith.addi %mul3A_305, %add3A_306 : i32
        %dma_wait3A_308 = arith.constant 2 : i32
        %dma_wait3A_309 = arith.constant 0 : i32
        %dma_wait3A_310 = arith.constant 0 : i32
        %dma_wait3A_311 = tpu.memref_slice %arg13[%dma_wait3A_308, %dma_wait3A_309, %dma_wait3A_310] : memref<4x128x16xf32, #tpu.memory_space<vmem>> -> memref<1x128x16xf32, #tpu.memory_space<vmem>>
        %dma_wait3A_312 = tpu.memref_squeeze %dma_wait3A_311 : memref<1x128x16xf32, #tpu.memory_space<vmem>> -> memref<128x16xf32, #tpu.memory_space<vmem>>
        %dma_wait3A_313 = arith.constant 0 : i32
        %dma_wait3A_314 = tpu.memref_slice %arg12[%add3A_307, %dma_wait3A_313] : memref<80x128xi32, #tpu.memory_space<vmem>> -> memref<1x128xi32, #tpu.memory_space<vmem>>
        %dma_wait3A_315 = tpu.memref_squeeze %dma_wait3A_314 : memref<1x128xi32, #tpu.memory_space<vmem>> -> memref<128xi32, #tpu.memory_space<vmem>>
        %dma_wait3A_316 = arith.constant 0 : i32
        %dma_wait3A_317 = arith.constant 0 : i32
        %dma_wait3A_318 = tpu.memref_slice %arg16[%dma_wait3A_316, %dma_wait3A_317] : memref<10008x16xf32, #tpu.memory_space<vmem_shared>> -> memref<10008x16xf32, #tpu.memory_space<vmem_shared>>
        tpu.wait_indirect_dma semaphore(%arg19 : memref<!tpu.dma_semaphore, #tpu.memory_space<semaphore_mem>>) src(%dma_wait3A_312 : memref<128x16xf32, #tpu.memory_space<vmem>>) dst(%dma_wait3A_318 : memref<10008x16xf32, #tpu.memory_space<vmem_shared>>)
        %mul3A_319 = arith.constant 4 : i32
        %mul3A_320 = arith.muli %mul3A_92, %mul3A_319 : i32
        %add3A_321 = arith.constant 3 : i32
        %add3A_322 = arith.addi %mul3A_320, %add3A_321 : i32
        %dma_wait3A_323 = arith.constant 3 : i32
        %dma_wait3A_324 = arith.constant 0 : i32
        %dma_wait3A_325 = arith.constant 0 : i32
        %dma_wait3A_326 = tpu.memref_slice %arg13[%dma_wait3A_323, %dma_wait3A_324, %dma_wait3A_325] : memref<4x128x16xf32, #tpu.memory_space<vmem>> -> memref<1x128x16xf32, #tpu.memory_space<vmem>>
        %dma_wait3A_327 = tpu.memref_squeeze %dma_wait3A_326 : memref<1x128x16xf32, #tpu.memory_space<vmem>> -> memref<128x16xf32, #tpu.memory_space<vmem>>
        %dma_wait3A_328 = arith.constant 0 : i32
        %dma_wait3A_329 = tpu.memref_slice %arg12[%add3A_322, %dma_wait3A_328] : memref<80x128xi32, #tpu.memory_space<vmem>> -> memref<1x128xi32, #tpu.memory_space<vmem>>
        %dma_wait3A_330 = tpu.memref_squeeze %dma_wait3A_329 : memref<1x128xi32, #tpu.memory_space<vmem>> -> memref<128xi32, #tpu.memory_space<vmem>>
        %dma_wait3A_331 = arith.constant 0 : i32
        %dma_wait3A_332 = arith.constant 0 : i32
        %dma_wait3A_333 = tpu.memref_slice %arg16[%dma_wait3A_331, %dma_wait3A_332] : memref<10008x16xf32, #tpu.memory_space<vmem_shared>> -> memref<10008x16xf32, #tpu.memory_space<vmem_shared>>
        tpu.wait_indirect_dma semaphore(%arg19 : memref<!tpu.dma_semaphore, #tpu.memory_space<semaphore_mem>>) src(%dma_wait3A_327 : memref<128x16xf32, #tpu.memory_space<vmem>>) dst(%dma_wait3A_333 : memref<10008x16xf32, #tpu.memory_space<vmem_shared>>)
        %add3A_334 = arith.constant 2 : i32
        %add3A_335 = arith.addi %mul3A_92, %add3A_334 : i32
        %lt3A = arith.constant 20 : i32
        %lt3A_336 = arith.cmpi slt, %add3A_335, %lt3A : i32
        %convert_element_type3A_337 = arith.extui %lt3A_336 : i1 to i32
        %cond3A_338 = arith.constant 0 : i32
        %cond3A_339 = arith.cmpi ne, %convert_element_type3A_337, %cond3A_338 : i32
        scf.if %cond3A_339 {
          %add3A_526 = arith.constant 2 : i32
          %add3A_527 = arith.addi %mul3A_92, %add3A_526 : i32
          %mul3A_528 = arith.constant 4 : i32
          %mul3A_529 = arith.muli %add3A_527, %mul3A_528 : i32
          %add3A_530 = arith.constant 0 : i32
          %add3A_531 = arith.addi %mul3A_529, %add3A_530 : i32
          %mul3A_532 = arith.constant 128 : i32
          %mul3A_533 = arith.muli %add3A_531, %mul3A_532 : i32
          %dma_start3A_534 = arith.constant 0 : i32
          %dma_start3A_535 = arith.constant 0 : i32
          %dma_start3A_536 = arith.constant 0 : i32
          %dma_start3A_537 = tpu.memref_slice %arg13[%dma_start3A_534, %dma_start3A_535, %dma_start3A_536] : memref<4x128x16xf32, #tpu.memory_space<vmem>> -> memref<1x128x16xf32, #tpu.memory_space<vmem>>
          %dma_start3A_538 = tpu.memref_squeeze %dma_start3A_537 : memref<1x128x16xf32, #tpu.memory_space<vmem>> -> memref<128x16xf32, #tpu.memory_space<vmem>>
          %dma_start3A_539 = tpu.memref_slice %arg11[%mul3A_533] : memref<10240xi32, #tpu.memory_space<vmem>> -> memref<128xi32, #tpu.memory_space<vmem>>
          %dma_start3A_540 = arith.constant 0 : i32
          %dma_start3A_541 = arith.constant 0 : i32
          %dma_start3A_542 = tpu.memref_slice %arg15[%dma_start3A_540, %dma_start3A_541] : memref<10000x16xf32, #tpu.memory_space<vmem_shared>> -> memref<10000x16xf32, #tpu.memory_space<vmem_shared>>
          tpu.enqueue_indirect_dma source(%dma_start3A_542 : memref<10000x16xf32, #tpu.memory_space<vmem_shared>>) target(%dma_start3A_538 : memref<128x16xf32, #tpu.memory_space<vmem>>) offsets(%dma_start3A_539 : memref<128xi32, #tpu.memory_space<vmem>>) semaphore(%arg17 : memref<!tpu.dma_semaphore, #tpu.memory_space<semaphore_mem>>)
          %mul3A_543 = arith.constant 4 : i32
          %mul3A_544 = arith.muli %add3A_527, %mul3A_543 : i32
          %add3A_545 = arith.constant 1 : i32
          %add3A_546 = arith.addi %mul3A_544, %add3A_545 : i32
          %mul3A_547 = arith.constant 128 : i32
          %mul3A_548 = arith.muli %add3A_546, %mul3A_547 : i32
          %dma_start3A_549 = arith.constant 1 : i32
          %dma_start3A_550 = arith.constant 0 : i32
          %dma_start3A_551 = arith.constant 0 : i32
          %dma_start3A_552 = tpu.memref_slice %arg13[%dma_start3A_549, %dma_start3A_550, %dma_start3A_551] : memref<4x128x16xf32, #tpu.memory_space<vmem>> -> memref<1x128x16xf32, #tpu.memory_space<vmem>>
          %dma_start3A_553 = tpu.memref_squeeze %dma_start3A_552 : memref<1x128x16xf32, #tpu.memory_space<vmem>> -> memref<128x16xf32, #tpu.memory_space<vmem>>
          %dma_start3A_554 = tpu.memref_slice %arg11[%mul3A_548] : memref<10240xi32, #tpu.memory_space<vmem>> -> memref<128xi32, #tpu.memory_space<vmem>>
          %dma_start3A_555 = arith.constant 0 : i32
          %dma_start3A_556 = arith.constant 0 : i32
          %dma_start3A_557 = tpu.memref_slice %arg15[%dma_start3A_555, %dma_start3A_556] : memref<10000x16xf32, #tpu.memory_space<vmem_shared>> -> memref<10000x16xf32, #tpu.memory_space<vmem_shared>>
          tpu.enqueue_indirect_dma source(%dma_start3A_557 : memref<10000x16xf32, #tpu.memory_space<vmem_shared>>) target(%dma_start3A_553 : memref<128x16xf32, #tpu.memory_space<vmem>>) offsets(%dma_start3A_554 : memref<128xi32, #tpu.memory_space<vmem>>) semaphore(%arg17 : memref<!tpu.dma_semaphore, #tpu.memory_space<semaphore_mem>>)
          %mul3A_558 = arith.constant 4 : i32
          %mul3A_559 = arith.muli %add3A_527, %mul3A_558 : i32
          %add3A_560 = arith.constant 2 : i32
          %add3A_561 = arith.addi %mul3A_559, %add3A_560 : i32
          %mul3A_562 = arith.constant 128 : i32
          %mul3A_563 = arith.muli %add3A_561, %mul3A_562 : i32
          %dma_start3A_564 = arith.constant 2 : i32
          %dma_start3A_565 = arith.constant 0 : i32
          %dma_start3A_566 = arith.constant 0 : i32
          %dma_start3A_567 = tpu.memref_slice %arg13[%dma_start3A_564, %dma_start3A_565, %dma_start3A_566] : memref<4x128x16xf32, #tpu.memory_space<vmem>> -> memref<1x128x16xf32, #tpu.memory_space<vmem>>
          %dma_start3A_568 = tpu.memref_squeeze %dma_start3A_567 : memref<1x128x16xf32, #tpu.memory_space<vmem>> -> memref<128x16xf32, #tpu.memory_space<vmem>>
          %dma_start3A_569 = tpu.memref_slice %arg11[%mul3A_563] : memref<10240xi32, #tpu.memory_space<vmem>> -> memref<128xi32, #tpu.memory_space<vmem>>
          %dma_start3A_570 = arith.constant 0 : i32
          %dma_start3A_571 = arith.constant 0 : i32
          %dma_start3A_572 = tpu.memref_slice %arg15[%dma_start3A_570, %dma_start3A_571] : memref<10000x16xf32, #tpu.memory_space<vmem_shared>> -> memref<10000x16xf32, #tpu.memory_space<vmem_shared>>
          tpu.enqueue_indirect_dma source(%dma_start3A_572 : memref<10000x16xf32, #tpu.memory_space<vmem_shared>>) target(%dma_start3A_568 : memref<128x16xf32, #tpu.memory_space<vmem>>) offsets(%dma_start3A_569 : memref<128xi32, #tpu.memory_space<vmem>>) semaphore(%arg17 : memref<!tpu.dma_semaphore, #tpu.memory_space<semaphore_mem>>)
          %mul3A_573 = arith.constant 4 : i32
          %mul3A_574 = arith.muli %add3A_527, %mul3A_573 : i32
          %add3A_575 = arith.constant 3 : i32
          %add3A_576 = arith.addi %mul3A_574, %add3A_575 : i32
          %mul3A_577 = arith.constant 128 : i32
          %mul3A_578 = arith.muli %add3A_576, %mul3A_577 : i32
          %dma_start3A_579 = arith.constant 3 : i32
          %dma_start3A_580 = arith.constant 0 : i32
          %dma_start3A_581 = arith.constant 0 : i32
          %dma_start3A_582 = tpu.memref_slice %arg13[%dma_start3A_579, %dma_start3A_580, %dma_start3A_581] : memref<4x128x16xf32, #tpu.memory_space<vmem>> -> memref<1x128x16xf32, #tpu.memory_space<vmem>>
          %dma_start3A_583 = tpu.memref_squeeze %dma_start3A_582 : memref<1x128x16xf32, #tpu.memory_space<vmem>> -> memref<128x16xf32, #tpu.memory_space<vmem>>
          %dma_start3A_584 = tpu.memref_slice %arg11[%mul3A_578] : memref<10240xi32, #tpu.memory_space<vmem>> -> memref<128xi32, #tpu.memory_space<vmem>>
          %dma_start3A_585 = arith.constant 0 : i32
          %dma_start3A_586 = arith.constant 0 : i32
          %dma_start3A_587 = tpu.memref_slice %arg15[%dma_start3A_585, %dma_start3A_586] : memref<10000x16xf32, #tpu.memory_space<vmem_shared>> -> memref<10000x16xf32, #tpu.memory_space<vmem_shared>>
          tpu.enqueue_indirect_dma source(%dma_start3A_587 : memref<10000x16xf32, #tpu.memory_space<vmem_shared>>) target(%dma_start3A_583 : memref<128x16xf32, #tpu.memory_space<vmem>>) offsets(%dma_start3A_584 : memref<128xi32, #tpu.memory_space<vmem>>) semaphore(%arg17 : memref<!tpu.dma_semaphore, #tpu.memory_space<semaphore_mem>>)
        } else {
        }
        %add3A_340 = arith.constant 1 : i32
        %add3A_341 = arith.addi %mul3A_92, %add3A_340 : i32
        %mul3A_342 = arith.constant 4 : i32
        %mul3A_343 = arith.muli %add3A_341, %mul3A_342 : i32
        %add3A_344 = arith.constant 0 : i32
        %add3A_345 = arith.addi %mul3A_343, %add3A_344 : i32
        %mul3A_346 = arith.constant 128 : i32
        %mul3A_347 = arith.muli %add3A_345, %mul3A_346 : i32
        %dma_wait3A_348 = arith.constant 0 : i32
        %dma_wait3A_349 = arith.constant 0 : i32
        %dma_wait3A_350 = arith.constant 0 : i32
        %dma_wait3A_351 = tpu.memref_slice %arg14[%dma_wait3A_348, %dma_wait3A_349, %dma_wait3A_350] : memref<4x128x16xf32, #tpu.memory_space<vmem>> -> memref<1x128x16xf32, #tpu.memory_space<vmem>>
        %dma_wait3A_352 = tpu.memref_squeeze %dma_wait3A_351 : memref<1x128x16xf32, #tpu.memory_space<vmem>> -> memref<128x16xf32, #tpu.memory_space<vmem>>
        %dma_wait3A_353 = tpu.memref_slice %arg11[%mul3A_347] : memref<10240xi32, #tpu.memory_space<vmem>> -> memref<128xi32, #tpu.memory_space<vmem>>
        %dma_wait3A_354 = arith.constant 0 : i32
        %dma_wait3A_355 = arith.constant 0 : i32
        %dma_wait3A_356 = tpu.memref_slice %arg15[%dma_wait3A_354, %dma_wait3A_355] : memref<10000x16xf32, #tpu.memory_space<vmem_shared>> -> memref<10000x16xf32, #tpu.memory_space<vmem_shared>>
        tpu.wait_indirect_dma semaphore(%arg18 : memref<!tpu.dma_semaphore, #tpu.memory_space<semaphore_mem>>) src(%dma_wait3A_356 : memref<10000x16xf32, #tpu.memory_space<vmem_shared>>) dst(%dma_wait3A_352 : memref<128x16xf32, #tpu.memory_space<vmem>>)
        %mul3A_357 = arith.constant 4 : i32
        %mul3A_358 = arith.muli %add3A_341, %mul3A_357 : i32
        %add3A_359 = arith.constant 1 : i32
        %add3A_360 = arith.addi %mul3A_358, %add3A_359 : i32
        %mul3A_361 = arith.constant 128 : i32
        %mul3A_362 = arith.muli %add3A_360, %mul3A_361 : i32
        %dma_wait3A_363 = arith.constant 1 : i32
        %dma_wait3A_364 = arith.constant 0 : i32
        %dma_wait3A_365 = arith.constant 0 : i32
        %dma_wait3A_366 = tpu.memref_slice %arg14[%dma_wait3A_363, %dma_wait3A_364, %dma_wait3A_365] : memref<4x128x16xf32, #tpu.memory_space<vmem>> -> memref<1x128x16xf32, #tpu.memory_space<vmem>>
        %dma_wait3A_367 = tpu.memref_squeeze %dma_wait3A_366 : memref<1x128x16xf32, #tpu.memory_space<vmem>> -> memref<128x16xf32, #tpu.memory_space<vmem>>
        %dma_wait3A_368 = tpu.memref_slice %arg11[%mul3A_362] : memref<10240xi32, #tpu.memory_space<vmem>> -> memref<128xi32, #tpu.memory_space<vmem>>
        %dma_wait3A_369 = arith.constant 0 : i32
        %dma_wait3A_370 = arith.constant 0 : i32
        %dma_wait3A_371 = tpu.memref_slice %arg15[%dma_wait3A_369, %dma_wait3A_370] : memref<10000x16xf32, #tpu.memory_space<vmem_shared>> -> memref<10000x16xf32, #tpu.memory_space<vmem_shared>>
        tpu.wait_indirect_dma semaphore(%arg18 : memref<!tpu.dma_semaphore, #tpu.memory_space<semaphore_mem>>) src(%dma_wait3A_371 : memref<10000x16xf32, #tpu.memory_space<vmem_shared>>) dst(%dma_wait3A_367 : memref<128x16xf32, #tpu.memory_space<vmem>>)
        %mul3A_372 = arith.constant 4 : i32
        %mul3A_373 = arith.muli %add3A_341, %mul3A_372 : i32
        %add3A_374 = arith.constant 2 : i32
        %add3A_375 = arith.addi %mul3A_373, %add3A_374 : i32
        %mul3A_376 = arith.constant 128 : i32
        %mul3A_377 = arith.muli %add3A_375, %mul3A_376 : i32
        %dma_wait3A_378 = arith.constant 2 : i32
        %dma_wait3A_379 = arith.constant 0 : i32
        %dma_wait3A_380 = arith.constant 0 : i32
        %dma_wait3A_381 = tpu.memref_slice %arg14[%dma_wait3A_378, %dma_wait3A_379, %dma_wait3A_380] : memref<4x128x16xf32, #tpu.memory_space<vmem>> -> memref<1x128x16xf32, #tpu.memory_space<vmem>>
        %dma_wait3A_382 = tpu.memref_squeeze %dma_wait3A_381 : memref<1x128x16xf32, #tpu.memory_space<vmem>> -> memref<128x16xf32, #tpu.memory_space<vmem>>
        %dma_wait3A_383 = tpu.memref_slice %arg11[%mul3A_377] : memref<10240xi32, #tpu.memory_space<vmem>> -> memref<128xi32, #tpu.memory_space<vmem>>
        %dma_wait3A_384 = arith.constant 0 : i32
        %dma_wait3A_385 = arith.constant 0 : i32
        %dma_wait3A_386 = tpu.memref_slice %arg15[%dma_wait3A_384, %dma_wait3A_385] : memref<10000x16xf32, #tpu.memory_space<vmem_shared>> -> memref<10000x16xf32, #tpu.memory_space<vmem_shared>>
        tpu.wait_indirect_dma semaphore(%arg18 : memref<!tpu.dma_semaphore, #tpu.memory_space<semaphore_mem>>) src(%dma_wait3A_386 : memref<10000x16xf32, #tpu.memory_space<vmem_shared>>) dst(%dma_wait3A_382 : memref<128x16xf32, #tpu.memory_space<vmem>>)
        %mul3A_387 = arith.constant 4 : i32
        %mul3A_388 = arith.muli %add3A_341, %mul3A_387 : i32
        %add3A_389 = arith.constant 3 : i32
        %add3A_390 = arith.addi %mul3A_388, %add3A_389 : i32
        %mul3A_391 = arith.constant 128 : i32
        %mul3A_392 = arith.muli %add3A_390, %mul3A_391 : i32
        %dma_wait3A_393 = arith.constant 3 : i32
        %dma_wait3A_394 = arith.constant 0 : i32
        %dma_wait3A_395 = arith.constant 0 : i32
        %dma_wait3A_396 = tpu.memref_slice %arg14[%dma_wait3A_393, %dma_wait3A_394, %dma_wait3A_395] : memref<4x128x16xf32, #tpu.memory_space<vmem>> -> memref<1x128x16xf32, #tpu.memory_space<vmem>>
        %dma_wait3A_397 = tpu.memref_squeeze %dma_wait3A_396 : memref<1x128x16xf32, #tpu.memory_space<vmem>> -> memref<128x16xf32, #tpu.memory_space<vmem>>
        %dma_wait3A_398 = tpu.memref_slice %arg11[%mul3A_392] : memref<10240xi32, #tpu.memory_space<vmem>> -> memref<128xi32, #tpu.memory_space<vmem>>
        %dma_wait3A_399 = arith.constant 0 : i32
        %dma_wait3A_400 = arith.constant 0 : i32
        %dma_wait3A_401 = tpu.memref_slice %arg15[%dma_wait3A_399, %dma_wait3A_400] : memref<10000x16xf32, #tpu.memory_space<vmem_shared>> -> memref<10000x16xf32, #tpu.memory_space<vmem_shared>>
        tpu.wait_indirect_dma semaphore(%arg18 : memref<!tpu.dma_semaphore, #tpu.memory_space<semaphore_mem>>) src(%dma_wait3A_401 : memref<10000x16xf32, #tpu.memory_space<vmem_shared>>) dst(%dma_wait3A_397 : memref<128x16xf32, #tpu.memory_space<vmem>>)
        %add3A_402 = arith.constant 1 : i32
        %add3A_403 = arith.addi %mul3A_92, %add3A_402 : i32
        %mul3A_404 = arith.constant 4 : i32
        %mul3A_405 = arith.muli %add3A_403, %mul3A_404 : i32
        %add3A_406 = arith.constant 0 : i32
        %add3A_407 = arith.addi %mul3A_405, %add3A_406 : i32
        %dma_start3A_408 = arith.constant 0 : i32
        %dma_start3A_409 = arith.constant 0 : i32
        %dma_start3A_410 = arith.constant 0 : i32
        %dma_start3A_411 = tpu.memref_slice %arg14[%dma_start3A_408, %dma_start3A_409, %dma_start3A_410] : memref<4x128x16xf32, #tpu.memory_space<vmem>> -> memref<1x128x16xf32, #tpu.memory_space<vmem>>
        %dma_start3A_412 = tpu.memref_squeeze %dma_start3A_411 : memref<1x128x16xf32, #tpu.memory_space<vmem>> -> memref<128x16xf32, #tpu.memory_space<vmem>>
        %dma_start3A_413 = arith.constant 0 : i32
        %dma_start3A_414 = tpu.memref_slice %arg12[%add3A_407, %dma_start3A_413] : memref<80x128xi32, #tpu.memory_space<vmem>> -> memref<1x128xi32, #tpu.memory_space<vmem>>
        %dma_start3A_415 = tpu.memref_squeeze %dma_start3A_414 : memref<1x128xi32, #tpu.memory_space<vmem>> -> memref<128xi32, #tpu.memory_space<vmem>>
        %dma_start3A_416 = arith.constant 0 : i32
        %dma_start3A_417 = arith.constant 0 : i32
        %dma_start3A_418 = tpu.memref_slice %arg16[%dma_start3A_416, %dma_start3A_417] : memref<10008x16xf32, #tpu.memory_space<vmem_shared>> -> memref<10008x16xf32, #tpu.memory_space<vmem_shared>>
        tpu.enqueue_indirect_dma source(%dma_start3A_412 : memref<128x16xf32, #tpu.memory_space<vmem>>) target(%dma_start3A_418 : memref<10008x16xf32, #tpu.memory_space<vmem_shared>>) offsets(%dma_start3A_415 : memref<128xi32, #tpu.memory_space<vmem>>) semaphore(%arg19 : memref<!tpu.dma_semaphore, #tpu.memory_space<semaphore_mem>>) {add = true}
        %mul3A_419 = arith.constant 4 : i32
        %mul3A_420 = arith.muli %add3A_403, %mul3A_419 : i32
        %add3A_421 = arith.constant 1 : i32
        %add3A_422 = arith.addi %mul3A_420, %add3A_421 : i32
        %dma_start3A_423 = arith.constant 1 : i32
        %dma_start3A_424 = arith.constant 0 : i32
        %dma_start3A_425 = arith.constant 0 : i32
        %dma_start3A_426 = tpu.memref_slice %arg14[%dma_start3A_423, %dma_start3A_424, %dma_start3A_425] : memref<4x128x16xf32, #tpu.memory_space<vmem>> -> memref<1x128x16xf32, #tpu.memory_space<vmem>>
        %dma_start3A_427 = tpu.memref_squeeze %dma_start3A_426 : memref<1x128x16xf32, #tpu.memory_space<vmem>> -> memref<128x16xf32, #tpu.memory_space<vmem>>
        %dma_start3A_428 = arith.constant 0 : i32
        %dma_start3A_429 = tpu.memref_slice %arg12[%add3A_422, %dma_start3A_428] : memref<80x128xi32, #tpu.memory_space<vmem>> -> memref<1x128xi32, #tpu.memory_space<vmem>>
        %dma_start3A_430 = tpu.memref_squeeze %dma_start3A_429 : memref<1x128xi32, #tpu.memory_space<vmem>> -> memref<128xi32, #tpu.memory_space<vmem>>
        %dma_start3A_431 = arith.constant 0 : i32
        %dma_start3A_432 = arith.constant 0 : i32
        %dma_start3A_433 = tpu.memref_slice %arg16[%dma_start3A_431, %dma_start3A_432] : memref<10008x16xf32, #tpu.memory_space<vmem_shared>> -> memref<10008x16xf32, #tpu.memory_space<vmem_shared>>
        tpu.enqueue_indirect_dma source(%dma_start3A_427 : memref<128x16xf32, #tpu.memory_space<vmem>>) target(%dma_start3A_433 : memref<10008x16xf32, #tpu.memory_space<vmem_shared>>) offsets(%dma_start3A_430 : memref<128xi32, #tpu.memory_space<vmem>>) semaphore(%arg19 : memref<!tpu.dma_semaphore, #tpu.memory_space<semaphore_mem>>) {add = true}
        %mul3A_434 = arith.constant 4 : i32
        %mul3A_435 = arith.muli %add3A_403, %mul3A_434 : i32
        %add3A_436 = arith.constant 2 : i32
        %add3A_437 = arith.addi %mul3A_435, %add3A_436 : i32
        %dma_start3A_438 = arith.constant 2 : i32
        %dma_start3A_439 = arith.constant 0 : i32
        %dma_start3A_440 = arith.constant 0 : i32
        %dma_start3A_441 = tpu.memref_slice %arg14[%dma_start3A_438, %dma_start3A_439, %dma_start3A_440] : memref<4x128x16xf32, #tpu.memory_space<vmem>> -> memref<1x128x16xf32, #tpu.memory_space<vmem>>
        %dma_start3A_442 = tpu.memref_squeeze %dma_start3A_441 : memref<1x128x16xf32, #tpu.memory_space<vmem>> -> memref<128x16xf32, #tpu.memory_space<vmem>>
        %dma_start3A_443 = arith.constant 0 : i32
        %dma_start3A_444 = tpu.memref_slice %arg12[%add3A_437, %dma_start3A_443] : memref<80x128xi32, #tpu.memory_space<vmem>> -> memref<1x128xi32, #tpu.memory_space<vmem>>
        %dma_start3A_445 = tpu.memref_squeeze %dma_start3A_444 : memref<1x128xi32, #tpu.memory_space<vmem>> -> memref<128xi32, #tpu.memory_space<vmem>>
        %dma_start3A_446 = arith.constant 0 : i32
        %dma_start3A_447 = arith.constant 0 : i32
        %dma_start3A_448 = tpu.memref_slice %arg16[%dma_start3A_446, %dma_start3A_447] : memref<10008x16xf32, #tpu.memory_space<vmem_shared>> -> memref<10008x16xf32, #tpu.memory_space<vmem_shared>>
        tpu.enqueue_indirect_dma source(%dma_start3A_442 : memref<128x16xf32, #tpu.memory_space<vmem>>) target(%dma_start3A_448 : memref<10008x16xf32, #tpu.memory_space<vmem_shared>>) offsets(%dma_start3A_445 : memref<128xi32, #tpu.memory_space<vmem>>) semaphore(%arg19 : memref<!tpu.dma_semaphore, #tpu.memory_space<semaphore_mem>>) {add = true}
        %mul3A_449 = arith.constant 4 : i32
        %mul3A_450 = arith.muli %add3A_403, %mul3A_449 : i32
        %add3A_451 = arith.constant 3 : i32
        %add3A_452 = arith.addi %mul3A_450, %add3A_451 : i32
        %dma_start3A_453 = arith.constant 3 : i32
        %dma_start3A_454 = arith.constant 0 : i32
        %dma_start3A_455 = arith.constant 0 : i32
        %dma_start3A_456 = tpu.memref_slice %arg14[%dma_start3A_453, %dma_start3A_454, %dma_start3A_455] : memref<4x128x16xf32, #tpu.memory_space<vmem>> -> memref<1x128x16xf32, #tpu.memory_space<vmem>>
        %dma_start3A_457 = tpu.memref_squeeze %dma_start3A_456 : memref<1x128x16xf32, #tpu.memory_space<vmem>> -> memref<128x16xf32, #tpu.memory_space<vmem>>
        %dma_start3A_458 = arith.constant 0 : i32
        %dma_start3A_459 = tpu.memref_slice %arg12[%add3A_452, %dma_start3A_458] : memref<80x128xi32, #tpu.memory_space<vmem>> -> memref<1x128xi32, #tpu.memory_space<vmem>>
        %dma_start3A_460 = tpu.memref_squeeze %dma_start3A_459 : memref<1x128xi32, #tpu.memory_space<vmem>> -> memref<128xi32, #tpu.memory_space<vmem>>
        %dma_start3A_461 = arith.constant 0 : i32
        %dma_start3A_462 = arith.constant 0 : i32
        %dma_start3A_463 = tpu.memref_slice %arg16[%dma_start3A_461, %dma_start3A_462] : memref<10008x16xf32, #tpu.memory_space<vmem_shared>> -> memref<10008x16xf32, #tpu.memory_space<vmem_shared>>
        tpu.enqueue_indirect_dma source(%dma_start3A_457 : memref<128x16xf32, #tpu.memory_space<vmem>>) target(%dma_start3A_463 : memref<10008x16xf32, #tpu.memory_space<vmem_shared>>) offsets(%dma_start3A_460 : memref<128xi32, #tpu.memory_space<vmem>>) semaphore(%arg19 : memref<!tpu.dma_semaphore, #tpu.memory_space<semaphore_mem>>) {add = true}
        %add3A_464 = arith.constant 1 : i32
        %add3A_465 = arith.addi %mul3A_92, %add3A_464 : i32
        %mul3A_466 = arith.constant 4 : i32
        %mul3A_467 = arith.muli %add3A_465, %mul3A_466 : i32
        %add3A_468 = arith.constant 0 : i32
        %add3A_469 = arith.addi %mul3A_467, %add3A_468 : i32
        %dma_wait3A_470 = arith.constant 0 : i32
        %dma_wait3A_471 = arith.constant 0 : i32
        %dma_wait3A_472 = arith.constant 0 : i32
        %dma_wait3A_473 = tpu.memref_slice %arg14[%dma_wait3A_470, %dma_wait3A_471, %dma_wait3A_472] : memref<4x128x16xf32, #tpu.memory_space<vmem>> -> memref<1x128x16xf32, #tpu.memory_space<vmem>>
        %dma_wait3A_474 = tpu.memref_squeeze %dma_wait3A_473 : memref<1x128x16xf32, #tpu.memory_space<vmem>> -> memref<128x16xf32, #tpu.memory_space<vmem>>
        %dma_wait3A_475 = arith.constant 0 : i32
        %dma_wait3A_476 = tpu.memref_slice %arg12[%add3A_469, %dma_wait3A_475] : memref<80x128xi32, #tpu.memory_space<vmem>> -> memref<1x128xi32, #tpu.memory_space<vmem>>
        %dma_wait3A_477 = tpu.memref_squeeze %dma_wait3A_476 : memref<1x128xi32, #tpu.memory_space<vmem>> -> memref<128xi32, #tpu.memory_space<vmem>>
        %dma_wait3A_478 = arith.constant 0 : i32
        %dma_wait3A_479 = arith.constant 0 : i32
        %dma_wait3A_480 = tpu.memref_slice %arg16[%dma_wait3A_478, %dma_wait3A_479] : memref<10008x16xf32, #tpu.memory_space<vmem_shared>> -> memref<10008x16xf32, #tpu.memory_space<vmem_shared>>
        tpu.wait_indirect_dma semaphore(%arg19 : memref<!tpu.dma_semaphore, #tpu.memory_space<semaphore_mem>>) src(%dma_wait3A_474 : memref<128x16xf32, #tpu.memory_space<vmem>>) dst(%dma_wait3A_480 : memref<10008x16xf32, #tpu.memory_space<vmem_shared>>)
        %mul3A_481 = arith.constant 4 : i32
        %mul3A_482 = arith.muli %add3A_465, %mul3A_481 : i32
        %add3A_483 = arith.constant 1 : i32
        %add3A_484 = arith.addi %mul3A_482, %add3A_483 : i32
        %dma_wait3A_485 = arith.constant 1 : i32
        %dma_wait3A_486 = arith.constant 0 : i32
        %dma_wait3A_487 = arith.constant 0 : i32
        %dma_wait3A_488 = tpu.memref_slice %arg14[%dma_wait3A_485, %dma_wait3A_486, %dma_wait3A_487] : memref<4x128x16xf32, #tpu.memory_space<vmem>> -> memref<1x128x16xf32, #tpu.memory_space<vmem>>
        %dma_wait3A_489 = tpu.memref_squeeze %dma_wait3A_488 : memref<1x128x16xf32, #tpu.memory_space<vmem>> -> memref<128x16xf32, #tpu.memory_space<vmem>>
        %dma_wait3A_490 = arith.constant 0 : i32
        %dma_wait3A_491 = tpu.memref_slice %arg12[%add3A_484, %dma_wait3A_490] : memref<80x128xi32, #tpu.memory_space<vmem>> -> memref<1x128xi32, #tpu.memory_space<vmem>>
        %dma_wait3A_492 = tpu.memref_squeeze %dma_wait3A_491 : memref<1x128xi32, #tpu.memory_space<vmem>> -> memref<128xi32, #tpu.memory_space<vmem>>
        %dma_wait3A_493 = arith.constant 0 : i32
        %dma_wait3A_494 = arith.constant 0 : i32
        %dma_wait3A_495 = tpu.memref_slice %arg16[%dma_wait3A_493, %dma_wait3A_494] : memref<10008x16xf32, #tpu.memory_space<vmem_shared>> -> memref<10008x16xf32, #tpu.memory_space<vmem_shared>>
        tpu.wait_indirect_dma semaphore(%arg19 : memref<!tpu.dma_semaphore, #tpu.memory_space<semaphore_mem>>) src(%dma_wait3A_489 : memref<128x16xf32, #tpu.memory_space<vmem>>) dst(%dma_wait3A_495 : memref<10008x16xf32, #tpu.memory_space<vmem_shared>>)
        %mul3A_496 = arith.constant 4 : i32
        %mul3A_497 = arith.muli %add3A_465, %mul3A_496 : i32
        %add3A_498 = arith.constant 2 : i32
        %add3A_499 = arith.addi %mul3A_497, %add3A_498 : i32
        %dma_wait3A_500 = arith.constant 2 : i32
        %dma_wait3A_501 = arith.constant 0 : i32
        %dma_wait3A_502 = arith.constant 0 : i32
        %dma_wait3A_503 = tpu.memref_slice %arg14[%dma_wait3A_500, %dma_wait3A_501, %dma_wait3A_502] : memref<4x128x16xf32, #tpu.memory_space<vmem>> -> memref<1x128x16xf32, #tpu.memory_space<vmem>>
        %dma_wait3A_504 = tpu.memref_squeeze %dma_wait3A_503 : memref<1x128x16xf32, #tpu.memory_space<vmem>> -> memref<128x16xf32, #tpu.memory_space<vmem>>
        %dma_wait3A_505 = arith.constant 0 : i32
        %dma_wait3A_506 = tpu.memref_slice %arg12[%add3A_499, %dma_wait3A_505] : memref<80x128xi32, #tpu.memory_space<vmem>> -> memref<1x128xi32, #tpu.memory_space<vmem>>
        %dma_wait3A_507 = tpu.memref_squeeze %dma_wait3A_506 : memref<1x128xi32, #tpu.memory_space<vmem>> -> memref<128xi32, #tpu.memory_space<vmem>>
        %dma_wait3A_508 = arith.constant 0 : i32
        %dma_wait3A_509 = arith.constant 0 : i32
        %dma_wait3A_510 = tpu.memref_slice %arg16[%dma_wait3A_508, %dma_wait3A_509] : memref<10008x16xf32, #tpu.memory_space<vmem_shared>> -> memref<10008x16xf32, #tpu.memory_space<vmem_shared>>
        tpu.wait_indirect_dma semaphore(%arg19 : memref<!tpu.dma_semaphore, #tpu.memory_space<semaphore_mem>>) src(%dma_wait3A_504 : memref<128x16xf32, #tpu.memory_space<vmem>>) dst(%dma_wait3A_510 : memref<10008x16xf32, #tpu.memory_space<vmem_shared>>)
        %mul3A_511 = arith.constant 4 : i32
        %mul3A_512 = arith.muli %add3A_465, %mul3A_511 : i32
        %add3A_513 = arith.constant 3 : i32
        %add3A_514 = arith.addi %mul3A_512, %add3A_513 : i32
        %dma_wait3A_515 = arith.constant 3 : i32
        %dma_wait3A_516 = arith.constant 0 : i32
        %dma_wait3A_517 = arith.constant 0 : i32
        %dma_wait3A_518 = tpu.memref_slice %arg14[%dma_wait3A_515, %dma_wait3A_516, %dma_wait3A_517] : memref<4x128x16xf32, #tpu.memory_space<vmem>> -> memref<1x128x16xf32, #tpu.memory_space<vmem>>
        %dma_wait3A_519 = tpu.memref_squeeze %dma_wait3A_518 : memref<1x128x16xf32, #tpu.memory_space<vmem>> -> memref<128x16xf32, #tpu.memory_space<vmem>>
        %dma_wait3A_520 = arith.constant 0 : i32
        %dma_wait3A_521 = tpu.memref_slice %arg12[%add3A_514, %dma_wait3A_520] : memref<80x128xi32, #tpu.memory_space<vmem>> -> memref<1x128xi32, #tpu.memory_space<vmem>>
        %dma_wait3A_522 = tpu.memref_squeeze %dma_wait3A_521 : memref<1x128xi32, #tpu.memory_space<vmem>> -> memref<128xi32, #tpu.memory_space<vmem>>
        %dma_wait3A_523 = arith.constant 0 : i32
        %dma_wait3A_524 = arith.constant 0 : i32
        %dma_wait3A_525 = tpu.memref_slice %arg16[%dma_wait3A_523, %dma_wait3A_524] : memref<10008x16xf32, #tpu.memory_space<vmem_shared>> -> memref<10008x16xf32, #tpu.memory_space<vmem_shared>>
        tpu.wait_indirect_dma semaphore(%arg19 : memref<!tpu.dma_semaphore, #tpu.memory_space<semaphore_mem>>) src(%dma_wait3A_519 : memref<128x16xf32, #tpu.memory_space<vmem>>) dst(%dma_wait3A_525 : memref<10008x16xf32, #tpu.memory_space<vmem_shared>>)
      }
      %scan3A_88 = arith.constant 10 : i32
      %barrier3A_89 = arith.constant 0 : index
      tpu.barrier barrier_id(%barrier3A_89)
      "tpu.region"() ({
        %run_scoped3A = tpu.sem_alloc : memref<!tpu.dma_semaphore, #tpu.memory_space<semaphore_mem>>
        %dma_start3A_90 = arith.constant 0 : i32
        %dma_start3A_91 = tpu.memref_slice %arg9[%mul3A_7, %dma_start3A_90] : memref<10000x16xf32, #tpu.memory_space<hbm>> -> memref<625x16xf32, #tpu.memory_space<hbm>>
        %dma_start3A_92 = arith.constant 0 : i32
        %dma_start3A_93 = tpu.memref_slice %arg16[%mul3A_7, %dma_start3A_92] : memref<10008x16xf32, #tpu.memory_space<vmem_shared>> -> memref<625x16xf32, #tpu.memory_space<vmem_shared>>
        tpu.enqueue_dma source(%dma_start3A_93 : memref<625x16xf32, #tpu.memory_space<vmem_shared>>) target(%dma_start3A_91 : memref<625x16xf32, #tpu.memory_space<hbm>>) target_semaphore(%run_scoped3A : memref<!tpu.dma_semaphore, #tpu.memory_space<semaphore_mem>>)
        %dma_wait3A_94 = arith.constant 0 : i32
        %dma_wait3A_95 = tpu.memref_slice %arg9[%mul3A_7, %dma_wait3A_94] : memref<10000x16xf32, #tpu.memory_space<hbm>> -> memref<625x16xf32, #tpu.memory_space<hbm>>
        %dma_wait3A_96 = arith.constant 0 : i32
        %dma_wait3A_97 = tpu.memref_slice %arg16[%mul3A_7, %dma_wait3A_96] : memref<10008x16xf32, #tpu.memory_space<vmem_shared>> -> memref<625x16xf32, #tpu.memory_space<vmem_shared>>
        tpu.wait_dma2 semaphore(%run_scoped3A : memref<!tpu.dma_semaphore, #tpu.memory_space<semaphore_mem>>) src(%dma_wait3A_97 : memref<625x16xf32, #tpu.memory_space<vmem_shared>>) dst(%dma_wait3A_95 : memref<625x16xf32, #tpu.memory_space<hbm>>)
        tpu.yield
      }) : () -> ()
    } else {
    }
    %eq3A_2 = arith.constant 1 : i32
    %eq3A_3 = arith.cmpi eq, %arg0, %eq3A_2 : i32
    %convert_element_type3A_4 = arith.extui %eq3A_3 : i1 to i32
    %cond3A_5 = arith.constant 0 : i32
    %cond3A_6 = arith.cmpi ne, %convert_element_type3A_4, %cond3A_5 : i32
    scf.if %cond3A_6 {
      %mul3A = arith.constant 625 : i32
      %mul3A_7 = arith.muli %arg1, %mul3A : i32
      %dma_start3A = arith.constant 0 : i32
      %dma_start3A_8 = tpu.memref_slice %arg16[%mul3A_7, %dma_start3A] : memref<10008x16xf32, #tpu.memory_space<vmem_shared>> -> memref<625x16xf32, #tpu.memory_space<vmem_shared>>
      %dma_start3A_9 = arith.constant 0 : i32
      %dma_start3A_10 = tpu.memref_slice %arg8[%mul3A_7, %dma_start3A_9] : memref<10000x16xf32, #tpu.memory_space<hbm>> -> memref<625x16xf32, #tpu.memory_space<hbm>>
      tpu.enqueue_dma source(%dma_start3A_10 : memref<625x16xf32, #tpu.memory_space<hbm>>) target(%dma_start3A_8 : memref<625x16xf32, #tpu.memory_space<vmem_shared>>) target_semaphore(%arg17 : memref<!tpu.dma_semaphore, #tpu.memory_space<semaphore_mem>>)
      %dma_start3A_11 = arith.constant 0 : i32
      %dma_start3A_12 = tpu.memref_slice %arg15[%mul3A_7, %dma_start3A_11] : memref<10000x16xf32, #tpu.memory_space<vmem_shared>> -> memref<625x16xf32, #tpu.memory_space<vmem_shared>>
      %dma_start3A_13 = arith.constant 0 : i32
      %dma_start3A_14 = tpu.memref_slice %arg2[%mul3A_7, %dma_start3A_13] : memref<10000x16xf32, #tpu.memory_space<hbm>> -> memref<625x16xf32, #tpu.memory_space<hbm>>
      tpu.enqueue_dma source(%dma_start3A_14 : memref<625x16xf32, #tpu.memory_space<hbm>>) target(%dma_start3A_12 : memref<625x16xf32, #tpu.memory_space<vmem_shared>>) target_semaphore(%arg18 : memref<!tpu.dma_semaphore, #tpu.memory_space<semaphore_mem>>)
      %mul3A_15 = arith.constant 10240 : i32
      %mul3A_16 = arith.muli %arg1, %mul3A_15 : i32
      %dma_start3A_17 = tpu.memref_slice %arg6[%mul3A_16] : memref<163840xi32, #tpu.memory_space<hbm>> -> memref<10240xi32, #tpu.memory_space<hbm>>
      %dma_start3A_18 = tpu.memref_slice %arg6[%mul3A_16] : memref<163840xi32, #tpu.memory_space<hbm>> -> memref<10240xi32, #tpu.memory_space<hbm>>
      tpu.enqueue_dma source(%dma_start3A_18 : memref<10240xi32, #tpu.memory_space<hbm>>) target(%arg11 : memref<10240xi32, #tpu.memory_space<vmem>>) target_semaphore(%arg19 : memref<!tpu.dma_semaphore, #tpu.memory_space<semaphore_mem>>)
      %dma_start3A_19 = arith.constant 0 : i32
      %dma_start3A_20 = arith.constant 0 : i32
      %dma_start3A_21 = tpu.memref_slice %arg7[%arg1, %dma_start3A_19, %dma_start3A_20] : memref<16x80x128xi32, #tpu.memory_space<hbm>> -> memref<1x80x128xi32, #tpu.memory_space<hbm>>
      %dma_start3A_22 = tpu.memref_squeeze %dma_start3A_21 : memref<1x80x128xi32, #tpu.memory_space<hbm>> -> memref<80x128xi32, #tpu.memory_space<hbm>>
      %dma_start3A_23 = arith.constant 0 : i32
      %dma_start3A_24 = arith.constant 0 : i32
      %dma_start3A_25 = tpu.memref_slice %arg7[%arg1, %dma_start3A_23, %dma_start3A_24] : memref<16x80x128xi32, #tpu.memory_space<hbm>> -> memref<1x80x128xi32, #tpu.memory_space<hbm>>
      %dma_start3A_26 = tpu.memref_squeeze %dma_start3A_25 : memref<1x80x128xi32, #tpu.memory_space<hbm>> -> memref<80x128xi32, #tpu.memory_space<hbm>>
      tpu.enqueue_dma source(%dma_start3A_26 : memref<80x128xi32, #tpu.memory_space<hbm>>) target(%arg12 : memref<80x128xi32, #tpu.memory_space<vmem>>) target_semaphore(%arg19 : memref<!tpu.dma_semaphore, #tpu.memory_space<semaphore_mem>>)
      %dma_wait3A = arith.constant 0 : i32
      %dma_wait3A_27 = tpu.memref_slice %arg16[%mul3A_7, %dma_wait3A] : memref<10008x16xf32, #tpu.memory_space<vmem_shared>> -> memref<625x16xf32, #tpu.memory_space<vmem_shared>>
      %dma_wait3A_28 = arith.constant 0 : i32
      %dma_wait3A_29 = tpu.memref_slice %arg8[%mul3A_7, %dma_wait3A_28] : memref<10000x16xf32, #tpu.memory_space<hbm>> -> memref<625x16xf32, #tpu.memory_space<hbm>>
      tpu.wait_dma2 semaphore(%arg17 : memref<!tpu.dma_semaphore, #tpu.memory_space<semaphore_mem>>) src(%dma_wait3A_29 : memref<625x16xf32, #tpu.memory_space<hbm>>) dst(%dma_wait3A_27 : memref<625x16xf32, #tpu.memory_space<vmem_shared>>)
      %dma_wait3A_30 = arith.constant 0 : i32
      %dma_wait3A_31 = tpu.memref_slice %arg15[%mul3A_7, %dma_wait3A_30] : memref<10000x16xf32, #tpu.memory_space<vmem_shared>> -> memref<625x16xf32, #tpu.memory_space<vmem_shared>>
      %dma_wait3A_32 = arith.constant 0 : i32
      %dma_wait3A_33 = tpu.memref_slice %arg2[%mul3A_7, %dma_wait3A_32] : memref<10000x16xf32, #tpu.memory_space<hbm>> -> memref<625x16xf32, #tpu.memory_space<hbm>>
      tpu.wait_dma2 semaphore(%arg18 : memref<!tpu.dma_semaphore, #tpu.memory_space<semaphore_mem>>) src(%dma_wait3A_33 : memref<625x16xf32, #tpu.memory_space<hbm>>) dst(%dma_wait3A_31 : memref<625x16xf32, #tpu.memory_space<vmem_shared>>)
      %dma_wait3A_34 = tpu.memref_slice %arg6[%mul3A_16] : memref<163840xi32, #tpu.memory_space<hbm>> -> memref<10240xi32, #tpu.memory_space<hbm>>
      %dma_wait3A_35 = tpu.memref_slice %arg6[%mul3A_16] : memref<163840xi32, #tpu.memory_space<hbm>> -> memref<10240xi32, #tpu.memory_space<hbm>>
      tpu.wait_dma2 semaphore(%arg19 : memref<!tpu.dma_semaphore, #tpu.memory_space<semaphore_mem>>) src(%dma_wait3A_35 : memref<10240xi32, #tpu.memory_space<hbm>>) dst(%arg11 : memref<10240xi32, #tpu.memory_space<vmem>>)
      %dma_wait3A_36 = arith.constant 0 : i32
      %dma_wait3A_37 = arith.constant 0 : i32
      %dma_wait3A_38 = tpu.memref_slice %arg7[%arg1, %dma_wait3A_36, %dma_wait3A_37] : memref<16x80x128xi32, #tpu.memory_space<hbm>> -> memref<1x80x128xi32, #tpu.memory_space<hbm>>
      %dma_wait3A_39 = tpu.memref_squeeze %dma_wait3A_38 : memref<1x80x128xi32, #tpu.memory_space<hbm>> -> memref<80x128xi32, #tpu.memory_space<hbm>>
      %dma_wait3A_40 = arith.constant 0 : i32
      %dma_wait3A_41 = arith.constant 0 : i32
      %dma_wait3A_42 = tpu.memref_slice %arg7[%arg1, %dma_wait3A_40, %dma_wait3A_41] : memref<16x80x128xi32, #tpu.memory_space<hbm>> -> memref<1x80x128xi32, #tpu.memory_space<hbm>>
      %dma_wait3A_43 = tpu.memref_squeeze %dma_wait3A_42 : memref<1x80x128xi32, #tpu.memory_space<hbm>> -> memref<80x128xi32, #tpu.memory_space<hbm>>
      tpu.wait_dma2 semaphore(%arg19 : memref<!tpu.dma_semaphore, #tpu.memory_space<semaphore_mem>>) src(%dma_wait3A_43 : memref<80x128xi32, #tpu.memory_space<hbm>>) dst(%arg12 : memref<80x128xi32, #tpu.memory_space<vmem>>)
      %barrier3A = arith.constant 0 : index
      tpu.barrier barrier_id(%barrier3A)
      %dma_start3A_44 = arith.constant 0 : i32
      %dma_start3A_45 = arith.constant 0 : i32
      %dma_start3A_46 = arith.constant 0 : i32
      %dma_start3A_47 = tpu.memref_slice %arg13[%dma_start3A_44, %dma_start3A_45, %dma_start3A_46] : memref<4x128x16xf32, #tpu.memory_space<vmem>> -> memref<1x128x16xf32, #tpu.memory_space<vmem>>
      %dma_start3A_48 = tpu.memref_squeeze %dma_start3A_47 : memref<1x128x16xf32, #tpu.memory_space<vmem>> -> memref<128x16xf32, #tpu.memory_space<vmem>>
      %dma_start3A_49 = arith.constant 0 : i32
      %dma_start3A_50 = tpu.memref_slice %arg11[%dma_start3A_49] : memref<10240xi32, #tpu.memory_space<vmem>> -> memref<128xi32, #tpu.memory_space<vmem>>
      %dma_start3A_51 = arith.constant 0 : i32
      %dma_start3A_52 = arith.constant 0 : i32
      %dma_start3A_53 = tpu.memref_slice %arg15[%dma_start3A_51, %dma_start3A_52] : memref<10000x16xf32, #tpu.memory_space<vmem_shared>> -> memref<10000x16xf32, #tpu.memory_space<vmem_shared>>
      tpu.enqueue_indirect_dma source(%dma_start3A_53 : memref<10000x16xf32, #tpu.memory_space<vmem_shared>>) target(%dma_start3A_48 : memref<128x16xf32, #tpu.memory_space<vmem>>) offsets(%dma_start3A_50 : memref<128xi32, #tpu.memory_space<vmem>>) semaphore(%arg17 : memref<!tpu.dma_semaphore, #tpu.memory_space<semaphore_mem>>)
      %dma_start3A_54 = arith.constant 1 : i32
      %dma_start3A_55 = arith.constant 0 : i32
      %dma_start3A_56 = arith.constant 0 : i32
      %dma_start3A_57 = tpu.memref_slice %arg13[%dma_start3A_54, %dma_start3A_55, %dma_start3A_56] : memref<4x128x16xf32, #tpu.memory_space<vmem>> -> memref<1x128x16xf32, #tpu.memory_space<vmem>>
      %dma_start3A_58 = tpu.memref_squeeze %dma_start3A_57 : memref<1x128x16xf32, #tpu.memory_space<vmem>> -> memref<128x16xf32, #tpu.memory_space<vmem>>
      %dma_start3A_59 = arith.constant 128 : i32
      %dma_start3A_60 = tpu.memref_slice %arg11[%dma_start3A_59] : memref<10240xi32, #tpu.memory_space<vmem>> -> memref<128xi32, #tpu.memory_space<vmem>>
      %dma_start3A_61 = arith.constant 0 : i32
      %dma_start3A_62 = arith.constant 0 : i32
      %dma_start3A_63 = tpu.memref_slice %arg15[%dma_start3A_61, %dma_start3A_62] : memref<10000x16xf32, #tpu.memory_space<vmem_shared>> -> memref<10000x16xf32, #tpu.memory_space<vmem_shared>>
      tpu.enqueue_indirect_dma source(%dma_start3A_63 : memref<10000x16xf32, #tpu.memory_space<vmem_shared>>) target(%dma_start3A_58 : memref<128x16xf32, #tpu.memory_space<vmem>>) offsets(%dma_start3A_60 : memref<128xi32, #tpu.memory_space<vmem>>) semaphore(%arg17 : memref<!tpu.dma_semaphore, #tpu.memory_space<semaphore_mem>>)
      %dma_start3A_64 = arith.constant 2 : i32
      %dma_start3A_65 = arith.constant 0 : i32
      %dma_start3A_66 = arith.constant 0 : i32
      %dma_start3A_67 = tpu.memref_slice %arg13[%dma_start3A_64, %dma_start3A_65, %dma_start3A_66] : memref<4x128x16xf32, #tpu.memory_space<vmem>> -> memref<1x128x16xf32, #tpu.memory_space<vmem>>
      %dma_start3A_68 = tpu.memref_squeeze %dma_start3A_67 : memref<1x128x16xf32, #tpu.memory_space<vmem>> -> memref<128x16xf32, #tpu.memory_space<vmem>>
      %dma_start3A_69 = arith.constant 256 : i32
      %dma_start3A_70 = tpu.memref_slice %arg11[%dma_start3A_69] : memref<10240xi32, #tpu.memory_space<vmem>> -> memref<128xi32, #tpu.memory_space<vmem>>
      %dma_start3A_71 = arith.constant 0 : i32
      %dma_start3A_72 = arith.constant 0 : i32
      %dma_start3A_73 = tpu.memref_slice %arg15[%dma_start3A_71, %dma_start3A_72] : memref<10000x16xf32, #tpu.memory_space<vmem_shared>> -> memref<10000x16xf32, #tpu.memory_space<vmem_shared>>
      tpu.enqueue_indirect_dma source(%dma_start3A_73 : memref<10000x16xf32, #tpu.memory_space<vmem_shared>>) target(%dma_start3A_68 : memref<128x16xf32, #tpu.memory_space<vmem>>) offsets(%dma_start3A_70 : memref<128xi32, #tpu.memory_space<vmem>>) semaphore(%arg17 : memref<!tpu.dma_semaphore, #tpu.memory_space<semaphore_mem>>)
      %dma_start3A_74 = arith.constant 3 : i32
      %dma_start3A_75 = arith.constant 0 : i32
      %dma_start3A_76 = arith.constant 0 : i32
      %dma_start3A_77 = tpu.memref_slice %arg13[%dma_start3A_74, %dma_start3A_75, %dma_start3A_76] : memref<4x128x16xf32, #tpu.memory_space<vmem>> -> memref<1x128x16xf32, #tpu.memory_space<vmem>>
      %dma_start3A_78 = tpu.memref_squeeze %dma_start3A_77 : memref<1x128x16xf32, #tpu.memory_space<vmem>> -> memref<128x16xf32, #tpu.memory_space<vmem>>
      %dma_start3A_79 = arith.constant 384 : i32
      %dma_start3A_80 = tpu.memref_slice %arg11[%dma_start3A_79] : memref<10240xi32, #tpu.memory_space<vmem>> -> memref<128xi32, #tpu.memory_space<vmem>>
      %dma_start3A_81 = arith.constant 0 : i32
      %dma_start3A_82 = arith.constant 0 : i32
      %dma_start3A_83 = tpu.memref_slice %arg15[%dma_start3A_81, %dma_start3A_82] : memref<10000x16xf32, #tpu.memory_space<vmem_shared>> -> memref<10000x16xf32, #tpu.memory_space<vmem_shared>>
      tpu.enqueue_indirect_dma source(%dma_start3A_83 : memref<10000x16xf32, #tpu.memory_space<vmem_shared>>) target(%dma_start3A_78 : memref<128x16xf32, #tpu.memory_space<vmem>>) offsets(%dma_start3A_80 : memref<128xi32, #tpu.memory_space<vmem>>) semaphore(%arg17 : memref<!tpu.dma_semaphore, #tpu.memory_space<semaphore_mem>>)
      %scan3A = arith.constant 0 : i32
      %scan3A_84 = arith.constant 0 : i32
      %scan3A_85 = arith.constant 10 : i32
      %scan3A_86 = arith.addi %scan3A_84, %scan3A_85 : i32
      %scan3A_87 = arith.constant 1 : i32
      scf.for %scan3A_90 = %scan3A_84 to %scan3A_86 step %scan3A_87  : i32 {
        %mul3A_91 = arith.constant 2 : i32
        %mul3A_92 = arith.muli %mul3A_91, %scan3A_90 : i32
        %mul3A_93 = arith.constant 4 : i32
        %mul3A_94 = arith.muli %mul3A_92, %mul3A_93 : i32
        %add3A = arith.constant 0 : i32
        %add3A_95 = arith.addi %mul3A_94, %add3A : i32
        %mul3A_96 = arith.constant 128 : i32
        %mul3A_97 = arith.muli %add3A_95, %mul3A_96 : i32
        %dma_wait3A_98 = arith.constant 0 : i32
        %dma_wait3A_99 = arith.constant 0 : i32
        %dma_wait3A_100 = arith.constant 0 : i32
        %dma_wait3A_101 = tpu.memref_slice %arg13[%dma_wait3A_98, %dma_wait3A_99, %dma_wait3A_100] : memref<4x128x16xf32, #tpu.memory_space<vmem>> -> memref<1x128x16xf32, #tpu.memory_space<vmem>>
        %dma_wait3A_102 = tpu.memref_squeeze %dma_wait3A_101 : memref<1x128x16xf32, #tpu.memory_space<vmem>> -> memref<128x16xf32, #tpu.memory_space<vmem>>
        %dma_wait3A_103 = tpu.memref_slice %arg11[%mul3A_97] : memref<10240xi32, #tpu.memory_space<vmem>> -> memref<128xi32, #tpu.memory_space<vmem>>
        %dma_wait3A_104 = arith.constant 0 : i32
        %dma_wait3A_105 = arith.constant 0 : i32
        %dma_wait3A_106 = tpu.memref_slice %arg15[%dma_wait3A_104, %dma_wait3A_105] : memref<10000x16xf32, #tpu.memory_space<vmem_shared>> -> memref<10000x16xf32, #tpu.memory_space<vmem_shared>>
        tpu.wait_indirect_dma semaphore(%arg17 : memref<!tpu.dma_semaphore, #tpu.memory_space<semaphore_mem>>) src(%dma_wait3A_106 : memref<10000x16xf32, #tpu.memory_space<vmem_shared>>) dst(%dma_wait3A_102 : memref<128x16xf32, #tpu.memory_space<vmem>>)
        %mul3A_107 = arith.constant 4 : i32
        %mul3A_108 = arith.muli %mul3A_92, %mul3A_107 : i32
        %add3A_109 = arith.constant 1 : i32
        %add3A_110 = arith.addi %mul3A_108, %add3A_109 : i32
        %mul3A_111 = arith.constant 128 : i32
        %mul3A_112 = arith.muli %add3A_110, %mul3A_111 : i32
        %dma_wait3A_113 = arith.constant 1 : i32
        %dma_wait3A_114 = arith.constant 0 : i32
        %dma_wait3A_115 = arith.constant 0 : i32
        %dma_wait3A_116 = tpu.memref_slice %arg13[%dma_wait3A_113, %dma_wait3A_114, %dma_wait3A_115] : memref<4x128x16xf32, #tpu.memory_space<vmem>> -> memref<1x128x16xf32, #tpu.memory_space<vmem>>
        %dma_wait3A_117 = tpu.memref_squeeze %dma_wait3A_116 : memref<1x128x16xf32, #tpu.memory_space<vmem>> -> memref<128x16xf32, #tpu.memory_space<vmem>>
        %dma_wait3A_118 = tpu.memref_slice %arg11[%mul3A_112] : memref<10240xi32, #tpu.memory_space<vmem>> -> memref<128xi32, #tpu.memory_space<vmem>>
        %dma_wait3A_119 = arith.constant 0 : i32
        %dma_wait3A_120 = arith.constant 0 : i32
        %dma_wait3A_121 = tpu.memref_slice %arg15[%dma_wait3A_119, %dma_wait3A_120] : memref<10000x16xf32, #tpu.memory_space<vmem_shared>> -> memref<10000x16xf32, #tpu.memory_space<vmem_shared>>
        tpu.wait_indirect_dma semaphore(%arg17 : memref<!tpu.dma_semaphore, #tpu.memory_space<semaphore_mem>>) src(%dma_wait3A_121 : memref<10000x16xf32, #tpu.memory_space<vmem_shared>>) dst(%dma_wait3A_117 : memref<128x16xf32, #tpu.memory_space<vmem>>)
        %mul3A_122 = arith.constant 4 : i32
        %mul3A_123 = arith.muli %mul3A_92, %mul3A_122 : i32
        %add3A_124 = arith.constant 2 : i32
        %add3A_125 = arith.addi %mul3A_123, %add3A_124 : i32
        %mul3A_126 = arith.constant 128 : i32
        %mul3A_127 = arith.muli %add3A_125, %mul3A_126 : i32
        %dma_wait3A_128 = arith.constant 2 : i32
        %dma_wait3A_129 = arith.constant 0 : i32
        %dma_wait3A_130 = arith.constant 0 : i32
        %dma_wait3A_131 = tpu.memref_slice %arg13[%dma_wait3A_128, %dma_wait3A_129, %dma_wait3A_130] : memref<4x128x16xf32, #tpu.memory_space<vmem>> -> memref<1x128x16xf32, #tpu.memory_space<vmem>>
        %dma_wait3A_132 = tpu.memref_squeeze %dma_wait3A_131 : memref<1x128x16xf32, #tpu.memory_space<vmem>> -> memref<128x16xf32, #tpu.memory_space<vmem>>
        %dma_wait3A_133 = tpu.memref_slice %arg11[%mul3A_127] : memref<10240xi32, #tpu.memory_space<vmem>> -> memref<128xi32, #tpu.memory_space<vmem>>
        %dma_wait3A_134 = arith.constant 0 : i32
        %dma_wait3A_135 = arith.constant 0 : i32
        %dma_wait3A_136 = tpu.memref_slice %arg15[%dma_wait3A_134, %dma_wait3A_135] : memref<10000x16xf32, #tpu.memory_space<vmem_shared>> -> memref<10000x16xf32, #tpu.memory_space<vmem_shared>>
        tpu.wait_indirect_dma semaphore(%arg17 : memref<!tpu.dma_semaphore, #tpu.memory_space<semaphore_mem>>) src(%dma_wait3A_136 : memref<10000x16xf32, #tpu.memory_space<vmem_shared>>) dst(%dma_wait3A_132 : memref<128x16xf32, #tpu.memory_space<vmem>>)
        %mul3A_137 = arith.constant 4 : i32
        %mul3A_138 = arith.muli %mul3A_92, %mul3A_137 : i32
        %add3A_139 = arith.constant 3 : i32
        %add3A_140 = arith.addi %mul3A_138, %add3A_139 : i32
        %mul3A_141 = arith.constant 128 : i32
        %mul3A_142 = arith.muli %add3A_140, %mul3A_141 : i32
        %dma_wait3A_143 = arith.constant 3 : i32
        %dma_wait3A_144 = arith.constant 0 : i32
        %dma_wait3A_145 = arith.constant 0 : i32
        %dma_wait3A_146 = tpu.memref_slice %arg13[%dma_wait3A_143, %dma_wait3A_144, %dma_wait3A_145] : memref<4x128x16xf32, #tpu.memory_space<vmem>> -> memref<1x128x16xf32, #tpu.memory_space<vmem>>
        %dma_wait3A_147 = tpu.memref_squeeze %dma_wait3A_146 : memref<1x128x16xf32, #tpu.memory_space<vmem>> -> memref<128x16xf32, #tpu.memory_space<vmem>>
        %dma_wait3A_148 = tpu.memref_slice %arg11[%mul3A_142] : memref<10240xi32, #tpu.memory_space<vmem>> -> memref<128xi32, #tpu.memory_space<vmem>>
        %dma_wait3A_149 = arith.constant 0 : i32
        %dma_wait3A_150 = arith.constant 0 : i32
        %dma_wait3A_151 = tpu.memref_slice %arg15[%dma_wait3A_149, %dma_wait3A_150] : memref<10000x16xf32, #tpu.memory_space<vmem_shared>> -> memref<10000x16xf32, #tpu.memory_space<vmem_shared>>
        tpu.wait_indirect_dma semaphore(%arg17 : memref<!tpu.dma_semaphore, #tpu.memory_space<semaphore_mem>>) src(%dma_wait3A_151 : memref<10000x16xf32, #tpu.memory_space<vmem_shared>>) dst(%dma_wait3A_147 : memref<128x16xf32, #tpu.memory_space<vmem>>)
        %mul3A_152 = arith.constant 4 : i32
        %mul3A_153 = arith.muli %mul3A_92, %mul3A_152 : i32
        %add3A_154 = arith.constant 0 : i32
        %add3A_155 = arith.addi %mul3A_153, %add3A_154 : i32
        %dma_start3A_156 = arith.constant 0 : i32
        %dma_start3A_157 = arith.constant 0 : i32
        %dma_start3A_158 = arith.constant 0 : i32
        %dma_start3A_159 = tpu.memref_slice %arg13[%dma_start3A_156, %dma_start3A_157, %dma_start3A_158] : memref<4x128x16xf32, #tpu.memory_space<vmem>> -> memref<1x128x16xf32, #tpu.memory_space<vmem>>
        %dma_start3A_160 = tpu.memref_squeeze %dma_start3A_159 : memref<1x128x16xf32, #tpu.memory_space<vmem>> -> memref<128x16xf32, #tpu.memory_space<vmem>>
        %dma_start3A_161 = arith.constant 0 : i32
        %dma_start3A_162 = tpu.memref_slice %arg12[%add3A_155, %dma_start3A_161] : memref<80x128xi32, #tpu.memory_space<vmem>> -> memref<1x128xi32, #tpu.memory_space<vmem>>
        %dma_start3A_163 = tpu.memref_squeeze %dma_start3A_162 : memref<1x128xi32, #tpu.memory_space<vmem>> -> memref<128xi32, #tpu.memory_space<vmem>>
        %dma_start3A_164 = arith.constant 0 : i32
        %dma_start3A_165 = arith.constant 0 : i32
        %dma_start3A_166 = tpu.memref_slice %arg16[%dma_start3A_164, %dma_start3A_165] : memref<10008x16xf32, #tpu.memory_space<vmem_shared>> -> memref<10008x16xf32, #tpu.memory_space<vmem_shared>>
        tpu.enqueue_indirect_dma source(%dma_start3A_160 : memref<128x16xf32, #tpu.memory_space<vmem>>) target(%dma_start3A_166 : memref<10008x16xf32, #tpu.memory_space<vmem_shared>>) offsets(%dma_start3A_163 : memref<128xi32, #tpu.memory_space<vmem>>) semaphore(%arg19 : memref<!tpu.dma_semaphore, #tpu.memory_space<semaphore_mem>>) {add = true}
        %mul3A_167 = arith.constant 4 : i32
        %mul3A_168 = arith.muli %mul3A_92, %mul3A_167 : i32
        %add3A_169 = arith.constant 1 : i32
        %add3A_170 = arith.addi %mul3A_168, %add3A_169 : i32
        %dma_start3A_171 = arith.constant 1 : i32
        %dma_start3A_172 = arith.constant 0 : i32
        %dma_start3A_173 = arith.constant 0 : i32
        %dma_start3A_174 = tpu.memref_slice %arg13[%dma_start3A_171, %dma_start3A_172, %dma_start3A_173] : memref<4x128x16xf32, #tpu.memory_space<vmem>> -> memref<1x128x16xf32, #tpu.memory_space<vmem>>
        %dma_start3A_175 = tpu.memref_squeeze %dma_start3A_174 : memref<1x128x16xf32, #tpu.memory_space<vmem>> -> memref<128x16xf32, #tpu.memory_space<vmem>>
        %dma_start3A_176 = arith.constant 0 : i32
        %dma_start3A_177 = tpu.memref_slice %arg12[%add3A_170, %dma_start3A_176] : memref<80x128xi32, #tpu.memory_space<vmem>> -> memref<1x128xi32, #tpu.memory_space<vmem>>
        %dma_start3A_178 = tpu.memref_squeeze %dma_start3A_177 : memref<1x128xi32, #tpu.memory_space<vmem>> -> memref<128xi32, #tpu.memory_space<vmem>>
        %dma_start3A_179 = arith.constant 0 : i32
        %dma_start3A_180 = arith.constant 0 : i32
        %dma_start3A_181 = tpu.memref_slice %arg16[%dma_start3A_179, %dma_start3A_180] : memref<10008x16xf32, #tpu.memory_space<vmem_shared>> -> memref<10008x16xf32, #tpu.memory_space<vmem_shared>>
        tpu.enqueue_indirect_dma source(%dma_start3A_175 : memref<128x16xf32, #tpu.memory_space<vmem>>) target(%dma_start3A_181 : memref<10008x16xf32, #tpu.memory_space<vmem_shared>>) offsets(%dma_start3A_178 : memref<128xi32, #tpu.memory_space<vmem>>) semaphore(%arg19 : memref<!tpu.dma_semaphore, #tpu.memory_space<semaphore_mem>>) {add = true}
        %mul3A_182 = arith.constant 4 : i32
        %mul3A_183 = arith.muli %mul3A_92, %mul3A_182 : i32
        %add3A_184 = arith.constant 2 : i32
        %add3A_185 = arith.addi %mul3A_183, %add3A_184 : i32
        %dma_start3A_186 = arith.constant 2 : i32
        %dma_start3A_187 = arith.constant 0 : i32
        %dma_start3A_188 = arith.constant 0 : i32
        %dma_start3A_189 = tpu.memref_slice %arg13[%dma_start3A_186, %dma_start3A_187, %dma_start3A_188] : memref<4x128x16xf32, #tpu.memory_space<vmem>> -> memref<1x128x16xf32, #tpu.memory_space<vmem>>
        %dma_start3A_190 = tpu.memref_squeeze %dma_start3A_189 : memref<1x128x16xf32, #tpu.memory_space<vmem>> -> memref<128x16xf32, #tpu.memory_space<vmem>>
        %dma_start3A_191 = arith.constant 0 : i32
        %dma_start3A_192 = tpu.memref_slice %arg12[%add3A_185, %dma_start3A_191] : memref<80x128xi32, #tpu.memory_space<vmem>> -> memref<1x128xi32, #tpu.memory_space<vmem>>
        %dma_start3A_193 = tpu.memref_squeeze %dma_start3A_192 : memref<1x128xi32, #tpu.memory_space<vmem>> -> memref<128xi32, #tpu.memory_space<vmem>>
        %dma_start3A_194 = arith.constant 0 : i32
        %dma_start3A_195 = arith.constant 0 : i32
        %dma_start3A_196 = tpu.memref_slice %arg16[%dma_start3A_194, %dma_start3A_195] : memref<10008x16xf32, #tpu.memory_space<vmem_shared>> -> memref<10008x16xf32, #tpu.memory_space<vmem_shared>>
        tpu.enqueue_indirect_dma source(%dma_start3A_190 : memref<128x16xf32, #tpu.memory_space<vmem>>) target(%dma_start3A_196 : memref<10008x16xf32, #tpu.memory_space<vmem_shared>>) offsets(%dma_start3A_193 : memref<128xi32, #tpu.memory_space<vmem>>) semaphore(%arg19 : memref<!tpu.dma_semaphore, #tpu.memory_space<semaphore_mem>>) {add = true}
        %mul3A_197 = arith.constant 4 : i32
        %mul3A_198 = arith.muli %mul3A_92, %mul3A_197 : i32
        %add3A_199 = arith.constant 3 : i32
        %add3A_200 = arith.addi %mul3A_198, %add3A_199 : i32
        %dma_start3A_201 = arith.constant 3 : i32
        %dma_start3A_202 = arith.constant 0 : i32
        %dma_start3A_203 = arith.constant 0 : i32
        %dma_start3A_204 = tpu.memref_slice %arg13[%dma_start3A_201, %dma_start3A_202, %dma_start3A_203] : memref<4x128x16xf32, #tpu.memory_space<vmem>> -> memref<1x128x16xf32, #tpu.memory_space<vmem>>
        %dma_start3A_205 = tpu.memref_squeeze %dma_start3A_204 : memref<1x128x16xf32, #tpu.memory_space<vmem>> -> memref<128x16xf32, #tpu.memory_space<vmem>>
        %dma_start3A_206 = arith.constant 0 : i32
        %dma_start3A_207 = tpu.memref_slice %arg12[%add3A_200, %dma_start3A_206] : memref<80x128xi32, #tpu.memory_space<vmem>> -> memref<1x128xi32, #tpu.memory_space<vmem>>
        %dma_start3A_208 = tpu.memref_squeeze %dma_start3A_207 : memref<1x128xi32, #tpu.memory_space<vmem>> -> memref<128xi32, #tpu.memory_space<vmem>>
        %dma_start3A_209 = arith.constant 0 : i32
        %dma_start3A_210 = arith.constant 0 : i32
        %dma_start3A_211 = tpu.memref_slice %arg16[%dma_start3A_209, %dma_start3A_210] : memref<10008x16xf32, #tpu.memory_space<vmem_shared>> -> memref<10008x16xf32, #tpu.memory_space<vmem_shared>>
        tpu.enqueue_indirect_dma source(%dma_start3A_205 : memref<128x16xf32, #tpu.memory_space<vmem>>) target(%dma_start3A_211 : memref<10008x16xf32, #tpu.memory_space<vmem_shared>>) offsets(%dma_start3A_208 : memref<128xi32, #tpu.memory_space<vmem>>) semaphore(%arg19 : memref<!tpu.dma_semaphore, #tpu.memory_space<semaphore_mem>>) {add = true}
        %add3A_212 = arith.constant 1 : i32
        %add3A_213 = arith.addi %mul3A_92, %add3A_212 : i32
        %mul3A_214 = arith.constant 4 : i32
        %mul3A_215 = arith.muli %add3A_213, %mul3A_214 : i32
        %add3A_216 = arith.constant 0 : i32
        %add3A_217 = arith.addi %mul3A_215, %add3A_216 : i32
        %mul3A_218 = arith.constant 128 : i32
        %mul3A_219 = arith.muli %add3A_217, %mul3A_218 : i32
        %dma_start3A_220 = arith.constant 0 : i32
        %dma_start3A_221 = arith.constant 0 : i32
        %dma_start3A_222 = arith.constant 0 : i32
        %dma_start3A_223 = tpu.memref_slice %arg14[%dma_start3A_220, %dma_start3A_221, %dma_start3A_222] : memref<4x128x16xf32, #tpu.memory_space<vmem>> -> memref<1x128x16xf32, #tpu.memory_space<vmem>>
        %dma_start3A_224 = tpu.memref_squeeze %dma_start3A_223 : memref<1x128x16xf32, #tpu.memory_space<vmem>> -> memref<128x16xf32, #tpu.memory_space<vmem>>
        %dma_start3A_225 = tpu.memref_slice %arg11[%mul3A_219] : memref<10240xi32, #tpu.memory_space<vmem>> -> memref<128xi32, #tpu.memory_space<vmem>>
        %dma_start3A_226 = arith.constant 0 : i32
        %dma_start3A_227 = arith.constant 0 : i32
        %dma_start3A_228 = tpu.memref_slice %arg15[%dma_start3A_226, %dma_start3A_227] : memref<10000x16xf32, #tpu.memory_space<vmem_shared>> -> memref<10000x16xf32, #tpu.memory_space<vmem_shared>>
        tpu.enqueue_indirect_dma source(%dma_start3A_228 : memref<10000x16xf32, #tpu.memory_space<vmem_shared>>) target(%dma_start3A_224 : memref<128x16xf32, #tpu.memory_space<vmem>>) offsets(%dma_start3A_225 : memref<128xi32, #tpu.memory_space<vmem>>) semaphore(%arg18 : memref<!tpu.dma_semaphore, #tpu.memory_space<semaphore_mem>>)
        %mul3A_229 = arith.constant 4 : i32
        %mul3A_230 = arith.muli %add3A_213, %mul3A_229 : i32
        %add3A_231 = arith.constant 1 : i32
        %add3A_232 = arith.addi %mul3A_230, %add3A_231 : i32
        %mul3A_233 = arith.constant 128 : i32
        %mul3A_234 = arith.muli %add3A_232, %mul3A_233 : i32
        %dma_start3A_235 = arith.constant 1 : i32
        %dma_start3A_236 = arith.constant 0 : i32
        %dma_start3A_237 = arith.constant 0 : i32
        %dma_start3A_238 = tpu.memref_slice %arg14[%dma_start3A_235, %dma_start3A_236, %dma_start3A_237] : memref<4x128x16xf32, #tpu.memory_space<vmem>> -> memref<1x128x16xf32, #tpu.memory_space<vmem>>
        %dma_start3A_239 = tpu.memref_squeeze %dma_start3A_238 : memref<1x128x16xf32, #tpu.memory_space<vmem>> -> memref<128x16xf32, #tpu.memory_space<vmem>>
        %dma_start3A_240 = tpu.memref_slice %arg11[%mul3A_234] : memref<10240xi32, #tpu.memory_space<vmem>> -> memref<128xi32, #tpu.memory_space<vmem>>
        %dma_start3A_241 = arith.constant 0 : i32
        %dma_start3A_242 = arith.constant 0 : i32
        %dma_start3A_243 = tpu.memref_slice %arg15[%dma_start3A_241, %dma_start3A_242] : memref<10000x16xf32, #tpu.memory_space<vmem_shared>> -> memref<10000x16xf32, #tpu.memory_space<vmem_shared>>
        tpu.enqueue_indirect_dma source(%dma_start3A_243 : memref<10000x16xf32, #tpu.memory_space<vmem_shared>>) target(%dma_start3A_239 : memref<128x16xf32, #tpu.memory_space<vmem>>) offsets(%dma_start3A_240 : memref<128xi32, #tpu.memory_space<vmem>>) semaphore(%arg18 : memref<!tpu.dma_semaphore, #tpu.memory_space<semaphore_mem>>)
        %mul3A_244 = arith.constant 4 : i32
        %mul3A_245 = arith.muli %add3A_213, %mul3A_244 : i32
        %add3A_246 = arith.constant 2 : i32
        %add3A_247 = arith.addi %mul3A_245, %add3A_246 : i32
        %mul3A_248 = arith.constant 128 : i32
        %mul3A_249 = arith.muli %add3A_247, %mul3A_248 : i32
        %dma_start3A_250 = arith.constant 2 : i32
        %dma_start3A_251 = arith.constant 0 : i32
        %dma_start3A_252 = arith.constant 0 : i32
        %dma_start3A_253 = tpu.memref_slice %arg14[%dma_start3A_250, %dma_start3A_251, %dma_start3A_252] : memref<4x128x16xf32, #tpu.memory_space<vmem>> -> memref<1x128x16xf32, #tpu.memory_space<vmem>>
        %dma_start3A_254 = tpu.memref_squeeze %dma_start3A_253 : memref<1x128x16xf32, #tpu.memory_space<vmem>> -> memref<128x16xf32, #tpu.memory_space<vmem>>
        %dma_start3A_255 = tpu.memref_slice %arg11[%mul3A_249] : memref<10240xi32, #tpu.memory_space<vmem>> -> memref<128xi32, #tpu.memory_space<vmem>>
        %dma_start3A_256 = arith.constant 0 : i32
        %dma_start3A_257 = arith.constant 0 : i32
        %dma_start3A_258 = tpu.memref_slice %arg15[%dma_start3A_256, %dma_start3A_257] : memref<10000x16xf32, #tpu.memory_space<vmem_shared>> -> memref<10000x16xf32, #tpu.memory_space<vmem_shared>>
        tpu.enqueue_indirect_dma source(%dma_start3A_258 : memref<10000x16xf32, #tpu.memory_space<vmem_shared>>) target(%dma_start3A_254 : memref<128x16xf32, #tpu.memory_space<vmem>>) offsets(%dma_start3A_255 : memref<128xi32, #tpu.memory_space<vmem>>) semaphore(%arg18 : memref<!tpu.dma_semaphore, #tpu.memory_space<semaphore_mem>>)
        %mul3A_259 = arith.constant 4 : i32
        %mul3A_260 = arith.muli %add3A_213, %mul3A_259 : i32
        %add3A_261 = arith.constant 3 : i32
        %add3A_262 = arith.addi %mul3A_260, %add3A_261 : i32
        %mul3A_263 = arith.constant 128 : i32
        %mul3A_264 = arith.muli %add3A_262, %mul3A_263 : i32
        %dma_start3A_265 = arith.constant 3 : i32
        %dma_start3A_266 = arith.constant 0 : i32
        %dma_start3A_267 = arith.constant 0 : i32
        %dma_start3A_268 = tpu.memref_slice %arg14[%dma_start3A_265, %dma_start3A_266, %dma_start3A_267] : memref<4x128x16xf32, #tpu.memory_space<vmem>> -> memref<1x128x16xf32, #tpu.memory_space<vmem>>
        %dma_start3A_269 = tpu.memref_squeeze %dma_start3A_268 : memref<1x128x16xf32, #tpu.memory_space<vmem>> -> memref<128x16xf32, #tpu.memory_space<vmem>>
        %dma_start3A_270 = tpu.memref_slice %arg11[%mul3A_264] : memref<10240xi32, #tpu.memory_space<vmem>> -> memref<128xi32, #tpu.memory_space<vmem>>
        %dma_start3A_271 = arith.constant 0 : i32
        %dma_start3A_272 = arith.constant 0 : i32
        %dma_start3A_273 = tpu.memref_slice %arg15[%dma_start3A_271, %dma_start3A_272] : memref<10000x16xf32, #tpu.memory_space<vmem_shared>> -> memref<10000x16xf32, #tpu.memory_space<vmem_shared>>
        tpu.enqueue_indirect_dma source(%dma_start3A_273 : memref<10000x16xf32, #tpu.memory_space<vmem_shared>>) target(%dma_start3A_269 : memref<128x16xf32, #tpu.memory_space<vmem>>) offsets(%dma_start3A_270 : memref<128xi32, #tpu.memory_space<vmem>>) semaphore(%arg18 : memref<!tpu.dma_semaphore, #tpu.memory_space<semaphore_mem>>)
        %mul3A_274 = arith.constant 4 : i32
        %mul3A_275 = arith.muli %mul3A_92, %mul3A_274 : i32
        %add3A_276 = arith.constant 0 : i32
        %add3A_277 = arith.addi %mul3A_275, %add3A_276 : i32
        %dma_wait3A_278 = arith.constant 0 : i32
        %dma_wait3A_279 = arith.constant 0 : i32
        %dma_wait3A_280 = arith.constant 0 : i32
        %dma_wait3A_281 = tpu.memref_slice %arg13[%dma_wait3A_278, %dma_wait3A_279, %dma_wait3A_280] : memref<4x128x16xf32, #tpu.memory_space<vmem>> -> memref<1x128x16xf32, #tpu.memory_space<vmem>>
        %dma_wait3A_282 = tpu.memref_squeeze %dma_wait3A_281 : memref<1x128x16xf32, #tpu.memory_space<vmem>> -> memref<128x16xf32, #tpu.memory_space<vmem>>
        %dma_wait3A_283 = arith.constant 0 : i32
        %dma_wait3A_284 = tpu.memref_slice %arg12[%add3A_277, %dma_wait3A_283] : memref<80x128xi32, #tpu.memory_space<vmem>> -> memref<1x128xi32, #tpu.memory_space<vmem>>
        %dma_wait3A_285 = tpu.memref_squeeze %dma_wait3A_284 : memref<1x128xi32, #tpu.memory_space<vmem>> -> memref<128xi32, #tpu.memory_space<vmem>>
        %dma_wait3A_286 = arith.constant 0 : i32
        %dma_wait3A_287 = arith.constant 0 : i32
        %dma_wait3A_288 = tpu.memref_slice %arg16[%dma_wait3A_286, %dma_wait3A_287] : memref<10008x16xf32, #tpu.memory_space<vmem_shared>> -> memref<10008x16xf32, #tpu.memory_space<vmem_shared>>
        tpu.wait_indirect_dma semaphore(%arg19 : memref<!tpu.dma_semaphore, #tpu.memory_space<semaphore_mem>>) src(%dma_wait3A_282 : memref<128x16xf32, #tpu.memory_space<vmem>>) dst(%dma_wait3A_288 : memref<10008x16xf32, #tpu.memory_space<vmem_shared>>)
        %mul3A_289 = arith.constant 4 : i32
        %mul3A_290 = arith.muli %mul3A_92, %mul3A_289 : i32
        %add3A_291 = arith.constant 1 : i32
        %add3A_292 = arith.addi %mul3A_290, %add3A_291 : i32
        %dma_wait3A_293 = arith.constant 1 : i32
        %dma_wait3A_294 = arith.constant 0 : i32
        %dma_wait3A_295 = arith.constant 0 : i32
        %dma_wait3A_296 = tpu.memref_slice %arg13[%dma_wait3A_293, %dma_wait3A_294, %dma_wait3A_295] : memref<4x128x16xf32, #tpu.memory_space<vmem>> -> memref<1x128x16xf32, #tpu.memory_space<vmem>>
        %dma_wait3A_297 = tpu.memref_squeeze %dma_wait3A_296 : memref<1x128x16xf32, #tpu.memory_space<vmem>> -> memref<128x16xf32, #tpu.memory_space<vmem>>
        %dma_wait3A_298 = arith.constant 0 : i32
        %dma_wait3A_299 = tpu.memref_slice %arg12[%add3A_292, %dma_wait3A_298] : memref<80x128xi32, #tpu.memory_space<vmem>> -> memref<1x128xi32, #tpu.memory_space<vmem>>
        %dma_wait3A_300 = tpu.memref_squeeze %dma_wait3A_299 : memref<1x128xi32, #tpu.memory_space<vmem>> -> memref<128xi32, #tpu.memory_space<vmem>>
        %dma_wait3A_301 = arith.constant 0 : i32
        %dma_wait3A_302 = arith.constant 0 : i32
        %dma_wait3A_303 = tpu.memref_slice %arg16[%dma_wait3A_301, %dma_wait3A_302] : memref<10008x16xf32, #tpu.memory_space<vmem_shared>> -> memref<10008x16xf32, #tpu.memory_space<vmem_shared>>
        tpu.wait_indirect_dma semaphore(%arg19 : memref<!tpu.dma_semaphore, #tpu.memory_space<semaphore_mem>>) src(%dma_wait3A_297 : memref<128x16xf32, #tpu.memory_space<vmem>>) dst(%dma_wait3A_303 : memref<10008x16xf32, #tpu.memory_space<vmem_shared>>)
        %mul3A_304 = arith.constant 4 : i32
        %mul3A_305 = arith.muli %mul3A_92, %mul3A_304 : i32
        %add3A_306 = arith.constant 2 : i32
        %add3A_307 = arith.addi %mul3A_305, %add3A_306 : i32
        %dma_wait3A_308 = arith.constant 2 : i32
        %dma_wait3A_309 = arith.constant 0 : i32
        %dma_wait3A_310 = arith.constant 0 : i32
        %dma_wait3A_311 = tpu.memref_slice %arg13[%dma_wait3A_308, %dma_wait3A_309, %dma_wait3A_310] : memref<4x128x16xf32, #tpu.memory_space<vmem>> -> memref<1x128x16xf32, #tpu.memory_space<vmem>>
        %dma_wait3A_312 = tpu.memref_squeeze %dma_wait3A_311 : memref<1x128x16xf32, #tpu.memory_space<vmem>> -> memref<128x16xf32, #tpu.memory_space<vmem>>
        %dma_wait3A_313 = arith.constant 0 : i32
        %dma_wait3A_314 = tpu.memref_slice %arg12[%add3A_307, %dma_wait3A_313] : memref<80x128xi32, #tpu.memory_space<vmem>> -> memref<1x128xi32, #tpu.memory_space<vmem>>
        %dma_wait3A_315 = tpu.memref_squeeze %dma_wait3A_314 : memref<1x128xi32, #tpu.memory_space<vmem>> -> memref<128xi32, #tpu.memory_space<vmem>>
        %dma_wait3A_316 = arith.constant 0 : i32
        %dma_wait3A_317 = arith.constant 0 : i32
        %dma_wait3A_318 = tpu.memref_slice %arg16[%dma_wait3A_316, %dma_wait3A_317] : memref<10008x16xf32, #tpu.memory_space<vmem_shared>> -> memref<10008x16xf32, #tpu.memory_space<vmem_shared>>
        tpu.wait_indirect_dma semaphore(%arg19 : memref<!tpu.dma_semaphore, #tpu.memory_space<semaphore_mem>>) src(%dma_wait3A_312 : memref<128x16xf32, #tpu.memory_space<vmem>>) dst(%dma_wait3A_318 : memref<10008x16xf32, #tpu.memory_space<vmem_shared>>)
        %mul3A_319 = arith.constant 4 : i32
        %mul3A_320 = arith.muli %mul3A_92, %mul3A_319 : i32
        %add3A_321 = arith.constant 3 : i32
        %add3A_322 = arith.addi %mul3A_320, %add3A_321 : i32
        %dma_wait3A_323 = arith.constant 3 : i32
        %dma_wait3A_324 = arith.constant 0 : i32
        %dma_wait3A_325 = arith.constant 0 : i32
        %dma_wait3A_326 = tpu.memref_slice %arg13[%dma_wait3A_323, %dma_wait3A_324, %dma_wait3A_325] : memref<4x128x16xf32, #tpu.memory_space<vmem>> -> memref<1x128x16xf32, #tpu.memory_space<vmem>>
        %dma_wait3A_327 = tpu.memref_squeeze %dma_wait3A_326 : memref<1x128x16xf32, #tpu.memory_space<vmem>> -> memref<128x16xf32, #tpu.memory_space<vmem>>
        %dma_wait3A_328 = arith.constant 0 : i32
        %dma_wait3A_329 = tpu.memref_slice %arg12[%add3A_322, %dma_wait3A_328] : memref<80x128xi32, #tpu.memory_space<vmem>> -> memref<1x128xi32, #tpu.memory_space<vmem>>
        %dma_wait3A_330 = tpu.memref_squeeze %dma_wait3A_329 : memref<1x128xi32, #tpu.memory_space<vmem>> -> memref<128xi32, #tpu.memory_space<vmem>>
        %dma_wait3A_331 = arith.constant 0 : i32
        %dma_wait3A_332 = arith.constant 0 : i32
        %dma_wait3A_333 = tpu.memref_slice %arg16[%dma_wait3A_331, %dma_wait3A_332] : memref<10008x16xf32, #tpu.memory_space<vmem_shared>> -> memref<10008x16xf32, #tpu.memory_space<vmem_shared>>
        tpu.wait_indirect_dma semaphore(%arg19 : memref<!tpu.dma_semaphore, #tpu.memory_space<semaphore_mem>>) src(%dma_wait3A_327 : memref<128x16xf32, #tpu.memory_space<vmem>>) dst(%dma_wait3A_333 : memref<10008x16xf32, #tpu.memory_space<vmem_shared>>)
        %add3A_334 = arith.constant 2 : i32
        %add3A_335 = arith.addi %mul3A_92, %add3A_334 : i32
        %lt3A = arith.constant 20 : i32
        %lt3A_336 = arith.cmpi slt, %add3A_335, %lt3A : i32
        %convert_element_type3A_337 = arith.extui %lt3A_336 : i1 to i32
        %cond3A_338 = arith.constant 0 : i32
        %cond3A_339 = arith.cmpi ne, %convert_element_type3A_337, %cond3A_338 : i32
        scf.if %cond3A_339 {
          %add3A_526 = arith.constant 2 : i32
          %add3A_527 = arith.addi %mul3A_92, %add3A_526 : i32
          %mul3A_528 = arith.constant 4 : i32
          %mul3A_529 = arith.muli %add3A_527, %mul3A_528 : i32
          %add3A_530 = arith.constant 0 : i32
          %add3A_531 = arith.addi %mul3A_529, %add3A_530 : i32
          %mul3A_532 = arith.constant 128 : i32
          %mul3A_533 = arith.muli %add3A_531, %mul3A_532 : i32
          %dma_start3A_534 = arith.constant 0 : i32
          %dma_start3A_535 = arith.constant 0 : i32
          %dma_start3A_536 = arith.constant 0 : i32
          %dma_start3A_537 = tpu.memref_slice %arg13[%dma_start3A_534, %dma_start3A_535, %dma_start3A_536] : memref<4x128x16xf32, #tpu.memory_space<vmem>> -> memref<1x128x16xf32, #tpu.memory_space<vmem>>
          %dma_start3A_538 = tpu.memref_squeeze %dma_start3A_537 : memref<1x128x16xf32, #tpu.memory_space<vmem>> -> memref<128x16xf32, #tpu.memory_space<vmem>>
          %dma_start3A_539 = tpu.memref_slice %arg11[%mul3A_533] : memref<10240xi32, #tpu.memory_space<vmem>> -> memref<128xi32, #tpu.memory_space<vmem>>
          %dma_start3A_540 = arith.constant 0 : i32
          %dma_start3A_541 = arith.constant 0 : i32
          %dma_start3A_542 = tpu.memref_slice %arg15[%dma_start3A_540, %dma_start3A_541] : memref<10000x16xf32, #tpu.memory_space<vmem_shared>> -> memref<10000x16xf32, #tpu.memory_space<vmem_shared>>
          tpu.enqueue_indirect_dma source(%dma_start3A_542 : memref<10000x16xf32, #tpu.memory_space<vmem_shared>>) target(%dma_start3A_538 : memref<128x16xf32, #tpu.memory_space<vmem>>) offsets(%dma_start3A_539 : memref<128xi32, #tpu.memory_space<vmem>>) semaphore(%arg17 : memref<!tpu.dma_semaphore, #tpu.memory_space<semaphore_mem>>)
          %mul3A_543 = arith.constant 4 : i32
          %mul3A_544 = arith.muli %add3A_527, %mul3A_543 : i32
          %add3A_545 = arith.constant 1 : i32
          %add3A_546 = arith.addi %mul3A_544, %add3A_545 : i32
          %mul3A_547 = arith.constant 128 : i32
          %mul3A_548 = arith.muli %add3A_546, %mul3A_547 : i32
          %dma_start3A_549 = arith.constant 1 : i32
          %dma_start3A_550 = arith.constant 0 : i32
          %dma_start3A_551 = arith.constant 0 : i32
          %dma_start3A_552 = tpu.memref_slice %arg13[%dma_start3A_549, %dma_start3A_550, %dma_start3A_551] : memref<4x128x16xf32, #tpu.memory_space<vmem>> -> memref<1x128x16xf32, #tpu.memory_space<vmem>>
          %dma_start3A_553 = tpu.memref_squeeze %dma_start3A_552 : memref<1x128x16xf32, #tpu.memory_space<vmem>> -> memref<128x16xf32, #tpu.memory_space<vmem>>
          %dma_start3A_554 = tpu.memref_slice %arg11[%mul3A_548] : memref<10240xi32, #tpu.memory_space<vmem>> -> memref<128xi32, #tpu.memory_space<vmem>>
          %dma_start3A_555 = arith.constant 0 : i32
          %dma_start3A_556 = arith.constant 0 : i32
          %dma_start3A_557 = tpu.memref_slice %arg15[%dma_start3A_555, %dma_start3A_556] : memref<10000x16xf32, #tpu.memory_space<vmem_shared>> -> memref<10000x16xf32, #tpu.memory_space<vmem_shared>>
          tpu.enqueue_indirect_dma source(%dma_start3A_557 : memref<10000x16xf32, #tpu.memory_space<vmem_shared>>) target(%dma_start3A_553 : memref<128x16xf32, #tpu.memory_space<vmem>>) offsets(%dma_start3A_554 : memref<128xi32, #tpu.memory_space<vmem>>) semaphore(%arg17 : memref<!tpu.dma_semaphore, #tpu.memory_space<semaphore_mem>>)
          %mul3A_558 = arith.constant 4 : i32
          %mul3A_559 = arith.muli %add3A_527, %mul3A_558 : i32
          %add3A_560 = arith.constant 2 : i32
          %add3A_561 = arith.addi %mul3A_559, %add3A_560 : i32
          %mul3A_562 = arith.constant 128 : i32
          %mul3A_563 = arith.muli %add3A_561, %mul3A_562 : i32
          %dma_start3A_564 = arith.constant 2 : i32
          %dma_start3A_565 = arith.constant 0 : i32
          %dma_start3A_566 = arith.constant 0 : i32
          %dma_start3A_567 = tpu.memref_slice %arg13[%dma_start3A_564, %dma_start3A_565, %dma_start3A_566] : memref<4x128x16xf32, #tpu.memory_space<vmem>> -> memref<1x128x16xf32, #tpu.memory_space<vmem>>
          %dma_start3A_568 = tpu.memref_squeeze %dma_start3A_567 : memref<1x128x16xf32, #tpu.memory_space<vmem>> -> memref<128x16xf32, #tpu.memory_space<vmem>>
          %dma_start3A_569 = tpu.memref_slice %arg11[%mul3A_563] : memref<10240xi32, #tpu.memory_space<vmem>> -> memref<128xi32, #tpu.memory_space<vmem>>
          %dma_start3A_570 = arith.constant 0 : i32
          %dma_start3A_571 = arith.constant 0 : i32
          %dma_start3A_572 = tpu.memref_slice %arg15[%dma_start3A_570, %dma_start3A_571] : memref<10000x16xf32, #tpu.memory_space<vmem_shared>> -> memref<10000x16xf32, #tpu.memory_space<vmem_shared>>
          tpu.enqueue_indirect_dma source(%dma_start3A_572 : memref<10000x16xf32, #tpu.memory_space<vmem_shared>>) target(%dma_start3A_568 : memref<128x16xf32, #tpu.memory_space<vmem>>) offsets(%dma_start3A_569 : memref<128xi32, #tpu.memory_space<vmem>>) semaphore(%arg17 : memref<!tpu.dma_semaphore, #tpu.memory_space<semaphore_mem>>)
          %mul3A_573 = arith.constant 4 : i32
          %mul3A_574 = arith.muli %add3A_527, %mul3A_573 : i32
          %add3A_575 = arith.constant 3 : i32
          %add3A_576 = arith.addi %mul3A_574, %add3A_575 : i32
          %mul3A_577 = arith.constant 128 : i32
          %mul3A_578 = arith.muli %add3A_576, %mul3A_577 : i32
          %dma_start3A_579 = arith.constant 3 : i32
          %dma_start3A_580 = arith.constant 0 : i32
          %dma_start3A_581 = arith.constant 0 : i32
          %dma_start3A_582 = tpu.memref_slice %arg13[%dma_start3A_579, %dma_start3A_580, %dma_start3A_581] : memref<4x128x16xf32, #tpu.memory_space<vmem>> -> memref<1x128x16xf32, #tpu.memory_space<vmem>>
          %dma_start3A_583 = tpu.memref_squeeze %dma_start3A_582 : memref<1x128x16xf32, #tpu.memory_space<vmem>> -> memref<128x16xf32, #tpu.memory_space<vmem>>
          %dma_start3A_584 = tpu.memref_slice %arg11[%mul3A_578] : memref<10240xi32, #tpu.memory_space<vmem>> -> memref<128xi32, #tpu.memory_space<vmem>>
          %dma_start3A_585 = arith.constant 0 : i32
          %dma_start3A_586 = arith.constant 0 : i32
          %dma_start3A_587 = tpu.memref_slice %arg15[%dma_start3A_585, %dma_start3A_586] : memref<10000x16xf32, #tpu.memory_space<vmem_shared>> -> memref<10000x16xf32, #tpu.memory_space<vmem_shared>>
          tpu.enqueue_indirect_dma source(%dma_start3A_587 : memref<10000x16xf32, #tpu.memory_space<vmem_shared>>) target(%dma_start3A_583 : memref<128x16xf32, #tpu.memory_space<vmem>>) offsets(%dma_start3A_584 : memref<128xi32, #tpu.memory_space<vmem>>) semaphore(%arg17 : memref<!tpu.dma_semaphore, #tpu.memory_space<semaphore_mem>>)
        } else {
        }
        %add3A_340 = arith.constant 1 : i32
        %add3A_341 = arith.addi %mul3A_92, %add3A_340 : i32
        %mul3A_342 = arith.constant 4 : i32
        %mul3A_343 = arith.muli %add3A_341, %mul3A_342 : i32
        %add3A_344 = arith.constant 0 : i32
        %add3A_345 = arith.addi %mul3A_343, %add3A_344 : i32
        %mul3A_346 = arith.constant 128 : i32
        %mul3A_347 = arith.muli %add3A_345, %mul3A_346 : i32
        %dma_wait3A_348 = arith.constant 0 : i32
        %dma_wait3A_349 = arith.constant 0 : i32
        %dma_wait3A_350 = arith.constant 0 : i32
        %dma_wait3A_351 = tpu.memref_slice %arg14[%dma_wait3A_348, %dma_wait3A_349, %dma_wait3A_350] : memref<4x128x16xf32, #tpu.memory_space<vmem>> -> memref<1x128x16xf32, #tpu.memory_space<vmem>>
        %dma_wait3A_352 = tpu.memref_squeeze %dma_wait3A_351 : memref<1x128x16xf32, #tpu.memory_space<vmem>> -> memref<128x16xf32, #tpu.memory_space<vmem>>
        %dma_wait3A_353 = tpu.memref_slice %arg11[%mul3A_347] : memref<10240xi32, #tpu.memory_space<vmem>> -> memref<128xi32, #tpu.memory_space<vmem>>
        %dma_wait3A_354 = arith.constant 0 : i32
        %dma_wait3A_355 = arith.constant 0 : i32
        %dma_wait3A_356 = tpu.memref_slice %arg15[%dma_wait3A_354, %dma_wait3A_355] : memref<10000x16xf32, #tpu.memory_space<vmem_shared>> -> memref<10000x16xf32, #tpu.memory_space<vmem_shared>>
        tpu.wait_indirect_dma semaphore(%arg18 : memref<!tpu.dma_semaphore, #tpu.memory_space<semaphore_mem>>) src(%dma_wait3A_356 : memref<10000x16xf32, #tpu.memory_space<vmem_shared>>) dst(%dma_wait3A_352 : memref<128x16xf32, #tpu.memory_space<vmem>>)
        %mul3A_357 = arith.constant 4 : i32
        %mul3A_358 = arith.muli %add3A_341, %mul3A_357 : i32
        %add3A_359 = arith.constant 1 : i32
        %add3A_360 = arith.addi %mul3A_358, %add3A_359 : i32
        %mul3A_361 = arith.constant 128 : i32
        %mul3A_362 = arith.muli %add3A_360, %mul3A_361 : i32
        %dma_wait3A_363 = arith.constant 1 : i32
        %dma_wait3A_364 = arith.constant 0 : i32
        %dma_wait3A_365 = arith.constant 0 : i32
        %dma_wait3A_366 = tpu.memref_slice %arg14[%dma_wait3A_363, %dma_wait3A_364, %dma_wait3A_365] : memref<4x128x16xf32, #tpu.memory_space<vmem>> -> memref<1x128x16xf32, #tpu.memory_space<vmem>>
        %dma_wait3A_367 = tpu.memref_squeeze %dma_wait3A_366 : memref<1x128x16xf32, #tpu.memory_space<vmem>> -> memref<128x16xf32, #tpu.memory_space<vmem>>
        %dma_wait3A_368 = tpu.memref_slice %arg11[%mul3A_362] : memref<10240xi32, #tpu.memory_space<vmem>> -> memref<128xi32, #tpu.memory_space<vmem>>
        %dma_wait3A_369 = arith.constant 0 : i32
        %dma_wait3A_370 = arith.constant 0 : i32
        %dma_wait3A_371 = tpu.memref_slice %arg15[%dma_wait3A_369, %dma_wait3A_370] : memref<10000x16xf32, #tpu.memory_space<vmem_shared>> -> memref<10000x16xf32, #tpu.memory_space<vmem_shared>>
        tpu.wait_indirect_dma semaphore(%arg18 : memref<!tpu.dma_semaphore, #tpu.memory_space<semaphore_mem>>) src(%dma_wait3A_371 : memref<10000x16xf32, #tpu.memory_space<vmem_shared>>) dst(%dma_wait3A_367 : memref<128x16xf32, #tpu.memory_space<vmem>>)
        %mul3A_372 = arith.constant 4 : i32
        %mul3A_373 = arith.muli %add3A_341, %mul3A_372 : i32
        %add3A_374 = arith.constant 2 : i32
        %add3A_375 = arith.addi %mul3A_373, %add3A_374 : i32
        %mul3A_376 = arith.constant 128 : i32
        %mul3A_377 = arith.muli %add3A_375, %mul3A_376 : i32
        %dma_wait3A_378 = arith.constant 2 : i32
        %dma_wait3A_379 = arith.constant 0 : i32
        %dma_wait3A_380 = arith.constant 0 : i32
        %dma_wait3A_381 = tpu.memref_slice %arg14[%dma_wait3A_378, %dma_wait3A_379, %dma_wait3A_380] : memref<4x128x16xf32, #tpu.memory_space<vmem>> -> memref<1x128x16xf32, #tpu.memory_space<vmem>>
        %dma_wait3A_382 = tpu.memref_squeeze %dma_wait3A_381 : memref<1x128x16xf32, #tpu.memory_space<vmem>> -> memref<128x16xf32, #tpu.memory_space<vmem>>
        %dma_wait3A_383 = tpu.memref_slice %arg11[%mul3A_377] : memref<10240xi32, #tpu.memory_space<vmem>> -> memref<128xi32, #tpu.memory_space<vmem>>
        %dma_wait3A_384 = arith.constant 0 : i32
        %dma_wait3A_385 = arith.constant 0 : i32
        %dma_wait3A_386 = tpu.memref_slice %arg15[%dma_wait3A_384, %dma_wait3A_385] : memref<10000x16xf32, #tpu.memory_space<vmem_shared>> -> memref<10000x16xf32, #tpu.memory_space<vmem_shared>>
        tpu.wait_indirect_dma semaphore(%arg18 : memref<!tpu.dma_semaphore, #tpu.memory_space<semaphore_mem>>) src(%dma_wait3A_386 : memref<10000x16xf32, #tpu.memory_space<vmem_shared>>) dst(%dma_wait3A_382 : memref<128x16xf32, #tpu.memory_space<vmem>>)
        %mul3A_387 = arith.constant 4 : i32
        %mul3A_388 = arith.muli %add3A_341, %mul3A_387 : i32
        %add3A_389 = arith.constant 3 : i32
        %add3A_390 = arith.addi %mul3A_388, %add3A_389 : i32
        %mul3A_391 = arith.constant 128 : i32
        %mul3A_392 = arith.muli %add3A_390, %mul3A_391 : i32
        %dma_wait3A_393 = arith.constant 3 : i32
        %dma_wait3A_394 = arith.constant 0 : i32
        %dma_wait3A_395 = arith.constant 0 : i32
        %dma_wait3A_396 = tpu.memref_slice %arg14[%dma_wait3A_393, %dma_wait3A_394, %dma_wait3A_395] : memref<4x128x16xf32, #tpu.memory_space<vmem>> -> memref<1x128x16xf32, #tpu.memory_space<vmem>>
        %dma_wait3A_397 = tpu.memref_squeeze %dma_wait3A_396 : memref<1x128x16xf32, #tpu.memory_space<vmem>> -> memref<128x16xf32, #tpu.memory_space<vmem>>
        %dma_wait3A_398 = tpu.memref_slice %arg11[%mul3A_392] : memref<10240xi32, #tpu.memory_space<vmem>> -> memref<128xi32, #tpu.memory_space<vmem>>
        %dma_wait3A_399 = arith.constant 0 : i32
        %dma_wait3A_400 = arith.constant 0 : i32
        %dma_wait3A_401 = tpu.memref_slice %arg15[%dma_wait3A_399, %dma_wait3A_400] : memref<10000x16xf32, #tpu.memory_space<vmem_shared>> -> memref<10000x16xf32, #tpu.memory_space<vmem_shared>>
        tpu.wait_indirect_dma semaphore(%arg18 : memref<!tpu.dma_semaphore, #tpu.memory_space<semaphore_mem>>) src(%dma_wait3A_401 : memref<10000x16xf32, #tpu.memory_space<vmem_shared>>) dst(%dma_wait3A_397 : memref<128x16xf32, #tpu.memory_space<vmem>>)
        %add3A_402 = arith.constant 1 : i32
        %add3A_403 = arith.addi %mul3A_92, %add3A_402 : i32
        %mul3A_404 = arith.constant 4 : i32
        %mul3A_405 = arith.muli %add3A_403, %mul3A_404 : i32
        %add3A_406 = arith.constant 0 : i32
        %add3A_407 = arith.addi %mul3A_405, %add3A_406 : i32
        %dma_start3A_408 = arith.constant 0 : i32
        %dma_start3A_409 = arith.constant 0 : i32
        %dma_start3A_410 = arith.constant 0 : i32
        %dma_start3A_411 = tpu.memref_slice %arg14[%dma_start3A_408, %dma_start3A_409, %dma_start3A_410] : memref<4x128x16xf32, #tpu.memory_space<vmem>> -> memref<1x128x16xf32, #tpu.memory_space<vmem>>
        %dma_start3A_412 = tpu.memref_squeeze %dma_start3A_411 : memref<1x128x16xf32, #tpu.memory_space<vmem>> -> memref<128x16xf32, #tpu.memory_space<vmem>>
        %dma_start3A_413 = arith.constant 0 : i32
        %dma_start3A_414 = tpu.memref_slice %arg12[%add3A_407, %dma_start3A_413] : memref<80x128xi32, #tpu.memory_space<vmem>> -> memref<1x128xi32, #tpu.memory_space<vmem>>
        %dma_start3A_415 = tpu.memref_squeeze %dma_start3A_414 : memref<1x128xi32, #tpu.memory_space<vmem>> -> memref<128xi32, #tpu.memory_space<vmem>>
        %dma_start3A_416 = arith.constant 0 : i32
        %dma_start3A_417 = arith.constant 0 : i32
        %dma_start3A_418 = tpu.memref_slice %arg16[%dma_start3A_416, %dma_start3A_417] : memref<10008x16xf32, #tpu.memory_space<vmem_shared>> -> memref<10008x16xf32, #tpu.memory_space<vmem_shared>>
        tpu.enqueue_indirect_dma source(%dma_start3A_412 : memref<128x16xf32, #tpu.memory_space<vmem>>) target(%dma_start3A_418 : memref<10008x16xf32, #tpu.memory_space<vmem_shared>>) offsets(%dma_start3A_415 : memref<128xi32, #tpu.memory_space<vmem>>) semaphore(%arg19 : memref<!tpu.dma_semaphore, #tpu.memory_space<semaphore_mem>>) {add = true}
        %mul3A_419 = arith.constant 4 : i32
        %mul3A_420 = arith.muli %add3A_403, %mul3A_419 : i32
        %add3A_421 = arith.constant 1 : i32
        %add3A_422 = arith.addi %mul3A_420, %add3A_421 : i32
        %dma_start3A_423 = arith.constant 1 : i32
        %dma_start3A_424 = arith.constant 0 : i32
        %dma_start3A_425 = arith.constant 0 : i32
        %dma_start3A_426 = tpu.memref_slice %arg14[%dma_start3A_423, %dma_start3A_424, %dma_start3A_425] : memref<4x128x16xf32, #tpu.memory_space<vmem>> -> memref<1x128x16xf32, #tpu.memory_space<vmem>>
        %dma_start3A_427 = tpu.memref_squeeze %dma_start3A_426 : memref<1x128x16xf32, #tpu.memory_space<vmem>> -> memref<128x16xf32, #tpu.memory_space<vmem>>
        %dma_start3A_428 = arith.constant 0 : i32
        %dma_start3A_429 = tpu.memref_slice %arg12[%add3A_422, %dma_start3A_428] : memref<80x128xi32, #tpu.memory_space<vmem>> -> memref<1x128xi32, #tpu.memory_space<vmem>>
        %dma_start3A_430 = tpu.memref_squeeze %dma_start3A_429 : memref<1x128xi32, #tpu.memory_space<vmem>> -> memref<128xi32, #tpu.memory_space<vmem>>
        %dma_start3A_431 = arith.constant 0 : i32
        %dma_start3A_432 = arith.constant 0 : i32
        %dma_start3A_433 = tpu.memref_slice %arg16[%dma_start3A_431, %dma_start3A_432] : memref<10008x16xf32, #tpu.memory_space<vmem_shared>> -> memref<10008x16xf32, #tpu.memory_space<vmem_shared>>
        tpu.enqueue_indirect_dma source(%dma_start3A_427 : memref<128x16xf32, #tpu.memory_space<vmem>>) target(%dma_start3A_433 : memref<10008x16xf32, #tpu.memory_space<vmem_shared>>) offsets(%dma_start3A_430 : memref<128xi32, #tpu.memory_space<vmem>>) semaphore(%arg19 : memref<!tpu.dma_semaphore, #tpu.memory_space<semaphore_mem>>) {add = true}
        %mul3A_434 = arith.constant 4 : i32
        %mul3A_435 = arith.muli %add3A_403, %mul3A_434 : i32
        %add3A_436 = arith.constant 2 : i32
        %add3A_437 = arith.addi %mul3A_435, %add3A_436 : i32
        %dma_start3A_438 = arith.constant 2 : i32
        %dma_start3A_439 = arith.constant 0 : i32
        %dma_start3A_440 = arith.constant 0 : i32
        %dma_start3A_441 = tpu.memref_slice %arg14[%dma_start3A_438, %dma_start3A_439, %dma_start3A_440] : memref<4x128x16xf32, #tpu.memory_space<vmem>> -> memref<1x128x16xf32, #tpu.memory_space<vmem>>
        %dma_start3A_442 = tpu.memref_squeeze %dma_start3A_441 : memref<1x128x16xf32, #tpu.memory_space<vmem>> -> memref<128x16xf32, #tpu.memory_space<vmem>>
        %dma_start3A_443 = arith.constant 0 : i32
        %dma_start3A_444 = tpu.memref_slice %arg12[%add3A_437, %dma_start3A_443] : memref<80x128xi32, #tpu.memory_space<vmem>> -> memref<1x128xi32, #tpu.memory_space<vmem>>
        %dma_start3A_445 = tpu.memref_squeeze %dma_start3A_444 : memref<1x128xi32, #tpu.memory_space<vmem>> -> memref<128xi32, #tpu.memory_space<vmem>>
        %dma_start3A_446 = arith.constant 0 : i32
        %dma_start3A_447 = arith.constant 0 : i32
        %dma_start3A_448 = tpu.memref_slice %arg16[%dma_start3A_446, %dma_start3A_447] : memref<10008x16xf32, #tpu.memory_space<vmem_shared>> -> memref<10008x16xf32, #tpu.memory_space<vmem_shared>>
        tpu.enqueue_indirect_dma source(%dma_start3A_442 : memref<128x16xf32, #tpu.memory_space<vmem>>) target(%dma_start3A_448 : memref<10008x16xf32, #tpu.memory_space<vmem_shared>>) offsets(%dma_start3A_445 : memref<128xi32, #tpu.memory_space<vmem>>) semaphore(%arg19 : memref<!tpu.dma_semaphore, #tpu.memory_space<semaphore_mem>>) {add = true}
        %mul3A_449 = arith.constant 4 : i32
        %mul3A_450 = arith.muli %add3A_403, %mul3A_449 : i32
        %add3A_451 = arith.constant 3 : i32
        %add3A_452 = arith.addi %mul3A_450, %add3A_451 : i32
        %dma_start3A_453 = arith.constant 3 : i32
        %dma_start3A_454 = arith.constant 0 : i32
        %dma_start3A_455 = arith.constant 0 : i32
        %dma_start3A_456 = tpu.memref_slice %arg14[%dma_start3A_453, %dma_start3A_454, %dma_start3A_455] : memref<4x128x16xf32, #tpu.memory_space<vmem>> -> memref<1x128x16xf32, #tpu.memory_space<vmem>>
        %dma_start3A_457 = tpu.memref_squeeze %dma_start3A_456 : memref<1x128x16xf32, #tpu.memory_space<vmem>> -> memref<128x16xf32, #tpu.memory_space<vmem>>
        %dma_start3A_458 = arith.constant 0 : i32
        %dma_start3A_459 = tpu.memref_slice %arg12[%add3A_452, %dma_start3A_458] : memref<80x128xi32, #tpu.memory_space<vmem>> -> memref<1x128xi32, #tpu.memory_space<vmem>>
        %dma_start3A_460 = tpu.memref_squeeze %dma_start3A_459 : memref<1x128xi32, #tpu.memory_space<vmem>> -> memref<128xi32, #tpu.memory_space<vmem>>
        %dma_start3A_461 = arith.constant 0 : i32
        %dma_start3A_462 = arith.constant 0 : i32
        %dma_start3A_463 = tpu.memref_slice %arg16[%dma_start3A_461, %dma_start3A_462] : memref<10008x16xf32, #tpu.memory_space<vmem_shared>> -> memref<10008x16xf32, #tpu.memory_space<vmem_shared>>
        tpu.enqueue_indirect_dma source(%dma_start3A_457 : memref<128x16xf32, #tpu.memory_space<vmem>>) target(%dma_start3A_463 : memref<10008x16xf32, #tpu.memory_space<vmem_shared>>) offsets(%dma_start3A_460 : memref<128xi32, #tpu.memory_space<vmem>>) semaphore(%arg19 : memref<!tpu.dma_semaphore, #tpu.memory_space<semaphore_mem>>) {add = true}
        %add3A_464 = arith.constant 1 : i32
        %add3A_465 = arith.addi %mul3A_92, %add3A_464 : i32
        %mul3A_466 = arith.constant 4 : i32
        %mul3A_467 = arith.muli %add3A_465, %mul3A_466 : i32
        %add3A_468 = arith.constant 0 : i32
        %add3A_469 = arith.addi %mul3A_467, %add3A_468 : i32
        %dma_wait3A_470 = arith.constant 0 : i32
        %dma_wait3A_471 = arith.constant 0 : i32
        %dma_wait3A_472 = arith.constant 0 : i32
        %dma_wait3A_473 = tpu.memref_slice %arg14[%dma_wait3A_470, %dma_wait3A_471, %dma_wait3A_472] : memref<4x128x16xf32, #tpu.memory_space<vmem>> -> memref<1x128x16xf32, #tpu.memory_space<vmem>>
        %dma_wait3A_474 = tpu.memref_squeeze %dma_wait3A_473 : memref<1x128x16xf32, #tpu.memory_space<vmem>> -> memref<128x16xf32, #tpu.memory_space<vmem>>
        %dma_wait3A_475 = arith.constant 0 : i32
        %dma_wait3A_476 = tpu.memref_slice %arg12[%add3A_469, %dma_wait3A_475] : memref<80x128xi32, #tpu.memory_space<vmem>> -> memref<1x128xi32, #tpu.memory_space<vmem>>
        %dma_wait3A_477 = tpu.memref_squeeze %dma_wait3A_476 : memref<1x128xi32, #tpu.memory_space<vmem>> -> memref<128xi32, #tpu.memory_space<vmem>>
        %dma_wait3A_478 = arith.constant 0 : i32
        %dma_wait3A_479 = arith.constant 0 : i32
        %dma_wait3A_480 = tpu.memref_slice %arg16[%dma_wait3A_478, %dma_wait3A_479] : memref<10008x16xf32, #tpu.memory_space<vmem_shared>> -> memref<10008x16xf32, #tpu.memory_space<vmem_shared>>
        tpu.wait_indirect_dma semaphore(%arg19 : memref<!tpu.dma_semaphore, #tpu.memory_space<semaphore_mem>>) src(%dma_wait3A_474 : memref<128x16xf32, #tpu.memory_space<vmem>>) dst(%dma_wait3A_480 : memref<10008x16xf32, #tpu.memory_space<vmem_shared>>)
        %mul3A_481 = arith.constant 4 : i32
        %mul3A_482 = arith.muli %add3A_465, %mul3A_481 : i32
        %add3A_483 = arith.constant 1 : i32
        %add3A_484 = arith.addi %mul3A_482, %add3A_483 : i32
        %dma_wait3A_485 = arith.constant 1 : i32
        %dma_wait3A_486 = arith.constant 0 : i32
        %dma_wait3A_487 = arith.constant 0 : i32
        %dma_wait3A_488 = tpu.memref_slice %arg14[%dma_wait3A_485, %dma_wait3A_486, %dma_wait3A_487] : memref<4x128x16xf32, #tpu.memory_space<vmem>> -> memref<1x128x16xf32, #tpu.memory_space<vmem>>
        %dma_wait3A_489 = tpu.memref_squeeze %dma_wait3A_488 : memref<1x128x16xf32, #tpu.memory_space<vmem>> -> memref<128x16xf32, #tpu.memory_space<vmem>>
        %dma_wait3A_490 = arith.constant 0 : i32
        %dma_wait3A_491 = tpu.memref_slice %arg12[%add3A_484, %dma_wait3A_490] : memref<80x128xi32, #tpu.memory_space<vmem>> -> memref<1x128xi32, #tpu.memory_space<vmem>>
        %dma_wait3A_492 = tpu.memref_squeeze %dma_wait3A_491 : memref<1x128xi32, #tpu.memory_space<vmem>> -> memref<128xi32, #tpu.memory_space<vmem>>
        %dma_wait3A_493 = arith.constant 0 : i32
        %dma_wait3A_494 = arith.constant 0 : i32
        %dma_wait3A_495 = tpu.memref_slice %arg16[%dma_wait3A_493, %dma_wait3A_494] : memref<10008x16xf32, #tpu.memory_space<vmem_shared>> -> memref<10008x16xf32, #tpu.memory_space<vmem_shared>>
        tpu.wait_indirect_dma semaphore(%arg19 : memref<!tpu.dma_semaphore, #tpu.memory_space<semaphore_mem>>) src(%dma_wait3A_489 : memref<128x16xf32, #tpu.memory_space<vmem>>) dst(%dma_wait3A_495 : memref<10008x16xf32, #tpu.memory_space<vmem_shared>>)
        %mul3A_496 = arith.constant 4 : i32
        %mul3A_497 = arith.muli %add3A_465, %mul3A_496 : i32
        %add3A_498 = arith.constant 2 : i32
        %add3A_499 = arith.addi %mul3A_497, %add3A_498 : i32
        %dma_wait3A_500 = arith.constant 2 : i32
        %dma_wait3A_501 = arith.constant 0 : i32
        %dma_wait3A_502 = arith.constant 0 : i32
        %dma_wait3A_503 = tpu.memref_slice %arg14[%dma_wait3A_500, %dma_wait3A_501, %dma_wait3A_502] : memref<4x128x16xf32, #tpu.memory_space<vmem>> -> memref<1x128x16xf32, #tpu.memory_space<vmem>>
        %dma_wait3A_504 = tpu.memref_squeeze %dma_wait3A_503 : memref<1x128x16xf32, #tpu.memory_space<vmem>> -> memref<128x16xf32, #tpu.memory_space<vmem>>
        %dma_wait3A_505 = arith.constant 0 : i32
        %dma_wait3A_506 = tpu.memref_slice %arg12[%add3A_499, %dma_wait3A_505] : memref<80x128xi32, #tpu.memory_space<vmem>> -> memref<1x128xi32, #tpu.memory_space<vmem>>
        %dma_wait3A_507 = tpu.memref_squeeze %dma_wait3A_506 : memref<1x128xi32, #tpu.memory_space<vmem>> -> memref<128xi32, #tpu.memory_space<vmem>>
        %dma_wait3A_508 = arith.constant 0 : i32
        %dma_wait3A_509 = arith.constant 0 : i32
        %dma_wait3A_510 = tpu.memref_slice %arg16[%dma_wait3A_508, %dma_wait3A_509] : memref<10008x16xf32, #tpu.memory_space<vmem_shared>> -> memref<10008x16xf32, #tpu.memory_space<vmem_shared>>
        tpu.wait_indirect_dma semaphore(%arg19 : memref<!tpu.dma_semaphore, #tpu.memory_space<semaphore_mem>>) src(%dma_wait3A_504 : memref<128x16xf32, #tpu.memory_space<vmem>>) dst(%dma_wait3A_510 : memref<10008x16xf32, #tpu.memory_space<vmem_shared>>)
        %mul3A_511 = arith.constant 4 : i32
        %mul3A_512 = arith.muli %add3A_465, %mul3A_511 : i32
        %add3A_513 = arith.constant 3 : i32
        %add3A_514 = arith.addi %mul3A_512, %add3A_513 : i32
        %dma_wait3A_515 = arith.constant 3 : i32
        %dma_wait3A_516 = arith.constant 0 : i32
        %dma_wait3A_517 = arith.constant 0 : i32
        %dma_wait3A_518 = tpu.memref_slice %arg14[%dma_wait3A_515, %dma_wait3A_516, %dma_wait3A_517] : memref<4x128x16xf32, #tpu.memory_space<vmem>> -> memref<1x128x16xf32, #tpu.memory_space<vmem>>
        %dma_wait3A_519 = tpu.memref_squeeze %dma_wait3A_518 : memref<1x128x16xf32, #tpu.memory_space<vmem>> -> memref<128x16xf32, #tpu.memory_space<vmem>>
        %dma_wait3A_520 = arith.constant 0 : i32
        %dma_wait3A_521 = tpu.memref_slice %arg12[%add3A_514, %dma_wait3A_520] : memref<80x128xi32, #tpu.memory_space<vmem>> -> memref<1x128xi32, #tpu.memory_space<vmem>>
        %dma_wait3A_522 = tpu.memref_squeeze %dma_wait3A_521 : memref<1x128xi32, #tpu.memory_space<vmem>> -> memref<128xi32, #tpu.memory_space<vmem>>
        %dma_wait3A_523 = arith.constant 0 : i32
        %dma_wait3A_524 = arith.constant 0 : i32
        %dma_wait3A_525 = tpu.memref_slice %arg16[%dma_wait3A_523, %dma_wait3A_524] : memref<10008x16xf32, #tpu.memory_space<vmem_shared>> -> memref<10008x16xf32, #tpu.memory_space<vmem_shared>>
        tpu.wait_indirect_dma semaphore(%arg19 : memref<!tpu.dma_semaphore, #tpu.memory_space<semaphore_mem>>) src(%dma_wait3A_519 : memref<128x16xf32, #tpu.memory_space<vmem>>) dst(%dma_wait3A_525 : memref<10008x16xf32, #tpu.memory_space<vmem_shared>>)
      }
      %scan3A_88 = arith.constant 10 : i32
      %barrier3A_89 = arith.constant 0 : index
      tpu.barrier barrier_id(%barrier3A_89)
      "tpu.region"() ({
        %run_scoped3A = tpu.sem_alloc : memref<!tpu.dma_semaphore, #tpu.memory_space<semaphore_mem>>
        %dma_start3A_90 = arith.constant 0 : i32
        %dma_start3A_91 = tpu.memref_slice %arg10[%mul3A_7, %dma_start3A_90] : memref<10000x16xf32, #tpu.memory_space<hbm>> -> memref<625x16xf32, #tpu.memory_space<hbm>>
        %dma_start3A_92 = arith.constant 0 : i32
        %dma_start3A_93 = tpu.memref_slice %arg16[%mul3A_7, %dma_start3A_92] : memref<10008x16xf32, #tpu.memory_space<vmem_shared>> -> memref<625x16xf32, #tpu.memory_space<vmem_shared>>
        tpu.enqueue_dma source(%dma_start3A_93 : memref<625x16xf32, #tpu.memory_space<vmem_shared>>) target(%dma_start3A_91 : memref<625x16xf32, #tpu.memory_space<hbm>>) target_semaphore(%run_scoped3A : memref<!tpu.dma_semaphore, #tpu.memory_space<semaphore_mem>>)
        %dma_wait3A_94 = arith.constant 0 : i32
        %dma_wait3A_95 = tpu.memref_slice %arg10[%mul3A_7, %dma_wait3A_94] : memref<10000x16xf32, #tpu.memory_space<hbm>> -> memref<625x16xf32, #tpu.memory_space<hbm>>
        %dma_wait3A_96 = arith.constant 0 : i32
        %dma_wait3A_97 = tpu.memref_slice %arg16[%mul3A_7, %dma_wait3A_96] : memref<10008x16xf32, #tpu.memory_space<vmem_shared>> -> memref<625x16xf32, #tpu.memory_space<vmem_shared>>
        tpu.wait_dma2 semaphore(%run_scoped3A : memref<!tpu.dma_semaphore, #tpu.memory_space<semaphore_mem>>) src(%dma_wait3A_97 : memref<625x16xf32, #tpu.memory_space<vmem_shared>>) dst(%dma_wait3A_95 : memref<625x16xf32, #tpu.memory_space<hbm>>)
        tpu.yield
      }) : () -> ()
    } else {
    }
    return
  }
}

module attributes {stable_mosaic.version = 14 : i64} {
  func.func @body(%arg0: i32, %arg1: memref<2000x256xf32, #tpu.memory_space<vmem>>, %arg2: memref<2000x256xf32, #tpu.memory_space<vmem>>, %arg3: memref<256x16xf32, #tpu.memory_space<vmem>>, %arg4: memref<256x16xf32, #tpu.memory_space<vmem>>, %arg5: memref<2000x16xf32, #tpu.memory_space<vmem>>, %arg6: memref<2000x16xf32, #tpu.memory_space<vmem>>) attributes {dimension_semantics = [#tpu.dimension_semantics<arbitrary>], iteration_bounds = array<i64: 5>, scalar_prefetch = 0 : i64, scratch_operands = 0 : i64, tpu.core_type = #tpu.core_type<tc>, window_params = [{transform_indices = @transform_0, window_bounds = array<i64: 2000, 256>}, {transform_indices = @transform_1, window_bounds = array<i64: 2000, 256>}, {pipeline_mode = #tpu.pipeline_mode<synchronous>, transform_indices = @transform_2, window_bounds = array<i64: 256, 16>}, {pipeline_mode = #tpu.pipeline_mode<synchronous>, transform_indices = @transform_3, window_bounds = array<i64: 256, 16>}, {transform_indices = @transform_4, window_bounds = array<i64: 2000, 16>}, {transform_indices = @transform_5, window_bounds = array<i64: 2000, 16>}]} {
    %get3A = arith.constant 0 : index
    %get3A_0 = arith.constant 0 : index
    %get3A_1 = vector.load %arg1[%get3A, %get3A_0] : memref<2000x256xf32, #tpu.memory_space<vmem>>, vector<2000x256xf32>
    %get3A_2 = arith.constant 0 : index
    %get3A_3 = arith.constant 0 : index
    %get3A_4 = vector.load %arg3[%get3A_2, %get3A_3] : memref<256x16xf32, #tpu.memory_space<vmem>>, vector<256x16xf32>
    %dot_general3A = arith.constant dense<0.000000e+00> : vector<2000x16xf32>
    %dot_general3A_5 = tpu.matmul %get3A_1, %get3A_4, %dot_general3A {dimension_numbers = #tpu.dot_dimension_numbers<[1], [0], [0], [1], [0, 0, 1, 1], [], []>, transpose_lhs_hint = false} : vector<2000x256xf32>, vector<256x16xf32>, vector<2000x16xf32> -> vector<2000x16xf32>
    %swap3A = arith.constant 0 : index
    %swap3A_6 = arith.constant 0 : index
    %swap3A_7 = vector.load %arg5[%swap3A, %swap3A_6] : memref<2000x16xf32, #tpu.memory_space<vmem>>, vector<2000x16xf32>
    tpu.vector_store %arg5[%swap3A, %swap3A_6], %dot_general3A_5 {strides = array<i32>} : memref<2000x16xf32, #tpu.memory_space<vmem>>, vector<2000x16xf32>,
    %get3A_8 = arith.constant 0 : index
    %get3A_9 = arith.constant 0 : index
    %get3A_10 = vector.load %arg2[%get3A_8, %get3A_9] : memref<2000x256xf32, #tpu.memory_space<vmem>>, vector<2000x256xf32>
    %get3A_11 = arith.constant 0 : index
    %get3A_12 = arith.constant 0 : index
    %get3A_13 = vector.load %arg4[%get3A_11, %get3A_12] : memref<256x16xf32, #tpu.memory_space<vmem>>, vector<256x16xf32>
    %dot_general3A_14 = arith.constant dense<0.000000e+00> : vector<2000x16xf32>
    %dot_general3A_15 = tpu.matmul %get3A_10, %get3A_13, %dot_general3A_14 {dimension_numbers = #tpu.dot_dimension_numbers<[1], [0], [0], [1], [0, 0, 1, 1], [], []>, transpose_lhs_hint = false} : vector<2000x256xf32>, vector<256x16xf32>, vector<2000x16xf32> -> vector<2000x16xf32>
    %swap3A_16 = arith.constant 0 : index
    %swap3A_17 = arith.constant 0 : index
    %swap3A_18 = vector.load %arg6[%swap3A_16, %swap3A_17] : memref<2000x16xf32, #tpu.memory_space<vmem>>, vector<2000x16xf32>
    tpu.vector_store %arg6[%swap3A_16, %swap3A_17], %dot_general3A_15 {strides = array<i32>} : memref<2000x16xf32, #tpu.memory_space<vmem>>, vector<2000x16xf32>,
    return
  }
  func.func @transform_0(%arg0: i32) -> (i32, i32) {
    %c0_i32 = arith.constant 0 : i32
    %c0_i32_0 = arith.constant 0 : i32
    return %arg0, %c0_i32 : i32, i32
  }
  func.func @transform_1(%arg0: i32) -> (i32, i32) {
    %c0_i32 = arith.constant 0 : i32
    %c0_i32_0 = arith.constant 0 : i32
    return %arg0, %c0_i32 : i32, i32
  }
  func.func @transform_2(%arg0: i32) -> (i32, i32) {
    %c0_i32 = arith.constant 0 : i32
    %c0_i32_0 = arith.constant 0 : i32
    %c0_i32_1 = arith.constant 0 : i32
    return %c0_i32, %c0_i32_0 : i32, i32
  }
  func.func @transform_3(%arg0: i32) -> (i32, i32) {
    %c0_i32 = arith.constant 0 : i32
    %c0_i32_0 = arith.constant 0 : i32
    %c0_i32_1 = arith.constant 0 : i32
    return %c0_i32, %c0_i32_0 : i32, i32
  }
  func.func @transform_4(%arg0: i32) -> (i32, i32) {
    %c0_i32 = arith.constant 0 : i32
    %c0_i32_0 = arith.constant 0 : i32
    return %arg0, %c0_i32 : i32, i32
  }
  func.func @transform_5(%arg0: i32) -> (i32, i32) {
    %c0_i32 = arith.constant 0 : i32
    %c0_i32_0 = arith.constant 0 : i32
    return %arg0, %c0_i32 : i32, i32
  }
}

module attributes {stable_mosaic.version = 14 : i64} {
  func.func @body(%arg0: i32, %arg1: memref<2000x16xf32, #tpu.memory_space<vmem>>, %arg2: memref<2000x16xf32, #tpu.memory_space<vmem>>, %arg3: memref<1x16xf32, #tpu.memory_space<vmem>>, %arg4: memref<16x8xf32, #tpu.memory_space<vmem>>, %arg5: memref<2000x16xf32, #tpu.memory_space<vmem>>, %arg6: memref<2000x16xf32, #tpu.memory_space<vmem>>, %arg7: memref<1x16xf32, #tpu.memory_space<vmem>>, %arg8: memref<16x8xf32, #tpu.memory_space<vmem>>, %arg9: memref<2000x8xf32, #tpu.memory_space<vmem>>, %arg10: memref<2000x8xf32, #tpu.memory_space<vmem>>) attributes {dimension_semantics = [#tpu.dimension_semantics<arbitrary>], iteration_bounds = array<i64: 5>, scalar_prefetch = 0 : i64, scratch_operands = 0 : i64, tpu.core_type = #tpu.core_type<tc>, window_params = [{transform_indices = @transform_0, window_bounds = array<i64: 2000, 16>}, {transform_indices = @transform_1, window_bounds = array<i64: 2000, 16>}, {pipeline_mode = #tpu.pipeline_mode<synchronous>, transform_indices = @transform_2, window_bounds = array<i64: 1, 16>}, {pipeline_mode = #tpu.pipeline_mode<synchronous>, transform_indices = @transform_3, window_bounds = array<i64: 16, 8>}, {transform_indices = @transform_4, window_bounds = array<i64: 2000, 16>}, {transform_indices = @transform_5, window_bounds = array<i64: 2000, 16>}, {pipeline_mode = #tpu.pipeline_mode<synchronous>, transform_indices = @transform_6, window_bounds = array<i64: 1, 16>}, {pipeline_mode = #tpu.pipeline_mode<synchronous>, transform_indices = @transform_7, window_bounds = array<i64: 16, 8>}, {transform_indices = @transform_8, window_bounds = array<i64: 2000, 8>}, {transform_indices = @transform_9, window_bounds = array<i64: 2000, 8>}]} {
    %get3A = arith.constant 0 : index
    %get3A_0 = arith.constant 0 : index
    %get3A_1 = vector.load %arg1[%get3A, %get3A_0] : memref<2000x16xf32, #tpu.memory_space<vmem>>, vector<2000x16xf32>
    %get3A_2 = arith.constant 0 : index
    %get3A_3 = arith.constant 0 : index
    %get3A_4 = vector.load %arg2[%get3A_2, %get3A_3] : memref<2000x16xf32, #tpu.memory_space<vmem>>, vector<2000x16xf32>
    %get3A_5 = arith.constant 0 : index
    %get3A_6 = arith.constant 0 : index
    %get3A_7 = vector.load %arg3[%get3A_5, %get3A_6] : memref<1x16xf32, #tpu.memory_space<vmem>>, vector<1x16xf32>
    %mul3A = vector.broadcast %get3A_7 : vector<1x16xf32> to vector<2000x16xf32>
    %mul3A_8 = arith.mulf %get3A_1, %mul3A : vector<2000x16xf32>
    %reduce_sum3A = arith.constant dense<0.000000e+00> : vector<2000xf32>
    %reduce_sum3A_9 = vector.multi_reduction <add>, %mul3A_8, %reduce_sum3A [1] : vector<2000x16xf32> to vector<2000xf32>
    %broadcast_in_dim3A = vector.shape_cast %reduce_sum3A_9 : vector<2000xf32> to vector<2000x1xf32>
    %ge3A = arith.constant 0.000000e+00 : f32
    %ge3A_10 = vector.broadcast %ge3A : f32 to vector<2000x1xf32>
    %ge3A_11 = arith.cmpf oge, %broadcast_in_dim3A, %ge3A_10 : vector<2000x1xf32>
    %mul3A_12 = arith.constant 2.000000e-01 : f32
    %mul3A_13 = vector.broadcast %mul3A_12 : f32 to vector<2000x1xf32>
    %mul3A_14 = arith.mulf %mul3A_13, %broadcast_in_dim3A : vector<2000x1xf32>
    %select_n3A = arith.select %ge3A_11, %broadcast_in_dim3A, %mul3A_14 : vector<2000x1xi1>, vector<2000x1xf32>
    %mul3A_15 = vector.broadcast %get3A_7 : vector<1x16xf32> to vector<2000x16xf32>
    %mul3A_16 = arith.mulf %get3A_4, %mul3A_15 : vector<2000x16xf32>
    %reduce_sum3A_17 = arith.constant dense<0.000000e+00> : vector<2000xf32>
    %reduce_sum3A_18 = vector.multi_reduction <add>, %mul3A_16, %reduce_sum3A_17 [1] : vector<2000x16xf32> to vector<2000xf32>
    %broadcast_in_dim3A_19 = vector.shape_cast %reduce_sum3A_18 : vector<2000xf32> to vector<2000x1xf32>
    %ge3A_20 = arith.constant 0.000000e+00 : f32
    %ge3A_21 = vector.broadcast %ge3A_20 : f32 to vector<2000x1xf32>
    %ge3A_22 = arith.cmpf oge, %broadcast_in_dim3A_19, %ge3A_21 : vector<2000x1xf32>
    %mul3A_23 = arith.constant 2.000000e-01 : f32
    %mul3A_24 = vector.broadcast %mul3A_23 : f32 to vector<2000x1xf32>
    %mul3A_25 = arith.mulf %mul3A_24, %broadcast_in_dim3A_19 : vector<2000x1xf32>
    %select_n3A_26 = arith.select %ge3A_22, %broadcast_in_dim3A_19, %mul3A_25 : vector<2000x1xi1>, vector<2000x1xf32>
    %max3A = arith.maximumf %select_n3A, %select_n3A_26 : vector<2000x1xf32>
    %sub3A = arith.subf %select_n3A, %max3A : vector<2000x1xf32>
    %exp3A = math.exp %sub3A : vector<2000x1xf32>
    %sub3A_27 = arith.subf %select_n3A_26, %max3A : vector<2000x1xf32>
    %exp3A_28 = math.exp %sub3A_27 : vector<2000x1xf32>
    %mul3A_29 = vector.broadcast %exp3A : vector<2000x1xf32> to vector<2000x16xf32>
    %mul3A_30 = arith.mulf %mul3A_29, %get3A_1 : vector<2000x16xf32>
    %mul3A_31 = vector.broadcast %exp3A_28 : vector<2000x1xf32> to vector<2000x16xf32>
    %mul3A_32 = arith.mulf %mul3A_31, %get3A_4 : vector<2000x16xf32>
    %add3A = arith.addf %mul3A_30, %mul3A_32 : vector<2000x16xf32>
    %add3A_33 = arith.addf %exp3A, %exp3A_28 : vector<2000x1xf32>
    %div3A = vector.broadcast %add3A_33 : vector<2000x1xf32> to vector<2000x16xf32>
    %div3A_34 = arith.divf %add3A, %div3A : vector<2000x16xf32>
    %gt3A = arith.constant 0.000000e+00 : f32
    %gt3A_35 = vector.broadcast %gt3A : f32 to vector<2000x16xf32>
    %gt3A_36 = arith.cmpf ogt, %div3A_34, %gt3A_35 : vector<2000x16xf32>
    %min3A = arith.constant 0.000000e+00 : f32
    %min3A_37 = vector.broadcast %min3A : f32 to vector<2000x16xf32>
    %min3A_38 = arith.minimumf %div3A_34, %min3A_37 : vector<2000x16xf32>
    %exp3A_39 = math.exp %min3A_38 : vector<2000x16xf32>
    %sub3A_40 = arith.constant 1.000000e+00 : f32
    %sub3A_41 = vector.broadcast %sub3A_40 : f32 to vector<2000x16xf32>
    %sub3A_42 = arith.subf %exp3A_39, %sub3A_41 : vector<2000x16xf32>
    %select_n3A_43 = arith.select %gt3A_36, %div3A_34, %sub3A_42 : vector<2000x16xi1>, vector<2000x16xf32>
    %get3A_44 = arith.constant 0 : index
    %get3A_45 = arith.constant 0 : index
    %get3A_46 = vector.load %arg5[%get3A_44, %get3A_45] : memref<2000x16xf32, #tpu.memory_space<vmem>>, vector<2000x16xf32>
    %get3A_47 = arith.constant 0 : index
    %get3A_48 = arith.constant 0 : index
    %get3A_49 = vector.load %arg6[%get3A_47, %get3A_48] : memref<2000x16xf32, #tpu.memory_space<vmem>>, vector<2000x16xf32>
    %get3A_50 = arith.constant 0 : index
    %get3A_51 = arith.constant 0 : index
    %get3A_52 = vector.load %arg7[%get3A_50, %get3A_51] : memref<1x16xf32, #tpu.memory_space<vmem>>, vector<1x16xf32>
    %mul3A_53 = vector.broadcast %get3A_52 : vector<1x16xf32> to vector<2000x16xf32>
    %mul3A_54 = arith.mulf %get3A_46, %mul3A_53 : vector<2000x16xf32>
    %reduce_sum3A_55 = arith.constant dense<0.000000e+00> : vector<2000xf32>
    %reduce_sum3A_56 = vector.multi_reduction <add>, %mul3A_54, %reduce_sum3A_55 [1] : vector<2000x16xf32> to vector<2000xf32>
    %broadcast_in_dim3A_57 = vector.shape_cast %reduce_sum3A_56 : vector<2000xf32> to vector<2000x1xf32>
    %ge3A_58 = arith.constant 0.000000e+00 : f32
    %ge3A_59 = vector.broadcast %ge3A_58 : f32 to vector<2000x1xf32>
    %ge3A_60 = arith.cmpf oge, %broadcast_in_dim3A_57, %ge3A_59 : vector<2000x1xf32>
    %mul3A_61 = arith.constant 2.000000e-01 : f32
    %mul3A_62 = vector.broadcast %mul3A_61 : f32 to vector<2000x1xf32>
    %mul3A_63 = arith.mulf %mul3A_62, %broadcast_in_dim3A_57 : vector<2000x1xf32>
    %select_n3A_64 = arith.select %ge3A_60, %broadcast_in_dim3A_57, %mul3A_63 : vector<2000x1xi1>, vector<2000x1xf32>
    %mul3A_65 = vector.broadcast %get3A_52 : vector<1x16xf32> to vector<2000x16xf32>
    %mul3A_66 = arith.mulf %get3A_49, %mul3A_65 : vector<2000x16xf32>
    %reduce_sum3A_67 = arith.constant dense<0.000000e+00> : vector<2000xf32>
    %reduce_sum3A_68 = vector.multi_reduction <add>, %mul3A_66, %reduce_sum3A_67 [1] : vector<2000x16xf32> to vector<2000xf32>
    %broadcast_in_dim3A_69 = vector.shape_cast %reduce_sum3A_68 : vector<2000xf32> to vector<2000x1xf32>
    %ge3A_70 = arith.constant 0.000000e+00 : f32
    %ge3A_71 = vector.broadcast %ge3A_70 : f32 to vector<2000x1xf32>
    %ge3A_72 = arith.cmpf oge, %broadcast_in_dim3A_69, %ge3A_71 : vector<2000x1xf32>
    %mul3A_73 = arith.constant 2.000000e-01 : f32
    %mul3A_74 = vector.broadcast %mul3A_73 : f32 to vector<2000x1xf32>
    %mul3A_75 = arith.mulf %mul3A_74, %broadcast_in_dim3A_69 : vector<2000x1xf32>
    %select_n3A_76 = arith.select %ge3A_72, %broadcast_in_dim3A_69, %mul3A_75 : vector<2000x1xi1>, vector<2000x1xf32>
    %max3A_77 = arith.maximumf %select_n3A_64, %select_n3A_76 : vector<2000x1xf32>
    %sub3A_78 = arith.subf %select_n3A_64, %max3A_77 : vector<2000x1xf32>
    %exp3A_79 = math.exp %sub3A_78 : vector<2000x1xf32>
    %sub3A_80 = arith.subf %select_n3A_76, %max3A_77 : vector<2000x1xf32>
    %exp3A_81 = math.exp %sub3A_80 : vector<2000x1xf32>
    %mul3A_82 = vector.broadcast %exp3A_79 : vector<2000x1xf32> to vector<2000x16xf32>
    %mul3A_83 = arith.mulf %mul3A_82, %get3A_46 : vector<2000x16xf32>
    %mul3A_84 = vector.broadcast %exp3A_81 : vector<2000x1xf32> to vector<2000x16xf32>
    %mul3A_85 = arith.mulf %mul3A_84, %get3A_49 : vector<2000x16xf32>
    %add3A_86 = arith.addf %mul3A_83, %mul3A_85 : vector<2000x16xf32>
    %add3A_87 = arith.addf %exp3A_79, %exp3A_81 : vector<2000x1xf32>
    %div3A_88 = vector.broadcast %add3A_87 : vector<2000x1xf32> to vector<2000x16xf32>
    %div3A_89 = arith.divf %add3A_86, %div3A_88 : vector<2000x16xf32>
    %gt3A_90 = arith.constant 0.000000e+00 : f32
    %gt3A_91 = vector.broadcast %gt3A_90 : f32 to vector<2000x16xf32>
    %gt3A_92 = arith.cmpf ogt, %div3A_89, %gt3A_91 : vector<2000x16xf32>
    %min3A_93 = arith.constant 0.000000e+00 : f32
    %min3A_94 = vector.broadcast %min3A_93 : f32 to vector<2000x16xf32>
    %min3A_95 = arith.minimumf %div3A_89, %min3A_94 : vector<2000x16xf32>
    %exp3A_96 = math.exp %min3A_95 : vector<2000x16xf32>
    %sub3A_97 = arith.constant 1.000000e+00 : f32
    %sub3A_98 = vector.broadcast %sub3A_97 : f32 to vector<2000x16xf32>
    %sub3A_99 = arith.subf %exp3A_96, %sub3A_98 : vector<2000x16xf32>
    %select_n3A_100 = arith.select %gt3A_92, %div3A_89, %sub3A_99 : vector<2000x16xi1>, vector<2000x16xf32>
    %get3A_101 = arith.constant 0 : index
    %get3A_102 = arith.constant 0 : index
    %get3A_103 = vector.load %arg4[%get3A_101, %get3A_102] : memref<16x8xf32, #tpu.memory_space<vmem>>, vector<16x8xf32>
    %dot_general3A = arith.constant dense<0.000000e+00> : vector<2000x8xf32>
    %dot_general3A_104 = tpu.matmul %select_n3A_43, %get3A_103, %dot_general3A {dimension_numbers = #tpu.dot_dimension_numbers<[1], [0], [0], [1], [0, 0, 1, 1], [], []>, transpose_lhs_hint = false} : vector<2000x16xf32>, vector<16x8xf32>, vector<2000x8xf32> -> vector<2000x8xf32>
    %swap3A = arith.constant 0 : index
    %swap3A_105 = arith.constant 0 : index
    %swap3A_106 = vector.load %arg9[%swap3A, %swap3A_105] : memref<2000x8xf32, #tpu.memory_space<vmem>>, vector<2000x8xf32>
    tpu.vector_store %arg9[%swap3A, %swap3A_105], %dot_general3A_104 {strides = array<i32>} : memref<2000x8xf32, #tpu.memory_space<vmem>>, vector<2000x8xf32>,
    %get3A_107 = arith.constant 0 : index
    %get3A_108 = arith.constant 0 : index
    %get3A_109 = vector.load %arg8[%get3A_107, %get3A_108] : memref<16x8xf32, #tpu.memory_space<vmem>>, vector<16x8xf32>
    %dot_general3A_110 = arith.constant dense<0.000000e+00> : vector<2000x8xf32>
    %dot_general3A_111 = tpu.matmul %select_n3A_100, %get3A_109, %dot_general3A_110 {dimension_numbers = #tpu.dot_dimension_numbers<[1], [0], [0], [1], [0, 0, 1, 1], [], []>, transpose_lhs_hint = false} : vector<2000x16xf32>, vector<16x8xf32>, vector<2000x8xf32> -> vector<2000x8xf32>
    %swap3A_112 = arith.constant 0 : index
    %swap3A_113 = arith.constant 0 : index
    %swap3A_114 = vector.load %arg10[%swap3A_112, %swap3A_113] : memref<2000x8xf32, #tpu.memory_space<vmem>>, vector<2000x8xf32>
    tpu.vector_store %arg10[%swap3A_112, %swap3A_113], %dot_general3A_111 {strides = array<i32>} : memref<2000x8xf32, #tpu.memory_space<vmem>>, vector<2000x8xf32>,
    return
  }
  func.func @transform_0(%arg0: i32) -> (i32, i32) {
    %c0_i32 = arith.constant 0 : i32
    %c0_i32_0 = arith.constant 0 : i32
    return %arg0, %c0_i32 : i32, i32
  }
  func.func @transform_1(%arg0: i32) -> (i32, i32) {
    %c0_i32 = arith.constant 0 : i32
    %c0_i32_0 = arith.constant 0 : i32
    return %arg0, %c0_i32 : i32, i32
  }
  func.func @transform_2(%arg0: i32) -> (i32, i32) {
    %c0_i32 = arith.constant 0 : i32
    %c0_i32_0 = arith.constant 0 : i32
    %c0_i32_1 = arith.constant 0 : i32
    return %c0_i32, %c0_i32_0 : i32, i32
  }
  func.func @transform_3(%arg0: i32) -> (i32, i32) {
    %c0_i32 = arith.constant 0 : i32
    %c0_i32_0 = arith.constant 0 : i32
    %c0_i32_1 = arith.constant 0 : i32
    return %c0_i32, %c0_i32_0 : i32, i32
  }
  func.func @transform_4(%arg0: i32) -> (i32, i32) {
    %c0_i32 = arith.constant 0 : i32
    %c0_i32_0 = arith.constant 0 : i32
    return %arg0, %c0_i32 : i32, i32
  }
  func.func @transform_5(%arg0: i32) -> (i32, i32) {
    %c0_i32 = arith.constant 0 : i32
    %c0_i32_0 = arith.constant 0 : i32
    return %arg0, %c0_i32 : i32, i32
  }
  func.func @transform_6(%arg0: i32) -> (i32, i32) {
    %c0_i32 = arith.constant 0 : i32
    %c0_i32_0 = arith.constant 0 : i32
    %c0_i32_1 = arith.constant 0 : i32
    return %c0_i32, %c0_i32_0 : i32, i32
  }
  func.func @transform_7(%arg0: i32) -> (i32, i32) {
    %c0_i32 = arith.constant 0 : i32
    %c0_i32_0 = arith.constant 0 : i32
    %c0_i32_1 = arith.constant 0 : i32
    return %c0_i32, %c0_i32_0 : i32, i32
  }
  func.func @transform_8(%arg0: i32) -> (i32, i32) {
    %c0_i32 = arith.constant 0 : i32
    %c0_i32_0 = arith.constant 0 : i32
    return %arg0, %c0_i32 : i32, i32
  }
  func.func @transform_9(%arg0: i32) -> (i32, i32) {
    %c0_i32 = arith.constant 0 : i32
    %c0_i32_0 = arith.constant 0 : i32
    return %arg0, %c0_i32 : i32, i32
  }
}

module attributes {stable_mosaic.version = 14 : i64} {
  func.func @body(%arg0: i32, %arg1: memref<2000x8xf32, #tpu.memory_space<vmem>>, %arg2: memref<2000x8xf32, #tpu.memory_space<vmem>>, %arg3: memref<1x8xf32, #tpu.memory_space<vmem>>, %arg4: memref<8x16xf32, #tpu.memory_space<vmem>>, %arg5: memref<2000x8xf32, #tpu.memory_space<vmem>>, %arg6: memref<2000x8xf32, #tpu.memory_space<vmem>>, %arg7: memref<1x8xf32, #tpu.memory_space<vmem>>, %arg8: memref<8x16xf32, #tpu.memory_space<vmem>>, %arg9: memref<2000x16xf32, #tpu.memory_space<vmem>>, %arg10: memref<2000x16xf32, #tpu.memory_space<vmem>>) attributes {dimension_semantics = [#tpu.dimension_semantics<arbitrary>], iteration_bounds = array<i64: 5>, scalar_prefetch = 0 : i64, scratch_operands = 0 : i64, tpu.core_type = #tpu.core_type<tc>, window_params = [{transform_indices = @transform_0, window_bounds = array<i64: 2000, 8>}, {transform_indices = @transform_1, window_bounds = array<i64: 2000, 8>}, {pipeline_mode = #tpu.pipeline_mode<synchronous>, transform_indices = @transform_2, window_bounds = array<i64: 1, 8>}, {pipeline_mode = #tpu.pipeline_mode<synchronous>, transform_indices = @transform_3, window_bounds = array<i64: 8, 16>}, {transform_indices = @transform_4, window_bounds = array<i64: 2000, 8>}, {transform_indices = @transform_5, window_bounds = array<i64: 2000, 8>}, {pipeline_mode = #tpu.pipeline_mode<synchronous>, transform_indices = @transform_6, window_bounds = array<i64: 1, 8>}, {pipeline_mode = #tpu.pipeline_mode<synchronous>, transform_indices = @transform_7, window_bounds = array<i64: 8, 16>}, {transform_indices = @transform_8, window_bounds = array<i64: 2000, 16>}, {transform_indices = @transform_9, window_bounds = array<i64: 2000, 16>}]} {
    %get3A = arith.constant 0 : index
    %get3A_0 = arith.constant 0 : index
    %get3A_1 = vector.load %arg1[%get3A, %get3A_0] : memref<2000x8xf32, #tpu.memory_space<vmem>>, vector<2000x8xf32>
    %get3A_2 = arith.constant 0 : index
    %get3A_3 = arith.constant 0 : index
    %get3A_4 = vector.load %arg2[%get3A_2, %get3A_3] : memref<2000x8xf32, #tpu.memory_space<vmem>>, vector<2000x8xf32>
    %get3A_5 = arith.constant 0 : index
    %get3A_6 = arith.constant 0 : index
    %get3A_7 = vector.load %arg3[%get3A_5, %get3A_6] : memref<1x8xf32, #tpu.memory_space<vmem>>, vector<1x8xf32>
    %mul3A = vector.broadcast %get3A_7 : vector<1x8xf32> to vector<2000x8xf32>
    %mul3A_8 = arith.mulf %get3A_1, %mul3A : vector<2000x8xf32>
    %reduce_sum3A = arith.constant dense<0.000000e+00> : vector<2000xf32>
    %reduce_sum3A_9 = vector.multi_reduction <add>, %mul3A_8, %reduce_sum3A [1] : vector<2000x8xf32> to vector<2000xf32>
    %broadcast_in_dim3A = vector.shape_cast %reduce_sum3A_9 : vector<2000xf32> to vector<2000x1xf32>
    %ge3A = arith.constant 0.000000e+00 : f32
    %ge3A_10 = vector.broadcast %ge3A : f32 to vector<2000x1xf32>
    %ge3A_11 = arith.cmpf oge, %broadcast_in_dim3A, %ge3A_10 : vector<2000x1xf32>
    %mul3A_12 = arith.constant 2.000000e-01 : f32
    %mul3A_13 = vector.broadcast %mul3A_12 : f32 to vector<2000x1xf32>
    %mul3A_14 = arith.mulf %mul3A_13, %broadcast_in_dim3A : vector<2000x1xf32>
    %select_n3A = arith.select %ge3A_11, %broadcast_in_dim3A, %mul3A_14 : vector<2000x1xi1>, vector<2000x1xf32>
    %mul3A_15 = vector.broadcast %get3A_7 : vector<1x8xf32> to vector<2000x8xf32>
    %mul3A_16 = arith.mulf %get3A_4, %mul3A_15 : vector<2000x8xf32>
    %reduce_sum3A_17 = arith.constant dense<0.000000e+00> : vector<2000xf32>
    %reduce_sum3A_18 = vector.multi_reduction <add>, %mul3A_16, %reduce_sum3A_17 [1] : vector<2000x8xf32> to vector<2000xf32>
    %broadcast_in_dim3A_19 = vector.shape_cast %reduce_sum3A_18 : vector<2000xf32> to vector<2000x1xf32>
    %ge3A_20 = arith.constant 0.000000e+00 : f32
    %ge3A_21 = vector.broadcast %ge3A_20 : f32 to vector<2000x1xf32>
    %ge3A_22 = arith.cmpf oge, %broadcast_in_dim3A_19, %ge3A_21 : vector<2000x1xf32>
    %mul3A_23 = arith.constant 2.000000e-01 : f32
    %mul3A_24 = vector.broadcast %mul3A_23 : f32 to vector<2000x1xf32>
    %mul3A_25 = arith.mulf %mul3A_24, %broadcast_in_dim3A_19 : vector<2000x1xf32>
    %select_n3A_26 = arith.select %ge3A_22, %broadcast_in_dim3A_19, %mul3A_25 : vector<2000x1xi1>, vector<2000x1xf32>
    %max3A = arith.maximumf %select_n3A, %select_n3A_26 : vector<2000x1xf32>
    %sub3A = arith.subf %select_n3A, %max3A : vector<2000x1xf32>
    %exp3A = math.exp %sub3A : vector<2000x1xf32>
    %sub3A_27 = arith.subf %select_n3A_26, %max3A : vector<2000x1xf32>
    %exp3A_28 = math.exp %sub3A_27 : vector<2000x1xf32>
    %mul3A_29 = vector.broadcast %exp3A : vector<2000x1xf32> to vector<2000x8xf32>
    %mul3A_30 = arith.mulf %mul3A_29, %get3A_1 : vector<2000x8xf32>
    %mul3A_31 = vector.broadcast %exp3A_28 : vector<2000x1xf32> to vector<2000x8xf32>
    %mul3A_32 = arith.mulf %mul3A_31, %get3A_4 : vector<2000x8xf32>
    %add3A = arith.addf %mul3A_30, %mul3A_32 : vector<2000x8xf32>
    %add3A_33 = arith.addf %exp3A, %exp3A_28 : vector<2000x1xf32>
    %div3A = vector.broadcast %add3A_33 : vector<2000x1xf32> to vector<2000x8xf32>
    %div3A_34 = arith.divf %add3A, %div3A : vector<2000x8xf32>
    %gt3A = arith.constant 0.000000e+00 : f32
    %gt3A_35 = vector.broadcast %gt3A : f32 to vector<2000x8xf32>
    %gt3A_36 = arith.cmpf ogt, %div3A_34, %gt3A_35 : vector<2000x8xf32>
    %min3A = arith.constant 0.000000e+00 : f32
    %min3A_37 = vector.broadcast %min3A : f32 to vector<2000x8xf32>
    %min3A_38 = arith.minimumf %div3A_34, %min3A_37 : vector<2000x8xf32>
    %exp3A_39 = math.exp %min3A_38 : vector<2000x8xf32>
    %sub3A_40 = arith.constant 1.000000e+00 : f32
    %sub3A_41 = vector.broadcast %sub3A_40 : f32 to vector<2000x8xf32>
    %sub3A_42 = arith.subf %exp3A_39, %sub3A_41 : vector<2000x8xf32>
    %select_n3A_43 = arith.select %gt3A_36, %div3A_34, %sub3A_42 : vector<2000x8xi1>, vector<2000x8xf32>
    %get3A_44 = arith.constant 0 : index
    %get3A_45 = arith.constant 0 : index
    %get3A_46 = vector.load %arg5[%get3A_44, %get3A_45] : memref<2000x8xf32, #tpu.memory_space<vmem>>, vector<2000x8xf32>
    %get3A_47 = arith.constant 0 : index
    %get3A_48 = arith.constant 0 : index
    %get3A_49 = vector.load %arg6[%get3A_47, %get3A_48] : memref<2000x8xf32, #tpu.memory_space<vmem>>, vector<2000x8xf32>
    %get3A_50 = arith.constant 0 : index
    %get3A_51 = arith.constant 0 : index
    %get3A_52 = vector.load %arg7[%get3A_50, %get3A_51] : memref<1x8xf32, #tpu.memory_space<vmem>>, vector<1x8xf32>
    %mul3A_53 = vector.broadcast %get3A_52 : vector<1x8xf32> to vector<2000x8xf32>
    %mul3A_54 = arith.mulf %get3A_46, %mul3A_53 : vector<2000x8xf32>
    %reduce_sum3A_55 = arith.constant dense<0.000000e+00> : vector<2000xf32>
    %reduce_sum3A_56 = vector.multi_reduction <add>, %mul3A_54, %reduce_sum3A_55 [1] : vector<2000x8xf32> to vector<2000xf32>
    %broadcast_in_dim3A_57 = vector.shape_cast %reduce_sum3A_56 : vector<2000xf32> to vector<2000x1xf32>
    %ge3A_58 = arith.constant 0.000000e+00 : f32
    %ge3A_59 = vector.broadcast %ge3A_58 : f32 to vector<2000x1xf32>
    %ge3A_60 = arith.cmpf oge, %broadcast_in_dim3A_57, %ge3A_59 : vector<2000x1xf32>
    %mul3A_61 = arith.constant 2.000000e-01 : f32
    %mul3A_62 = vector.broadcast %mul3A_61 : f32 to vector<2000x1xf32>
    %mul3A_63 = arith.mulf %mul3A_62, %broadcast_in_dim3A_57 : vector<2000x1xf32>
    %select_n3A_64 = arith.select %ge3A_60, %broadcast_in_dim3A_57, %mul3A_63 : vector<2000x1xi1>, vector<2000x1xf32>
    %mul3A_65 = vector.broadcast %get3A_52 : vector<1x8xf32> to vector<2000x8xf32>
    %mul3A_66 = arith.mulf %get3A_49, %mul3A_65 : vector<2000x8xf32>
    %reduce_sum3A_67 = arith.constant dense<0.000000e+00> : vector<2000xf32>
    %reduce_sum3A_68 = vector.multi_reduction <add>, %mul3A_66, %reduce_sum3A_67 [1] : vector<2000x8xf32> to vector<2000xf32>
    %broadcast_in_dim3A_69 = vector.shape_cast %reduce_sum3A_68 : vector<2000xf32> to vector<2000x1xf32>
    %ge3A_70 = arith.constant 0.000000e+00 : f32
    %ge3A_71 = vector.broadcast %ge3A_70 : f32 to vector<2000x1xf32>
    %ge3A_72 = arith.cmpf oge, %broadcast_in_dim3A_69, %ge3A_71 : vector<2000x1xf32>
    %mul3A_73 = arith.constant 2.000000e-01 : f32
    %mul3A_74 = vector.broadcast %mul3A_73 : f32 to vector<2000x1xf32>
    %mul3A_75 = arith.mulf %mul3A_74, %broadcast_in_dim3A_69 : vector<2000x1xf32>
    %select_n3A_76 = arith.select %ge3A_72, %broadcast_in_dim3A_69, %mul3A_75 : vector<2000x1xi1>, vector<2000x1xf32>
    %max3A_77 = arith.maximumf %select_n3A_64, %select_n3A_76 : vector<2000x1xf32>
    %sub3A_78 = arith.subf %select_n3A_64, %max3A_77 : vector<2000x1xf32>
    %exp3A_79 = math.exp %sub3A_78 : vector<2000x1xf32>
    %sub3A_80 = arith.subf %select_n3A_76, %max3A_77 : vector<2000x1xf32>
    %exp3A_81 = math.exp %sub3A_80 : vector<2000x1xf32>
    %mul3A_82 = vector.broadcast %exp3A_79 : vector<2000x1xf32> to vector<2000x8xf32>
    %mul3A_83 = arith.mulf %mul3A_82, %get3A_46 : vector<2000x8xf32>
    %mul3A_84 = vector.broadcast %exp3A_81 : vector<2000x1xf32> to vector<2000x8xf32>
    %mul3A_85 = arith.mulf %mul3A_84, %get3A_49 : vector<2000x8xf32>
    %add3A_86 = arith.addf %mul3A_83, %mul3A_85 : vector<2000x8xf32>
    %add3A_87 = arith.addf %exp3A_79, %exp3A_81 : vector<2000x1xf32>
    %div3A_88 = vector.broadcast %add3A_87 : vector<2000x1xf32> to vector<2000x8xf32>
    %div3A_89 = arith.divf %add3A_86, %div3A_88 : vector<2000x8xf32>
    %gt3A_90 = arith.constant 0.000000e+00 : f32
    %gt3A_91 = vector.broadcast %gt3A_90 : f32 to vector<2000x8xf32>
    %gt3A_92 = arith.cmpf ogt, %div3A_89, %gt3A_91 : vector<2000x8xf32>
    %min3A_93 = arith.constant 0.000000e+00 : f32
    %min3A_94 = vector.broadcast %min3A_93 : f32 to vector<2000x8xf32>
    %min3A_95 = arith.minimumf %div3A_89, %min3A_94 : vector<2000x8xf32>
    %exp3A_96 = math.exp %min3A_95 : vector<2000x8xf32>
    %sub3A_97 = arith.constant 1.000000e+00 : f32
    %sub3A_98 = vector.broadcast %sub3A_97 : f32 to vector<2000x8xf32>
    %sub3A_99 = arith.subf %exp3A_96, %sub3A_98 : vector<2000x8xf32>
    %select_n3A_100 = arith.select %gt3A_92, %div3A_89, %sub3A_99 : vector<2000x8xi1>, vector<2000x8xf32>
    %get3A_101 = arith.constant 0 : index
    %get3A_102 = arith.constant 0 : index
    %get3A_103 = vector.load %arg4[%get3A_101, %get3A_102] : memref<8x16xf32, #tpu.memory_space<vmem>>, vector<8x16xf32>
    %dot_general3A = arith.constant dense<0.000000e+00> : vector<2000x16xf32>
    %dot_general3A_104 = tpu.matmul %select_n3A_43, %get3A_103, %dot_general3A {dimension_numbers = #tpu.dot_dimension_numbers<[1], [0], [0], [1], [0, 0, 1, 1], [], []>, transpose_lhs_hint = false} : vector<2000x8xf32>, vector<8x16xf32>, vector<2000x16xf32> -> vector<2000x16xf32>
    %swap3A = arith.constant 0 : index
    %swap3A_105 = arith.constant 0 : index
    %swap3A_106 = vector.load %arg9[%swap3A, %swap3A_105] : memref<2000x16xf32, #tpu.memory_space<vmem>>, vector<2000x16xf32>
    tpu.vector_store %arg9[%swap3A, %swap3A_105], %dot_general3A_104 {strides = array<i32>} : memref<2000x16xf32, #tpu.memory_space<vmem>>, vector<2000x16xf32>,
    %get3A_107 = arith.constant 0 : index
    %get3A_108 = arith.constant 0 : index
    %get3A_109 = vector.load %arg8[%get3A_107, %get3A_108] : memref<8x16xf32, #tpu.memory_space<vmem>>, vector<8x16xf32>
    %dot_general3A_110 = arith.constant dense<0.000000e+00> : vector<2000x16xf32>
    %dot_general3A_111 = tpu.matmul %select_n3A_100, %get3A_109, %dot_general3A_110 {dimension_numbers = #tpu.dot_dimension_numbers<[1], [0], [0], [1], [0, 0, 1, 1], [], []>, transpose_lhs_hint = false} : vector<2000x8xf32>, vector<8x16xf32>, vector<2000x16xf32> -> vector<2000x16xf32>
    %swap3A_112 = arith.constant 0 : index
    %swap3A_113 = arith.constant 0 : index
    %swap3A_114 = vector.load %arg10[%swap3A_112, %swap3A_113] : memref<2000x16xf32, #tpu.memory_space<vmem>>, vector<2000x16xf32>
    tpu.vector_store %arg10[%swap3A_112, %swap3A_113], %dot_general3A_111 {strides = array<i32>} : memref<2000x16xf32, #tpu.memory_space<vmem>>, vector<2000x16xf32>,
    return
  }
  func.func @transform_0(%arg0: i32) -> (i32, i32) {
    %c0_i32 = arith.constant 0 : i32
    %c0_i32_0 = arith.constant 0 : i32
    return %arg0, %c0_i32 : i32, i32
  }
  func.func @transform_1(%arg0: i32) -> (i32, i32) {
    %c0_i32 = arith.constant 0 : i32
    %c0_i32_0 = arith.constant 0 : i32
    return %arg0, %c0_i32 : i32, i32
  }
  func.func @transform_2(%arg0: i32) -> (i32, i32) {
    %c0_i32 = arith.constant 0 : i32
    %c0_i32_0 = arith.constant 0 : i32
    %c0_i32_1 = arith.constant 0 : i32
    return %c0_i32, %c0_i32_0 : i32, i32
  }
  func.func @transform_3(%arg0: i32) -> (i32, i32) {
    %c0_i32 = arith.constant 0 : i32
    %c0_i32_0 = arith.constant 0 : i32
    %c0_i32_1 = arith.constant 0 : i32
    return %c0_i32, %c0_i32_0 : i32, i32
  }
  func.func @transform_4(%arg0: i32) -> (i32, i32) {
    %c0_i32 = arith.constant 0 : i32
    %c0_i32_0 = arith.constant 0 : i32
    return %arg0, %c0_i32 : i32, i32
  }
  func.func @transform_5(%arg0: i32) -> (i32, i32) {
    %c0_i32 = arith.constant 0 : i32
    %c0_i32_0 = arith.constant 0 : i32
    return %arg0, %c0_i32 : i32, i32
  }
  func.func @transform_6(%arg0: i32) -> (i32, i32) {
    %c0_i32 = arith.constant 0 : i32
    %c0_i32_0 = arith.constant 0 : i32
    %c0_i32_1 = arith.constant 0 : i32
    return %c0_i32, %c0_i32_0 : i32, i32
  }
  func.func @transform_7(%arg0: i32) -> (i32, i32) {
    %c0_i32 = arith.constant 0 : i32
    %c0_i32_0 = arith.constant 0 : i32
    %c0_i32_1 = arith.constant 0 : i32
    return %c0_i32, %c0_i32_0 : i32, i32
  }
  func.func @transform_8(%arg0: i32) -> (i32, i32) {
    %c0_i32 = arith.constant 0 : i32
    %c0_i32_0 = arith.constant 0 : i32
    return %arg0, %c0_i32 : i32, i32
  }
  func.func @transform_9(%arg0: i32) -> (i32, i32) {
    %c0_i32 = arith.constant 0 : i32
    %c0_i32_0 = arith.constant 0 : i32
    return %arg0, %c0_i32 : i32, i32
  }
}

module attributes {stable_mosaic.version = 14 : i64} {
  func.func @body(%arg0: i32, %arg1: memref<2000x16xf32, #tpu.memory_space<vmem>>, %arg2: memref<2000x16xf32, #tpu.memory_space<vmem>>, %arg3: memref<2000x16xf32, #tpu.memory_space<vmem>>, %arg4: memref<1x16xf32, #tpu.memory_space<vmem>>, %arg5: memref<2000x16xf32, #tpu.memory_space<vmem>>) attributes {dimension_semantics = [#tpu.dimension_semantics<arbitrary>], iteration_bounds = array<i64: 5>, scalar_prefetch = 0 : i64, scratch_operands = 0 : i64, tpu.core_type = #tpu.core_type<tc>, window_params = [{transform_indices = @transform_0, window_bounds = array<i64: 2000, 16>}, {transform_indices = @transform_1, window_bounds = array<i64: 2000, 16>}, {transform_indices = @transform_2, window_bounds = array<i64: 2000, 16>}, {pipeline_mode = #tpu.pipeline_mode<synchronous>, transform_indices = @transform_3, window_bounds = array<i64: 1, 16>}, {transform_indices = @transform_4, window_bounds = array<i64: 2000, 16>}]} {
    %get3A = arith.constant 0 : index
    %get3A_0 = arith.constant 0 : index
    %get3A_1 = vector.load %arg1[%get3A, %get3A_0] : memref<2000x16xf32, #tpu.memory_space<vmem>>, vector<2000x16xf32>
    %get3A_2 = arith.constant 0 : index
    %get3A_3 = arith.constant 0 : index
    %get3A_4 = vector.load %arg2[%get3A_2, %get3A_3] : memref<2000x16xf32, #tpu.memory_space<vmem>>, vector<2000x16xf32>
    %get3A_5 = arith.constant 0 : index
    %get3A_6 = arith.constant 0 : index
    %get3A_7 = vector.load %arg3[%get3A_5, %get3A_6] : memref<2000x16xf32, #tpu.memory_space<vmem>>, vector<2000x16xf32>
    %add3A = arith.addf %get3A_4, %get3A_7 : vector<2000x16xf32>
    %get3A_8 = arith.constant 0 : index
    %get3A_9 = arith.constant 0 : index
    %get3A_10 = vector.load %arg4[%get3A_8, %get3A_9] : memref<1x16xf32, #tpu.memory_space<vmem>>, vector<1x16xf32>
    %mul3A = vector.broadcast %get3A_10 : vector<1x16xf32> to vector<2000x16xf32>
    %mul3A_11 = arith.mulf %get3A_1, %mul3A : vector<2000x16xf32>
    %reduce_sum3A = arith.constant dense<0.000000e+00> : vector<2000xf32>
    %reduce_sum3A_12 = vector.multi_reduction <add>, %mul3A_11, %reduce_sum3A [1] : vector<2000x16xf32> to vector<2000xf32>
    %broadcast_in_dim3A = vector.shape_cast %reduce_sum3A_12 : vector<2000xf32> to vector<2000x1xf32>
    %ge3A = arith.constant 0.000000e+00 : f32
    %ge3A_13 = vector.broadcast %ge3A : f32 to vector<2000x1xf32>
    %ge3A_14 = arith.cmpf oge, %broadcast_in_dim3A, %ge3A_13 : vector<2000x1xf32>
    %mul3A_15 = arith.constant 2.000000e-01 : f32
    %mul3A_16 = vector.broadcast %mul3A_15 : f32 to vector<2000x1xf32>
    %mul3A_17 = arith.mulf %mul3A_16, %broadcast_in_dim3A : vector<2000x1xf32>
    %select_n3A = arith.select %ge3A_14, %broadcast_in_dim3A, %mul3A_17 : vector<2000x1xi1>, vector<2000x1xf32>
    %mul3A_18 = vector.broadcast %get3A_10 : vector<1x16xf32> to vector<2000x16xf32>
    %mul3A_19 = arith.mulf %add3A, %mul3A_18 : vector<2000x16xf32>
    %reduce_sum3A_20 = arith.constant dense<0.000000e+00> : vector<2000xf32>
    %reduce_sum3A_21 = vector.multi_reduction <add>, %mul3A_19, %reduce_sum3A_20 [1] : vector<2000x16xf32> to vector<2000xf32>
    %broadcast_in_dim3A_22 = vector.shape_cast %reduce_sum3A_21 : vector<2000xf32> to vector<2000x1xf32>
    %ge3A_23 = arith.constant 0.000000e+00 : f32
    %ge3A_24 = vector.broadcast %ge3A_23 : f32 to vector<2000x1xf32>
    %ge3A_25 = arith.cmpf oge, %broadcast_in_dim3A_22, %ge3A_24 : vector<2000x1xf32>
    %mul3A_26 = arith.constant 2.000000e-01 : f32
    %mul3A_27 = vector.broadcast %mul3A_26 : f32 to vector<2000x1xf32>
    %mul3A_28 = arith.mulf %mul3A_27, %broadcast_in_dim3A_22 : vector<2000x1xf32>
    %select_n3A_29 = arith.select %ge3A_25, %broadcast_in_dim3A_22, %mul3A_28 : vector<2000x1xi1>, vector<2000x1xf32>
    %max3A = arith.maximumf %select_n3A, %select_n3A_29 : vector<2000x1xf32>
    %sub3A = arith.subf %select_n3A, %max3A : vector<2000x1xf32>
    %exp3A = math.exp %sub3A : vector<2000x1xf32>
    %sub3A_30 = arith.subf %select_n3A_29, %max3A : vector<2000x1xf32>
    %exp3A_31 = math.exp %sub3A_30 : vector<2000x1xf32>
    %mul3A_32 = vector.broadcast %exp3A : vector<2000x1xf32> to vector<2000x16xf32>
    %mul3A_33 = arith.mulf %mul3A_32, %get3A_1 : vector<2000x16xf32>
    %mul3A_34 = vector.broadcast %exp3A_31 : vector<2000x1xf32> to vector<2000x16xf32>
    %mul3A_35 = arith.mulf %mul3A_34, %add3A : vector<2000x16xf32>
    %add3A_36 = arith.addf %mul3A_33, %mul3A_35 : vector<2000x16xf32>
    %add3A_37 = arith.addf %exp3A, %exp3A_31 : vector<2000x1xf32>
    %div3A = vector.broadcast %add3A_37 : vector<2000x1xf32> to vector<2000x16xf32>
    %div3A_38 = arith.divf %add3A_36, %div3A : vector<2000x16xf32>
    %swap3A = arith.constant 0 : index
    %swap3A_39 = arith.constant 0 : index
    %swap3A_40 = vector.load %arg5[%swap3A, %swap3A_39] : memref<2000x16xf32, #tpu.memory_space<vmem>>, vector<2000x16xf32>
    tpu.vector_store %arg5[%swap3A, %swap3A_39], %div3A_38 {strides = array<i32>} : memref<2000x16xf32, #tpu.memory_space<vmem>>, vector<2000x16xf32>,
    return
  }
  func.func @transform_0(%arg0: i32) -> (i32, i32) {
    %c0_i32 = arith.constant 0 : i32
    %c0_i32_0 = arith.constant 0 : i32
    return %arg0, %c0_i32 : i32, i32
  }
  func.func @transform_1(%arg0: i32) -> (i32, i32) {
    %c0_i32 = arith.constant 0 : i32
    %c0_i32_0 = arith.constant 0 : i32
    return %arg0, %c0_i32 : i32, i32
  }
  func.func @transform_2(%arg0: i32) -> (i32, i32) {
    %c0_i32 = arith.constant 0 : i32
    %c0_i32_0 = arith.constant 0 : i32
    return %arg0, %c0_i32 : i32, i32
  }
  func.func @transform_3(%arg0: i32) -> (i32, i32) {
    %c0_i32 = arith.constant 0 : i32
    %c0_i32_0 = arith.constant 0 : i32
    %c0_i32_1 = arith.constant 0 : i32
    return %c0_i32, %c0_i32_0 : i32, i32
  }
  func.func @transform_4(%arg0: i32) -> (i32, i32) {
    %c0_i32 = arith.constant 0 : i32
    %c0_i32_0 = arith.constant 0 : i32
    return %arg0, %c0_i32 : i32, i32
  }
}

</mosaic_0001>

<sc_bundles>
// kernel: kernel.12.cloned.1.call-start
scs
__scs_entry_jumppad:
0x0: {  	(pc) =	sbr.rel $0x88, $3  }
0x1: {  	(tag) =	ssettag $0x0;
	lr =	simm.s32 $0x1  }
0x2: {  	[smem:$0x3F92] =	sst lr;
	_ =	strace $0xD0000000  }
0x3: {  	_ = 	snop  }
0x4: {  	_ = 	snop  }
0x5: {  	_ = 	snop  }
0x6: {  	_ = 	snop  }
0x7: {  	_ = 	snop  }
__scs_overlays_trampoline_lowered:
0x8: {  	[smem:$0x3FA1] =	sst s0  }
0x9: {  	[smem:$0x3FA2] =	sst s1  }
0xa: {  	[smem:$0x3FA3] =	sst s2  }
0xb: {  	[smem:$0x3FA4] =	sst s3  }
0xc: {  	[smem:$0x3FA5] =	sst s4  }
0xd: {  	[smem:$0x3FA6] =	sst s5  }
0xe: {  	[smem:$0x3FA7] =	sst s6  }
0xf: {  	[smem:$0x3FA8] =	sst s7  }
0x10: {  	[smem:$0x3FA9] =	sst s8  }
0x11: {  	[smem:$0x3FAA] =	sst s9;
	s0 =	simm.s32 @!p0 $0x0  }
0x12: {  	s1 =	sld [smem:$0x3F90];
	s0 =	simm.s32 @p0 $0x1  }
0x13: {  	[smem:$0x3FAB] =	sst s0;
	s0 =	simm.s32 @!p1 $0x0  }
0x14: {  	s2 =	sld [smem:$0x3F8F];
	s0 =	simm.s32 @p1 $0x1  }
0x15: {  	[smem:$0x3FAC] =	sst s0;
	s0 =	simm.s32 @!p2 $0x0  }
0x16: {  	s3 =	sld [smem:$0x3FDB];
	s0 =	simm.s32 @p2 $0x1  }
0x17: {  	s4 =	simm.s32 $0x1BF5;
	[smem:$0x3FAE] =	sst s0  }
0x18: {  	s0 =	sld [smem:$0x3F91];
	_ =	swait.ge [sflag:s4], $0x0  }
0x19: {  	s7 =	sld [smem:$0x3F92]  }
0x1a: {  	s8 =	sadd.s32 $0xFFFFE003, lr  }
0x1b: {  	s9 =	sadd.s32 $0xFFFFFEF7, lr;
	s5 =	simm.s32 $0xFFFFFFFF;
	p2 =	slt.u32 s8, $0xFFFFF086  }
0x1c: {  	p1 =	slt.u32 s9, $0xF7A;
	s5 =	simm.s32 @!p2 $0x0  }
0x1d: {  	s5 =	simm.s32 @p1 $0x1;
	p0 =	seq.s32 s7, s2  }
0x1e: {  	s7 =	smul.u32 @!p0 $0xF7A, s2;
	p2 =	seq.s32 @!p0 s5, $0x0  }
0x1f: {  	s9 =	smul.u32 $0xF7A, s1;
	s8 =	simm.s32 @!p0 $0x1BF5;
	p2 =	por !p2, p0  }
0x20: {  	[sflag:s8] =	ssyncset.s32 @!p0 $0xFFFFF086;
	s6 =	sadd.s32 @!p0 s3, s7;
	s7 =	simm.s32 @!p0 $0x108  }
0x21: {  	s3 =	sadd.s32 s3, s9;
	s6 =	sadd.s32 @!p0 $0x88, s6;
	s7 =	simm.s32 @p2 $0x1082  }
0x22: {  	[simem:s7], [sflag:s8] =	dma.local @!p0 [hbm:s6], $0xF7A  }
0x23: {  	s9 =	sor.u32 $0xD0000000, s2;
	s6 =	simm.s32 $0x108;
	_ =	swait.ge @!p0 [sflag:s8], $0x0  }
0x24: {  	s3 =	sadd.s32 $0x88, s3;
	s6 =	simm.s32 @!p1 $0x1082;
	[sflag:s4] =	ssyncset.s32 $0xFFFFF086  }
0x25: {  	[simem:s6], [sflag:s4] =	dma.local [hbm:s3], $0xF7A  }
0x26: {  	[smem:$0x3F92] =	sst s1;
	(tag) =	ssettag s2;
	_ =	strace s9  }
0x27: {  	s1 =	sld [smem:$0x3FA2]  }
0x28: {  	s2 =	sld [smem:$0x3FA3]  }
0x29: {  	s4 =	sld [smem:$0x3FA5]  }
0x2a: {  	p0 =	seq.s32 s5, $0x0;
	s5 =	sld [smem:$0x3FA6]  }
0x2b: {  	s6 =	sld [smem:$0x3FA7]  }
0x2c: {  	s7 =	sld [smem:$0x3FA8]  }
0x2d: {  	s3 =	simm.s32 $0x108;
	s8 =	sld [smem:$0x3FA9]  }
0x2e: {  	s3 =	simm.s32 @!p0 $0x1082;
	s9 =	sld [smem:$0x3FAA]  }
0x2f: {  	lr =	sadd.s32 s0, s3;
	s0 =	sld [smem:$0x3FA1]  }
0x30: {  	s3 =	sld [smem:$0x3FA4]  }
0x31: {  	[smem:$0x3FAD] =	sst s10  }
0x32: {  	s10 =	sld [smem:$0x3FAB];
	_ =	sdelay $0x3  }
0x33: {  	p0 =	seq.s32 s10, $0x1;
	s10 =	sld [smem:$0x3FAD];
	_ =	sdelay $0x3  }
0x34: {  	[smem:$0x3FAD] =	sst s10  }
0x35: {  	s10 =	sld [smem:$0x3FAC];
	_ =	sdelay $0x3  }
0x36: {  	p1 =	seq.s32 s10, $0x1;
	s10 =	sld [smem:$0x3FAD];
	_ =	sdelay $0x3  }
0x37: {  	[smem:$0x3FAD] =	sst s10  }
0x38: {  	s10 =	sld [smem:$0x3FAE]  }
0x39: {  	_ = 	snop;
	(pc) =	sbr.ind lr, $3  }
0x3a: {  	_ = 	snop  }
0x3b: {  	_ = 	snop  }
0x3c: {  	p2 =	seq.s32 s10, $0x1;
	s10 =	sld [smem:$0x3FAD]  }
0x3d: {  	_ =	shalt  }
0x3e: {  	_ =	shalt  }
0x3f: {  	_ =	shalt  }
0x40: {  	_ =	shalt  }
0x41: {  	_ =	shalt  }
0x42: {  	_ =	shalt  }
0x43: {  	_ =	shalt  }
0x44: {  	_ =	shalt  }
0x45: {  	_ =	shalt  }
0x46: {  	_ =	shalt  }
0x47: {  	_ =	shalt  }
0x48: {  	_ =	shalt  }
0x49: {  	_ =	shalt  }
0x4a: {  	_ =	shalt  }
0x4b: {  	_ =	shalt  }
0x4c: {  	_ =	shalt  }
0x4d: {  	_ =	shalt  }
0x4e: {  	_ =	shalt  }
0x4f: {  	_ =	shalt  }
0x50: {  	_ =	shalt  }
0x51: {  	_ =	shalt  }
0x52: {  	_ =	shalt  }
0x53: {  	_ =	shalt  }
0x54: {  	_ =	shalt  }
0x55: {  	_ =	shalt  }
0x56: {  	_ =	shalt  }
0x57: {  	_ =	shalt  }
0x58: {  	_ =	shalt  }
0x59: {  	_ =	shalt  }
0x5a: {  	_ =	shalt  }
0x5b: {  	_ =	shalt  }
0x5c: {  	_ =	shalt  }
0x5d: {  	_ =	shalt  }
0x5e: {  	_ =	shalt  }
0x5f: {  	_ =	shalt  }
0x60: {  	_ =	shalt  }
0x61: {  	_ =	shalt  }
0x62: {  	_ =	shalt  }
0x63: {  	_ =	shalt  }
0x64: {  	_ =	shalt  }
0x65: {  	_ =	shalt  }
0x66: {  	_ =	shalt  }
0x67: {  	_ =	shalt  }
0x68: {  	_ =	shalt  }
0x69: {  	_ =	shalt  }
0x6a: {  	_ =	shalt  }
0x6b: {  	_ =	shalt  }
0x6c: {  	_ =	shalt  }
0x6d: {  	_ =	shalt  }
0x6e: {  	_ =	shalt  }
0x6f: {  	_ =	shalt  }
0x70: {  	_ =	shalt  }
0x71: {  	_ =	shalt  }
0x72: {  	_ =	shalt  }
0x73: {  	_ =	shalt  }
0x74: {  	_ =	shalt  }
0x75: {  	_ =	shalt  }
0x76: {  	_ =	shalt  }
0x77: {  	_ =	shalt  }
0x78: {  	_ =	shalt  }
0x79: {  	_ =	shalt  }
0x7a: {  	_ =	shalt  }
0x7b: {  	_ =	shalt  }
0x7c: {  	_ =	shalt  }
0x7d: {  	_ =	shalt  }
0x7e: {  	_ =	shalt  }
0x7f: {  	_ =	shalt  }
0x80: {  	_ =	shalt  }
0x81: {  	_ =	shalt  }
0x82: {  	_ =	shalt  }
0x83: {  	_ =	shalt  }
0x84: {  	_ =	shalt  }
0x85: {  	_ =	shalt  }
0x86: {  	_ =	shalt  }
0x87: {  	_ =	shalt  }
.Lfunc_end0:
.L_simem_size_0:
called_computation.1_lowered:
.L_overlay_start_0:
0x88: {  	s2 =	sld [smem:$0x3FD9]  }
0x89: {  	s3 =	sld [smem:$0x3FFE];
	_ =	sdelay $0x1  }
0x8a: {  	s1 =	srdreg.scid  }
0x8b: {  	s0 =	sand.u32 $0x1, s1  }
0x8c: {  	s17 =	sshll.u32 s0, $0xA;
	s2 =	sadd.s32 s3, s2  }
0x8d: {  	s2 =	sadd.s32 s2, s17  }
0x8e: {  	[smem:$0x3FB9] =	sst s2  }
0x8f: {  	_ = 	snop  }
0x90: {  	s2 =	sld [smem:$0x3FD0];
	(tm) =	ssettm $0x1  }
0x91: {  	s18 =	sld [smem:$0x3FFB];
	_ =	sdelay $0x3  }
0x92: {  	_ =	strace s18  }
0x93: {  	s3 =	sld [smem:$0x3FFC];
	_ =	sdelay $0x3  }
0x94: {  	_ =	strace s3  }
0x95: {  	s3 =	sld [smem:$0x3FFD];
	_ =	sdelay $0x3  }
0x96: {  	_ =	strace s3  }
0x97: {  	_ =	strace $0x8FFFFFFF  }
0x98: {  	s19 =	sld [smem:$0x3FDB];
	_ =	sdelay $0x1  }
0x99: {  	s4 =	simm.s32 $_scs_section_size  }
0x9a: {  	s5 =	simm.s32 $_size__tile_overlayer_lowered;
	s6 =	simm.s32 $_tile_overlayer_lowered  }
0x9b: {  	s22 =	simm.s32 $0x1BFF;
	s21 =	sshll.u32 s6, $0x1;
	s3 =	sadd.s32 s4, s19  }
0x9c: {  	s7 =	simm.s32 $0x0;
	s20 =	sshll.u32 s5, $0x1;
	s5 =	sadd.s32 s21, s3  }
0x9d: {  	[timem:s7], [sflag:s22] =	dma.local [hbm:s5], s20  }
0x9e: {  	_ =	swait.ge [sflag:s22], s20  }
0x9f: {  	s4 =	ssub.s32 $0x0, s20;
	[sflag:s22] =	ssyncset.done $0x0  }
0xa0: {  	[sflag:s22] =	ssyncadd.s32 s4;
	_ =	sdelay $0x1  }
0xa1: {  	s23 =	simm.s32 $0x1B8B  }
0xa2: {  	_ =	swait.ge [sflag:s23], $0x1  }
0xa3: {  	[sflag:s23] =	ssyncset.done $0x0  }
0xa4: {  	s25 =	simm.s32 $0x1B8E;
	s24 =	sld [smem:$0x3FFE];
	[sflag:s23] =	ssyncadd.s32 $0xFFFFFFFF  }
0xa5: {  	s26 =	simm.s32 $execute0_lowered;
	[smem:$0x3FD2] =	sst s25  }
0xa6: {  	s5 =	sshll.u32 s26, $0x1;
	_ =	strace $0x80000049;
	[dreg:$0x1] =	wrdreg $0xFFFFFFFF  }
0xa7: {  	s28 =	simm.s32 $_size_execute0_lowered;
	s3 =	sadd.s32 s3, s5;
	[dreg:$0x0] =	wrdreg $0x0  }
0xa8: {  	s5 =	sshll.u32 s28, $0x1;
	[dreg:$0x2] =	wrdreg s3  }
0xa9: {  	[dreg:$0x3] =	wrdreg s5  }
0xaa: {  	[dreg:$0x4] =	wrdreg $0xC0  }
0xab: {  	_ =	task [dreg:s7], $0x5FFFF  }
0xac: {  	[dreg:$0x1] =	wrdreg $0xFFFFFFFF  }
0xad: {  	[dreg:$0x0] =	wrdreg $0x60  }
0xae: {  	[dreg:$0x2] =	wrdreg s2  }
0xaf: {  	[dreg:$0x3] =	wrdreg s24  }
0xb0: {  	[dreg:$0x4] =	wrdreg $0x83880  }
0xb1: {  	[dreg:$0x5] =	wrdreg $0x70000  }
0xb2: {  	[dreg:$0x6] =	wrdreg $0x9  }
0xb3: {  	_ =	task.clear_ibuf [dreg:s7], $0x7FFFF;
	_ =	strace $0x90000049  }
0xb4: {  	s29 =	simm.s32 $0x9;
	_ =	strace $0x8000004B  }
0xb5: {  	_ =	swait.ge [sflag:s29], $0x1  }
0xb6: {  	[sflag:s29] =	ssyncadd.s32 $0xFFFFFFFF  }
0xb7: {  	_ =	strace $0x9000004B  }
0xb8: {  	_ =	sfence  }
0xb9: {  	s30 =	sld [smem:$0x0];
	_ =	sdelay $0x2  }
0xba: {  	s31 =	sshll.u32 s1, $0xD;
	s1 =	sshrl.u32 s1, $0x2  }
0xbb: {  	s3 =	sand.u32 $0x4000, s31;
	s1 =	sadd.s32 s1, s30  }
0xbc: {  	s0 =	sor.u32 s3, s0;
	s1 =	sshll.u32 s1, $0x11  }
0xbd: {  	s0 =	sor.u32 s1, s0  }
0xbe: {  	s0 =	sadd.s32 $0x8F2B, s0  }
0xbf: {  	[sflag:s0] =	ssyncadd.remote.s32 $0x1  }
0xc0: {  	_ =	sfence.sel $0xFFFF  }
0xc1: {  	[dreg:$0x0] =	wrdreg $0xFFFFFFFF;
	(pc) =	sbr.abs _section_cstart, $3  }
0xc2: {  	[dreg:$0x1] =	wrdreg $0xFFFFFFFF  }
0xc3: {  	_ =	task.clear_ibuf [dreg:s7], $0x2FFFF;
	_ =	strace $0x9FFFFFFF  }
0xc4: {  	(tm) =	ssettm $0x7FFFFFFF  }
0xc5: {  	_ =	shalt  }
tec
execute0_lowered:
.L_overlay_start_1:
0x0: {  	(tag) =	ssettag $0x1  }
0x1: {  	s0 =	rddreg [dreg:$0x0]  }
0x2: {  	s1 =	rddreg [dreg:$0x1]  }
0x3: {  	s2 =	rddreg [dreg:$0x2]  }
0x4: {  	s3 =	rddreg [dreg:$0x3]  }
0x5: {  	s4 =	simm.s32 $0x0;
	s11 =	stileid.u32;
	s8 =	srdreg.scid  }
0x6: {  	s22 =	simm.s32 $0x1;
	s28 =	simm.s32 $0x5400;
	s30 =	simm.s32 $0x5800  }
0x7: {  	s21 =	simm.s32 $0x6400;
	[smem:$0x7FF] =	sst s4;
	s6 =	smul.u32 $0x1388, s11  }
0x8: {  	s7 =	smul.u32 $0x500, s11;
	s8 =	sand.u32 $0x1, s8;
	s12 =	sadd.s32 $0x4CE00, s1  }
0x9: {  	s15 =	sshll.u32 s11, $0x6;
	_ =	strace $0x8000004A;
	s10 =	ssub.s32 $0x2, s8  }
0xa: {  	[dreg:$0x5] =	wrdreg s12;
	p0 =	seq.s32 s8, $0x1;
	s17 =	sor.u32 $0x1C01, s15  }
0xb: {  	s19 =	sor.u32 $0x1C02, s15;
	s5 =	sshrl.u32 s6, $0x3;
	s7 =	sadd.s32 s7, s1  }
0xc: {  	s23 =	sshrl.u32 s10, $0x1;
	s24 =	sadd.s32 s6, s2;
	s6 =	sadd.s32 s6, s3  }
0xd: {  	s9 =	sadd.s32 s5, s1;
	s1 =	sadd.s32 $0x4A600, s1;
	s25 =	sadd.s32 $0x38E00, s7  }
0xe: {  	s26 =	sadd.s32 $0x2EE00, s7;
	s0 =	sadd.s32 s0, s5;
	s29 =	sadd.s32 $0x3DE00, s7  }
0xf: {  	s31 =	sadd.s32 $0x33E00, s7;
	s18 =	sshrl.u32 s24, $0x3;
	[dreg:$0x6] =	wrdreg s1  }
0x10: {  	s20 =	sshrl.u32 s6, $0x3;
	s24 =	simm.s32 $0x3;
	[dreg:$0x8] =	wrdreg s25  }
0x11: {  	s6 =	simm.s32 $0x6800;
	s7 =	simm.s32 $0x6C00;
	[dreg:$0x9] =	wrdreg s26  }
.Ltmp0:
0x12: {  	s1 =	ssub.s32 s10, s23;
	[dreg:$0xa] =	wrdreg s0;
	(pc) =	sbr.rel .LBB2_1-.Ltmp0, $4  }
0x13: {  	s8 =	sadd.s32 $0x47E00, s9;
	s9 =	sadd.s32 $0x29E00, s9;
	[dreg:$0xb] =	wrdreg s29  }
0x14: {  	[dreg:$0xc] =	wrdreg s31;
	s23 =	simm.s32 $0x2;
	s25 =	simm.s32 $0x80  }
0x15: {  	s26 =	simm.s32 $0x5000;
	s0 =	simm.s32 $0x5C00;
	[dreg:$0x7] =	wrdreg s9  }
0x16: {  	s16 =	smax.u32 s1, $0x1;
	s1 =	simm.s32 $0x6000;
	s9 =	simm.s32 $0x4  }
.LBB2_7:
0x17: {  	[sflag:s24] =	ssyncadd.s32 $0xFFFFFC00;
	s10 =	rddreg [dreg:$0x6]  }
.LBB2_8:
0x18: {  	s4 =	sadd.s32 $0x1, s4  }
0x19: {  	s10 =	sadd.s32 s10, s5;
	p1 =	sne.s32 s4, s16  }
.Ltmp1:
0x1a: {  	[bflag:$0x0] =	sbarrier.arrive $0xFFFF;
	s11 =	sor.u32 $0x1C04, s15;
	(pc) =	sbr.rel @!p1 .LBB2_9-.Ltmp1, $4  }
0x1b: {  	[hbm:s10], [sflag:s11] =	dma.local [spmem:s18], $0x271  }
0x1c: {  	_ =	swait.ge [sflag:s9], $0x271  }
0x1d: {  	[sflag:s9] =	ssyncset.done $0x0  }
0x1e: {  	[sflag:s9] =	ssyncadd.s32 $0xFFFFFD8F  }
.LBB2_1:
.Ltmp2:
0x1f: {  	(pc) =	sbr.rel @!p0 .LBB2_2-.Ltmp2, $2  }
0x20: {  	_ =	sdelay $0x2  }
0x21: {  	[spmem:s18], [sflag:s17] =	dma.local [hbm:s8], $0x271  }
0x22: {  	s10 =	rddreg [dreg:$0xa]  }
0x23: {  	[spmem:s20], [sflag:s19] =	dma.local [hbm:s10], $0x271  }
0x24: {  	s14 =	simm.s32 $0x0;
	s11 =	rddreg [dreg:$0xb]  }
0x25: {  	[tilespmem:s14], [sflag:$0x3] =	stream.linear.gather [hbm4b:s11+s14], $0x2800, $0x38;
	[tilespmem:$0x9718] =	vst v63  }
0x26: {  	s12 =	simm.s32 $0x2800;
	s31 =	rddreg [dreg:$0xc]  }
0x27: {  	[tilespmem:s12], [sflag:$0x3] =	stream.linear.gather [hbm4b:s31+s14], $0x2800, $0x38;
	[tilespmem:$0x9718] =	vst v63  }
0x28: {  	_ =	swait.ge [sflag:s22], $0x271  }
0x29: {  	[sflag:s22] =	ssyncset.done $0x0  }
0x2a: {  	[sflag:s22] =	ssyncadd.s32 $0xFFFFFD8F  }
0x2b: {  	_ =	swait.ge [sflag:s23], $0x271  }
0x2c: {  	[sflag:s23] =	ssyncset.done $0x0  }
0x2d: {  	[sflag:s23] =	ssyncadd.s32 $0xFFFFFD8F  }
0x2e: {  	_ =	swait.ge [sflag:s24], $0x2800  }
0x2f: {  	[sflag:s24] =	ssyncset.done $0x0  }
0x30: {  	[sflag:s24] =	ssyncadd.s32 $0xFFFFD800  }
0x31: {  	_ =	swait.ge [sflag:s24], $0x2800  }
0x32: {  	[sflag:s24] =	ssyncset.done $0x0  }
0x33: {  	[sflag:s24] =	ssyncadd.s32 $0xFFFFD800  }
0x34: {  	[bflag:$0x0] =	sbarrier.arrive $0xFFFF  }
0x35: {  	[tilespmem:s26], [sflag:$0x1] =	stream.indirect.gather [spmem:s3], $0x8, s14, s25, $0xb8;
	[tilespmem:$0x9718] =	vst v63  }
0x36: {  	_ = 	snop  }
0x37: {  	[tilespmem:s28], [sflag:$0x1] =	stream.indirect.gather [spmem:s3], $0x8, s25, s25, $0xb8;
	[tilespmem:$0x9718] =	vst v63  }
0x38: {  	s12 =	simm.s32 $0x100  }
0x39: {  	[tilespmem:s30], [sflag:$0x1] =	stream.indirect.gather [spmem:s3], $0x8, s12, s25, $0xb8;
	[tilespmem:$0x9718] =	vst v63  }
0x3a: {  	s13 =	simm.s32 $0x180  }
0x3b: {  	[tilespmem:s0], [sflag:$0x1] =	stream.indirect.gather [spmem:s3], $0x8, s13, s25, $0xb8;
	[tilespmem:$0x9718] =	vst v63  }
0x3c: {  	_ =	swait.ge [sflag:s22], $0x400  }
0x3d: {  	[sflag:s22] =	ssyncset.done $0x0  }
0x3e: {  	[sflag:s22] =	ssyncadd.s32 $0xFFFFFC00  }
0x3f: {  	_ =	swait.ge [sflag:s22], $0x400  }
0x40: {  	[sflag:s22] =	ssyncset.done $0x0  }
0x41: {  	[sflag:s22] =	ssyncadd.s32 $0xFFFFFC00  }
0x42: {  	_ =	swait.ge [sflag:s22], $0x400  }
0x43: {  	[sflag:s22] =	ssyncset.done $0x0  }
0x44: {  	[sflag:s22] =	ssyncadd.s32 $0xFFFFFC00  }
0x45: {  	_ =	swait.ge [sflag:s22], $0x400  }
0x46: {  	[sflag:s22] =	ssyncset.done $0x0  }
0x47: {  	s14 =	simm.s32 $0x2800;
	[sflag:s22] =	ssyncadd.s32 $0xFFFFFC00  }
0x48: {  	[spmem:s2] =	stream.indirect.scatter.add.f32 [tilespmem:s26], [sflag:$0x3], $0x8, s14, s25, $0xb8;
	[tilespmem:$0x9718] =	vst v63  }
0x49: {  	s31 =	simm.s32 $0x2880  }
0x4a: {  	[spmem:s2] =	stream.indirect.scatter.add.f32 [tilespmem:s28], [sflag:$0x3], $0x8, s31, s25, $0xb8;
	[tilespmem:$0x9718] =	vst v63  }
0x4b: {  	s11 =	simm.s32 $0x2900  }
0x4c: {  	[spmem:s2] =	stream.indirect.scatter.add.f32 [tilespmem:s30], [sflag:$0x3], $0x8, s11, s25, $0xb8;
	[tilespmem:$0x9718] =	vst v63  }
0x4d: {  	s12 =	simm.s32 $0x2980  }
0x4e: {  	[spmem:s2] =	stream.indirect.scatter.add.f32 [tilespmem:s0], [sflag:$0x3], $0x8, s12, s25, $0xb8;
	[tilespmem:$0x9718] =	vst v63  }
0x4f: {  	s13 =	simm.s32 $0x200  }
0x50: {  	[tilespmem:s1], [sflag:$0x2] =	stream.indirect.gather [spmem:s3], $0x8, s13, s25, $0xb8;
	[tilespmem:$0x9718] =	vst v63  }
0x51: {  	s14 =	simm.s32 $0x280  }
0x52: {  	[tilespmem:s21], [sflag:$0x2] =	stream.indirect.gather [spmem:s3], $0x8, s14, s25, $0xb8;
	[tilespmem:$0x9718] =	vst v63  }
0x53: {  	s31 =	simm.s32 $0x300  }
0x54: {  	[tilespmem:s6], [sflag:$0x2] =	stream.indirect.gather [spmem:s3], $0x8, s31, s25, $0xb8;
	[tilespmem:$0x9718] =	vst v63  }
0x55: {  	s11 =	simm.s32 $0x380  }
0x56: {  	[tilespmem:s7], [sflag:$0x2] =	stream.indirect.gather [spmem:s3], $0x8, s11, s25, $0xb8;
	[tilespmem:$0x9718] =	vst v63  }
0x57: {  	_ =	swait.ge [sflag:s24], $0x400  }
0x58: {  	[sflag:s24] =	ssyncset.done $0x0  }
0x59: {  	[sflag:s24] =	ssyncadd.s32 $0xFFFFFC00  }
0x5a: {  	_ =	swait.ge [sflag:s24], $0x400  }
0x5b: {  	[sflag:s24] =	ssyncset.done $0x0  }
0x5c: {  	[sflag:s24] =	ssyncadd.s32 $0xFFFFFC00  }
0x5d: {  	_ =	swait.ge [sflag:s24], $0x400  }
0x5e: {  	[sflag:s24] =	ssyncset.done $0x0  }
0x5f: {  	[sflag:s24] =	ssyncadd.s32 $0xFFFFFC00  }
0x60: {  	p1 =	por $0x0, $0x0;
	_ =	swait.ge [sflag:s24], $0x400  }
0x61: {  	s10 =	simm.s32 @!p1 $0x5000;
	[sflag:s24] =	ssyncset.done $0x0  }
0x62: {  	s12 =	simm.s32 @!p1 $0x80;
	s11 =	simm.s32 @!p1 $0x400;
	[sflag:s24] =	ssyncadd.s32 $0xFFFFFC00  }
0x63: {  	[tilespmem:s10], [sflag:$0x1] =	stream.indirect.gather @!p1 [spmem:s3], $0x8, s11, s12, $0xb8;
	[tilespmem:$0x9718] =	vst v63  }
0x64: {  	s10 =	simm.s32 @!p1 $0x480;
	s11 =	simm.s32 @!p1 $0x5400  }
0x65: {  	[tilespmem:s11], [sflag:$0x1] =	stream.indirect.gather @!p1 [spmem:s3], $0x8, s10, s12, $0xb8;
	[tilespmem:$0x9718] =	vst v63  }
0x66: {  	s10 =	simm.s32 @!p1 $0x500;
	s11 =	simm.s32 @!p1 $0x5800  }
0x67: {  	[tilespmem:s11], [sflag:$0x1] =	stream.indirect.gather @!p1 [spmem:s3], $0x8, s10, s12, $0xb8;
	[tilespmem:$0x9718] =	vst v63  }
0x68: {  	s10 =	simm.s32 @!p1 $0x580;
	s11 =	simm.s32 @!p1 $0x5C00  }
0x69: {  	[tilespmem:s11], [sflag:$0x1] =	stream.indirect.gather @!p1 [spmem:s3], $0x8, s10, s12, $0xb8;
	[tilespmem:$0x9718] =	vst v63  }
0x6a: {  	_ =	swait.ge [sflag:s23], $0x400  }
0x6b: {  	[sflag:s23] =	ssyncset.done $0x0  }
0x6c: {  	[sflag:s23] =	ssyncadd.s32 $0xFFFFFC00  }
0x6d: {  	_ =	swait.ge [sflag:s23], $0x400  }
0x6e: {  	[sflag:s23] =	ssyncset.done $0x0  }
0x6f: {  	[sflag:s23] =	ssyncadd.s32 $0xFFFFFC00  }
0x70: {  	_ =	swait.ge [sflag:s23], $0x400  }
0x71: {  	[sflag:s23] =	ssyncset.done $0x0  }
0x72: {  	[sflag:s23] =	ssyncadd.s32 $0xFFFFFC00  }
0x73: {  	_ =	swait.ge [sflag:s23], $0x400  }
0x74: {  	[sflag:s23] =	ssyncset.done $0x0  }
0x75: {  	s12 =	simm.s32 $0x2A00;
	[sflag:s23] =	ssyncadd.s32 $0xFFFFFC00  }
0x76: {  	[spmem:s2] =	stream.indirect.scatter.add.f32 [tilespmem:s1], [sflag:$0x3], $0x8, s12, s25, $0xb8;
	[tilespmem:$0x9718] =	vst v63  }
0x77: {  	s13 =	simm.s32 $0x2A80  }
0x78: {  	[spmem:s2] =	stream.indirect.scatter.add.f32 [tilespmem:s21], [sflag:$0x3], $0x8, s13, s25, $0xb8;
	[tilespmem:$0x9718] =	vst v63  }
0x79: {  	s14 =	simm.s32 $0x2B00  }
0x7a: {  	[spmem:s2] =	stream.indirect.scatter.add.f32 [tilespmem:s6], [sflag:$0x3], $0x8, s14, s25, $0xb8;
	[tilespmem:$0x9718] =	vst v63  }
0x7b: {  	s31 =	simm.s32 $0x2B80  }
0x7c: {  	[spmem:s2] =	stream.indirect.scatter.add.f32 [tilespmem:s7], [sflag:$0x3], $0x8, s31, s25, $0xb8;
	[tilespmem:$0x9718] =	vst v63  }
0x7d: {  	_ =	swait.ge [sflag:s24], $0x400  }
0x7e: {  	[sflag:s24] =	ssyncset.done $0x0  }
0x7f: {  	[sflag:s24] =	ssyncadd.s32 $0xFFFFFC00  }
0x80: {  	_ =	swait.ge [sflag:s24], $0x400  }
0x81: {  	[sflag:s24] =	ssyncset.done $0x0  }
0x82: {  	[sflag:s24] =	ssyncadd.s32 $0xFFFFFC00  }
0x83: {  	_ =	swait.ge [sflag:s24], $0x400  }
0x84: {  	[sflag:s24] =	ssyncset.done $0x0  }
0x85: {  	[sflag:s24] =	ssyncadd.s32 $0xFFFFFC00  }
0x86: {  	_ =	swait.ge [sflag:s24], $0x400  }
0x87: {  	s29 =	simm.s32 $0x1000;
	[sflag:s24] =	ssyncset.done $0x0  }
.LBB2_6:
0x88: {  	[sflag:s24] =	ssyncadd.s32 $0xFFFFFC00;
	s11 =	smov.u32 s29;
	s29 =	sadd.s32 $0x1000, s29  }
0x89: {  	_ =	swait.ge [sflag:s22], $0x400;
	p1 =	sne.s32 s29, $0xA000  }
0x8a: {  	[sflag:s22] =	ssyncset.done $0x0  }
0x8b: {  	[sflag:s22] =	ssyncadd.s32 $0xFFFFFC00  }
0x8c: {  	_ =	swait.ge [sflag:s22], $0x400  }
0x8d: {  	[sflag:s22] =	ssyncset.done $0x0  }
0x8e: {  	[sflag:s22] =	ssyncadd.s32 $0xFFFFFC00  }
0x8f: {  	_ =	swait.ge [sflag:s22], $0x400  }
0x90: {  	[sflag:s22] =	ssyncset.done $0x0  }
0x91: {  	[sflag:s22] =	ssyncadd.s32 $0xFFFFFC00  }
0x92: {  	_ =	swait.ge [sflag:s22], $0x400  }
0x93: {  	s10 =	sshra.s32 s11, $0x2;
	[sflag:s22] =	ssyncset.done $0x0  }
0x94: {  	s12 =	sadd.s32 $0x2800, s10;
	[sflag:s22] =	ssyncadd.s32 $0xFFFFFC00  }
0x95: {  	[spmem:s2] =	stream.indirect.scatter.add.f32 [tilespmem:s26], [sflag:$0x3], $0x8, s12, s25, $0xb8;
	[tilespmem:$0x9718] =	vst v63  }
0x96: {  	s12 =	sadd.s32 $0x2880, s10  }
0x97: {  	[spmem:s2] =	stream.indirect.scatter.add.f32 [tilespmem:s28], [sflag:$0x3], $0x8, s12, s25, $0xb8;
	[tilespmem:$0x9718] =	vst v63  }
0x98: {  	s12 =	sadd.s32 $0x2900, s10  }
0x99: {  	[spmem:s2] =	stream.indirect.scatter.add.f32 [tilespmem:s30], [sflag:$0x3], $0x8, s12, s25, $0xb8;
	[tilespmem:$0x9718] =	vst v63  }
0x9a: {  	s12 =	sadd.s32 $0x2980, s10  }
0x9b: {  	[spmem:s2] =	stream.indirect.scatter.add.f32 [tilespmem:s0], [sflag:$0x3], $0x8, s12, s25, $0xb8;
	[tilespmem:$0x9718] =	vst v63  }
0x9c: {  	s12 =	sadd.s32 $0x200, s10  }
0x9d: {  	[tilespmem:s1], [sflag:$0x2] =	stream.indirect.gather [spmem:s3], $0x8, s12, s25, $0xb8;
	[tilespmem:$0x9718] =	vst v63  }
0x9e: {  	s12 =	sadd.s32 $0x280, s10  }
0x9f: {  	[tilespmem:s21], [sflag:$0x2] =	stream.indirect.gather [spmem:s3], $0x8, s12, s25, $0xb8;
	[tilespmem:$0x9718] =	vst v63  }
0xa0: {  	s12 =	sadd.s32 $0x300, s10  }
0xa1: {  	[tilespmem:s6], [sflag:$0x2] =	stream.indirect.gather [spmem:s3], $0x8, s12, s25, $0xb8;
	[tilespmem:$0x9718] =	vst v63  }
0xa2: {  	s12 =	sadd.s32 $0x380, s10  }
0xa3: {  	[tilespmem:s7], [sflag:$0x2] =	stream.indirect.gather [spmem:s3], $0x8, s12, s25, $0xb8;
	[tilespmem:$0x9718] =	vst v63  }
0xa4: {  	_ =	swait.ge [sflag:s24], $0x400  }
0xa5: {  	[sflag:s24] =	ssyncset.done $0x0  }
0xa6: {  	[sflag:s24] =	ssyncadd.s32 $0xFFFFFC00  }
0xa7: {  	_ =	swait.ge [sflag:s24], $0x400  }
0xa8: {  	[sflag:s24] =	ssyncset.done $0x0  }
0xa9: {  	[sflag:s24] =	ssyncadd.s32 $0xFFFFFC00  }
0xaa: {  	_ =	swait.ge [sflag:s24], $0x400  }
0xab: {  	[sflag:s24] =	ssyncset.done $0x0  }
0xac: {  	[sflag:s24] =	ssyncadd.s32 $0xFFFFFC00  }
0xad: {  	p2 =	seq.s32 s11, $0x9000;
	_ =	swait.ge [sflag:s24], $0x400  }
0xae: {  	s11 =	sshra.s32 @!p2 s11, $0x2;
	s12 =	simm.s32 @!p2 $0x5000;
	[sflag:s24] =	ssyncset.done $0x0  }
0xaf: {  	s14 =	simm.s32 @!p2 $0x80;
	s13 =	sadd.s32 @!p2 $0x400, s11;
	[sflag:s24] =	ssyncadd.s32 $0xFFFFFC00  }
0xb0: {  	[tilespmem:s12], [sflag:$0x1] =	stream.indirect.gather @!p2 [spmem:s3], $0x8, s13, s14, $0xb8;
	[tilespmem:$0x9718] =	vst v63  }
0xb1: {  	s31 =	sadd.s32 @!p2 $0x500, s11;
	s12 =	sadd.s32 @!p2 $0x480, s11;
	s13 =	simm.s32 @!p2 $0x5400  }
0xb2: {  	[tilespmem:s13], [sflag:$0x1] =	stream.indirect.gather @!p2 [spmem:s3], $0x8, s12, s14, $0xb8;
	[tilespmem:$0x9718] =	vst v63  }
0xb3: {  	s11 =	sadd.s32 @!p2 $0x580, s11;
	s12 =	simm.s32 @!p2 $0x5800  }
0xb4: {  	[tilespmem:s12], [sflag:$0x1] =	stream.indirect.gather @!p2 [spmem:s3], $0x8, s31, s14, $0xb8;
	[tilespmem:$0x9718] =	vst v63  }
0xb5: {  	s12 =	simm.s32 @!p2 $0x5C00  }
0xb6: {  	[tilespmem:s12], [sflag:$0x1] =	stream.indirect.gather @!p2 [spmem:s3], $0x8, s11, s14, $0xb8;
	[tilespmem:$0x9718] =	vst v63  }
0xb7: {  	_ =	swait.ge [sflag:s23], $0x400  }
0xb8: {  	[sflag:s23] =	ssyncset.done $0x0  }
0xb9: {  	[sflag:s23] =	ssyncadd.s32 $0xFFFFFC00  }
0xba: {  	_ =	swait.ge [sflag:s23], $0x400  }
0xbb: {  	[sflag:s23] =	ssyncset.done $0x0  }
0xbc: {  	[sflag:s23] =	ssyncadd.s32 $0xFFFFFC00  }
0xbd: {  	_ =	swait.ge [sflag:s23], $0x400  }
0xbe: {  	[sflag:s23] =	ssyncset.done $0x0  }
0xbf: {  	[sflag:s23] =	ssyncadd.s32 $0xFFFFFC00  }
0xc0: {  	_ =	swait.ge [sflag:s23], $0x400  }
0xc1: {  	[sflag:s23] =	ssyncset.done $0x0  }
0xc2: {  	s11 =	sadd.s32 $0x2A00, s10;
	[sflag:s23] =	ssyncadd.s32 $0xFFFFFC00  }
0xc3: {  	[spmem:s2] =	stream.indirect.scatter.add.f32 [tilespmem:s1], [sflag:$0x3], $0x8, s11, s25, $0xb8;
	[tilespmem:$0x9718] =	vst v63  }
0xc4: {  	s11 =	sadd.s32 $0x2A80, s10  }
0xc5: {  	[spmem:s2] =	stream.indirect.scatter.add.f32 [tilespmem:s21], [sflag:$0x3], $0x8, s11, s25, $0xb8;
	[tilespmem:$0x9718] =	vst v63  }
0xc6: {  	s11 =	sadd.s32 $0x2B00, s10  }
0xc7: {  	[spmem:s2] =	stream.indirect.scatter.add.f32 [tilespmem:s6], [sflag:$0x3], $0x8, s11, s25, $0xb8;
	[tilespmem:$0x9718] =	vst v63  }
0xc8: {  	s10 =	sadd.s32 $0x2B80, s10  }
0xc9: {  	[spmem:s2] =	stream.indirect.scatter.add.f32 [tilespmem:s7], [sflag:$0x3], $0x8, s10, s25, $0xb8;
	[tilespmem:$0x9718] =	vst v63  }
0xca: {  	_ =	swait.ge [sflag:s24], $0x400  }
0xcb: {  	[sflag:s24] =	ssyncset.done $0x0  }
0xcc: {  	[sflag:s24] =	ssyncadd.s32 $0xFFFFFC00  }
0xcd: {  	_ =	swait.ge [sflag:s24], $0x400  }
0xce: {  	[sflag:s24] =	ssyncset.done $0x0  }
0xcf: {  	[sflag:s24] =	ssyncadd.s32 $0xFFFFFC00  }
.Ltmp3:
0xd0: {  	_ =	swait.ge [sflag:s24], $0x400;
	(pc) =	sbr.rel @p1 .LBB2_6-.Ltmp3, $4  }
0xd1: {  	[sflag:s24] =	ssyncset.done $0x0  }
0xd2: {  	[sflag:s24] =	ssyncadd.s32 $0xFFFFFC00  }
0xd3: {  	_ =	swait.ge [sflag:s24], $0x400  }
0xd4: {  	[sflag:s24] =	ssyncset.done $0x0  }
.Ltmp4:
0xd5: {  	_ = 	snop;
	(pc) =	sbr.rel .LBB2_7-.Ltmp4, $1  }
0xd6: {  	_ =	sdelay $0x3  }
.LBB2_2:
0xd7: {  	s10 =	rddreg [dreg:$0x7]  }
0xd8: {  	[spmem:s20], [sflag:s19] =	dma.local [hbm:s10], $0x271  }
0xd9: {  	s14 =	simm.s32 $0x0;
	s11 =	rddreg [dreg:$0x8]  }
0xda: {  	[tilespmem:s14], [sflag:$0x3] =	stream.linear.gather [hbm4b:s11+s14], $0x2800, $0x38;
	[tilespmem:$0x9718] =	vst v63  }
0xdb: {  	s12 =	simm.s32 $0x2800;
	s31 =	rddreg [dreg:$0x9]  }
0xdc: {  	[tilespmem:s12], [sflag:$0x3] =	stream.linear.gather [hbm4b:s31+s14], $0x2800, $0x38;
	[tilespmem:$0x9718] =	vst v63  }
0xdd: {  	_ =	swait.ge [sflag:s22], $0x271  }
0xde: {  	[sflag:s22] =	ssyncset.done $0x0  }
0xdf: {  	[sflag:s22] =	ssyncadd.s32 $0xFFFFFD8F  }
0xe0: {  	_ =	swait.ge [sflag:s23], $0x271  }
0xe1: {  	[sflag:s23] =	ssyncset.done $0x0  }
0xe2: {  	[sflag:s23] =	ssyncadd.s32 $0xFFFFFD8F  }
0xe3: {  	_ =	swait.ge [sflag:s24], $0x2800  }
0xe4: {  	[sflag:s24] =	ssyncset.done $0x0  }
0xe5: {  	[sflag:s24] =	ssyncadd.s32 $0xFFFFD800  }
0xe6: {  	_ =	swait.ge [sflag:s24], $0x2800  }
0xe7: {  	[sflag:s24] =	ssyncset.done $0x0  }
0xe8: {  	[sflag:s24] =	ssyncadd.s32 $0xFFFFD800  }
0xe9: {  	[bflag:$0x0] =	sbarrier.arrive $0xFFFF  }
0xea: {  	[tilespmem:s26], [sflag:$0x1] =	stream.indirect.gather [spmem:s3], $0x8, s14, s25, $0xb8;
	[tilespmem:$0x9718] =	vst v63  }
0xeb: {  	_ = 	snop  }
0xec: {  	[tilespmem:s28], [sflag:$0x1] =	stream.indirect.gather [spmem:s3], $0x8, s25, s25, $0xb8;
	[tilespmem:$0x9718] =	vst v63  }
0xed: {  	s12 =	simm.s32 $0x100  }
0xee: {  	[tilespmem:s30], [sflag:$0x1] =	stream.indirect.gather [spmem:s3], $0x8, s12, s25, $0xb8;
	[tilespmem:$0x9718] =	vst v63  }
0xef: {  	s13 =	simm.s32 $0x180  }
0xf0: {  	[tilespmem:s0], [sflag:$0x1] =	stream.indirect.gather [spmem:s3], $0x8, s13, s25, $0xb8;
	[tilespmem:$0x9718] =	vst v63  }
0xf1: {  	_ =	swait.ge [sflag:s22], $0x400  }
0xf2: {  	[sflag:s22] =	ssyncset.done $0x0  }
0xf3: {  	[sflag:s22] =	ssyncadd.s32 $0xFFFFFC00  }
0xf4: {  	_ =	swait.ge [sflag:s22], $0x400  }
0xf5: {  	[sflag:s22] =	ssyncset.done $0x0  }
0xf6: {  	[sflag:s22] =	ssyncadd.s32 $0xFFFFFC00  }
0xf7: {  	_ =	swait.ge [sflag:s22], $0x400  }
0xf8: {  	[sflag:s22] =	ssyncset.done $0x0  }
0xf9: {  	[sflag:s22] =	ssyncadd.s32 $0xFFFFFC00  }
0xfa: {  	_ =	swait.ge [sflag:s22], $0x400  }
0xfb: {  	[sflag:s22] =	ssyncset.done $0x0  }
0xfc: {  	s14 =	simm.s32 $0x2800;
	[sflag:s22] =	ssyncadd.s32 $0xFFFFFC00  }
0xfd: {  	[spmem:s2] =	stream.indirect.scatter.add.f32 [tilespmem:s26], [sflag:$0x3], $0x8, s14, s25, $0xb8;
	[tilespmem:$0x9718] =	vst v63  }
0xfe: {  	s31 =	simm.s32 $0x2880  }
0xff: {  	[spmem:s2] =	stream.indirect.scatter.add.f32 [tilespmem:s28], [sflag:$0x3], $0x8, s31, s25, $0xb8;
	[tilespmem:$0x9718] =	vst v63  }
0x100: {  	s11 =	simm.s32 $0x2900  }
0x101: {  	[spmem:s2] =	stream.indirect.scatter.add.f32 [tilespmem:s30], [sflag:$0x3], $0x8, s11, s25, $0xb8;
	[tilespmem:$0x9718] =	vst v63  }
0x102: {  	s12 =	simm.s32 $0x2980  }
0x103: {  	[spmem:s2] =	stream.indirect.scatter.add.f32 [tilespmem:s0], [sflag:$0x3], $0x8, s12, s25, $0xb8;
	[tilespmem:$0x9718] =	vst v63  }
0x104: {  	s13 =	simm.s32 $0x200  }
0x105: {  	[tilespmem:s1], [sflag:$0x2] =	stream.indirect.gather [spmem:s3], $0x8, s13, s25, $0xb8;
	[tilespmem:$0x9718] =	vst v63  }
0x106: {  	s14 =	simm.s32 $0x280  }
0x107: {  	[tilespmem:s21], [sflag:$0x2] =	stream.indirect.gather [spmem:s3], $0x8, s14, s25, $0xb8;
	[tilespmem:$0x9718] =	vst v63  }
0x108: {  	s31 =	simm.s32 $0x300  }
0x109: {  	[tilespmem:s6], [sflag:$0x2] =	stream.indirect.gather [spmem:s3], $0x8, s31, s25, $0xb8;
	[tilespmem:$0x9718] =	vst v63  }
0x10a: {  	s11 =	simm.s32 $0x380  }
0x10b: {  	[tilespmem:s7], [sflag:$0x2] =	stream.indirect.gather [spmem:s3], $0x8, s11, s25, $0xb8;
	[tilespmem:$0x9718] =	vst v63  }
0x10c: {  	_ =	swait.ge [sflag:s24], $0x400  }
0x10d: {  	[sflag:s24] =	ssyncset.done $0x0  }
0x10e: {  	[sflag:s24] =	ssyncadd.s32 $0xFFFFFC00  }
0x10f: {  	_ =	swait.ge [sflag:s24], $0x400  }
0x110: {  	[sflag:s24] =	ssyncset.done $0x0  }
0x111: {  	[sflag:s24] =	ssyncadd.s32 $0xFFFFFC00  }
0x112: {  	_ =	swait.ge [sflag:s24], $0x400  }
0x113: {  	[sflag:s24] =	ssyncset.done $0x0  }
0x114: {  	[sflag:s24] =	ssyncadd.s32 $0xFFFFFC00  }
0x115: {  	p1 =	por $0x0, $0x0;
	_ =	swait.ge [sflag:s24], $0x400  }
0x116: {  	s10 =	simm.s32 @!p1 $0x5000;
	[sflag:s24] =	ssyncset.done $0x0  }
0x117: {  	s29 =	simm.s32 @!p1 $0x80;
	s11 =	simm.s32 @!p1 $0x400;
	[sflag:s24] =	ssyncadd.s32 $0xFFFFFC00  }
0x118: {  	[tilespmem:s10], [sflag:$0x1] =	stream.indirect.gather @!p1 [spmem:s3], $0x8, s11, s29, $0xb8;
	[tilespmem:$0x9718] =	vst v63  }
0x119: {  	s10 =	simm.s32 @!p1 $0x480;
	s11 =	simm.s32 @!p1 $0x5400  }
0x11a: {  	[tilespmem:s11], [sflag:$0x1] =	stream.indirect.gather @!p1 [spmem:s3], $0x8, s10, s29, $0xb8;
	[tilespmem:$0x9718] =	vst v63  }
0x11b: {  	s10 =	simm.s32 @!p1 $0x500;
	s11 =	simm.s32 @!p1 $0x5800  }
0x11c: {  	[tilespmem:s11], [sflag:$0x1] =	stream.indirect.gather @!p1 [spmem:s3], $0x8, s10, s29, $0xb8;
	[tilespmem:$0x9718] =	vst v63  }
0x11d: {  	s10 =	simm.s32 @!p1 $0x580;
	s11 =	simm.s32 @!p1 $0x5C00  }
0x11e: {  	[tilespmem:s11], [sflag:$0x1] =	stream.indirect.gather @!p1 [spmem:s3], $0x8, s10, s29, $0xb8;
	[tilespmem:$0x9718] =	vst v63  }
0x11f: {  	_ =	swait.ge [sflag:s23], $0x400  }
0x120: {  	[sflag:s23] =	ssyncset.done $0x0  }
0x121: {  	[sflag:s23] =	ssyncadd.s32 $0xFFFFFC00  }
0x122: {  	_ =	swait.ge [sflag:s23], $0x400  }
0x123: {  	[sflag:s23] =	ssyncset.done $0x0  }
0x124: {  	[sflag:s23] =	ssyncadd.s32 $0xFFFFFC00  }
0x125: {  	_ =	swait.ge [sflag:s23], $0x400  }
0x126: {  	[sflag:s23] =	ssyncset.done $0x0  }
0x127: {  	[sflag:s23] =	ssyncadd.s32 $0xFFFFFC00  }
0x128: {  	_ =	swait.ge [sflag:s23], $0x400  }
0x129: {  	[sflag:s23] =	ssyncset.done $0x0  }
0x12a: {  	s12 =	simm.s32 $0x2A00;
	[sflag:s23] =	ssyncadd.s32 $0xFFFFFC00  }
0x12b: {  	[spmem:s2] =	stream.indirect.scatter.add.f32 [tilespmem:s1], [sflag:$0x3], $0x8, s12, s25, $0xb8;
	[tilespmem:$0x9718] =	vst v63  }
0x12c: {  	s13 =	simm.s32 $0x2A80  }
0x12d: {  	[spmem:s2] =	stream.indirect.scatter.add.f32 [tilespmem:s21], [sflag:$0x3], $0x8, s13, s25, $0xb8;
	[tilespmem:$0x9718] =	vst v63  }
0x12e: {  	s14 =	simm.s32 $0x2B00  }
0x12f: {  	[spmem:s2] =	stream.indirect.scatter.add.f32 [tilespmem:s6], [sflag:$0x3], $0x8, s14, s25, $0xb8;
	[tilespmem:$0x9718] =	vst v63  }
0x130: {  	s31 =	simm.s32 $0x2B80  }
0x131: {  	[spmem:s2] =	stream.indirect.scatter.add.f32 [tilespmem:s7], [sflag:$0x3], $0x8, s31, s25, $0xb8;
	[tilespmem:$0x9718] =	vst v63  }
0x132: {  	_ =	swait.ge [sflag:s24], $0x400  }
0x133: {  	[sflag:s24] =	ssyncset.done $0x0  }
0x134: {  	[sflag:s24] =	ssyncadd.s32 $0xFFFFFC00  }
0x135: {  	_ =	swait.ge [sflag:s24], $0x400  }
0x136: {  	[sflag:s24] =	ssyncset.done $0x0  }
0x137: {  	[sflag:s24] =	ssyncadd.s32 $0xFFFFFC00  }
0x138: {  	_ =	swait.ge [sflag:s24], $0x400  }
0x139: {  	[sflag:s24] =	ssyncset.done $0x0  }
0x13a: {  	[sflag:s24] =	ssyncadd.s32 $0xFFFFFC00  }
0x13b: {  	_ =	swait.ge [sflag:s24], $0x400  }
0x13c: {  	s29 =	simm.s32 $0x1000;
	[sflag:s24] =	ssyncset.done $0x0  }
.LBB2_3:
0x13d: {  	[sflag:s24] =	ssyncadd.s32 $0xFFFFFC00;
	s11 =	smov.u32 s29;
	s29 =	sadd.s32 $0x1000, s29  }
0x13e: {  	_ =	swait.ge [sflag:s22], $0x400;
	p1 =	seq.s32 s29, $0xA000  }
0x13f: {  	[sflag:s22] =	ssyncset.done $0x0  }
0x140: {  	[sflag:s22] =	ssyncadd.s32 $0xFFFFFC00  }
0x141: {  	_ =	swait.ge [sflag:s22], $0x400  }
0x142: {  	[sflag:s22] =	ssyncset.done $0x0  }
0x143: {  	[sflag:s22] =	ssyncadd.s32 $0xFFFFFC00  }
0x144: {  	_ =	swait.ge [sflag:s22], $0x400  }
0x145: {  	[sflag:s22] =	ssyncset.done $0x0  }
0x146: {  	[sflag:s22] =	ssyncadd.s32 $0xFFFFFC00  }
0x147: {  	_ =	swait.ge [sflag:s22], $0x400  }
0x148: {  	s10 =	sshra.s32 s11, $0x2;
	[sflag:s22] =	ssyncset.done $0x0  }
0x149: {  	s31 =	sadd.s32 $0x2800, s10;
	[sflag:s22] =	ssyncadd.s32 $0xFFFFFC00  }
0x14a: {  	[spmem:s2] =	stream.indirect.scatter.add.f32 [tilespmem:s26], [sflag:$0x3], $0x8, s31, s25, $0xb8;
	[tilespmem:$0x9718] =	vst v63  }
0x14b: {  	s31 =	sadd.s32 $0x2880, s10  }
0x14c: {  	[spmem:s2] =	stream.indirect.scatter.add.f32 [tilespmem:s28], [sflag:$0x3], $0x8, s31, s25, $0xb8;
	[tilespmem:$0x9718] =	vst v63  }
0x14d: {  	s31 =	sadd.s32 $0x2900, s10  }
0x14e: {  	[spmem:s2] =	stream.indirect.scatter.add.f32 [tilespmem:s30], [sflag:$0x3], $0x8, s31, s25, $0xb8;
	[tilespmem:$0x9718] =	vst v63  }
0x14f: {  	s31 =	sadd.s32 $0x2980, s10  }
0x150: {  	[spmem:s2] =	stream.indirect.scatter.add.f32 [tilespmem:s0], [sflag:$0x3], $0x8, s31, s25, $0xb8;
	[tilespmem:$0x9718] =	vst v63  }
0x151: {  	s31 =	sadd.s32 $0x200, s10  }
0x152: {  	[tilespmem:s1], [sflag:$0x2] =	stream.indirect.gather [spmem:s3], $0x8, s31, s25, $0xb8;
	[tilespmem:$0x9718] =	vst v63  }
0x153: {  	s31 =	sadd.s32 $0x280, s10  }
0x154: {  	[tilespmem:s21], [sflag:$0x2] =	stream.indirect.gather [spmem:s3], $0x8, s31, s25, $0xb8;
	[tilespmem:$0x9718] =	vst v63  }
0x155: {  	s31 =	sadd.s32 $0x300, s10  }
0x156: {  	[tilespmem:s6], [sflag:$0x2] =	stream.indirect.gather [spmem:s3], $0x8, s31, s25, $0xb8;
	[tilespmem:$0x9718] =	vst v63  }
0x157: {  	s31 =	sadd.s32 $0x380, s10  }
0x158: {  	[tilespmem:s7], [sflag:$0x2] =	stream.indirect.gather [spmem:s3], $0x8, s31, s25, $0xb8;
	[tilespmem:$0x9718] =	vst v63  }
0x159: {  	_ =	swait.ge [sflag:s24], $0x400  }
0x15a: {  	[sflag:s24] =	ssyncset.done $0x0  }
0x15b: {  	[sflag:s24] =	ssyncadd.s32 $0xFFFFFC00  }
0x15c: {  	_ =	swait.ge [sflag:s24], $0x400  }
0x15d: {  	[sflag:s24] =	ssyncset.done $0x0  }
0x15e: {  	[sflag:s24] =	ssyncadd.s32 $0xFFFFFC00  }
0x15f: {  	_ =	swait.ge [sflag:s24], $0x400  }
0x160: {  	[sflag:s24] =	ssyncset.done $0x0  }
0x161: {  	[sflag:s24] =	ssyncadd.s32 $0xFFFFFC00  }
0x162: {  	p2 =	seq.s32 s11, $0x9000;
	_ =	swait.ge [sflag:s24], $0x400  }
0x163: {  	s11 =	sshra.s32 @!p2 s11, $0x2;
	s31 =	simm.s32 @!p2 $0x5000;
	[sflag:s24] =	ssyncset.done $0x0  }
0x164: {  	s13 =	simm.s32 @!p2 $0x80;
	s12 =	sadd.s32 @!p2 $0x400, s11;
	[sflag:s24] =	ssyncadd.s32 $0xFFFFFC00  }
0x165: {  	[tilespmem:s31], [sflag:$0x1] =	stream.indirect.gather @!p2 [spmem:s3], $0x8, s12, s13, $0xb8;
	[tilespmem:$0x9718] =	vst v63  }
0x166: {  	s14 =	sadd.s32 @!p2 $0x500, s11;
	s12 =	sadd.s32 @!p2 $0x480, s11;
	s31 =	simm.s32 @!p2 $0x5400  }
0x167: {  	[tilespmem:s31], [sflag:$0x1] =	stream.indirect.gather @!p2 [spmem:s3], $0x8, s12, s13, $0xb8;
	[tilespmem:$0x9718] =	vst v63  }
0x168: {  	s11 =	sadd.s32 @!p2 $0x580, s11;
	s12 =	simm.s32 @!p2 $0x5800  }
0x169: {  	[tilespmem:s12], [sflag:$0x1] =	stream.indirect.gather @!p2 [spmem:s3], $0x8, s14, s13, $0xb8;
	[tilespmem:$0x9718] =	vst v63  }
0x16a: {  	s12 =	simm.s32 @!p2 $0x5C00  }
0x16b: {  	[tilespmem:s12], [sflag:$0x1] =	stream.indirect.gather @!p2 [spmem:s3], $0x8, s11, s13, $0xb8;
	[tilespmem:$0x9718] =	vst v63  }
0x16c: {  	_ =	swait.ge [sflag:s23], $0x400  }
0x16d: {  	[sflag:s23] =	ssyncset.done $0x0  }
0x16e: {  	[sflag:s23] =	ssyncadd.s32 $0xFFFFFC00  }
0x16f: {  	_ =	swait.ge [sflag:s23], $0x400  }
0x170: {  	[sflag:s23] =	ssyncset.done $0x0  }
0x171: {  	[sflag:s23] =	ssyncadd.s32 $0xFFFFFC00  }
0x172: {  	_ =	swait.ge [sflag:s23], $0x400  }
0x173: {  	[sflag:s23] =	ssyncset.done $0x0  }
0x174: {  	[sflag:s23] =	ssyncadd.s32 $0xFFFFFC00  }
0x175: {  	_ =	swait.ge [sflag:s23], $0x400  }
0x176: {  	[sflag:s23] =	ssyncset.done $0x0  }
0x177: {  	s11 =	sadd.s32 $0x2A00, s10;
	[sflag:s23] =	ssyncadd.s32 $0xFFFFFC00  }
0x178: {  	[spmem:s2] =	stream.indirect.scatter.add.f32 [tilespmem:s1], [sflag:$0x3], $0x8, s11, s25, $0xb8;
	[tilespmem:$0x9718] =	vst v63  }
0x179: {  	s11 =	sadd.s32 $0x2A80, s10  }
0x17a: {  	[spmem:s2] =	stream.indirect.scatter.add.f32 [tilespmem:s21], [sflag:$0x3], $0x8, s11, s25, $0xb8;
	[tilespmem:$0x9718] =	vst v63  }
0x17b: {  	s11 =	sadd.s32 $0x2B00, s10  }
0x17c: {  	[spmem:s2] =	stream.indirect.scatter.add.f32 [tilespmem:s6], [sflag:$0x3], $0x8, s11, s25, $0xb8;
	[tilespmem:$0x9718] =	vst v63  }
0x17d: {  	s10 =	sadd.s32 $0x2B80, s10  }
0x17e: {  	[spmem:s2] =	stream.indirect.scatter.add.f32 [tilespmem:s7], [sflag:$0x3], $0x8, s10, s25, $0xb8;
	[tilespmem:$0x9718] =	vst v63  }
0x17f: {  	_ =	swait.ge [sflag:s24], $0x400  }
0x180: {  	[sflag:s24] =	ssyncset.done $0x0  }
0x181: {  	[sflag:s24] =	ssyncadd.s32 $0xFFFFFC00  }
0x182: {  	_ =	swait.ge [sflag:s24], $0x400  }
0x183: {  	[sflag:s24] =	ssyncset.done $0x0  }
0x184: {  	[sflag:s24] =	ssyncadd.s32 $0xFFFFFC00  }
.Ltmp5:
0x185: {  	_ =	swait.ge [sflag:s24], $0x400;
	(pc) =	sbr.rel @!p1 .LBB2_3-.Ltmp5, $4  }
0x186: {  	[sflag:s24] =	ssyncset.done $0x0  }
0x187: {  	[sflag:s24] =	ssyncadd.s32 $0xFFFFFC00  }
0x188: {  	_ =	swait.ge [sflag:s24], $0x400  }
0x189: {  	[sflag:s24] =	ssyncset.done $0x0  }
.Ltmp6:
0x18a: {  	(pc) =	sbr.rel .LBB2_8-.Ltmp6, $2  }
0x18b: {  	_ =	sdelay $0x2  }
0x18c: {  	[sflag:s24] =	ssyncadd.s32 $0xFFFFFC00;
	s10 =	rddreg [dreg:$0x5]  }
.LBB2_9:
0x18d: {  	_ =	sfence.sel $0x180000  }
0x18e: {  	[bflag:$0x0] =	sbarrier.arrive $0xFFFF  }
0x18f: {  	_ =	strace $0x9000004A  }
0x190: {  	s0 =	stileid.u32;
	[bflag:$0x2] =	sbarrier.arrive $0xFFFF  }
0x191: {  	p0 =	sne.s32 s0, $0x0;
	s0 =	rddreg [dreg:$0x4]  }
0x192: {  	s0 =	sadd.s32 @!p0 $0x100000, s0  }
0x193: {  	[sflag:s0] =	ssyncadd.tile.s32 @!p0 $0x1;
	_ =	shalt  }
.Lfunc_end2:
_tile_overlayer_lowered:
.L_overlay_start_2:
0x194: {  	(tag) =	ssettag $0x2  }
0x195: {  	s0 =	rddreg [dreg:$0x0];
	s2 =	stileid.u32  }
0x196: {  	s1 =	rddreg [dreg:$0x1];
	p0 =	sne.s32 s2, $0x0  }
0x197: {  	s3 =	rddreg [dreg:$0x2];
	[bflag:$0x3] =	sbarrier.arrive $0xFFFF;
	s2 =	simm.s32 @!p0 $0x1C04  }
0x198: {  	[timem:s3], [sflag:s2] =	dma.local @!p0 [hbm:s0], s1  }
0x199: {  	s0 =	simm.s32 @!p0 $0x4  }
0x19a: {  	_ =	swait.ge @!p0 [sflag:s0], s1  }
0x19b: {  	s1 =	ssub.s32 @!p0 $0x0, s1;
	[sflag:s0] =	ssyncset.done @!p0 $0x0  }
0x19c: {  	[sflag:s0] =	ssyncadd.s32 @!p0 s1  }
0x19d: {  	[bflag:$0x3] =	sbarrier.arrive $0xFFFF  }
0x19e: {  	_ =	shalt  }

// kernel: kernel.15.cloned.1.call-start
scs
__scs_entry_jumppad:
0x0: {  	(pc) =	sbr.rel $0x88, $3  }
0x1: {  	(tag) =	ssettag $0x0;
	lr =	simm.s32 $0x1  }
0x2: {  	[smem:$0x3F92] =	sst lr;
	_ =	strace $0xD0000000  }
0x3: {  	_ = 	snop  }
0x4: {  	_ = 	snop  }
0x5: {  	_ = 	snop  }
0x6: {  	_ = 	snop  }
0x7: {  	_ = 	snop  }
__scs_overlays_trampoline_lowered:
0x8: {  	[smem:$0x3FA1] =	sst s0  }
0x9: {  	[smem:$0x3FA2] =	sst s1  }
0xa: {  	[smem:$0x3FA3] =	sst s2  }
0xb: {  	[smem:$0x3FA4] =	sst s3  }
0xc: {  	[smem:$0x3FA5] =	sst s4  }
0xd: {  	[smem:$0x3FA6] =	sst s5  }
0xe: {  	[smem:$0x3FA7] =	sst s6  }
0xf: {  	[smem:$0x3FA8] =	sst s7  }
0x10: {  	[smem:$0x3FA9] =	sst s8  }
0x11: {  	[smem:$0x3FAA] =	sst s9;
	s0 =	simm.s32 @!p0 $0x0  }
0x12: {  	s1 =	sld [smem:$0x3F90];
	s0 =	simm.s32 @p0 $0x1  }
0x13: {  	[smem:$0x3FAB] =	sst s0;
	s0 =	simm.s32 @!p1 $0x0  }
0x14: {  	s2 =	sld [smem:$0x3F8F];
	s0 =	simm.s32 @p1 $0x1  }
0x15: {  	[smem:$0x3FAC] =	sst s0;
	s0 =	simm.s32 @!p2 $0x0  }
0x16: {  	s3 =	sld [smem:$0x3FDB];
	s0 =	simm.s32 @p2 $0x1  }
0x17: {  	s4 =	simm.s32 $0x1BF5;
	[smem:$0x3FAE] =	sst s0  }
0x18: {  	s0 =	sld [smem:$0x3F91];
	_ =	swait.ge [sflag:s4], $0x0  }
0x19: {  	s7 =	sld [smem:$0x3F92]  }
0x1a: {  	s8 =	sadd.s32 $0xFFFFE003, lr  }
0x1b: {  	s9 =	sadd.s32 $0xFFFFFEF7, lr;
	s5 =	simm.s32 $0xFFFFFFFF;
	p2 =	slt.u32 s8, $0xFFFFF086  }
0x1c: {  	p1 =	slt.u32 s9, $0xF7A;
	s5 =	simm.s32 @!p2 $0x0  }
0x1d: {  	s5 =	simm.s32 @p1 $0x1;
	p0 =	seq.s32 s7, s2  }
0x1e: {  	s7 =	smul.u32 @!p0 $0xF7A, s2;
	p2 =	seq.s32 @!p0 s5, $0x0  }
0x1f: {  	s9 =	smul.u32 $0xF7A, s1;
	s8 =	simm.s32 @!p0 $0x1BF5;
	p2 =	por !p2, p0  }
0x20: {  	[sflag:s8] =	ssyncset.s32 @!p0 $0xFFFFF086;
	s6 =	sadd.s32 @!p0 s3, s7;
	s7 =	simm.s32 @!p0 $0x108  }
0x21: {  	s3 =	sadd.s32 s3, s9;
	s6 =	sadd.s32 @!p0 $0x88, s6;
	s7 =	simm.s32 @p2 $0x1082  }
0x22: {  	[simem:s7], [sflag:s8] =	dma.local @!p0 [hbm:s6], $0xF7A  }
0x23: {  	s9 =	sor.u32 $0xD0000000, s2;
	s6 =	simm.s32 $0x108;
	_ =	swait.ge @!p0 [sflag:s8], $0x0  }
0x24: {  	s3 =	sadd.s32 $0x88, s3;
	s6 =	simm.s32 @!p1 $0x1082;
	[sflag:s4] =	ssyncset.s32 $0xFFFFF086  }
0x25: {  	[simem:s6], [sflag:s4] =	dma.local [hbm:s3], $0xF7A  }
0x26: {  	[smem:$0x3F92] =	sst s1;
	(tag) =	ssettag s2;
	_ =	strace s9  }
0x27: {  	s1 =	sld [smem:$0x3FA2]  }
0x28: {  	s2 =	sld [smem:$0x3FA3]  }
0x29: {  	s4 =	sld [smem:$0x3FA5]  }
0x2a: {  	p0 =	seq.s32 s5, $0x0;
	s5 =	sld [smem:$0x3FA6]  }
0x2b: {  	s6 =	sld [smem:$0x3FA7]  }
0x2c: {  	s7 =	sld [smem:$0x3FA8]  }
0x2d: {  	s3 =	simm.s32 $0x108;
	s8 =	sld [smem:$0x3FA9]  }
0x2e: {  	s3 =	simm.s32 @!p0 $0x1082;
	s9 =	sld [smem:$0x3FAA]  }
0x2f: {  	lr =	sadd.s32 s0, s3;
	s0 =	sld [smem:$0x3FA1]  }
0x30: {  	s3 =	sld [smem:$0x3FA4]  }
0x31: {  	[smem:$0x3FAD] =	sst s10  }
0x32: {  	s10 =	sld [smem:$0x3FAB];
	_ =	sdelay $0x3  }
0x33: {  	p0 =	seq.s32 s10, $0x1;
	s10 =	sld [smem:$0x3FAD];
	_ =	sdelay $0x3  }
0x34: {  	[smem:$0x3FAD] =	sst s10  }
0x35: {  	s10 =	sld [smem:$0x3FAC];
	_ =	sdelay $0x3  }
0x36: {  	p1 =	seq.s32 s10, $0x1;
	s10 =	sld [smem:$0x3FAD];
	_ =	sdelay $0x3  }
0x37: {  	[smem:$0x3FAD] =	sst s10  }
0x38: {  	s10 =	sld [smem:$0x3FAE]  }
0x39: {  	_ = 	snop;
	(pc) =	sbr.ind lr, $3  }
0x3a: {  	_ = 	snop  }
0x3b: {  	_ = 	snop  }
0x3c: {  	p2 =	seq.s32 s10, $0x1;
	s10 =	sld [smem:$0x3FAD]  }
0x3d: {  	_ =	shalt  }
0x3e: {  	_ =	shalt  }
0x3f: {  	_ =	shalt  }
0x40: {  	_ =	shalt  }
0x41: {  	_ =	shalt  }
0x42: {  	_ =	shalt  }
0x43: {  	_ =	shalt  }
0x44: {  	_ =	shalt  }
0x45: {  	_ =	shalt  }
0x46: {  	_ =	shalt  }
0x47: {  	_ =	shalt  }
0x48: {  	_ =	shalt  }
0x49: {  	_ =	shalt  }
0x4a: {  	_ =	shalt  }
0x4b: {  	_ =	shalt  }
0x4c: {  	_ =	shalt  }
0x4d: {  	_ =	shalt  }
0x4e: {  	_ =	shalt  }
0x4f: {  	_ =	shalt  }
0x50: {  	_ =	shalt  }
0x51: {  	_ =	shalt  }
0x52: {  	_ =	shalt  }
0x53: {  	_ =	shalt  }
0x54: {  	_ =	shalt  }
0x55: {  	_ =	shalt  }
0x56: {  	_ =	shalt  }
0x57: {  	_ =	shalt  }
0x58: {  	_ =	shalt  }
0x59: {  	_ =	shalt  }
0x5a: {  	_ =	shalt  }
0x5b: {  	_ =	shalt  }
0x5c: {  	_ =	shalt  }
0x5d: {  	_ =	shalt  }
0x5e: {  	_ =	shalt  }
0x5f: {  	_ =	shalt  }
0x60: {  	_ =	shalt  }
0x61: {  	_ =	shalt  }
0x62: {  	_ =	shalt  }
0x63: {  	_ =	shalt  }
0x64: {  	_ =	shalt  }
0x65: {  	_ =	shalt  }
0x66: {  	_ =	shalt  }
0x67: {  	_ =	shalt  }
0x68: {  	_ =	shalt  }
0x69: {  	_ =	shalt  }
0x6a: {  	_ =	shalt  }
0x6b: {  	_ =	shalt  }
0x6c: {  	_ =	shalt  }
0x6d: {  	_ =	shalt  }
0x6e: {  	_ =	shalt  }
0x6f: {  	_ =	shalt  }
0x70: {  	_ =	shalt  }
0x71: {  	_ =	shalt  }
0x72: {  	_ =	shalt  }
0x73: {  	_ =	shalt  }
0x74: {  	_ =	shalt  }
0x75: {  	_ =	shalt  }
0x76: {  	_ =	shalt  }
0x77: {  	_ =	shalt  }
0x78: {  	_ =	shalt  }
0x79: {  	_ =	shalt  }
0x7a: {  	_ =	shalt  }
0x7b: {  	_ =	shalt  }
0x7c: {  	_ =	shalt  }
0x7d: {  	_ =	shalt  }
0x7e: {  	_ =	shalt  }
0x7f: {  	_ =	shalt  }
0x80: {  	_ =	shalt  }
0x81: {  	_ =	shalt  }
0x82: {  	_ =	shalt  }
0x83: {  	_ =	shalt  }
0x84: {  	_ =	shalt  }
0x85: {  	_ =	shalt  }
0x86: {  	_ =	shalt  }
0x87: {  	_ =	shalt  }
.Lfunc_end0:
.L_simem_size_0:
called_computation.2_lowered:
.L_overlay_start_0:
0x88: {  	s2 =	sld [smem:$0x3FD9]  }
0x89: {  	s3 =	sld [smem:$0x3FFE];
	_ =	sdelay $0x1  }
0x8a: {  	s1 =	srdreg.scid  }
0x8b: {  	s0 =	sand.u32 $0x1, s1  }
0x8c: {  	s17 =	sshll.u32 s0, $0xA;
	s2 =	sadd.s32 s3, s2  }
0x8d: {  	s2 =	sadd.s32 s2, s17  }
0x8e: {  	[smem:$0x3FB9] =	sst s2  }
0x8f: {  	_ = 	snop  }
0x90: {  	s2 =	sld [smem:$0x3FD0];
	(tm) =	ssettm $0x1  }
0x91: {  	s18 =	sld [smem:$0x3FFB];
	_ =	sdelay $0x3  }
0x92: {  	_ =	strace s18  }
0x93: {  	s3 =	sld [smem:$0x3FFC];
	_ =	sdelay $0x3  }
0x94: {  	_ =	strace s3  }
0x95: {  	s3 =	sld [smem:$0x3FFD];
	_ =	sdelay $0x3  }
0x96: {  	_ =	strace s3  }
0x97: {  	_ =	strace $0x8FFFFFFF  }
0x98: {  	s19 =	sld [smem:$0x3FDB];
	_ =	sdelay $0x1  }
0x99: {  	s4 =	simm.s32 $_scs_section_size  }
0x9a: {  	s5 =	simm.s32 $_size__tile_overlayer_lowered;
	s6 =	simm.s32 $_tile_overlayer_lowered  }
0x9b: {  	s22 =	simm.s32 $0x1BFF;
	s21 =	sshll.u32 s6, $0x1;
	s3 =	sadd.s32 s4, s19  }
0x9c: {  	s7 =	simm.s32 $0x0;
	s20 =	sshll.u32 s5, $0x1;
	s5 =	sadd.s32 s21, s3  }
0x9d: {  	[timem:s7], [sflag:s22] =	dma.local [hbm:s5], s20  }
0x9e: {  	_ =	swait.ge [sflag:s22], s20  }
0x9f: {  	s4 =	ssub.s32 $0x0, s20;
	[sflag:s22] =	ssyncset.done $0x0  }
0xa0: {  	[sflag:s22] =	ssyncadd.s32 s4;
	_ =	sdelay $0x1  }
0xa1: {  	s23 =	simm.s32 $0x1B8B  }
0xa2: {  	_ =	swait.ge [sflag:s23], $0x1  }
0xa3: {  	[sflag:s23] =	ssyncset.done $0x0  }
0xa4: {  	s25 =	simm.s32 $0x1B8E;
	s24 =	sld [smem:$0x3FFE];
	[sflag:s23] =	ssyncadd.s32 $0xFFFFFFFF  }
0xa5: {  	s26 =	simm.s32 $execute0_lowered;
	[smem:$0x3FD2] =	sst s25  }
0xa6: {  	s5 =	sshll.u32 s26, $0x1;
	_ =	strace $0x8000004C;
	[dreg:$0x1] =	wrdreg $0xFFFFFFFF  }
0xa7: {  	s28 =	simm.s32 $_size_execute0_lowered;
	s3 =	sadd.s32 s3, s5;
	[dreg:$0x0] =	wrdreg $0x0  }
0xa8: {  	s5 =	sshll.u32 s28, $0x1;
	[dreg:$0x2] =	wrdreg s3  }
0xa9: {  	[dreg:$0x3] =	wrdreg s5  }
0xaa: {  	[dreg:$0x4] =	wrdreg $0xC0  }
0xab: {  	_ =	task [dreg:s7], $0x5FFFF  }
0xac: {  	[dreg:$0x1] =	wrdreg $0xFFFFFFFF  }
0xad: {  	[dreg:$0x0] =	wrdreg $0x60  }
0xae: {  	[dreg:$0x2] =	wrdreg s2  }
0xaf: {  	[dreg:$0x3] =	wrdreg s24  }
0xb0: {  	[dreg:$0x4] =	wrdreg $0x8F100  }
0xb1: {  	[dreg:$0x5] =	wrdreg $0x68000  }
0xb2: {  	[dreg:$0x6] =	wrdreg $0x9  }
0xb3: {  	_ =	task.clear_ibuf [dreg:s7], $0x7FFFF;
	_ =	strace $0x9000004C  }
0xb4: {  	s29 =	simm.s32 $0x9;
	_ =	strace $0x8000004E  }
0xb5: {  	_ =	swait.ge [sflag:s29], $0x1  }
0xb6: {  	[sflag:s29] =	ssyncadd.s32 $0xFFFFFFFF  }
0xb7: {  	_ =	strace $0x9000004E  }
0xb8: {  	_ =	sfence  }
0xb9: {  	s30 =	sld [smem:$0x0];
	_ =	sdelay $0x2  }
0xba: {  	s31 =	sshll.u32 s1, $0xD;
	s1 =	sshrl.u32 s1, $0x2  }
0xbb: {  	s3 =	sand.u32 $0x4000, s31;
	s1 =	sadd.s32 s1, s30  }
0xbc: {  	s0 =	sor.u32 s3, s0;
	s1 =	sshll.u32 s1, $0x11  }
0xbd: {  	s0 =	sor.u32 s1, s0  }
0xbe: {  	s0 =	sadd.s32 $0x8F2B, s0  }
0xbf: {  	[sflag:s0] =	ssyncadd.remote.s32 $0x1  }
0xc0: {  	_ =	sfence.sel $0xFFFF  }
0xc1: {  	[dreg:$0x0] =	wrdreg $0xFFFFFFFF;
	(pc) =	sbr.abs _section_cstart, $3  }
0xc2: {  	[dreg:$0x1] =	wrdreg $0xFFFFFFFF  }
0xc3: {  	_ =	task.clear_ibuf [dreg:s7], $0x2FFFF;
	_ =	strace $0x9FFFFFFF  }
0xc4: {  	(tm) =	ssettm $0x7FFFFFFF  }
0xc5: {  	_ =	shalt  }
tec
execute0_lowered:
.L_overlay_start_1:
0x0: {  	(tag) =	ssettag $0x1  }
0x1: {  	s0 =	rddreg [dreg:$0x0]  }
0x2: {  	s2 =	rddreg [dreg:$0x1]  }
0x3: {  	s1 =	rddreg [dreg:$0x2];
	s4 =	srdreg.scid  }
0x4: {  	s3 =	rddreg [dreg:$0x3];
	s14 =	stileid.u32  }
0x5: {  	s17 =	simm.s32 $0x1;
	s18 =	simm.s32 $0x2;
	s19 =	simm.s32 $0x3  }
0x6: {  	s20 =	simm.s32 $0x80;
	s21 =	simm.s32 $0x2800;
	s22 =	simm.s32 $0x3000  }
0x7: {  	s28 =	simm.s32 $0x4800;
	s29 =	simm.s32 $0x5000;
	s30 =	simm.s32 $0x5800  }
0x8: {  	s31 =	simm.s32 $0x6000;
	s10 =	sand.u32 $0x1, s4;
	s4 =	simm.s32 $0x0  }
0x9: {  	s8 =	smul.u32 $0x2710, s14;
	s5 =	sshll.u32 s10, $0x4;
	[smem:$0x7FF] =	sst s4  }
0xa: {  	s6 =	ssub.s32 $0x2, s10;
	p0 =	seq.s32 s10, $0x1;
	s5 =	sor.u32 s14, s5  }
0xb: {  	_ =	strace $0x8000004D;
	s9 =	sshrl.u32 s8, $0x3;
	s7 =	sshrl.u32 s6, $0x1  }
0xc: {  	s13 =	sadd.s32 s8, s1;
	s15 =	sadd.s32 s8, s3;
	s5 =	smul.u32 $0x280, s5  }
0xd: {  	s12 =	ssub.s32 s6, s7;
	s6 =	sshll.u32 s14, $0x6;
	s0 =	sadd.s32 s0, s9  }
0xe: {  	s13 =	sshrl.u32 s13, $0x3;
	s15 =	sshrl.u32 s15, $0x3;
	s25 =	sor.u32 $0x1C01, s6  }
0xf: {  	[dreg:$0x7] =	wrdreg s0;
	s0 =	simm.s32 $0x33E00;
	s14 =	sor.u32 $0x1C02, s6  }
0x10: {  	s11 =	sadd.s32 s5, s2;
	s2 =	sadd.s32 s9, s2;
	[dreg:$0x6] =	wrdreg s25  }
0x11: {  	s0 =	simm.s32 @!p0 $0x3DE00;
	s24 =	sadd.s32 $0x42E00, s2;
	s26 =	sadd.s32 $0x38E00, s11  }
0x12: {  	s10 =	sadd.s32 $0x2EE00, s11;
	s11 =	smax.u32 s12, $0x1;
	s12 =	sadd.s32 s0, s2  }
0x13: {  	s0 =	simm.s32 $0x4;
	s2 =	simm.s32 $0x0;
	[dreg:$0x5] =	wrdreg s24  }
0x14: {  	[dreg:$0x8] =	wrdreg s26;
	s24 =	simm.s32 $0x3800;
	s26 =	simm.s32 $0x4000  }
.LBB2_1:
0x15: {  	s5 =	rddreg [dreg:$0x5]  }
0x16: {  	s7 =	rddreg [dreg:$0x6]  }
0x17: {  	[spmem:s13], [sflag:s7] =	dma.local [hbm:s5], $0x4E2  }
0x18: {  	s5 =	rddreg [dreg:$0x7]  }
0x19: {  	[spmem:s15], [sflag:s14] =	dma.local [hbm:s5], $0x4E2  }
0x1a: {  	s5 =	rddreg [dreg:$0x8]  }
0x1b: {  	[tilespmem:s4], [sflag:$0x3] =	stream.linear.gather [hbm4b:s5+s4], $0x1400, $0x38;
	[tilespmem:$0xB628] =	vst v63  }
0x1c: {  	s16 =	simm.s32 $0x1400  }
0x1d: {  	[tilespmem:s16], [sflag:$0x3] =	stream.linear.gather [hbm4b:s10+s4], $0x1400, $0x38;
	[tilespmem:$0xB628] =	vst v63  }
0x1e: {  	_ =	swait.ge [sflag:s17], $0x4E2  }
0x1f: {  	[sflag:s17] =	ssyncset.done $0x0  }
0x20: {  	[sflag:s17] =	ssyncadd.s32 $0xFFFFFB1E  }
0x21: {  	_ =	swait.ge [sflag:s18], $0x4E2  }
0x22: {  	[sflag:s18] =	ssyncset.done $0x0  }
0x23: {  	[sflag:s18] =	ssyncadd.s32 $0xFFFFFB1E  }
0x24: {  	_ =	swait.ge [sflag:s19], $0x1400  }
0x25: {  	[sflag:s19] =	ssyncset.done $0x0  }
0x26: {  	[sflag:s19] =	ssyncadd.s32 $0xFFFFEC00  }
0x27: {  	_ =	swait.ge [sflag:s19], $0x1400  }
0x28: {  	[sflag:s19] =	ssyncset.done $0x0  }
0x29: {  	[sflag:s19] =	ssyncadd.s32 $0xFFFFEC00  }
0x2a: {  	[bflag:$0x0] =	sbarrier.arrive $0xFFFF  }
0x2b: {  	[tilespmem:s21], [sflag:$0x1] =	stream.indirect.gather [spmem:s3], $0x10, s4, s20, $0xb8;
	[tilespmem:$0xB628] =	vst v63  }
0x2c: {  	_ = 	snop  }
0x2d: {  	[tilespmem:s22], [sflag:$0x1] =	stream.indirect.gather [spmem:s3], $0x10, s20, s20, $0xb8;
	[tilespmem:$0xB628] =	vst v63  }
0x2e: {  	s23 =	simm.s32 $0x100  }
0x2f: {  	[tilespmem:s24], [sflag:$0x1] =	stream.indirect.gather [spmem:s3], $0x10, s23, s20, $0xb8;
	[tilespmem:$0xB628] =	vst v63  }
0x30: {  	s25 =	simm.s32 $0x180  }
0x31: {  	[tilespmem:s26], [sflag:$0x1] =	stream.indirect.gather [spmem:s3], $0x10, s25, s20, $0xb8;
	[tilespmem:$0xB628] =	vst v63  }
0x32: {  	_ =	swait.ge [sflag:s17], $0x800  }
0x33: {  	[sflag:s17] =	ssyncset.done $0x0  }
0x34: {  	[sflag:s17] =	ssyncadd.s32 $0xFFFFF800  }
0x35: {  	_ =	swait.ge [sflag:s17], $0x800  }
0x36: {  	[sflag:s17] =	ssyncset.done $0x0  }
0x37: {  	[sflag:s17] =	ssyncadd.s32 $0xFFFFF800  }
0x38: {  	_ =	swait.ge [sflag:s17], $0x800  }
0x39: {  	[sflag:s17] =	ssyncset.done $0x0  }
0x3a: {  	[sflag:s17] =	ssyncadd.s32 $0xFFFFF800  }
0x3b: {  	_ =	swait.ge [sflag:s17], $0x800  }
0x3c: {  	[sflag:s17] =	ssyncset.done $0x0  }
0x3d: {  	s16 =	simm.s32 $0x1400;
	[sflag:s17] =	ssyncadd.s32 $0xFFFFF800  }
0x3e: {  	[spmem:s1] =	stream.indirect.scatter.add.f32 [tilespmem:s21], [sflag:$0x3], $0x10, s16, s20, $0xb8;
	[tilespmem:$0xB628] =	vst v63  }
0x3f: {  	s7 =	simm.s32 $0x1480  }
0x40: {  	[spmem:s1] =	stream.indirect.scatter.add.f32 [tilespmem:s22], [sflag:$0x3], $0x10, s7, s20, $0xb8;
	[tilespmem:$0xB628] =	vst v63  }
0x41: {  	s8 =	simm.s32 $0x1500  }
0x42: {  	[spmem:s1] =	stream.indirect.scatter.add.f32 [tilespmem:s24], [sflag:$0x3], $0x10, s8, s20, $0xb8;
	[tilespmem:$0xB628] =	vst v63  }
0x43: {  	s9 =	simm.s32 $0x1580  }
0x44: {  	[spmem:s1] =	stream.indirect.scatter.add.f32 [tilespmem:s26], [sflag:$0x3], $0x10, s9, s20, $0xb8;
	[tilespmem:$0xB628] =	vst v63  }
0x45: {  	s23 =	simm.s32 $0x200  }
0x46: {  	[tilespmem:s28], [sflag:$0x2] =	stream.indirect.gather [spmem:s3], $0x10, s23, s20, $0xb8;
	[tilespmem:$0xB628] =	vst v63  }
0x47: {  	s25 =	simm.s32 $0x280  }
0x48: {  	[tilespmem:s29], [sflag:$0x2] =	stream.indirect.gather [spmem:s3], $0x10, s25, s20, $0xb8;
	[tilespmem:$0xB628] =	vst v63  }
0x49: {  	s5 =	simm.s32 $0x300  }
0x4a: {  	[tilespmem:s30], [sflag:$0x2] =	stream.indirect.gather [spmem:s3], $0x10, s5, s20, $0xb8;
	[tilespmem:$0xB628] =	vst v63  }
0x4b: {  	s7 =	simm.s32 $0x380  }
0x4c: {  	[tilespmem:s31], [sflag:$0x2] =	stream.indirect.gather [spmem:s3], $0x10, s7, s20, $0xb8;
	[tilespmem:$0xB628] =	vst v63  }
0x4d: {  	_ =	swait.ge [sflag:s19], $0x800  }
0x4e: {  	[sflag:s19] =	ssyncset.done $0x0  }
0x4f: {  	[sflag:s19] =	ssyncadd.s32 $0xFFFFF800  }
0x50: {  	_ =	swait.ge [sflag:s19], $0x800  }
0x51: {  	[sflag:s19] =	ssyncset.done $0x0  }
0x52: {  	[sflag:s19] =	ssyncadd.s32 $0xFFFFF800  }
0x53: {  	_ =	swait.ge [sflag:s19], $0x800  }
0x54: {  	[sflag:s19] =	ssyncset.done $0x0  }
0x55: {  	[sflag:s19] =	ssyncadd.s32 $0xFFFFF800  }
0x56: {  	p0 =	por $0x0, $0x0;
	_ =	swait.ge [sflag:s19], $0x800  }
0x57: {  	s16 =	simm.s32 @!p0 $0x2800;
	[sflag:s19] =	ssyncset.done $0x0  }
0x58: {  	s23 =	simm.s32 @!p0 $0x400;
	s25 =	simm.s32 @!p0 $0x80;
	[sflag:s19] =	ssyncadd.s32 $0xFFFFF800  }
0x59: {  	[tilespmem:s16], [sflag:$0x1] =	stream.indirect.gather @!p0 [spmem:s3], $0x10, s23, s25, $0xb8;
	[tilespmem:$0xB628] =	vst v63  }
0x5a: {  	s16 =	simm.s32 @!p0 $0x480;
	s23 =	simm.s32 @!p0 $0x3000  }
0x5b: {  	[tilespmem:s23], [sflag:$0x1] =	stream.indirect.gather @!p0 [spmem:s3], $0x10, s16, s25, $0xb8;
	[tilespmem:$0xB628] =	vst v63  }
0x5c: {  	s16 =	simm.s32 @!p0 $0x500;
	s23 =	simm.s32 @!p0 $0x3800  }
0x5d: {  	[tilespmem:s23], [sflag:$0x1] =	stream.indirect.gather @!p0 [spmem:s3], $0x10, s16, s25, $0xb8;
	[tilespmem:$0xB628] =	vst v63  }
0x5e: {  	s16 =	simm.s32 @!p0 $0x580;
	s23 =	simm.s32 @!p0 $0x4000  }
0x5f: {  	[tilespmem:s23], [sflag:$0x1] =	stream.indirect.gather @!p0 [spmem:s3], $0x10, s16, s25, $0xb8;
	[tilespmem:$0xB628] =	vst v63  }
0x60: {  	_ =	swait.ge [sflag:s18], $0x800  }
0x61: {  	[sflag:s18] =	ssyncset.done $0x0  }
0x62: {  	[sflag:s18] =	ssyncadd.s32 $0xFFFFF800  }
0x63: {  	_ =	swait.ge [sflag:s18], $0x800  }
0x64: {  	[sflag:s18] =	ssyncset.done $0x0  }
0x65: {  	[sflag:s18] =	ssyncadd.s32 $0xFFFFF800  }
0x66: {  	_ =	swait.ge [sflag:s18], $0x800  }
0x67: {  	[sflag:s18] =	ssyncset.done $0x0  }
0x68: {  	[sflag:s18] =	ssyncadd.s32 $0xFFFFF800  }
0x69: {  	_ =	swait.ge [sflag:s18], $0x800  }
0x6a: {  	[sflag:s18] =	ssyncset.done $0x0  }
0x6b: {  	s8 =	simm.s32 $0x1600;
	[sflag:s18] =	ssyncadd.s32 $0xFFFFF800  }
0x6c: {  	[spmem:s1] =	stream.indirect.scatter.add.f32 [tilespmem:s28], [sflag:$0x3], $0x10, s8, s20, $0xb8;
	[tilespmem:$0xB628] =	vst v63  }
0x6d: {  	s9 =	simm.s32 $0x1680  }
0x6e: {  	[spmem:s1] =	stream.indirect.scatter.add.f32 [tilespmem:s29], [sflag:$0x3], $0x10, s9, s20, $0xb8;
	[tilespmem:$0xB628] =	vst v63  }
0x6f: {  	s23 =	simm.s32 $0x1700  }
0x70: {  	[spmem:s1] =	stream.indirect.scatter.add.f32 [tilespmem:s30], [sflag:$0x3], $0x10, s23, s20, $0xb8;
	[tilespmem:$0xB628] =	vst v63  }
0x71: {  	s25 =	simm.s32 $0x1780  }
0x72: {  	[spmem:s1] =	stream.indirect.scatter.add.f32 [tilespmem:s31], [sflag:$0x3], $0x10, s25, s20, $0xb8;
	[tilespmem:$0xB628] =	vst v63  }
0x73: {  	_ =	swait.ge [sflag:s19], $0x800  }
0x74: {  	[sflag:s19] =	ssyncset.done $0x0  }
0x75: {  	[sflag:s19] =	ssyncadd.s32 $0xFFFFF800  }
0x76: {  	_ =	swait.ge [sflag:s19], $0x800  }
0x77: {  	[sflag:s19] =	ssyncset.done $0x0  }
0x78: {  	[sflag:s19] =	ssyncadd.s32 $0xFFFFF800  }
0x79: {  	_ =	swait.ge [sflag:s19], $0x800  }
0x7a: {  	[sflag:s19] =	ssyncset.done $0x0  }
0x7b: {  	[sflag:s19] =	ssyncadd.s32 $0xFFFFF800  }
0x7c: {  	_ =	swait.ge [sflag:s19], $0x800  }
0x7d: {  	s16 =	simm.s32 $0x1000;
	[sflag:s19] =	ssyncset.done $0x0  }
.LBB2_2:
0x7e: {  	[sflag:s19] =	ssyncadd.s32 $0xFFFFF800;
	s25 =	smov.u32 s16;
	s16 =	sadd.s32 $0x1000, s16  }
0x7f: {  	_ =	swait.ge [sflag:s17], $0x800;
	p0 =	sne.s32 s16, $0x5000  }
0x80: {  	[sflag:s17] =	ssyncset.done $0x0  }
0x81: {  	[sflag:s17] =	ssyncadd.s32 $0xFFFFF800  }
0x82: {  	_ =	swait.ge [sflag:s17], $0x800  }
0x83: {  	[sflag:s17] =	ssyncset.done $0x0  }
0x84: {  	[sflag:s17] =	ssyncadd.s32 $0xFFFFF800  }
0x85: {  	_ =	swait.ge [sflag:s17], $0x800  }
0x86: {  	[sflag:s17] =	ssyncset.done $0x0  }
0x87: {  	[sflag:s17] =	ssyncadd.s32 $0xFFFFF800  }
0x88: {  	_ =	swait.ge [sflag:s17], $0x800  }
0x89: {  	s23 =	sshra.s32 s25, $0x2;
	[sflag:s17] =	ssyncset.done $0x0  }
0x8a: {  	s5 =	sadd.s32 $0x1400, s23;
	[sflag:s17] =	ssyncadd.s32 $0xFFFFF800  }
0x8b: {  	[spmem:s1] =	stream.indirect.scatter.add.f32 [tilespmem:s21], [sflag:$0x3], $0x10, s5, s20, $0xb8;
	[tilespmem:$0xB628] =	vst v63  }
0x8c: {  	s5 =	sadd.s32 $0x1480, s23  }
0x8d: {  	[spmem:s1] =	stream.indirect.scatter.add.f32 [tilespmem:s22], [sflag:$0x3], $0x10, s5, s20, $0xb8;
	[tilespmem:$0xB628] =	vst v63  }
0x8e: {  	s5 =	sadd.s32 $0x1500, s23  }
0x8f: {  	[spmem:s1] =	stream.indirect.scatter.add.f32 [tilespmem:s24], [sflag:$0x3], $0x10, s5, s20, $0xb8;
	[tilespmem:$0xB628] =	vst v63  }
0x90: {  	s5 =	sadd.s32 $0x1580, s23  }
0x91: {  	[spmem:s1] =	stream.indirect.scatter.add.f32 [tilespmem:s26], [sflag:$0x3], $0x10, s5, s20, $0xb8;
	[tilespmem:$0xB628] =	vst v63  }
0x92: {  	s5 =	sadd.s32 $0x200, s23  }
0x93: {  	[tilespmem:s28], [sflag:$0x2] =	stream.indirect.gather [spmem:s3], $0x10, s5, s20, $0xb8;
	[tilespmem:$0xB628] =	vst v63  }
0x94: {  	s5 =	sadd.s32 $0x280, s23  }
0x95: {  	[tilespmem:s29], [sflag:$0x2] =	stream.indirect.gather [spmem:s3], $0x10, s5, s20, $0xb8;
	[tilespmem:$0xB628] =	vst v63  }
0x96: {  	s5 =	sadd.s32 $0x300, s23  }
0x97: {  	[tilespmem:s30], [sflag:$0x2] =	stream.indirect.gather [spmem:s3], $0x10, s5, s20, $0xb8;
	[tilespmem:$0xB628] =	vst v63  }
0x98: {  	s5 =	sadd.s32 $0x380, s23  }
0x99: {  	[tilespmem:s31], [sflag:$0x2] =	stream.indirect.gather [spmem:s3], $0x10, s5, s20, $0xb8;
	[tilespmem:$0xB628] =	vst v63  }
0x9a: {  	_ =	swait.ge [sflag:s19], $0x800  }
0x9b: {  	[sflag:s19] =	ssyncset.done $0x0  }
0x9c: {  	[sflag:s19] =	ssyncadd.s32 $0xFFFFF800  }
0x9d: {  	_ =	swait.ge [sflag:s19], $0x800  }
0x9e: {  	[sflag:s19] =	ssyncset.done $0x0  }
0x9f: {  	[sflag:s19] =	ssyncadd.s32 $0xFFFFF800  }
0xa0: {  	_ =	swait.ge [sflag:s19], $0x800  }
0xa1: {  	[sflag:s19] =	ssyncset.done $0x0  }
0xa2: {  	[sflag:s19] =	ssyncadd.s32 $0xFFFFF800  }
0xa3: {  	p1 =	seq.s32 s25, $0x4000;
	_ =	swait.ge [sflag:s19], $0x800  }
0xa4: {  	s5 =	sshra.s32 @!p1 s25, $0x2;
	s25 =	simm.s32 @!p1 $0x2800;
	[sflag:s19] =	ssyncset.done $0x0  }
0xa5: {  	s8 =	simm.s32 @!p1 $0x80;
	s7 =	sadd.s32 @!p1 $0x400, s5;
	[sflag:s19] =	ssyncadd.s32 $0xFFFFF800  }
0xa6: {  	[tilespmem:s25], [sflag:$0x1] =	stream.indirect.gather @!p1 [spmem:s3], $0x10, s7, s8, $0xb8;
	[tilespmem:$0xB628] =	vst v63  }
0xa7: {  	s9 =	sadd.s32 @!p1 $0x500, s5;
	s7 =	sadd.s32 @!p1 $0x480, s5;
	s25 =	simm.s32 @!p1 $0x3000  }
0xa8: {  	[tilespmem:s25], [sflag:$0x1] =	stream.indirect.gather @!p1 [spmem:s3], $0x10, s7, s8, $0xb8;
	[tilespmem:$0xB628] =	vst v63  }
0xa9: {  	s5 =	sadd.s32 @!p1 $0x580, s5;
	s7 =	simm.s32 @!p1 $0x3800  }
0xaa: {  	[tilespmem:s7], [sflag:$0x1] =	stream.indirect.gather @!p1 [spmem:s3], $0x10, s9, s8, $0xb8;
	[tilespmem:$0xB628] =	vst v63  }
0xab: {  	s7 =	simm.s32 @!p1 $0x4000  }
0xac: {  	[tilespmem:s7], [sflag:$0x1] =	stream.indirect.gather @!p1 [spmem:s3], $0x10, s5, s8, $0xb8;
	[tilespmem:$0xB628] =	vst v63  }
0xad: {  	_ =	swait.ge [sflag:s18], $0x800  }
0xae: {  	[sflag:s18] =	ssyncset.done $0x0  }
0xaf: {  	[sflag:s18] =	ssyncadd.s32 $0xFFFFF800  }
0xb0: {  	_ =	swait.ge [sflag:s18], $0x800  }
0xb1: {  	[sflag:s18] =	ssyncset.done $0x0  }
0xb2: {  	[sflag:s18] =	ssyncadd.s32 $0xFFFFF800  }
0xb3: {  	_ =	swait.ge [sflag:s18], $0x800  }
0xb4: {  	[sflag:s18] =	ssyncset.done $0x0  }
0xb5: {  	[sflag:s18] =	ssyncadd.s32 $0xFFFFF800  }
0xb6: {  	_ =	swait.ge [sflag:s18], $0x800  }
0xb7: {  	[sflag:s18] =	ssyncset.done $0x0  }
0xb8: {  	s5 =	sadd.s32 $0x1600, s23;
	[sflag:s18] =	ssyncadd.s32 $0xFFFFF800  }
0xb9: {  	[spmem:s1] =	stream.indirect.scatter.add.f32 [tilespmem:s28], [sflag:$0x3], $0x10, s5, s20, $0xb8;
	[tilespmem:$0xB628] =	vst v63  }
0xba: {  	s5 =	sadd.s32 $0x1680, s23  }
0xbb: {  	[spmem:s1] =	stream.indirect.scatter.add.f32 [tilespmem:s29], [sflag:$0x3], $0x10, s5, s20, $0xb8;
	[tilespmem:$0xB628] =	vst v63  }
0xbc: {  	s5 =	sadd.s32 $0x1700, s23  }
0xbd: {  	[spmem:s1] =	stream.indirect.scatter.add.f32 [tilespmem:s30], [sflag:$0x3], $0x10, s5, s20, $0xb8;
	[tilespmem:$0xB628] =	vst v63  }
0xbe: {  	s5 =	sadd.s32 $0x1780, s23  }
0xbf: {  	[spmem:s1] =	stream.indirect.scatter.add.f32 [tilespmem:s31], [sflag:$0x3], $0x10, s5, s20, $0xb8;
	[tilespmem:$0xB628] =	vst v63  }
0xc0: {  	_ =	swait.ge [sflag:s19], $0x800  }
0xc1: {  	[sflag:s19] =	ssyncset.done $0x0  }
0xc2: {  	[sflag:s19] =	ssyncadd.s32 $0xFFFFF800  }
0xc3: {  	_ =	swait.ge [sflag:s19], $0x800  }
0xc4: {  	[sflag:s19] =	ssyncset.done $0x0  }
0xc5: {  	[sflag:s19] =	ssyncadd.s32 $0xFFFFF800  }
.Ltmp0:
0xc6: {  	_ =	swait.ge [sflag:s19], $0x800;
	(pc) =	sbr.rel @p0 .LBB2_2-.Ltmp0, $4  }
0xc7: {  	[sflag:s19] =	ssyncset.done $0x0  }
0xc8: {  	[sflag:s19] =	ssyncadd.s32 $0xFFFFF800  }
0xc9: {  	_ =	swait.ge [sflag:s19], $0x800  }
0xca: {  	[sflag:s19] =	ssyncset.done $0x0  }
0xcb: {  	s2 =	sadd.s32 $0x1, s2  }
0xcc: {  	[sflag:s19] =	ssyncadd.s32 $0xFFFFF800;
	p0 =	sne.s32 s2, s11  }
.Ltmp1:
0xcd: {  	s5 =	sor.u32 $0x1C04, s6;
	[bflag:$0x0] =	sbarrier.arrive $0xFFFF;
	(pc) =	sbr.rel @p0 .LBB2_1-.Ltmp1, $4  }
0xce: {  	[hbm:s12], [sflag:s5] =	dma.local [spmem:s13], $0x4E2  }
0xcf: {  	_ =	swait.ge [sflag:s0], $0x4E2  }
0xd0: {  	[sflag:s0] =	ssyncset.done $0x0  }
0xd1: {  	[sflag:s0] =	ssyncadd.s32 $0xFFFFFB1E  }
0xd2: {  	_ =	sfence.sel $0x180000  }
0xd3: {  	[bflag:$0x0] =	sbarrier.arrive $0xFFFF  }
0xd4: {  	_ =	strace $0x9000004D  }
0xd5: {  	s0 =	stileid.u32;
	[bflag:$0x2] =	sbarrier.arrive $0xFFFF  }
0xd6: {  	p0 =	sne.s32 s0, $0x0;
	s0 =	rddreg [dreg:$0x4]  }
0xd7: {  	s0 =	sadd.s32 @!p0 $0x100000, s0  }
0xd8: {  	[sflag:s0] =	ssyncadd.tile.s32 @!p0 $0x1;
	_ =	shalt  }
.Lfunc_end2:
_tile_overlayer_lowered:
.L_overlay_start_2:
0xd9: {  	(tag) =	ssettag $0x2  }
0xda: {  	s0 =	rddreg [dreg:$0x0];
	s2 =	stileid.u32  }
0xdb: {  	s1 =	rddreg [dreg:$0x1];
	p0 =	sne.s32 s2, $0x0  }
0xdc: {  	s3 =	rddreg [dreg:$0x2];
	[bflag:$0x3] =	sbarrier.arrive $0xFFFF;
	s2 =	simm.s32 @!p0 $0x1C04  }
0xdd: {  	[timem:s3], [sflag:s2] =	dma.local @!p0 [hbm:s0], s1  }
0xde: {  	s0 =	simm.s32 @!p0 $0x4  }
0xdf: {  	_ =	swait.ge @!p0 [sflag:s0], s1  }
0xe0: {  	s1 =	ssub.s32 @!p0 $0x0, s1;
	[sflag:s0] =	ssyncset.done @!p0 $0x0  }
0xe1: {  	[sflag:s0] =	ssyncadd.s32 @!p0 s1  }
0xe2: {  	[bflag:$0x3] =	sbarrier.arrive $0xFFFF  }
0xe3: {  	_ =	shalt  }

// kernel: kernel.9.cloned.1.call-start
scs
__scs_entry_jumppad:
0x0: {  	(pc) =	sbr.rel $0x88, $3  }
0x1: {  	(tag) =	ssettag $0x0;
	lr =	simm.s32 $0x1  }
0x2: {  	[smem:$0x3F92] =	sst lr;
	_ =	strace $0xD0000000  }
0x3: {  	_ = 	snop  }
0x4: {  	_ = 	snop  }
0x5: {  	_ = 	snop  }
0x6: {  	_ = 	snop  }
0x7: {  	_ = 	snop  }
__scs_overlays_trampoline_lowered:
0x8: {  	[smem:$0x3FA1] =	sst s0  }
0x9: {  	[smem:$0x3FA2] =	sst s1  }
0xa: {  	[smem:$0x3FA3] =	sst s2  }
0xb: {  	[smem:$0x3FA4] =	sst s3  }
0xc: {  	[smem:$0x3FA5] =	sst s4  }
0xd: {  	[smem:$0x3FA6] =	sst s5  }
0xe: {  	[smem:$0x3FA7] =	sst s6  }
0xf: {  	[smem:$0x3FA8] =	sst s7  }
0x10: {  	[smem:$0x3FA9] =	sst s8  }
0x11: {  	[smem:$0x3FAA] =	sst s9;
	s0 =	simm.s32 @!p0 $0x0  }
0x12: {  	s1 =	sld [smem:$0x3F90];
	s0 =	simm.s32 @p0 $0x1  }
0x13: {  	[smem:$0x3FAB] =	sst s0;
	s0 =	simm.s32 @!p1 $0x0  }
0x14: {  	s2 =	sld [smem:$0x3F8F];
	s0 =	simm.s32 @p1 $0x1  }
0x15: {  	[smem:$0x3FAC] =	sst s0;
	s0 =	simm.s32 @!p2 $0x0  }
0x16: {  	s3 =	sld [smem:$0x3FDB];
	s0 =	simm.s32 @p2 $0x1  }
0x17: {  	s4 =	simm.s32 $0x1BF5;
	[smem:$0x3FAE] =	sst s0  }
0x18: {  	s0 =	sld [smem:$0x3F91];
	_ =	swait.ge [sflag:s4], $0x0  }
0x19: {  	s7 =	sld [smem:$0x3F92]  }
0x1a: {  	s8 =	sadd.s32 $0xFFFFE003, lr  }
0x1b: {  	s9 =	sadd.s32 $0xFFFFFEF7, lr;
	s5 =	simm.s32 $0xFFFFFFFF;
	p2 =	slt.u32 s8, $0xFFFFF086  }
0x1c: {  	p1 =	slt.u32 s9, $0xF7A;
	s5 =	simm.s32 @!p2 $0x0  }
0x1d: {  	s5 =	simm.s32 @p1 $0x1;
	p0 =	seq.s32 s7, s2  }
0x1e: {  	s7 =	smul.u32 @!p0 $0xF7A, s2;
	p2 =	seq.s32 @!p0 s5, $0x0  }
0x1f: {  	s9 =	smul.u32 $0xF7A, s1;
	s8 =	simm.s32 @!p0 $0x1BF5;
	p2 =	por !p2, p0  }
0x20: {  	[sflag:s8] =	ssyncset.s32 @!p0 $0xFFFFF086;
	s6 =	sadd.s32 @!p0 s3, s7;
	s7 =	simm.s32 @!p0 $0x108  }
0x21: {  	s3 =	sadd.s32 s3, s9;
	s6 =	sadd.s32 @!p0 $0x88, s6;
	s7 =	simm.s32 @p2 $0x1082  }
0x22: {  	[simem:s7], [sflag:s8] =	dma.local @!p0 [hbm:s6], $0xF7A  }
0x23: {  	s9 =	sor.u32 $0xD0000000, s2;
	s6 =	simm.s32 $0x108;
	_ =	swait.ge @!p0 [sflag:s8], $0x0  }
0x24: {  	s3 =	sadd.s32 $0x88, s3;
	s6 =	simm.s32 @!p1 $0x1082;
	[sflag:s4] =	ssyncset.s32 $0xFFFFF086  }
0x25: {  	[simem:s6], [sflag:s4] =	dma.local [hbm:s3], $0xF7A  }
0x26: {  	[smem:$0x3F92] =	sst s1;
	(tag) =	ssettag s2;
	_ =	strace s9  }
0x27: {  	s1 =	sld [smem:$0x3FA2]  }
0x28: {  	s2 =	sld [smem:$0x3FA3]  }
0x29: {  	s4 =	sld [smem:$0x3FA5]  }
0x2a: {  	p0 =	seq.s32 s5, $0x0;
	s5 =	sld [smem:$0x3FA6]  }
0x2b: {  	s6 =	sld [smem:$0x3FA7]  }
0x2c: {  	s7 =	sld [smem:$0x3FA8]  }
0x2d: {  	s3 =	simm.s32 $0x108;
	s8 =	sld [smem:$0x3FA9]  }
0x2e: {  	s3 =	simm.s32 @!p0 $0x1082;
	s9 =	sld [smem:$0x3FAA]  }
0x2f: {  	lr =	sadd.s32 s0, s3;
	s0 =	sld [smem:$0x3FA1]  }
0x30: {  	s3 =	sld [smem:$0x3FA4]  }
0x31: {  	[smem:$0x3FAD] =	sst s10  }
0x32: {  	s10 =	sld [smem:$0x3FAB];
	_ =	sdelay $0x3  }
0x33: {  	p0 =	seq.s32 s10, $0x1;
	s10 =	sld [smem:$0x3FAD];
	_ =	sdelay $0x3  }
0x34: {  	[smem:$0x3FAD] =	sst s10  }
0x35: {  	s10 =	sld [smem:$0x3FAC];
	_ =	sdelay $0x3  }
0x36: {  	p1 =	seq.s32 s10, $0x1;
	s10 =	sld [smem:$0x3FAD];
	_ =	sdelay $0x3  }
0x37: {  	[smem:$0x3FAD] =	sst s10  }
0x38: {  	s10 =	sld [smem:$0x3FAE]  }
0x39: {  	_ = 	snop;
	(pc) =	sbr.ind lr, $3  }
0x3a: {  	_ = 	snop  }
0x3b: {  	_ = 	snop  }
0x3c: {  	p2 =	seq.s32 s10, $0x1;
	s10 =	sld [smem:$0x3FAD]  }
0x3d: {  	_ =	shalt  }
0x3e: {  	_ =	shalt  }
0x3f: {  	_ =	shalt  }
0x40: {  	_ =	shalt  }
0x41: {  	_ =	shalt  }
0x42: {  	_ =	shalt  }
0x43: {  	_ =	shalt  }
0x44: {  	_ =	shalt  }
0x45: {  	_ =	shalt  }
0x46: {  	_ =	shalt  }
0x47: {  	_ =	shalt  }
0x48: {  	_ =	shalt  }
0x49: {  	_ =	shalt  }
0x4a: {  	_ =	shalt  }
0x4b: {  	_ =	shalt  }
0x4c: {  	_ =	shalt  }
0x4d: {  	_ =	shalt  }
0x4e: {  	_ =	shalt  }
0x4f: {  	_ =	shalt  }
0x50: {  	_ =	shalt  }
0x51: {  	_ =	shalt  }
0x52: {  	_ =	shalt  }
0x53: {  	_ =	shalt  }
0x54: {  	_ =	shalt  }
0x55: {  	_ =	shalt  }
0x56: {  	_ =	shalt  }
0x57: {  	_ =	shalt  }
0x58: {  	_ =	shalt  }
0x59: {  	_ =	shalt  }
0x5a: {  	_ =	shalt  }
0x5b: {  	_ =	shalt  }
0x5c: {  	_ =	shalt  }
0x5d: {  	_ =	shalt  }
0x5e: {  	_ =	shalt  }
0x5f: {  	_ =	shalt  }
0x60: {  	_ =	shalt  }
0x61: {  	_ =	shalt  }
0x62: {  	_ =	shalt  }
0x63: {  	_ =	shalt  }
0x64: {  	_ =	shalt  }
0x65: {  	_ =	shalt  }
0x66: {  	_ =	shalt  }
0x67: {  	_ =	shalt  }
0x68: {  	_ =	shalt  }
0x69: {  	_ =	shalt  }
0x6a: {  	_ =	shalt  }
0x6b: {  	_ =	shalt  }
0x6c: {  	_ =	shalt  }
0x6d: {  	_ =	shalt  }
0x6e: {  	_ =	shalt  }
0x6f: {  	_ =	shalt  }
0x70: {  	_ =	shalt  }
0x71: {  	_ =	shalt  }
0x72: {  	_ =	shalt  }
0x73: {  	_ =	shalt  }
0x74: {  	_ =	shalt  }
0x75: {  	_ =	shalt  }
0x76: {  	_ =	shalt  }
0x77: {  	_ =	shalt  }
0x78: {  	_ =	shalt  }
0x79: {  	_ =	shalt  }
0x7a: {  	_ =	shalt  }
0x7b: {  	_ =	shalt  }
0x7c: {  	_ =	shalt  }
0x7d: {  	_ =	shalt  }
0x7e: {  	_ =	shalt  }
0x7f: {  	_ =	shalt  }
0x80: {  	_ =	shalt  }
0x81: {  	_ =	shalt  }
0x82: {  	_ =	shalt  }
0x83: {  	_ =	shalt  }
0x84: {  	_ =	shalt  }
0x85: {  	_ =	shalt  }
0x86: {  	_ =	shalt  }
0x87: {  	_ =	shalt  }
.Lfunc_end0:
.L_simem_size_0:
called_computation_lowered:
.L_overlay_start_0:
0x88: {  	s2 =	sld [smem:$0x3FD9]  }
0x89: {  	s3 =	sld [smem:$0x3FFE];
	_ =	sdelay $0x1  }
0x8a: {  	s1 =	srdreg.scid  }
0x8b: {  	s0 =	sand.u32 $0x1, s1  }
0x8c: {  	s17 =	sshll.u32 s0, $0xA;
	s2 =	sadd.s32 s3, s2  }
0x8d: {  	s2 =	sadd.s32 s2, s17  }
0x8e: {  	[smem:$0x3FB9] =	sst s2  }
0x8f: {  	_ = 	snop  }
0x90: {  	s2 =	sld [smem:$0x3FD0];
	(tm) =	ssettm $0x1  }
0x91: {  	s18 =	sld [smem:$0x3FFB];
	_ =	sdelay $0x3  }
0x92: {  	_ =	strace s18  }
0x93: {  	s3 =	sld [smem:$0x3FFC];
	_ =	sdelay $0x3  }
0x94: {  	_ =	strace s3  }
0x95: {  	s3 =	sld [smem:$0x3FFD];
	_ =	sdelay $0x3  }
0x96: {  	_ =	strace s3  }
0x97: {  	_ =	strace $0x8FFFFFFF  }
0x98: {  	s19 =	sld [smem:$0x3FDB];
	_ =	sdelay $0x1  }
0x99: {  	s4 =	simm.s32 $_scs_section_size  }
0x9a: {  	s5 =	simm.s32 $_size__tile_overlayer_lowered;
	s6 =	simm.s32 $_tile_overlayer_lowered  }
0x9b: {  	s22 =	simm.s32 $0x1BFF;
	s21 =	sshll.u32 s6, $0x1;
	s3 =	sadd.s32 s4, s19  }
0x9c: {  	s7 =	simm.s32 $0x0;
	s20 =	sshll.u32 s5, $0x1;
	s5 =	sadd.s32 s21, s3  }
0x9d: {  	[timem:s7], [sflag:s22] =	dma.local [hbm:s5], s20  }
0x9e: {  	_ =	swait.ge [sflag:s22], s20  }
0x9f: {  	s4 =	ssub.s32 $0x0, s20;
	[sflag:s22] =	ssyncset.done $0x0  }
0xa0: {  	[sflag:s22] =	ssyncadd.s32 s4;
	_ =	sdelay $0x1  }
0xa1: {  	s23 =	simm.s32 $0x1B8B  }
0xa2: {  	_ =	swait.ge [sflag:s23], $0x1  }
0xa3: {  	[sflag:s23] =	ssyncset.done $0x0  }
0xa4: {  	s25 =	simm.s32 $0x1B8E;
	s24 =	sld [smem:$0x3FFE];
	[sflag:s23] =	ssyncadd.s32 $0xFFFFFFFF  }
0xa5: {  	s26 =	simm.s32 $execute0_lowered;
	[smem:$0x3FD2] =	sst s25  }
0xa6: {  	s5 =	sshll.u32 s26, $0x1;
	_ =	strace $0x80000046;
	[dreg:$0x1] =	wrdreg $0xFFFFFFFF  }
0xa7: {  	s28 =	simm.s32 $_size_execute0_lowered;
	s3 =	sadd.s32 s3, s5;
	[dreg:$0x0] =	wrdreg $0x0  }
0xa8: {  	s5 =	sshll.u32 s28, $0x1;
	[dreg:$0x2] =	wrdreg s3  }
0xa9: {  	[dreg:$0x3] =	wrdreg s5  }
0xaa: {  	[dreg:$0x4] =	wrdreg $0xC0  }
0xab: {  	_ =	task [dreg:s7], $0x5FFFF  }
0xac: {  	[dreg:$0x1] =	wrdreg $0xFFFFFFFF  }
0xad: {  	[dreg:$0x0] =	wrdreg $0x60  }
0xae: {  	[dreg:$0x2] =	wrdreg s2  }
0xaf: {  	[dreg:$0x3] =	wrdreg s24  }
0xb0: {  	[dreg:$0x4] =	wrdreg $0xB7100  }
0xb1: {  	[dreg:$0x5] =	wrdreg $0x90000  }
0xb2: {  	[dreg:$0x6] =	wrdreg $0x9  }
0xb3: {  	_ =	task.clear_ibuf [dreg:s7], $0x7FFFF;
	_ =	strace $0x90000046  }
0xb4: {  	s29 =	simm.s32 $0x9;
	_ =	strace $0x80000048  }
0xb5: {  	_ =	swait.ge [sflag:s29], $0x1  }
0xb6: {  	[sflag:s29] =	ssyncadd.s32 $0xFFFFFFFF  }
0xb7: {  	_ =	strace $0x90000048  }
0xb8: {  	_ =	sfence  }
0xb9: {  	s30 =	sld [smem:$0x0];
	_ =	sdelay $0x2  }
0xba: {  	s31 =	sshll.u32 s1, $0xD;
	s1 =	sshrl.u32 s1, $0x2  }
0xbb: {  	s3 =	sand.u32 $0x4000, s31;
	s1 =	sadd.s32 s1, s30  }
0xbc: {  	s0 =	sor.u32 s3, s0;
	s1 =	sshll.u32 s1, $0x11  }
0xbd: {  	s0 =	sor.u32 s1, s0  }
0xbe: {  	s0 =	sadd.s32 $0x8F2B, s0  }
0xbf: {  	[sflag:s0] =	ssyncadd.remote.s32 $0x1  }
0xc0: {  	_ =	sfence.sel $0xFFFF  }
0xc1: {  	[dreg:$0x0] =	wrdreg $0xFFFFFFFF;
	(pc) =	sbr.abs _section_cstart, $3  }
0xc2: {  	[dreg:$0x1] =	wrdreg $0xFFFFFFFF  }
0xc3: {  	_ =	task.clear_ibuf [dreg:s7], $0x2FFFF;
	_ =	strace $0x9FFFFFFF  }
0xc4: {  	(tm) =	ssettm $0x7FFFFFFF  }
0xc5: {  	_ =	shalt  }
tec
execute0_lowered:
.L_overlay_start_1:
0x0: {  	(tag) =	ssettag $0x1  }
0x1: {  	s0 =	rddreg [dreg:$0x0]  }
0x2: {  	s1 =	rddreg [dreg:$0x1]  }
0x3: {  	s2 =	rddreg [dreg:$0x2]  }
0x4: {  	s3 =	rddreg [dreg:$0x3]  }
0x5: {  	s4 =	simm.s32 $0x0;
	s11 =	stileid.u32;
	s8 =	srdreg.scid  }
0x6: {  	s22 =	simm.s32 $0x1;
	s28 =	simm.s32 $0x5800;
	s30 =	simm.s32 $0x6000  }
0x7: {  	s21 =	simm.s32 $0x7800;
	[smem:$0x7FF] =	sst s4;
	s6 =	smul.u32 $0x2710, s11  }
0x8: {  	s7 =	smul.u32 $0x500, s11;
	s8 =	sand.u32 $0x1, s8;
	s12 =	sadd.s32 $0x4CE00, s1  }
0x9: {  	s15 =	sshll.u32 s11, $0x6;
	_ =	strace $0x80000047;
	s10 =	ssub.s32 $0x2, s8  }
0xa: {  	[dreg:$0x5] =	wrdreg s12;
	p0 =	seq.s32 s8, $0x1;
	s17 =	sor.u32 $0x1C01, s15  }
0xb: {  	s19 =	sor.u32 $0x1C02, s15;
	s5 =	sshrl.u32 s6, $0x3;
	s7 =	sadd.s32 s7, s1  }
0xc: {  	s23 =	sshrl.u32 s10, $0x1;
	s24 =	sadd.s32 s6, s2;
	s6 =	sadd.s32 s6, s3  }
0xd: {  	s9 =	sadd.s32 s5, s1;
	s1 =	sadd.s32 $0x47E00, s1;
	s25 =	sadd.s32 $0x38E00, s7  }
0xe: {  	s26 =	sadd.s32 $0x2EE00, s7;
	s0 =	sadd.s32 s0, s5;
	s29 =	sadd.s32 $0x3DE00, s7  }
0xf: {  	s31 =	sadd.s32 $0x33E00, s7;
	s18 =	sshrl.u32 s24, $0x3;
	[dreg:$0x6] =	wrdreg s1  }
0x10: {  	s20 =	sshrl.u32 s6, $0x3;
	s24 =	simm.s32 $0x3;
	[dreg:$0x8] =	wrdreg s25  }
0x11: {  	s6 =	simm.s32 $0x8000;
	s7 =	simm.s32 $0x8800;
	[dreg:$0x9] =	wrdreg s26  }
.Ltmp0:
0x12: {  	s1 =	ssub.s32 s10, s23;
	[dreg:$0xa] =	wrdreg s0;
	(pc) =	sbr.rel .LBB2_1-.Ltmp0, $4  }
0x13: {  	s8 =	sadd.s32 $0x42E00, s9;
	s9 =	sadd.s32 $0x29E00, s9;
	[dreg:$0xb] =	wrdreg s29  }
0x14: {  	[dreg:$0xc] =	wrdreg s31;
	s23 =	simm.s32 $0x2;
	s25 =	simm.s32 $0x80  }
0x15: {  	s26 =	simm.s32 $0x5000;
	s0 =	simm.s32 $0x6800;
	[dreg:$0x7] =	wrdreg s9  }
0x16: {  	s16 =	smax.u32 s1, $0x1;
	s1 =	simm.s32 $0x7000;
	s9 =	simm.s32 $0x4  }
.LBB2_7:
0x17: {  	[sflag:s24] =	ssyncadd.s32 $0xFFFFF800;
	s10 =	rddreg [dreg:$0x6]  }
.LBB2_8:
0x18: {  	s4 =	sadd.s32 $0x1, s4  }
0x19: {  	s10 =	sadd.s32 s10, s5;
	p1 =	sne.s32 s4, s16  }
.Ltmp1:
0x1a: {  	[bflag:$0x0] =	sbarrier.arrive $0xFFFF;
	s11 =	sor.u32 $0x1C04, s15;
	(pc) =	sbr.rel @!p1 .LBB2_9-.Ltmp1, $4  }
0x1b: {  	[hbm:s10], [sflag:s11] =	dma.local [spmem:s18], $0x4E2  }
0x1c: {  	_ =	swait.ge [sflag:s9], $0x4E2  }
0x1d: {  	[sflag:s9] =	ssyncset.done $0x0  }
0x1e: {  	[sflag:s9] =	ssyncadd.s32 $0xFFFFFB1E  }
.LBB2_1:
.Ltmp2:
0x1f: {  	(pc) =	sbr.rel @!p0 .LBB2_2-.Ltmp2, $2  }
0x20: {  	_ =	sdelay $0x2  }
0x21: {  	[spmem:s18], [sflag:s17] =	dma.local [hbm:s8], $0x4E2  }
0x22: {  	s10 =	rddreg [dreg:$0xa]  }
0x23: {  	[spmem:s20], [sflag:s19] =	dma.local [hbm:s10], $0x4E2  }
0x24: {  	s14 =	simm.s32 $0x0;
	s11 =	rddreg [dreg:$0xb]  }
0x25: {  	[tilespmem:s14], [sflag:$0x3] =	stream.linear.gather [hbm4b:s11+s14], $0x2800, $0x38;
	[tilespmem:$0xDE28] =	vst v63  }
0x26: {  	s12 =	simm.s32 $0x2800;
	s31 =	rddreg [dreg:$0xc]  }
0x27: {  	[tilespmem:s12], [sflag:$0x3] =	stream.linear.gather [hbm4b:s31+s14], $0x2800, $0x38;
	[tilespmem:$0xDE28] =	vst v63  }
0x28: {  	_ =	swait.ge [sflag:s22], $0x4E2  }
0x29: {  	[sflag:s22] =	ssyncset.done $0x0  }
0x2a: {  	[sflag:s22] =	ssyncadd.s32 $0xFFFFFB1E  }
0x2b: {  	_ =	swait.ge [sflag:s23], $0x4E2  }
0x2c: {  	[sflag:s23] =	ssyncset.done $0x0  }
0x2d: {  	[sflag:s23] =	ssyncadd.s32 $0xFFFFFB1E  }
0x2e: {  	_ =	swait.ge [sflag:s24], $0x2800  }
0x2f: {  	[sflag:s24] =	ssyncset.done $0x0  }
0x30: {  	[sflag:s24] =	ssyncadd.s32 $0xFFFFD800  }
0x31: {  	_ =	swait.ge [sflag:s24], $0x2800  }
0x32: {  	[sflag:s24] =	ssyncset.done $0x0  }
0x33: {  	[sflag:s24] =	ssyncadd.s32 $0xFFFFD800  }
0x34: {  	[bflag:$0x0] =	sbarrier.arrive $0xFFFF  }
0x35: {  	[tilespmem:s26], [sflag:$0x1] =	stream.indirect.gather [spmem:s3], $0x10, s14, s25, $0xb8;
	[tilespmem:$0xDE28] =	vst v63  }
0x36: {  	_ = 	snop  }
0x37: {  	[tilespmem:s28], [sflag:$0x1] =	stream.indirect.gather [spmem:s3], $0x10, s25, s25, $0xb8;
	[tilespmem:$0xDE28] =	vst v63  }
0x38: {  	s12 =	simm.s32 $0x100  }
0x39: {  	[tilespmem:s30], [sflag:$0x1] =	stream.indirect.gather [spmem:s3], $0x10, s12, s25, $0xb8;
	[tilespmem:$0xDE28] =	vst v63  }
0x3a: {  	s13 =	simm.s32 $0x180  }
0x3b: {  	[tilespmem:s0], [sflag:$0x1] =	stream.indirect.gather [spmem:s3], $0x10, s13, s25, $0xb8;
	[tilespmem:$0xDE28] =	vst v63  }
0x3c: {  	_ =	swait.ge [sflag:s22], $0x800  }
0x3d: {  	[sflag:s22] =	ssyncset.done $0x0  }
0x3e: {  	[sflag:s22] =	ssyncadd.s32 $0xFFFFF800  }
0x3f: {  	_ =	swait.ge [sflag:s22], $0x800  }
0x40: {  	[sflag:s22] =	ssyncset.done $0x0  }
0x41: {  	[sflag:s22] =	ssyncadd.s32 $0xFFFFF800  }
0x42: {  	_ =	swait.ge [sflag:s22], $0x800  }
0x43: {  	[sflag:s22] =	ssyncset.done $0x0  }
0x44: {  	[sflag:s22] =	ssyncadd.s32 $0xFFFFF800  }
0x45: {  	_ =	swait.ge [sflag:s22], $0x800  }
0x46: {  	[sflag:s22] =	ssyncset.done $0x0  }
0x47: {  	s14 =	simm.s32 $0x2800;
	[sflag:s22] =	ssyncadd.s32 $0xFFFFF800  }
0x48: {  	[spmem:s2] =	stream.indirect.scatter.add.f32 [tilespmem:s26], [sflag:$0x3], $0x10, s14, s25, $0xb8;
	[tilespmem:$0xDE28] =	vst v63  }
0x49: {  	s31 =	simm.s32 $0x2880  }
0x4a: {  	[spmem:s2] =	stream.indirect.scatter.add.f32 [tilespmem:s28], [sflag:$0x3], $0x10, s31, s25, $0xb8;
	[tilespmem:$0xDE28] =	vst v63  }
0x4b: {  	s11 =	simm.s32 $0x2900  }
0x4c: {  	[spmem:s2] =	stream.indirect.scatter.add.f32 [tilespmem:s30], [sflag:$0x3], $0x10, s11, s25, $0xb8;
	[tilespmem:$0xDE28] =	vst v63  }
0x4d: {  	s12 =	simm.s32 $0x2980  }
0x4e: {  	[spmem:s2] =	stream.indirect.scatter.add.f32 [tilespmem:s0], [sflag:$0x3], $0x10, s12, s25, $0xb8;
	[tilespmem:$0xDE28] =	vst v63  }
0x4f: {  	s13 =	simm.s32 $0x200  }
0x50: {  	[tilespmem:s1], [sflag:$0x2] =	stream.indirect.gather [spmem:s3], $0x10, s13, s25, $0xb8;
	[tilespmem:$0xDE28] =	vst v63  }
0x51: {  	s14 =	simm.s32 $0x280  }
0x52: {  	[tilespmem:s21], [sflag:$0x2] =	stream.indirect.gather [spmem:s3], $0x10, s14, s25, $0xb8;
	[tilespmem:$0xDE28] =	vst v63  }
0x53: {  	s31 =	simm.s32 $0x300  }
0x54: {  	[tilespmem:s6], [sflag:$0x2] =	stream.indirect.gather [spmem:s3], $0x10, s31, s25, $0xb8;
	[tilespmem:$0xDE28] =	vst v63  }
0x55: {  	s11 =	simm.s32 $0x380  }
0x56: {  	[tilespmem:s7], [sflag:$0x2] =	stream.indirect.gather [spmem:s3], $0x10, s11, s25, $0xb8;
	[tilespmem:$0xDE28] =	vst v63  }
0x57: {  	_ =	swait.ge [sflag:s24], $0x800  }
0x58: {  	[sflag:s24] =	ssyncset.done $0x0  }
0x59: {  	[sflag:s24] =	ssyncadd.s32 $0xFFFFF800  }
0x5a: {  	_ =	swait.ge [sflag:s24], $0x800  }
0x5b: {  	[sflag:s24] =	ssyncset.done $0x0  }
0x5c: {  	[sflag:s24] =	ssyncadd.s32 $0xFFFFF800  }
0x5d: {  	_ =	swait.ge [sflag:s24], $0x800  }
0x5e: {  	[sflag:s24] =	ssyncset.done $0x0  }
0x5f: {  	[sflag:s24] =	ssyncadd.s32 $0xFFFFF800  }
0x60: {  	p1 =	por $0x0, $0x0;
	_ =	swait.ge [sflag:s24], $0x800  }
0x61: {  	s10 =	simm.s32 @!p1 $0x5000;
	[sflag:s24] =	ssyncset.done $0x0  }
0x62: {  	s12 =	simm.s32 @!p1 $0x80;
	s11 =	simm.s32 @!p1 $0x400;
	[sflag:s24] =	ssyncadd.s32 $0xFFFFF800  }
0x63: {  	[tilespmem:s10], [sflag:$0x1] =	stream.indirect.gather @!p1 [spmem:s3], $0x10, s11, s12, $0xb8;
	[tilespmem:$0xDE28] =	vst v63  }
0x64: {  	s10 =	simm.s32 @!p1 $0x480;
	s11 =	simm.s32 @!p1 $0x5800  }
0x65: {  	[tilespmem:s11], [sflag:$0x1] =	stream.indirect.gather @!p1 [spmem:s3], $0x10, s10, s12, $0xb8;
	[tilespmem:$0xDE28] =	vst v63  }
0x66: {  	s10 =	simm.s32 @!p1 $0x500;
	s11 =	simm.s32 @!p1 $0x6000  }
0x67: {  	[tilespmem:s11], [sflag:$0x1] =	stream.indirect.gather @!p1 [spmem:s3], $0x10, s10, s12, $0xb8;
	[tilespmem:$0xDE28] =	vst v63  }
0x68: {  	s10 =	simm.s32 @!p1 $0x580;
	s11 =	simm.s32 @!p1 $0x6800  }
0x69: {  	[tilespmem:s11], [sflag:$0x1] =	stream.indirect.gather @!p1 [spmem:s3], $0x10, s10, s12, $0xb8;
	[tilespmem:$0xDE28] =	vst v63  }
0x6a: {  	_ =	swait.ge [sflag:s23], $0x800  }
0x6b: {  	[sflag:s23] =	ssyncset.done $0x0  }
0x6c: {  	[sflag:s23] =	ssyncadd.s32 $0xFFFFF800  }
0x6d: {  	_ =	swait.ge [sflag:s23], $0x800  }
0x6e: {  	[sflag:s23] =	ssyncset.done $0x0  }
0x6f: {  	[sflag:s23] =	ssyncadd.s32 $0xFFFFF800  }
0x70: {  	_ =	swait.ge [sflag:s23], $0x800  }
0x71: {  	[sflag:s23] =	ssyncset.done $0x0  }
0x72: {  	[sflag:s23] =	ssyncadd.s32 $0xFFFFF800  }
0x73: {  	_ =	swait.ge [sflag:s23], $0x800  }
0x74: {  	[sflag:s23] =	ssyncset.done $0x0  }
0x75: {  	s12 =	simm.s32 $0x2A00;
	[sflag:s23] =	ssyncadd.s32 $0xFFFFF800  }
0x76: {  	[spmem:s2] =	stream.indirect.scatter.add.f32 [tilespmem:s1], [sflag:$0x3], $0x10, s12, s25, $0xb8;
	[tilespmem:$0xDE28] =	vst v63  }
0x77: {  	s13 =	simm.s32 $0x2A80  }
0x78: {  	[spmem:s2] =	stream.indirect.scatter.add.f32 [tilespmem:s21], [sflag:$0x3], $0x10, s13, s25, $0xb8;
	[tilespmem:$0xDE28] =	vst v63  }
0x79: {  	s14 =	simm.s32 $0x2B00  }
0x7a: {  	[spmem:s2] =	stream.indirect.scatter.add.f32 [tilespmem:s6], [sflag:$0x3], $0x10, s14, s25, $0xb8;
	[tilespmem:$0xDE28] =	vst v63  }
0x7b: {  	s31 =	simm.s32 $0x2B80  }
0x7c: {  	[spmem:s2] =	stream.indirect.scatter.add.f32 [tilespmem:s7], [sflag:$0x3], $0x10, s31, s25, $0xb8;
	[tilespmem:$0xDE28] =	vst v63  }
0x7d: {  	_ =	swait.ge [sflag:s24], $0x800  }
0x7e: {  	[sflag:s24] =	ssyncset.done $0x0  }
0x7f: {  	[sflag:s24] =	ssyncadd.s32 $0xFFFFF800  }
0x80: {  	_ =	swait.ge [sflag:s24], $0x800  }
0x81: {  	[sflag:s24] =	ssyncset.done $0x0  }
0x82: {  	[sflag:s24] =	ssyncadd.s32 $0xFFFFF800  }
0x83: {  	_ =	swait.ge [sflag:s24], $0x800  }
0x84: {  	[sflag:s24] =	ssyncset.done $0x0  }
0x85: {  	[sflag:s24] =	ssyncadd.s32 $0xFFFFF800  }
0x86: {  	_ =	swait.ge [sflag:s24], $0x800  }
0x87: {  	s29 =	simm.s32 $0x1000;
	[sflag:s24] =	ssyncset.done $0x0  }
.LBB2_6:
0x88: {  	[sflag:s24] =	ssyncadd.s32 $0xFFFFF800;
	s11 =	smov.u32 s29;
	s29 =	sadd.s32 $0x1000, s29  }
0x89: {  	_ =	swait.ge [sflag:s22], $0x800;
	p1 =	sne.s32 s29, $0xA000  }
0x8a: {  	[sflag:s22] =	ssyncset.done $0x0  }
0x8b: {  	[sflag:s22] =	ssyncadd.s32 $0xFFFFF800  }
0x8c: {  	_ =	swait.ge [sflag:s22], $0x800  }
0x8d: {  	[sflag:s22] =	ssyncset.done $0x0  }
0x8e: {  	[sflag:s22] =	ssyncadd.s32 $0xFFFFF800  }
0x8f: {  	_ =	swait.ge [sflag:s22], $0x800  }
0x90: {  	[sflag:s22] =	ssyncset.done $0x0  }
0x91: {  	[sflag:s22] =	ssyncadd.s32 $0xFFFFF800  }
0x92: {  	_ =	swait.ge [sflag:s22], $0x800  }
0x93: {  	s10 =	sshra.s32 s11, $0x2;
	[sflag:s22] =	ssyncset.done $0x0  }
0x94: {  	s12 =	sadd.s32 $0x2800, s10;
	[sflag:s22] =	ssyncadd.s32 $0xFFFFF800  }
0x95: {  	[spmem:s2] =	stream.indirect.scatter.add.f32 [tilespmem:s26], [sflag:$0x3], $0x10, s12, s25, $0xb8;
	[tilespmem:$0xDE28] =	vst v63  }
0x96: {  	s12 =	sadd.s32 $0x2880, s10  }
0x97: {  	[spmem:s2] =	stream.indirect.scatter.add.f32 [tilespmem:s28], [sflag:$0x3], $0x10, s12, s25, $0xb8;
	[tilespmem:$0xDE28] =	vst v63  }
0x98: {  	s12 =	sadd.s32 $0x2900, s10  }
0x99: {  	[spmem:s2] =	stream.indirect.scatter.add.f32 [tilespmem:s30], [sflag:$0x3], $0x10, s12, s25, $0xb8;
	[tilespmem:$0xDE28] =	vst v63  }
0x9a: {  	s12 =	sadd.s32 $0x2980, s10  }
0x9b: {  	[spmem:s2] =	stream.indirect.scatter.add.f32 [tilespmem:s0], [sflag:$0x3], $0x10, s12, s25, $0xb8;
	[tilespmem:$0xDE28] =	vst v63  }
0x9c: {  	s12 =	sadd.s32 $0x200, s10  }
0x9d: {  	[tilespmem:s1], [sflag:$0x2] =	stream.indirect.gather [spmem:s3], $0x10, s12, s25, $0xb8;
	[tilespmem:$0xDE28] =	vst v63  }
0x9e: {  	s12 =	sadd.s32 $0x280, s10  }
0x9f: {  	[tilespmem:s21], [sflag:$0x2] =	stream.indirect.gather [spmem:s3], $0x10, s12, s25, $0xb8;
	[tilespmem:$0xDE28] =	vst v63  }
0xa0: {  	s12 =	sadd.s32 $0x300, s10  }
0xa1: {  	[tilespmem:s6], [sflag:$0x2] =	stream.indirect.gather [spmem:s3], $0x10, s12, s25, $0xb8;
	[tilespmem:$0xDE28] =	vst v63  }
0xa2: {  	s12 =	sadd.s32 $0x380, s10  }
0xa3: {  	[tilespmem:s7], [sflag:$0x2] =	stream.indirect.gather [spmem:s3], $0x10, s12, s25, $0xb8;
	[tilespmem:$0xDE28] =	vst v63  }
0xa4: {  	_ =	swait.ge [sflag:s24], $0x800  }
0xa5: {  	[sflag:s24] =	ssyncset.done $0x0  }
0xa6: {  	[sflag:s24] =	ssyncadd.s32 $0xFFFFF800  }
0xa7: {  	_ =	swait.ge [sflag:s24], $0x800  }
0xa8: {  	[sflag:s24] =	ssyncset.done $0x0  }
0xa9: {  	[sflag:s24] =	ssyncadd.s32 $0xFFFFF800  }
0xaa: {  	_ =	swait.ge [sflag:s24], $0x800  }
0xab: {  	[sflag:s24] =	ssyncset.done $0x0  }
0xac: {  	[sflag:s24] =	ssyncadd.s32 $0xFFFFF800  }
0xad: {  	p2 =	seq.s32 s11, $0x9000;
	_ =	swait.ge [sflag:s24], $0x800  }
0xae: {  	s11 =	sshra.s32 @!p2 s11, $0x2;
	s12 =	simm.s32 @!p2 $0x5000;
	[sflag:s24] =	ssyncset.done $0x0  }
0xaf: {  	s14 =	simm.s32 @!p2 $0x80;
	s13 =	sadd.s32 @!p2 $0x400, s11;
	[sflag:s24] =	ssyncadd.s32 $0xFFFFF800  }
0xb0: {  	[tilespmem:s12], [sflag:$0x1] =	stream.indirect.gather @!p2 [spmem:s3], $0x10, s13, s14, $0xb8;
	[tilespmem:$0xDE28] =	vst v63  }
0xb1: {  	s31 =	sadd.s32 @!p2 $0x500, s11;
	s12 =	sadd.s32 @!p2 $0x480, s11;
	s13 =	simm.s32 @!p2 $0x5800  }
0xb2: {  	[tilespmem:s13], [sflag:$0x1] =	stream.indirect.gather @!p2 [spmem:s3], $0x10, s12, s14, $0xb8;
	[tilespmem:$0xDE28] =	vst v63  }
0xb3: {  	s11 =	sadd.s32 @!p2 $0x580, s11;
	s12 =	simm.s32 @!p2 $0x6000  }
0xb4: {  	[tilespmem:s12], [sflag:$0x1] =	stream.indirect.gather @!p2 [spmem:s3], $0x10, s31, s14, $0xb8;
	[tilespmem:$0xDE28] =	vst v63  }
0xb5: {  	s12 =	simm.s32 @!p2 $0x6800  }
0xb6: {  	[tilespmem:s12], [sflag:$0x1] =	stream.indirect.gather @!p2 [spmem:s3], $0x10, s11, s14, $0xb8;
	[tilespmem:$0xDE28] =	vst v63  }
0xb7: {  	_ =	swait.ge [sflag:s23], $0x800  }
0xb8: {  	[sflag:s23] =	ssyncset.done $0x0  }
0xb9: {  	[sflag:s23] =	ssyncadd.s32 $0xFFFFF800  }
0xba: {  	_ =	swait.ge [sflag:s23], $0x800  }
0xbb: {  	[sflag:s23] =	ssyncset.done $0x0  }
0xbc: {  	[sflag:s23] =	ssyncadd.s32 $0xFFFFF800  }
0xbd: {  	_ =	swait.ge [sflag:s23], $0x800  }
0xbe: {  	[sflag:s23] =	ssyncset.done $0x0  }
0xbf: {  	[sflag:s23] =	ssyncadd.s32 $0xFFFFF800  }
0xc0: {  	_ =	swait.ge [sflag:s23], $0x800  }
0xc1: {  	[sflag:s23] =	ssyncset.done $0x0  }
0xc2: {  	s11 =	sadd.s32 $0x2A00, s10;
	[sflag:s23] =	ssyncadd.s32 $0xFFFFF800  }
0xc3: {  	[spmem:s2] =	stream.indirect.scatter.add.f32 [tilespmem:s1], [sflag:$0x3], $0x10, s11, s25, $0xb8;
	[tilespmem:$0xDE28] =	vst v63  }
0xc4: {  	s11 =	sadd.s32 $0x2A80, s10  }
0xc5: {  	[spmem:s2] =	stream.indirect.scatter.add.f32 [tilespmem:s21], [sflag:$0x3], $0x10, s11, s25, $0xb8;
	[tilespmem:$0xDE28] =	vst v63  }
0xc6: {  	s11 =	sadd.s32 $0x2B00, s10  }
0xc7: {  	[spmem:s2] =	stream.indirect.scatter.add.f32 [tilespmem:s6], [sflag:$0x3], $0x10, s11, s25, $0xb8;
	[tilespmem:$0xDE28] =	vst v63  }
0xc8: {  	s10 =	sadd.s32 $0x2B80, s10  }
0xc9: {  	[spmem:s2] =	stream.indirect.scatter.add.f32 [tilespmem:s7], [sflag:$0x3], $0x10, s10, s25, $0xb8;
	[tilespmem:$0xDE28] =	vst v63  }
0xca: {  	_ =	swait.ge [sflag:s24], $0x800  }
0xcb: {  	[sflag:s24] =	ssyncset.done $0x0  }
0xcc: {  	[sflag:s24] =	ssyncadd.s32 $0xFFFFF800  }
0xcd: {  	_ =	swait.ge [sflag:s24], $0x800  }
0xce: {  	[sflag:s24] =	ssyncset.done $0x0  }
0xcf: {  	[sflag:s24] =	ssyncadd.s32 $0xFFFFF800  }
.Ltmp3:
0xd0: {  	_ =	swait.ge [sflag:s24], $0x800;
	(pc) =	sbr.rel @p1 .LBB2_6-.Ltmp3, $4  }
0xd1: {  	[sflag:s24] =	ssyncset.done $0x0  }
0xd2: {  	[sflag:s24] =	ssyncadd.s32 $0xFFFFF800  }
0xd3: {  	_ =	swait.ge [sflag:s24], $0x800  }
0xd4: {  	[sflag:s24] =	ssyncset.done $0x0  }
.Ltmp4:
0xd5: {  	_ = 	snop;
	(pc) =	sbr.rel .LBB2_7-.Ltmp4, $1  }
0xd6: {  	_ =	sdelay $0x3  }
.LBB2_2:
0xd7: {  	s10 =	rddreg [dreg:$0x7]  }
0xd8: {  	[spmem:s20], [sflag:s19] =	dma.local [hbm:s10], $0x4E2  }
0xd9: {  	s14 =	simm.s32 $0x0;
	s11 =	rddreg [dreg:$0x8]  }
0xda: {  	[tilespmem:s14], [sflag:$0x3] =	stream.linear.gather [hbm4b:s11+s14], $0x2800, $0x38;
	[tilespmem:$0xDE28] =	vst v63  }
0xdb: {  	s12 =	simm.s32 $0x2800;
	s31 =	rddreg [dreg:$0x9]  }
0xdc: {  	[tilespmem:s12], [sflag:$0x3] =	stream.linear.gather [hbm4b:s31+s14], $0x2800, $0x38;
	[tilespmem:$0xDE28] =	vst v63  }
0xdd: {  	_ =	swait.ge [sflag:s22], $0x4E2  }
0xde: {  	[sflag:s22] =	ssyncset.done $0x0  }
0xdf: {  	[sflag:s22] =	ssyncadd.s32 $0xFFFFFB1E  }
0xe0: {  	_ =	swait.ge [sflag:s23], $0x4E2  }
0xe1: {  	[sflag:s23] =	ssyncset.done $0x0  }
0xe2: {  	[sflag:s23] =	ssyncadd.s32 $0xFFFFFB1E  }
0xe3: {  	_ =	swait.ge [sflag:s24], $0x2800  }
0xe4: {  	[sflag:s24] =	ssyncset.done $0x0  }
0xe5: {  	[sflag:s24] =	ssyncadd.s32 $0xFFFFD800  }
0xe6: {  	_ =	swait.ge [sflag:s24], $0x2800  }
0xe7: {  	[sflag:s24] =	ssyncset.done $0x0  }
0xe8: {  	[sflag:s24] =	ssyncadd.s32 $0xFFFFD800  }
0xe9: {  	[bflag:$0x0] =	sbarrier.arrive $0xFFFF  }
0xea: {  	[tilespmem:s26], [sflag:$0x1] =	stream.indirect.gather [spmem:s3], $0x10, s14, s25, $0xb8;
	[tilespmem:$0xDE28] =	vst v63  }
0xeb: {  	_ = 	snop  }
0xec: {  	[tilespmem:s28], [sflag:$0x1] =	stream.indirect.gather [spmem:s3], $0x10, s25, s25, $0xb8;
	[tilespmem:$0xDE28] =	vst v63  }
0xed: {  	s12 =	simm.s32 $0x100  }
0xee: {  	[tilespmem:s30], [sflag:$0x1] =	stream.indirect.gather [spmem:s3], $0x10, s12, s25, $0xb8;
	[tilespmem:$0xDE28] =	vst v63  }
0xef: {  	s13 =	simm.s32 $0x180  }
0xf0: {  	[tilespmem:s0], [sflag:$0x1] =	stream.indirect.gather [spmem:s3], $0x10, s13, s25, $0xb8;
	[tilespmem:$0xDE28] =	vst v63  }
0xf1: {  	_ =	swait.ge [sflag:s22], $0x800  }
0xf2: {  	[sflag:s22] =	ssyncset.done $0x0  }
0xf3: {  	[sflag:s22] =	ssyncadd.s32 $0xFFFFF800  }
0xf4: {  	_ =	swait.ge [sflag:s22], $0x800  }
0xf5: {  	[sflag:s22] =	ssyncset.done $0x0  }
0xf6: {  	[sflag:s22] =	ssyncadd.s32 $0xFFFFF800  }
0xf7: {  	_ =	swait.ge [sflag:s22], $0x800  }
0xf8: {  	[sflag:s22] =	ssyncset.done $0x0  }
0xf9: {  	[sflag:s22] =	ssyncadd.s32 $0xFFFFF800  }
0xfa: {  	_ =	swait.ge [sflag:s22], $0x800  }
0xfb: {  	[sflag:s22] =	ssyncset.done $0x0  }
0xfc: {  	s14 =	simm.s32 $0x2800;
	[sflag:s22] =	ssyncadd.s32 $0xFFFFF800  }
0xfd: {  	[spmem:s2] =	stream.indirect.scatter.add.f32 [tilespmem:s26], [sflag:$0x3], $0x10, s14, s25, $0xb8;
	[tilespmem:$0xDE28] =	vst v63  }
0xfe: {  	s31 =	simm.s32 $0x2880  }
0xff: {  	[spmem:s2] =	stream.indirect.scatter.add.f32 [tilespmem:s28], [sflag:$0x3], $0x10, s31, s25, $0xb8;
	[tilespmem:$0xDE28] =	vst v63  }
0x100: {  	s11 =	simm.s32 $0x2900  }
0x101: {  	[spmem:s2] =	stream.indirect.scatter.add.f32 [tilespmem:s30], [sflag:$0x3], $0x10, s11, s25, $0xb8;
	[tilespmem:$0xDE28] =	vst v63  }
0x102: {  	s12 =	simm.s32 $0x2980  }
0x103: {  	[spmem:s2] =	stream.indirect.scatter.add.f32 [tilespmem:s0], [sflag:$0x3], $0x10, s12, s25, $0xb8;
	[tilespmem:$0xDE28] =	vst v63  }
0x104: {  	s13 =	simm.s32 $0x200  }
0x105: {  	[tilespmem:s1], [sflag:$0x2] =	stream.indirect.gather [spmem:s3], $0x10, s13, s25, $0xb8;
	[tilespmem:$0xDE28] =	vst v63  }
0x106: {  	s14 =	simm.s32 $0x280  }
0x107: {  	[tilespmem:s21], [sflag:$0x2] =	stream.indirect.gather [spmem:s3], $0x10, s14, s25, $0xb8;
	[tilespmem:$0xDE28] =	vst v63  }
0x108: {  	s31 =	simm.s32 $0x300  }
0x109: {  	[tilespmem:s6], [sflag:$0x2] =	stream.indirect.gather [spmem:s3], $0x10, s31, s25, $0xb8;
	[tilespmem:$0xDE28] =	vst v63  }
0x10a: {  	s11 =	simm.s32 $0x380  }
0x10b: {  	[tilespmem:s7], [sflag:$0x2] =	stream.indirect.gather [spmem:s3], $0x10, s11, s25, $0xb8;
	[tilespmem:$0xDE28] =	vst v63  }
0x10c: {  	_ =	swait.ge [sflag:s24], $0x800  }
0x10d: {  	[sflag:s24] =	ssyncset.done $0x0  }
0x10e: {  	[sflag:s24] =	ssyncadd.s32 $0xFFFFF800  }
0x10f: {  	_ =	swait.ge [sflag:s24], $0x800  }
0x110: {  	[sflag:s24] =	ssyncset.done $0x0  }
0x111: {  	[sflag:s24] =	ssyncadd.s32 $0xFFFFF800  }
0x112: {  	_ =	swait.ge [sflag:s24], $0x800  }
0x113: {  	[sflag:s24] =	ssyncset.done $0x0  }
0x114: {  	[sflag:s24] =	ssyncadd.s32 $0xFFFFF800  }
0x115: {  	p1 =	por $0x0, $0x0;
	_ =	swait.ge [sflag:s24], $0x800  }
0x116: {  	s10 =	simm.s32 @!p1 $0x5000;
	[sflag:s24] =	ssyncset.done $0x0  }
0x117: {  	s29 =	simm.s32 @!p1 $0x80;
	s11 =	simm.s32 @!p1 $0x400;
	[sflag:s24] =	ssyncadd.s32 $0xFFFFF800  }
0x118: {  	[tilespmem:s10], [sflag:$0x1] =	stream.indirect.gather @!p1 [spmem:s3], $0x10, s11, s29, $0xb8;
	[tilespmem:$0xDE28] =	vst v63  }
0x119: {  	s10 =	simm.s32 @!p1 $0x480;
	s11 =	simm.s32 @!p1 $0x5800  }
0x11a: {  	[tilespmem:s11], [sflag:$0x1] =	stream.indirect.gather @!p1 [spmem:s3], $0x10, s10, s29, $0xb8;
	[tilespmem:$0xDE28] =	vst v63  }
0x11b: {  	s10 =	simm.s32 @!p1 $0x500;
	s11 =	simm.s32 @!p1 $0x6000  }
0x11c: {  	[tilespmem:s11], [sflag:$0x1] =	stream.indirect.gather @!p1 [spmem:s3], $0x10, s10, s29, $0xb8;
	[tilespmem:$0xDE28] =	vst v63  }
0x11d: {  	s10 =	simm.s32 @!p1 $0x580;
	s11 =	simm.s32 @!p1 $0x6800  }
0x11e: {  	[tilespmem:s11], [sflag:$0x1] =	stream.indirect.gather @!p1 [spmem:s3], $0x10, s10, s29, $0xb8;
	[tilespmem:$0xDE28] =	vst v63  }
0x11f: {  	_ =	swait.ge [sflag:s23], $0x800  }
0x120: {  	[sflag:s23] =	ssyncset.done $0x0  }
0x121: {  	[sflag:s23] =	ssyncadd.s32 $0xFFFFF800  }
0x122: {  	_ =	swait.ge [sflag:s23], $0x800  }
0x123: {  	[sflag:s23] =	ssyncset.done $0x0  }
0x124: {  	[sflag:s23] =	ssyncadd.s32 $0xFFFFF800  }
0x125: {  	_ =	swait.ge [sflag:s23], $0x800  }
0x126: {  	[sflag:s23] =	ssyncset.done $0x0  }
0x127: {  	[sflag:s23] =	ssyncadd.s32 $0xFFFFF800  }
0x128: {  	_ =	swait.ge [sflag:s23], $0x800  }
0x129: {  	[sflag:s23] =	ssyncset.done $0x0  }
0x12a: {  	s12 =	simm.s32 $0x2A00;
	[sflag:s23] =	ssyncadd.s32 $0xFFFFF800  }
0x12b: {  	[spmem:s2] =	stream.indirect.scatter.add.f32 [tilespmem:s1], [sflag:$0x3], $0x10, s12, s25, $0xb8;
	[tilespmem:$0xDE28] =	vst v63  }
0x12c: {  	s13 =	simm.s32 $0x2A80  }
0x12d: {  	[spmem:s2] =	stream.indirect.scatter.add.f32 [tilespmem:s21], [sflag:$0x3], $0x10, s13, s25, $0xb8;
	[tilespmem:$0xDE28] =	vst v63  }
0x12e: {  	s14 =	simm.s32 $0x2B00  }
0x12f: {  	[spmem:s2] =	stream.indirect.scatter.add.f32 [tilespmem:s6], [sflag:$0x3], $0x10, s14, s25, $0xb8;
	[tilespmem:$0xDE28] =	vst v63  }
0x130: {  	s31 =	simm.s32 $0x2B80  }
0x131: {  	[spmem:s2] =	stream.indirect.scatter.add.f32 [tilespmem:s7], [sflag:$0x3], $0x10, s31, s25, $0xb8;
	[tilespmem:$0xDE28] =	vst v63  }
0x132: {  	_ =	swait.ge [sflag:s24], $0x800  }
0x133: {  	[sflag:s24] =	ssyncset.done $0x0  }
0x134: {  	[sflag:s24] =	ssyncadd.s32 $0xFFFFF800  }
0x135: {  	_ =	swait.ge [sflag:s24], $0x800  }
0x136: {  	[sflag:s24] =	ssyncset.done $0x0  }
0x137: {  	[sflag:s24] =	ssyncadd.s32 $0xFFFFF800  }
0x138: {  	_ =	swait.ge [sflag:s24], $0x800  }
0x139: {  	[sflag:s24] =	ssyncset.done $0x0  }
0x13a: {  	[sflag:s24] =	ssyncadd.s32 $0xFFFFF800  }
0x13b: {  	_ =	swait.ge [sflag:s24], $0x800  }
0x13c: {  	s29 =	simm.s32 $0x1000;
	[sflag:s24] =	ssyncset.done $0x0  }
.LBB2_3:
0x13d: {  	[sflag:s24] =	ssyncadd.s32 $0xFFFFF800;
	s11 =	smov.u32 s29;
	s29 =	sadd.s32 $0x1000, s29  }
0x13e: {  	_ =	swait.ge [sflag:s22], $0x800;
	p1 =	seq.s32 s29, $0xA000  }
0x13f: {  	[sflag:s22] =	ssyncset.done $0x0  }
0x140: {  	[sflag:s22] =	ssyncadd.s32 $0xFFFFF800  }
0x141: {  	_ =	swait.ge [sflag:s22], $0x800  }
0x142: {  	[sflag:s22] =	ssyncset.done $0x0  }
0x143: {  	[sflag:s22] =	ssyncadd.s32 $0xFFFFF800  }
0x144: {  	_ =	swait.ge [sflag:s22], $0x800  }
0x145: {  	[sflag:s22] =	ssyncset.done $0x0  }
0x146: {  	[sflag:s22] =	ssyncadd.s32 $0xFFFFF800  }
0x147: {  	_ =	swait.ge [sflag:s22], $0x800  }
0x148: {  	s10 =	sshra.s32 s11, $0x2;
	[sflag:s22] =	ssyncset.done $0x0  }
0x149: {  	s31 =	sadd.s32 $0x2800, s10;
	[sflag:s22] =	ssyncadd.s32 $0xFFFFF800  }
0x14a: {  	[spmem:s2] =	stream.indirect.scatter.add.f32 [tilespmem:s26], [sflag:$0x3], $0x10, s31, s25, $0xb8;
	[tilespmem:$0xDE28] =	vst v63  }
0x14b: {  	s31 =	sadd.s32 $0x2880, s10  }
0x14c: {  	[spmem:s2] =	stream.indirect.scatter.add.f32 [tilespmem:s28], [sflag:$0x3], $0x10, s31, s25, $0xb8;
	[tilespmem:$0xDE28] =	vst v63  }
0x14d: {  	s31 =	sadd.s32 $0x2900, s10  }
0x14e: {  	[spmem:s2] =	stream.indirect.scatter.add.f32 [tilespmem:s30], [sflag:$0x3], $0x10, s31, s25, $0xb8;
	[tilespmem:$0xDE28] =	vst v63  }
0x14f: {  	s31 =	sadd.s32 $0x2980, s10  }
0x150: {  	[spmem:s2] =	stream.indirect.scatter.add.f32 [tilespmem:s0], [sflag:$0x3], $0x10, s31, s25, $0xb8;
	[tilespmem:$0xDE28] =	vst v63  }
0x151: {  	s31 =	sadd.s32 $0x200, s10  }
0x152: {  	[tilespmem:s1], [sflag:$0x2] =	stream.indirect.gather [spmem:s3], $0x10, s31, s25, $0xb8;
	[tilespmem:$0xDE28] =	vst v63  }
0x153: {  	s31 =	sadd.s32 $0x280, s10  }
0x154: {  	[tilespmem:s21], [sflag:$0x2] =	stream.indirect.gather [spmem:s3], $0x10, s31, s25, $0xb8;
	[tilespmem:$0xDE28] =	vst v63  }
0x155: {  	s31 =	sadd.s32 $0x300, s10  }
0x156: {  	[tilespmem:s6], [sflag:$0x2] =	stream.indirect.gather [spmem:s3], $0x10, s31, s25, $0xb8;
	[tilespmem:$0xDE28] =	vst v63  }
0x157: {  	s31 =	sadd.s32 $0x380, s10  }
0x158: {  	[tilespmem:s7], [sflag:$0x2] =	stream.indirect.gather [spmem:s3], $0x10, s31, s25, $0xb8;
	[tilespmem:$0xDE28] =	vst v63  }
0x159: {  	_ =	swait.ge [sflag:s24], $0x800  }
0x15a: {  	[sflag:s24] =	ssyncset.done $0x0  }
0x15b: {  	[sflag:s24] =	ssyncadd.s32 $0xFFFFF800  }
0x15c: {  	_ =	swait.ge [sflag:s24], $0x800  }
0x15d: {  	[sflag:s24] =	ssyncset.done $0x0  }
0x15e: {  	[sflag:s24] =	ssyncadd.s32 $0xFFFFF800  }
0x15f: {  	_ =	swait.ge [sflag:s24], $0x800  }
0x160: {  	[sflag:s24] =	ssyncset.done $0x0  }
0x161: {  	[sflag:s24] =	ssyncadd.s32 $0xFFFFF800  }
0x162: {  	p2 =	seq.s32 s11, $0x9000;
	_ =	swait.ge [sflag:s24], $0x800  }
0x163: {  	s11 =	sshra.s32 @!p2 s11, $0x2;
	s31 =	simm.s32 @!p2 $0x5000;
	[sflag:s24] =	ssyncset.done $0x0  }
0x164: {  	s13 =	simm.s32 @!p2 $0x80;
	s12 =	sadd.s32 @!p2 $0x400, s11;
	[sflag:s24] =	ssyncadd.s32 $0xFFFFF800  }
0x165: {  	[tilespmem:s31], [sflag:$0x1] =	stream.indirect.gather @!p2 [spmem:s3], $0x10, s12, s13, $0xb8;
	[tilespmem:$0xDE28] =	vst v63  }
0x166: {  	s14 =	sadd.s32 @!p2 $0x500, s11;
	s12 =	sadd.s32 @!p2 $0x480, s11;
	s31 =	simm.s32 @!p2 $0x5800  }
0x167: {  	[tilespmem:s31], [sflag:$0x1] =	stream.indirect.gather @!p2 [spmem:s3], $0x10, s12, s13, $0xb8;
	[tilespmem:$0xDE28] =	vst v63  }
0x168: {  	s11 =	sadd.s32 @!p2 $0x580, s11;
	s12 =	simm.s32 @!p2 $0x6000  }
0x169: {  	[tilespmem:s12], [sflag:$0x1] =	stream.indirect.gather @!p2 [spmem:s3], $0x10, s14, s13, $0xb8;
	[tilespmem:$0xDE28] =	vst v63  }
0x16a: {  	s12 =	simm.s32 @!p2 $0x6800  }
0x16b: {  	[tilespmem:s12], [sflag:$0x1] =	stream.indirect.gather @!p2 [spmem:s3], $0x10, s11, s13, $0xb8;
	[tilespmem:$0xDE28] =	vst v63  }
0x16c: {  	_ =	swait.ge [sflag:s23], $0x800  }
0x16d: {  	[sflag:s23] =	ssyncset.done $0x0  }
0x16e: {  	[sflag:s23] =	ssyncadd.s32 $0xFFFFF800  }
0x16f: {  	_ =	swait.ge [sflag:s23], $0x800  }
0x170: {  	[sflag:s23] =	ssyncset.done $0x0  }
0x171: {  	[sflag:s23] =	ssyncadd.s32 $0xFFFFF800  }
0x172: {  	_ =	swait.ge [sflag:s23], $0x800  }
0x173: {  	[sflag:s23] =	ssyncset.done $0x0  }
0x174: {  	[sflag:s23] =	ssyncadd.s32 $0xFFFFF800  }
0x175: {  	_ =	swait.ge [sflag:s23], $0x800  }
0x176: {  	[sflag:s23] =	ssyncset.done $0x0  }
0x177: {  	s11 =	sadd.s32 $0x2A00, s10;
	[sflag:s23] =	ssyncadd.s32 $0xFFFFF800  }
0x178: {  	[spmem:s2] =	stream.indirect.scatter.add.f32 [tilespmem:s1], [sflag:$0x3], $0x10, s11, s25, $0xb8;
	[tilespmem:$0xDE28] =	vst v63  }
0x179: {  	s11 =	sadd.s32 $0x2A80, s10  }
0x17a: {  	[spmem:s2] =	stream.indirect.scatter.add.f32 [tilespmem:s21], [sflag:$0x3], $0x10, s11, s25, $0xb8;
	[tilespmem:$0xDE28] =	vst v63  }
0x17b: {  	s11 =	sadd.s32 $0x2B00, s10  }
0x17c: {  	[spmem:s2] =	stream.indirect.scatter.add.f32 [tilespmem:s6], [sflag:$0x3], $0x10, s11, s25, $0xb8;
	[tilespmem:$0xDE28] =	vst v63  }
0x17d: {  	s10 =	sadd.s32 $0x2B80, s10  }
0x17e: {  	[spmem:s2] =	stream.indirect.scatter.add.f32 [tilespmem:s7], [sflag:$0x3], $0x10, s10, s25, $0xb8;
	[tilespmem:$0xDE28] =	vst v63  }
0x17f: {  	_ =	swait.ge [sflag:s24], $0x800  }
0x180: {  	[sflag:s24] =	ssyncset.done $0x0  }
0x181: {  	[sflag:s24] =	ssyncadd.s32 $0xFFFFF800  }
0x182: {  	_ =	swait.ge [sflag:s24], $0x800  }
0x183: {  	[sflag:s24] =	ssyncset.done $0x0  }
0x184: {  	[sflag:s24] =	ssyncadd.s32 $0xFFFFF800  }
.Ltmp5:
0x185: {  	_ =	swait.ge [sflag:s24], $0x800;
	(pc) =	sbr.rel @!p1 .LBB2_3-.Ltmp5, $4  }
0x186: {  	[sflag:s24] =	ssyncset.done $0x0  }
0x187: {  	[sflag:s24] =	ssyncadd.s32 $0xFFFFF800  }
0x188: {  	_ =	swait.ge [sflag:s24], $0x800  }
0x189: {  	[sflag:s24] =	ssyncset.done $0x0  }
.Ltmp6:
0x18a: {  	(pc) =	sbr.rel .LBB2_8-.Ltmp6, $2  }
0x18b: {  	_ =	sdelay $0x2  }
0x18c: {  	[sflag:s24] =	ssyncadd.s32 $0xFFFFF800;
	s10 =	rddreg [dreg:$0x5]  }
.LBB2_9:
0x18d: {  	_ =	sfence.sel $0x180000  }
0x18e: {  	[bflag:$0x0] =	sbarrier.arrive $0xFFFF  }
0x18f: {  	_ =	strace $0x90000047  }
0x190: {  	s0 =	stileid.u32;
	[bflag:$0x2] =	sbarrier.arrive $0xFFFF  }
0x191: {  	p0 =	sne.s32 s0, $0x0;
	s0 =	rddreg [dreg:$0x4]  }
0x192: {  	s0 =	sadd.s32 @!p0 $0x100000, s0  }
0x193: {  	[sflag:s0] =	ssyncadd.tile.s32 @!p0 $0x1;
	_ =	shalt  }
.Lfunc_end2:
_tile_overlayer_lowered:
.L_overlay_start_2:
0x194: {  	(tag) =	ssettag $0x2  }
0x195: {  	s0 =	rddreg [dreg:$0x0];
	s2 =	stileid.u32  }
0x196: {  	s1 =	rddreg [dreg:$0x1];
	p0 =	sne.s32 s2, $0x0  }
0x197: {  	s3 =	rddreg [dreg:$0x2];
	[bflag:$0x3] =	sbarrier.arrive $0xFFFF;
	s2 =	simm.s32 @!p0 $0x1C04  }
0x198: {  	[timem:s3], [sflag:s2] =	dma.local @!p0 [hbm:s0], s1  }
0x199: {  	s0 =	simm.s32 @!p0 $0x4  }
0x19a: {  	_ =	swait.ge @!p0 [sflag:s0], s1  }
0x19b: {  	s1 =	ssub.s32 @!p0 $0x0, s1;
	[sflag:s0] =	ssyncset.done @!p0 $0x0  }
0x19c: {  	[sflag:s0] =	ssyncadd.s32 @!p0 s1  }
0x19d: {  	[bflag:$0x3] =	sbarrier.arrive $0xFFFF  }
0x19e: {  	_ =	shalt  }

</sc_bundles>
